<compile_context>
chip_gen: v7x
topology: tpu7x:2x2x1
jax: 0.10.2.dev20260603
libtpu: 0.0.44.dev20260713+nightly
codegen_flags: <defaults>
</compile_context>

<pallas_src>
import functools

import jax
import jax.numpy as jnp
from jax import lax
from jax.experimental import pallas as pl
from jax.experimental.pallas import tpu as pltpu
from jax.experimental.pallas import tpu_sc as plsc

_EPS = 1e-12
_DIM = 64
_W = 512
_N = 1_000_000
_NCHUNK = _N // _W
_TAIL = _N - _NCHUNK * _W
_L = 16


def _rsqrt_nr(s):
    i = lax.bitcast_convert_type(s, jnp.int32)
    y = lax.bitcast_convert_type(
        jnp.int32(0x5F3759DF) - lax.shift_right_arithmetic(i, 1), jnp.float32)
    for _ in range(3):
        y = y * (1.5 - 0.5 * s * y * y)
    return y


def _normalize_chunk(xv, ov, width):
    def group(g, _):
        c0 = g * _L
        acc = jnp.zeros((_L,), jnp.float32)
        for r in range(_DIM):
            v = xv[r, pl.ds(c0, _L)]
            acc = acc + v * v
        rs = _rsqrt_nr(jnp.maximum(acc, jnp.float32(_EPS * _EPS)))
        for r in range(_DIM):
            ov[r, pl.ds(c0, _L)] = xv[r, pl.ds(c0, _L)] * rs
        return _

    lax.fori_loop(0, width // _L, group, 0)


def _sc_body(x_hbm, o_hbm, xv, ov, txv, tov, sem):
    info = plsc.get_sparse_core_info()
    nw = info.num_cores * info.num_subcores
    wid = lax.axis_index("s") * info.num_cores + lax.axis_index("c")
    nloop = (_NCHUNK + nw - 1) // nw

    def step(k, _):
        g = k * nw + wid

        @pl.when(g < _NCHUNK)
        def _do():
            base = g * _W
            pltpu.async_copy(x_hbm.at[:, pl.ds(base, _W)], xv, sem).wait()
            _normalize_chunk(xv, ov, _W)
            pltpu.async_copy(ov, o_hbm.at[:, pl.ds(base, _W)], sem).wait()

        return _

    lax.fori_loop(0, nloop, step, 0)

    @pl.when(wid == 0)
    def _tail():
        base = _NCHUNK * _W
        pltpu.async_copy(x_hbm.at[:, pl.ds(base, _TAIL)], txv, sem).wait()
        _normalize_chunk(txv, tov, _TAIL)
        pltpu.async_copy(tov, o_hbm.at[:, pl.ds(base, _TAIL)], sem).wait()


def kernel(weight):
    n_rows, dim = weight.shape
    wt = weight.T
    mesh = plsc.VectorSubcoreMesh(core_axis_name="c", subcore_axis_name="s")
    sc = functools.partial(
        pl.kernel,
        out_type=jax.ShapeDtypeStruct((dim, n_rows), weight.dtype),
        mesh=mesh,
        scratch_types=[
            pltpu.VMEM((_DIM, _W), jnp.float32),
            pltpu.VMEM((_DIM, _W), jnp.float32),
            pltpu.VMEM((_DIM, _TAIL), jnp.float32),
            pltpu.VMEM((_DIM, _TAIL), jnp.float32),
            pltpu.SemaphoreType.DMA,
        ],
    )(_sc_body)
    return sc(wt).T

# --- scband reference (transcript-rebuilt; emitter-appended) ---
"""Pipeline reference for scband-embeddings-13408887899046 (READ-ONLY COPY).

The authoritative reference and input builder live on the scoring server;
editing this copy changes nothing except your own understanding.
"""

import jax, jax.numpy as jnp
import numpy as np

NUM_CLASSES = 1000000
EMBEDDING_DIM = 64
EPS = 1e-12

def _l2_normalize(x, eps=EPS):
    # Faithful to torch F.normalize(p=2, dim=1): x / max(||x||_2, eps)
    n = jnp.sqrt(jnp.sum(x * x, axis=1, keepdims=True))
    return x / jnp.maximum(n, eps)

def setup_inputs(seed: int = 0) -> dict:
    key = jax.random.key(seed)
    # nn.Embedding weight initialized uniform(-0.1, 0.1), then L2-normalized in __init__
    w = jax.random.uniform(key, (NUM_CLASSES, EMBEDDING_DIM), dtype=jnp.float32, minval=-0.1, maxval=0.1)
    w = _l2_normalize(w)
    return {"weight": w}

def reference(weight) -> jnp.ndarray:
    # forward(): return F.normalize(self.prototypes.weight, p=2.0, dim=1)
    return _l2_normalize(weight)

if __name__ == "__main__":
    import jax
    _d = setup_inputs()
    print(jax.jit(kernel)(*tuple(_d.values())))

</pallas_src>

<mosaic_0001>
#map = affine_map<(d0, d1) -> (0, 0)>
module attributes {stable_mosaic.version = 14 : i64} {
  func.func @_sc_body(%arg0: i32, %arg1: i32, %arg2: memref<64x1000000xf32, #tpu.memory_space<hbm>>, %arg3: memref<64x1000000xf32, #tpu.memory_space<hbm>>, %arg4: memref<64x512xf32, #tpu.memory_space<vmem>>, %arg5: memref<64x512xf32, #tpu.memory_space<vmem>>, %arg6: memref<64x64xf32, #tpu.memory_space<vmem>>, %arg7: memref<64x64xf32, #tpu.memory_space<vmem>>, %arg8: memref<!tpu.dma_semaphore, #tpu.memory_space<semaphore_mem>>) attributes {dimension_semantics = [#tpu.dimension_semantics<core_parallel>, #tpu.dimension_semantics<subcore_parallel>], iteration_bounds = array<i64: 2, 16>, scalar_prefetch = 0 : i64, scratch_operands = 5 : i64, tpu.core_type = #tpu.core_type<sc_vector_subcore>, window_params = [{transform_indices = #map}, {transform_indices = #map}]} {
    %mul3A = arith.constant 2 : i32
    %mul3A_0 = arith.muli %arg1, %mul3A : i32
    %add3A = arith.addi %mul3A_0, %arg0 : i32
    %scan3A = arith.constant 0 : i32
    %scan3A_1 = arith.constant 0 : i32
    %scan3A_2 = arith.constant 62 : i32
    %scan3A_3 = arith.addi %scan3A_1, %scan3A_2 : i32
    %scan3A_4 = arith.constant 1 : i32
    scf.for %scan3A_8 = %scan3A_1 to %scan3A_3 step %scan3A_4  : i32 {
      %mul3A_9 = arith.constant 32 : i32
      %mul3A_10 = arith.muli %scan3A_8, %mul3A_9 : i32
      %add3A_11 = arith.addi %mul3A_10, %add3A : i32
      %lt3A = arith.constant 1953 : i32
      %lt3A_12 = arith.cmpi slt, %add3A_11, %lt3A : i32
      %convert_element_type3A_13 = arith.extui %lt3A_12 : i1 to i32
      %cond3A_14 = arith.constant 0 : i32
      %cond3A_15 = arith.cmpi ne, %convert_element_type3A_13, %cond3A_14 : i32
      scf.if %cond3A_15 {
        %mul3A_16 = arith.constant 512 : i32
        %mul3A_17 = arith.muli %add3A_11, %mul3A_16 : i32
        %dma_start3A = arith.constant 0 : i32
        %dma_start3A_18 = tpu.memref_slice %arg2[%dma_start3A, %mul3A_17] : memref<64x1000000xf32, #tpu.memory_space<hbm>> -> memref<64x512xf32, #tpu.memory_space<hbm>>
        %dma_start3A_19 = arith.constant 0 : i32
        %dma_start3A_20 = tpu.memref_slice %arg2[%dma_start3A_19, %mul3A_17] : memref<64x1000000xf32, #tpu.memory_space<hbm>> -> memref<64x512xf32, #tpu.memory_space<hbm>>
        tpu.enqueue_dma source(%dma_start3A_20 : memref<64x512xf32, #tpu.memory_space<hbm>>) target(%arg4 : memref<64x512xf32, #tpu.memory_space<vmem>>) target_semaphore(%arg8 : memref<!tpu.dma_semaphore, #tpu.memory_space<semaphore_mem>>)
        %dma_wait3A = arith.constant 0 : i32
        %dma_wait3A_21 = tpu.memref_slice %arg2[%dma_wait3A, %mul3A_17] : memref<64x1000000xf32, #tpu.memory_space<hbm>> -> memref<64x512xf32, #tpu.memory_space<hbm>>
        %dma_wait3A_22 = arith.constant 0 : i32
        %dma_wait3A_23 = tpu.memref_slice %arg2[%dma_wait3A_22, %mul3A_17] : memref<64x1000000xf32, #tpu.memory_space<hbm>> -> memref<64x512xf32, #tpu.memory_space<hbm>>
        tpu.wait_dma2 semaphore(%arg8 : memref<!tpu.dma_semaphore, #tpu.memory_space<semaphore_mem>>) src(%dma_wait3A_23 : memref<64x512xf32, #tpu.memory_space<hbm>>) dst(%arg4 : memref<64x512xf32, #tpu.memory_space<vmem>>)
        %scan3A_24 = arith.constant 0 : i32
        %scan3A_25 = arith.constant 0 : i32
        %scan3A_26 = arith.constant 32 : i32
        %scan3A_27 = arith.addi %scan3A_25, %scan3A_26 : i32
        %scan3A_28 = arith.constant 1 : i32
        scf.for %scan3A_38 = %scan3A_25 to %scan3A_27 step %scan3A_28  : i32 {
          %mul3A_39 = arith.constant 16 : i32
          %mul3A_40 = arith.muli %scan3A_38, %mul3A_39 : i32
          %broadcast_in_dim3A = arith.constant 0.000000e+00 : f32
          %broadcast_in_dim3A_41 = vector.broadcast %broadcast_in_dim3A : f32 to vector<16xf32>
          %get3A = arith.constant 0 : i32
          %get3A_42 = arith.index_cast %get3A : i32 to index
          %get3A_43 = arith.index_cast %mul3A_40 : i32 to index
          %get3A_44 = tpu.vector_load %arg4[%get3A_42, %get3A_43] {strides = array<i32>} : memref<64x512xf32, #tpu.memory_space<vmem>>, vector<1x16xf32>,
          %get3A_45 = vector.shape_cast %get3A_44 : vector<1x16xf32> to vector<16xf32>
          %mul3A_46 = arith.mulf %get3A_45, %get3A_45 : vector<16xf32>
          %add3A_47 = arith.addf %broadcast_in_dim3A_41, %mul3A_46 : vector<16xf32>
          %get3A_48 = arith.constant 1 : i32
          %get3A_49 = arith.index_cast %get3A_48 : i32 to index
          %get3A_50 = arith.index_cast %mul3A_40 : i32 to index
          %get3A_51 = tpu.vector_load %arg4[%get3A_49, %get3A_50] {strides = array<i32>} : memref<64x512xf32, #tpu.memory_space<vmem>>, vector<1x16xf32>,
          %get3A_52 = vector.shape_cast %get3A_51 : vector<1x16xf32> to vector<16xf32>
          %mul3A_53 = arith.mulf %get3A_52, %get3A_52 : vector<16xf32>
          %add3A_54 = arith.addf %add3A_47, %mul3A_53 : vector<16xf32>
          %get3A_55 = arith.constant 2 : i32
          %get3A_56 = arith.index_cast %get3A_55 : i32 to index
          %get3A_57 = arith.index_cast %mul3A_40 : i32 to index
          %get3A_58 = tpu.vector_load %arg4[%get3A_56, %get3A_57] {strides = array<i32>} : memref<64x512xf32, #tpu.memory_space<vmem>>, vector<1x16xf32>,
          %get3A_59 = vector.shape_cast %get3A_58 : vector<1x16xf32> to vector<16xf32>
          %mul3A_60 = arith.mulf %get3A_59, %get3A_59 : vector<16xf32>
          %add3A_61 = arith.addf %add3A_54, %mul3A_60 : vector<16xf32>
          %get3A_62 = arith.constant 3 : i32
          %get3A_63 = arith.index_cast %get3A_62 : i32 to index
          %get3A_64 = arith.index_cast %mul3A_40 : i32 to index
          %get3A_65 = tpu.vector_load %arg4[%get3A_63, %get3A_64] {strides = array<i32>} : memref<64x512xf32, #tpu.memory_space<vmem>>, vector<1x16xf32>,
          %get3A_66 = vector.shape_cast %get3A_65 : vector<1x16xf32> to vector<16xf32>
          %mul3A_67 = arith.mulf %get3A_66, %get3A_66 : vector<16xf32>
          %add3A_68 = arith.addf %add3A_61, %mul3A_67 : vector<16xf32>
          %get3A_69 = arith.constant 4 : i32
          %get3A_70 = arith.index_cast %get3A_69 : i32 to index
          %get3A_71 = arith.index_cast %mul3A_40 : i32 to index
          %get3A_72 = tpu.vector_load %arg4[%get3A_70, %get3A_71] {strides = array<i32>} : memref<64x512xf32, #tpu.memory_space<vmem>>, vector<1x16xf32>,
          %get3A_73 = vector.shape_cast %get3A_72 : vector<1x16xf32> to vector<16xf32>
          %mul3A_74 = arith.mulf %get3A_73, %get3A_73 : vector<16xf32>
          %add3A_75 = arith.addf %add3A_68, %mul3A_74 : vector<16xf32>
          %get3A_76 = arith.constant 5 : i32
          %get3A_77 = arith.index_cast %get3A_76 : i32 to index
          %get3A_78 = arith.index_cast %mul3A_40 : i32 to index
          %get3A_79 = tpu.vector_load %arg4[%get3A_77, %get3A_78] {strides = array<i32>} : memref<64x512xf32, #tpu.memory_space<vmem>>, vector<1x16xf32>,
          %get3A_80 = vector.shape_cast %get3A_79 : vector<1x16xf32> to vector<16xf32>
          %mul3A_81 = arith.mulf %get3A_80, %get3A_80 : vector<16xf32>
          %add3A_82 = arith.addf %add3A_75, %mul3A_81 : vector<16xf32>
          %get3A_83 = arith.constant 6 : i32
          %get3A_84 = arith.index_cast %get3A_83 : i32 to index
          %get3A_85 = arith.index_cast %mul3A_40 : i32 to index
          %get3A_86 = tpu.vector_load %arg4[%get3A_84, %get3A_85] {strides = array<i32>} : memref<64x512xf32, #tpu.memory_space<vmem>>, vector<1x16xf32>,
          %get3A_87 = vector.shape_cast %get3A_86 : vector<1x16xf32> to vector<16xf32>
          %mul3A_88 = arith.mulf %get3A_87, %get3A_87 : vector<16xf32>
          %add3A_89 = arith.addf %add3A_82, %mul3A_88 : vector<16xf32>
          %get3A_90 = arith.constant 7 : i32
          %get3A_91 = arith.index_cast %get3A_90 : i32 to index
          %get3A_92 = arith.index_cast %mul3A_40 : i32 to index
          %get3A_93 = tpu.vector_load %arg4[%get3A_91, %get3A_92] {strides = array<i32>} : memref<64x512xf32, #tpu.memory_space<vmem>>, vector<1x16xf32>,
          %get3A_94 = vector.shape_cast %get3A_93 : vector<1x16xf32> to vector<16xf32>
          %mul3A_95 = arith.mulf %get3A_94, %get3A_94 : vector<16xf32>
          %add3A_96 = arith.addf %add3A_89, %mul3A_95 : vector<16xf32>
          %get3A_97 = arith.constant 8 : i32
          %get3A_98 = arith.index_cast %get3A_97 : i32 to index
          %get3A_99 = arith.index_cast %mul3A_40 : i32 to index
          %get3A_100 = tpu.vector_load %arg4[%get3A_98, %get3A_99] {strides = array<i32>} : memref<64x512xf32, #tpu.memory_space<vmem>>, vector<1x16xf32>,
          %get3A_101 = vector.shape_cast %get3A_100 : vector<1x16xf32> to vector<16xf32>
          %mul3A_102 = arith.mulf %get3A_101, %get3A_101 : vector<16xf32>
          %add3A_103 = arith.addf %add3A_96, %mul3A_102 : vector<16xf32>
          %get3A_104 = arith.constant 9 : i32
          %get3A_105 = arith.index_cast %get3A_104 : i32 to index
          %get3A_106 = arith.index_cast %mul3A_40 : i32 to index
          %get3A_107 = tpu.vector_load %arg4[%get3A_105, %get3A_106] {strides = array<i32>} : memref<64x512xf32, #tpu.memory_space<vmem>>, vector<1x16xf32>,
          %get3A_108 = vector.shape_cast %get3A_107 : vector<1x16xf32> to vector<16xf32>
          %mul3A_109 = arith.mulf %get3A_108, %get3A_108 : vector<16xf32>
          %add3A_110 = arith.addf %add3A_103, %mul3A_109 : vector<16xf32>
          %get3A_111 = arith.constant 10 : i32
          %get3A_112 = arith.index_cast %get3A_111 : i32 to index
          %get3A_113 = arith.index_cast %mul3A_40 : i32 to index
          %get3A_114 = tpu.vector_load %arg4[%get3A_112, %get3A_113] {strides = array<i32>} : memref<64x512xf32, #tpu.memory_space<vmem>>, vector<1x16xf32>,
          %get3A_115 = vector.shape_cast %get3A_114 : vector<1x16xf32> to vector<16xf32>
          %mul3A_116 = arith.mulf %get3A_115, %get3A_115 : vector<16xf32>
          %add3A_117 = arith.addf %add3A_110, %mul3A_116 : vector<16xf32>
          %get3A_118 = arith.constant 11 : i32
          %get3A_119 = arith.index_cast %get3A_118 : i32 to index
          %get3A_120 = arith.index_cast %mul3A_40 : i32 to index
          %get3A_121 = tpu.vector_load %arg4[%get3A_119, %get3A_120] {strides = array<i32>} : memref<64x512xf32, #tpu.memory_space<vmem>>, vector<1x16xf32>,
          %get3A_122 = vector.shape_cast %get3A_121 : vector<1x16xf32> to vector<16xf32>
          %mul3A_123 = arith.mulf %get3A_122, %get3A_122 : vector<16xf32>
          %add3A_124 = arith.addf %add3A_117, %mul3A_123 : vector<16xf32>
          %get3A_125 = arith.constant 12 : i32
          %get3A_126 = arith.index_cast %get3A_125 : i32 to index
          %get3A_127 = arith.index_cast %mul3A_40 : i32 to index
          %get3A_128 = tpu.vector_load %arg4[%get3A_126, %get3A_127] {strides = array<i32>} : memref<64x512xf32, #tpu.memory_space<vmem>>, vector<1x16xf32>,
          %get3A_129 = vector.shape_cast %get3A_128 : vector<1x16xf32> to vector<16xf32>
          %mul3A_130 = arith.mulf %get3A_129, %get3A_129 : vector<16xf32>
          %add3A_131 = arith.addf %add3A_124, %mul3A_130 : vector<16xf32>
          %get3A_132 = arith.constant 13 : i32
          %get3A_133 = arith.index_cast %get3A_132 : i32 to index
          %get3A_134 = arith.index_cast %mul3A_40 : i32 to index
          %get3A_135 = tpu.vector_load %arg4[%get3A_133, %get3A_134] {strides = array<i32>} : memref<64x512xf32, #tpu.memory_space<vmem>>, vector<1x16xf32>,
          %get3A_136 = vector.shape_cast %get3A_135 : vector<1x16xf32> to vector<16xf32>
          %mul3A_137 = arith.mulf %get3A_136, %get3A_136 : vector<16xf32>
          %add3A_138 = arith.addf %add3A_131, %mul3A_137 : vector<16xf32>
          %get3A_139 = arith.constant 14 : i32
          %get3A_140 = arith.index_cast %get3A_139 : i32 to index
          %get3A_141 = arith.index_cast %mul3A_40 : i32 to index
          %get3A_142 = tpu.vector_load %arg4[%get3A_140, %get3A_141] {strides = array<i32>} : memref<64x512xf32, #tpu.memory_space<vmem>>, vector<1x16xf32>,
          %get3A_143 = vector.shape_cast %get3A_142 : vector<1x16xf32> to vector<16xf32>
          %mul3A_144 = arith.mulf %get3A_143, %get3A_143 : vector<16xf32>
          %add3A_145 = arith.addf %add3A_138, %mul3A_144 : vector<16xf32>
          %get3A_146 = arith.constant 15 : i32
          %get3A_147 = arith.index_cast %get3A_146 : i32 to index
          %get3A_148 = arith.index_cast %mul3A_40 : i32 to index
          %get3A_149 = tpu.vector_load %arg4[%get3A_147, %get3A_148] {strides = array<i32>} : memref<64x512xf32, #tpu.memory_space<vmem>>, vector<1x16xf32>,
          %get3A_150 = vector.shape_cast %get3A_149 : vector<1x16xf32> to vector<16xf32>
          %mul3A_151 = arith.mulf %get3A_150, %get3A_150 : vector<16xf32>
          %add3A_152 = arith.addf %add3A_145, %mul3A_151 : vector<16xf32>
          %get3A_153 = arith.constant 16 : i32
          %get3A_154 = arith.index_cast %get3A_153 : i32 to index
          %get3A_155 = arith.index_cast %mul3A_40 : i32 to index
          %get3A_156 = tpu.vector_load %arg4[%get3A_154, %get3A_155] {strides = array<i32>} : memref<64x512xf32, #tpu.memory_space<vmem>>, vector<1x16xf32>,
          %get3A_157 = vector.shape_cast %get3A_156 : vector<1x16xf32> to vector<16xf32>
          %mul3A_158 = arith.mulf %get3A_157, %get3A_157 : vector<16xf32>
          %add3A_159 = arith.addf %add3A_152, %mul3A_158 : vector<16xf32>
          %get3A_160 = arith.constant 17 : i32
          %get3A_161 = arith.index_cast %get3A_160 : i32 to index
          %get3A_162 = arith.index_cast %mul3A_40 : i32 to index
          %get3A_163 = tpu.vector_load %arg4[%get3A_161, %get3A_162] {strides = array<i32>} : memref<64x512xf32, #tpu.memory_space<vmem>>, vector<1x16xf32>,
          %get3A_164 = vector.shape_cast %get3A_163 : vector<1x16xf32> to vector<16xf32>
          %mul3A_165 = arith.mulf %get3A_164, %get3A_164 : vector<16xf32>
          %add3A_166 = arith.addf %add3A_159, %mul3A_165 : vector<16xf32>
          %get3A_167 = arith.constant 18 : i32
          %get3A_168 = arith.index_cast %get3A_167 : i32 to index
          %get3A_169 = arith.index_cast %mul3A_40 : i32 to index
          %get3A_170 = tpu.vector_load %arg4[%get3A_168, %get3A_169] {strides = array<i32>} : memref<64x512xf32, #tpu.memory_space<vmem>>, vector<1x16xf32>,
          %get3A_171 = vector.shape_cast %get3A_170 : vector<1x16xf32> to vector<16xf32>
          %mul3A_172 = arith.mulf %get3A_171, %get3A_171 : vector<16xf32>
          %add3A_173 = arith.addf %add3A_166, %mul3A_172 : vector<16xf32>
          %get3A_174 = arith.constant 19 : i32
          %get3A_175 = arith.index_cast %get3A_174 : i32 to index
          %get3A_176 = arith.index_cast %mul3A_40 : i32 to index
          %get3A_177 = tpu.vector_load %arg4[%get3A_175, %get3A_176] {strides = array<i32>} : memref<64x512xf32, #tpu.memory_space<vmem>>, vector<1x16xf32>,
          %get3A_178 = vector.shape_cast %get3A_177 : vector<1x16xf32> to vector<16xf32>
          %mul3A_179 = arith.mulf %get3A_178, %get3A_178 : vector<16xf32>
          %add3A_180 = arith.addf %add3A_173, %mul3A_179 : vector<16xf32>
          %get3A_181 = arith.constant 20 : i32
          %get3A_182 = arith.index_cast %get3A_181 : i32 to index
          %get3A_183 = arith.index_cast %mul3A_40 : i32 to index
          %get3A_184 = tpu.vector_load %arg4[%get3A_182, %get3A_183] {strides = array<i32>} : memref<64x512xf32, #tpu.memory_space<vmem>>, vector<1x16xf32>,
          %get3A_185 = vector.shape_cast %get3A_184 : vector<1x16xf32> to vector<16xf32>
          %mul3A_186 = arith.mulf %get3A_185, %get3A_185 : vector<16xf32>
          %add3A_187 = arith.addf %add3A_180, %mul3A_186 : vector<16xf32>
          %get3A_188 = arith.constant 21 : i32
          %get3A_189 = arith.index_cast %get3A_188 : i32 to index
          %get3A_190 = arith.index_cast %mul3A_40 : i32 to index
          %get3A_191 = tpu.vector_load %arg4[%get3A_189, %get3A_190] {strides = array<i32>} : memref<64x512xf32, #tpu.memory_space<vmem>>, vector<1x16xf32>,
          %get3A_192 = vector.shape_cast %get3A_191 : vector<1x16xf32> to vector<16xf32>
          %mul3A_193 = arith.mulf %get3A_192, %get3A_192 : vector<16xf32>
          %add3A_194 = arith.addf %add3A_187, %mul3A_193 : vector<16xf32>
          %get3A_195 = arith.constant 22 : i32
          %get3A_196 = arith.index_cast %get3A_195 : i32 to index
          %get3A_197 = arith.index_cast %mul3A_40 : i32 to index
          %get3A_198 = tpu.vector_load %arg4[%get3A_196, %get3A_197] {strides = array<i32>} : memref<64x512xf32, #tpu.memory_space<vmem>>, vector<1x16xf32>,
          %get3A_199 = vector.shape_cast %get3A_198 : vector<1x16xf32> to vector<16xf32>
          %mul3A_200 = arith.mulf %get3A_199, %get3A_199 : vector<16xf32>
          %add3A_201 = arith.addf %add3A_194, %mul3A_200 : vector<16xf32>
          %get3A_202 = arith.constant 23 : i32
          %get3A_203 = arith.index_cast %get3A_202 : i32 to index
          %get3A_204 = arith.index_cast %mul3A_40 : i32 to index
          %get3A_205 = tpu.vector_load %arg4[%get3A_203, %get3A_204] {strides = array<i32>} : memref<64x512xf32, #tpu.memory_space<vmem>>, vector<1x16xf32>,
          %get3A_206 = vector.shape_cast %get3A_205 : vector<1x16xf32> to vector<16xf32>
          %mul3A_207 = arith.mulf %get3A_206, %get3A_206 : vector<16xf32>
          %add3A_208 = arith.addf %add3A_201, %mul3A_207 : vector<16xf32>
          %get3A_209 = arith.constant 24 : i32
          %get3A_210 = arith.index_cast %get3A_209 : i32 to index
          %get3A_211 = arith.index_cast %mul3A_40 : i32 to index
          %get3A_212 = tpu.vector_load %arg4[%get3A_210, %get3A_211] {strides = array<i32>} : memref<64x512xf32, #tpu.memory_space<vmem>>, vector<1x16xf32>,
          %get3A_213 = vector.shape_cast %get3A_212 : vector<1x16xf32> to vector<16xf32>
          %mul3A_214 = arith.mulf %get3A_213, %get3A_213 : vector<16xf32>
          %add3A_215 = arith.addf %add3A_208, %mul3A_214 : vector<16xf32>
          %get3A_216 = arith.constant 25 : i32
          %get3A_217 = arith.index_cast %get3A_216 : i32 to index
          %get3A_218 = arith.index_cast %mul3A_40 : i32 to index
          %get3A_219 = tpu.vector_load %arg4[%get3A_217, %get3A_218] {strides = array<i32>} : memref<64x512xf32, #tpu.memory_space<vmem>>, vector<1x16xf32>,
          %get3A_220 = vector.shape_cast %get3A_219 : vector<1x16xf32> to vector<16xf32>
          %mul3A_221 = arith.mulf %get3A_220, %get3A_220 : vector<16xf32>
          %add3A_222 = arith.addf %add3A_215, %mul3A_221 : vector<16xf32>
          %get3A_223 = arith.constant 26 : i32
          %get3A_224 = arith.index_cast %get3A_223 : i32 to index
          %get3A_225 = arith.index_cast %mul3A_40 : i32 to index
          %get3A_226 = tpu.vector_load %arg4[%get3A_224, %get3A_225] {strides = array<i32>} : memref<64x512xf32, #tpu.memory_space<vmem>>, vector<1x16xf32>,
          %get3A_227 = vector.shape_cast %get3A_226 : vector<1x16xf32> to vector<16xf32>
          %mul3A_228 = arith.mulf %get3A_227, %get3A_227 : vector<16xf32>
          %add3A_229 = arith.addf %add3A_222, %mul3A_228 : vector<16xf32>
          %get3A_230 = arith.constant 27 : i32
          %get3A_231 = arith.index_cast %get3A_230 : i32 to index
          %get3A_232 = arith.index_cast %mul3A_40 : i32 to index
          %get3A_233 = tpu.vector_load %arg4[%get3A_231, %get3A_232] {strides = array<i32>} : memref<64x512xf32, #tpu.memory_space<vmem>>, vector<1x16xf32>,
          %get3A_234 = vector.shape_cast %get3A_233 : vector<1x16xf32> to vector<16xf32>
          %mul3A_235 = arith.mulf %get3A_234, %get3A_234 : vector<16xf32>
          %add3A_236 = arith.addf %add3A_229, %mul3A_235 : vector<16xf32>
          %get3A_237 = arith.constant 28 : i32
          %get3A_238 = arith.index_cast %get3A_237 : i32 to index
          %get3A_239 = arith.index_cast %mul3A_40 : i32 to index
          %get3A_240 = tpu.vector_load %arg4[%get3A_238, %get3A_239] {strides = array<i32>} : memref<64x512xf32, #tpu.memory_space<vmem>>, vector<1x16xf32>,
          %get3A_241 = vector.shape_cast %get3A_240 : vector<1x16xf32> to vector<16xf32>
          %mul3A_242 = arith.mulf %get3A_241, %get3A_241 : vector<16xf32>
          %add3A_243 = arith.addf %add3A_236, %mul3A_242 : vector<16xf32>
          %get3A_244 = arith.constant 29 : i32
          %get3A_245 = arith.index_cast %get3A_244 : i32 to index
          %get3A_246 = arith.index_cast %mul3A_40 : i32 to index
          %get3A_247 = tpu.vector_load %arg4[%get3A_245, %get3A_246] {strides = array<i32>} : memref<64x512xf32, #tpu.memory_space<vmem>>, vector<1x16xf32>,
          %get3A_248 = vector.shape_cast %get3A_247 : vector<1x16xf32> to vector<16xf32>
          %mul3A_249 = arith.mulf %get3A_248, %get3A_248 : vector<16xf32>
          %add3A_250 = arith.addf %add3A_243, %mul3A_249 : vector<16xf32>
          %get3A_251 = arith.constant 30 : i32
          %get3A_252 = arith.index_cast %get3A_251 : i32 to index
          %get3A_253 = arith.index_cast %mul3A_40 : i32 to index
          %get3A_254 = tpu.vector_load %arg4[%get3A_252, %get3A_253] {strides = array<i32>} : memref<64x512xf32, #tpu.memory_space<vmem>>, vector<1x16xf32>,
          %get3A_255 = vector.shape_cast %get3A_254 : vector<1x16xf32> to vector<16xf32>
          %mul3A_256 = arith.mulf %get3A_255, %get3A_255 : vector<16xf32>
          %add3A_257 = arith.addf %add3A_250, %mul3A_256 : vector<16xf32>
          %get3A_258 = arith.constant 31 : i32
          %get3A_259 = arith.index_cast %get3A_258 : i32 to index
          %get3A_260 = arith.index_cast %mul3A_40 : i32 to index
          %get3A_261 = tpu.vector_load %arg4[%get3A_259, %get3A_260] {strides = array<i32>} : memref<64x512xf32, #tpu.memory_space<vmem>>, vector<1x16xf32>,
          %get3A_262 = vector.shape_cast %get3A_261 : vector<1x16xf32> to vector<16xf32>
          %mul3A_263 = arith.mulf %get3A_262, %get3A_262 : vector<16xf32>
          %add3A_264 = arith.addf %add3A_257, %mul3A_263 : vector<16xf32>
          %get3A_265 = arith.constant 32 : i32
          %get3A_266 = arith.index_cast %get3A_265 : i32 to index
          %get3A_267 = arith.index_cast %mul3A_40 : i32 to index
          %get3A_268 = tpu.vector_load %arg4[%get3A_266, %get3A_267] {strides = array<i32>} : memref<64x512xf32, #tpu.memory_space<vmem>>, vector<1x16xf32>,
          %get3A_269 = vector.shape_cast %get3A_268 : vector<1x16xf32> to vector<16xf32>
          %mul3A_270 = arith.mulf %get3A_269, %get3A_269 : vector<16xf32>
          %add3A_271 = arith.addf %add3A_264, %mul3A_270 : vector<16xf32>
          %get3A_272 = arith.constant 33 : i32
          %get3A_273 = arith.index_cast %get3A_272 : i32 to index
          %get3A_274 = arith.index_cast %mul3A_40 : i32 to index
          %get3A_275 = tpu.vector_load %arg4[%get3A_273, %get3A_274] {strides = array<i32>} : memref<64x512xf32, #tpu.memory_space<vmem>>, vector<1x16xf32>,
          %get3A_276 = vector.shape_cast %get3A_275 : vector<1x16xf32> to vector<16xf32>
          %mul3A_277 = arith.mulf %get3A_276, %get3A_276 : vector<16xf32>
          %add3A_278 = arith.addf %add3A_271, %mul3A_277 : vector<16xf32>
          %get3A_279 = arith.constant 34 : i32
          %get3A_280 = arith.index_cast %get3A_279 : i32 to index
          %get3A_281 = arith.index_cast %mul3A_40 : i32 to index
          %get3A_282 = tpu.vector_load %arg4[%get3A_280, %get3A_281] {strides = array<i32>} : memref<64x512xf32, #tpu.memory_space<vmem>>, vector<1x16xf32>,
          %get3A_283 = vector.shape_cast %get3A_282 : vector<1x16xf32> to vector<16xf32>
          %mul3A_284 = arith.mulf %get3A_283, %get3A_283 : vector<16xf32>
          %add3A_285 = arith.addf %add3A_278, %mul3A_284 : vector<16xf32>
          %get3A_286 = arith.constant 35 : i32
          %get3A_287 = arith.index_cast %get3A_286 : i32 to index
          %get3A_288 = arith.index_cast %mul3A_40 : i32 to index
          %get3A_289 = tpu.vector_load %arg4[%get3A_287, %get3A_288] {strides = array<i32>} : memref<64x512xf32, #tpu.memory_space<vmem>>, vector<1x16xf32>,
          %get3A_290 = vector.shape_cast %get3A_289 : vector<1x16xf32> to vector<16xf32>
          %mul3A_291 = arith.mulf %get3A_290, %get3A_290 : vector<16xf32>
          %add3A_292 = arith.addf %add3A_285, %mul3A_291 : vector<16xf32>
          %get3A_293 = arith.constant 36 : i32
          %get3A_294 = arith.index_cast %get3A_293 : i32 to index
          %get3A_295 = arith.index_cast %mul3A_40 : i32 to index
          %get3A_296 = tpu.vector_load %arg4[%get3A_294, %get3A_295] {strides = array<i32>} : memref<64x512xf32, #tpu.memory_space<vmem>>, vector<1x16xf32>,
          %get3A_297 = vector.shape_cast %get3A_296 : vector<1x16xf32> to vector<16xf32>
          %mul3A_298 = arith.mulf %get3A_297, %get3A_297 : vector<16xf32>
          %add3A_299 = arith.addf %add3A_292, %mul3A_298 : vector<16xf32>
          %get3A_300 = arith.constant 37 : i32
          %get3A_301 = arith.index_cast %get3A_300 : i32 to index
          %get3A_302 = arith.index_cast %mul3A_40 : i32 to index
          %get3A_303 = tpu.vector_load %arg4[%get3A_301, %get3A_302] {strides = array<i32>} : memref<64x512xf32, #tpu.memory_space<vmem>>, vector<1x16xf32>,
          %get3A_304 = vector.shape_cast %get3A_303 : vector<1x16xf32> to vector<16xf32>
          %mul3A_305 = arith.mulf %get3A_304, %get3A_304 : vector<16xf32>
          %add3A_306 = arith.addf %add3A_299, %mul3A_305 : vector<16xf32>
          %get3A_307 = arith.constant 38 : i32
          %get3A_308 = arith.index_cast %get3A_307 : i32 to index
          %get3A_309 = arith.index_cast %mul3A_40 : i32 to index
          %get3A_310 = tpu.vector_load %arg4[%get3A_308, %get3A_309] {strides = array<i32>} : memref<64x512xf32, #tpu.memory_space<vmem>>, vector<1x16xf32>,
          %get3A_311 = vector.shape_cast %get3A_310 : vector<1x16xf32> to vector<16xf32>
          %mul3A_312 = arith.mulf %get3A_311, %get3A_311 : vector<16xf32>
          %add3A_313 = arith.addf %add3A_306, %mul3A_312 : vector<16xf32>
          %get3A_314 = arith.constant 39 : i32
          %get3A_315 = arith.index_cast %get3A_314 : i32 to index
          %get3A_316 = arith.index_cast %mul3A_40 : i32 to index
          %get3A_317 = tpu.vector_load %arg4[%get3A_315, %get3A_316] {strides = array<i32>} : memref<64x512xf32, #tpu.memory_space<vmem>>, vector<1x16xf32>,
          %get3A_318 = vector.shape_cast %get3A_317 : vector<1x16xf32> to vector<16xf32>
          %mul3A_319 = arith.mulf %get3A_318, %get3A_318 : vector<16xf32>
          %add3A_320 = arith.addf %add3A_313, %mul3A_319 : vector<16xf32>
          %get3A_321 = arith.constant 40 : i32
          %get3A_322 = arith.index_cast %get3A_321 : i32 to index
          %get3A_323 = arith.index_cast %mul3A_40 : i32 to index
          %get3A_324 = tpu.vector_load %arg4[%get3A_322, %get3A_323] {strides = array<i32>} : memref<64x512xf32, #tpu.memory_space<vmem>>, vector<1x16xf32>,
          %get3A_325 = vector.shape_cast %get3A_324 : vector<1x16xf32> to vector<16xf32>
          %mul3A_326 = arith.mulf %get3A_325, %get3A_325 : vector<16xf32>
          %add3A_327 = arith.addf %add3A_320, %mul3A_326 : vector<16xf32>
          %get3A_328 = arith.constant 41 : i32
          %get3A_329 = arith.index_cast %get3A_328 : i32 to index
          %get3A_330 = arith.index_cast %mul3A_40 : i32 to index
          %get3A_331 = tpu.vector_load %arg4[%get3A_329, %get3A_330] {strides = array<i32>} : memref<64x512xf32, #tpu.memory_space<vmem>>, vector<1x16xf32>,
          %get3A_332 = vector.shape_cast %get3A_331 : vector<1x16xf32> to vector<16xf32>
          %mul3A_333 = arith.mulf %get3A_332, %get3A_332 : vector<16xf32>
          %add3A_334 = arith.addf %add3A_327, %mul3A_333 : vector<16xf32>
          %get3A_335 = arith.constant 42 : i32
          %get3A_336 = arith.index_cast %get3A_335 : i32 to index
          %get3A_337 = arith.index_cast %mul3A_40 : i32 to index
          %get3A_338 = tpu.vector_load %arg4[%get3A_336, %get3A_337] {strides = array<i32>} : memref<64x512xf32, #tpu.memory_space<vmem>>, vector<1x16xf32>,
          %get3A_339 = vector.shape_cast %get3A_338 : vector<1x16xf32> to vector<16xf32>
          %mul3A_340 = arith.mulf %get3A_339, %get3A_339 : vector<16xf32>
          %add3A_341 = arith.addf %add3A_334, %mul3A_340 : vector<16xf32>
          %get3A_342 = arith.constant 43 : i32
          %get3A_343 = arith.index_cast %get3A_342 : i32 to index
          %get3A_344 = arith.index_cast %mul3A_40 : i32 to index
          %get3A_345 = tpu.vector_load %arg4[%get3A_343, %get3A_344] {strides = array<i32>} : memref<64x512xf32, #tpu.memory_space<vmem>>, vector<1x16xf32>,
          %get3A_346 = vector.shape_cast %get3A_345 : vector<1x16xf32> to vector<16xf32>
          %mul3A_347 = arith.mulf %get3A_346, %get3A_346 : vector<16xf32>
          %add3A_348 = arith.addf %add3A_341, %mul3A_347 : vector<16xf32>
          %get3A_349 = arith.constant 44 : i32
          %get3A_350 = arith.index_cast %get3A_349 : i32 to index
          %get3A_351 = arith.index_cast %mul3A_40 : i32 to index
          %get3A_352 = tpu.vector_load %arg4[%get3A_350, %get3A_351] {strides = array<i32>} : memref<64x512xf32, #tpu.memory_space<vmem>>, vector<1x16xf32>,
          %get3A_353 = vector.shape_cast %get3A_352 : vector<1x16xf32> to vector<16xf32>
          %mul3A_354 = arith.mulf %get3A_353, %get3A_353 : vector<16xf32>
          %add3A_355 = arith.addf %add3A_348, %mul3A_354 : vector<16xf32>
          %get3A_356 = arith.constant 45 : i32
          %get3A_357 = arith.index_cast %get3A_356 : i32 to index
          %get3A_358 = arith.index_cast %mul3A_40 : i32 to index
          %get3A_359 = tpu.vector_load %arg4[%get3A_357, %get3A_358] {strides = array<i32>} : memref<64x512xf32, #tpu.memory_space<vmem>>, vector<1x16xf32>,
          %get3A_360 = vector.shape_cast %get3A_359 : vector<1x16xf32> to vector<16xf32>
          %mul3A_361 = arith.mulf %get3A_360, %get3A_360 : vector<16xf32>
          %add3A_362 = arith.addf %add3A_355, %mul3A_361 : vector<16xf32>
          %get3A_363 = arith.constant 46 : i32
          %get3A_364 = arith.index_cast %get3A_363 : i32 to index
          %get3A_365 = arith.index_cast %mul3A_40 : i32 to index
          %get3A_366 = tpu.vector_load %arg4[%get3A_364, %get3A_365] {strides = array<i32>} : memref<64x512xf32, #tpu.memory_space<vmem>>, vector<1x16xf32>,
          %get3A_367 = vector.shape_cast %get3A_366 : vector<1x16xf32> to vector<16xf32>
          %mul3A_368 = arith.mulf %get3A_367, %get3A_367 : vector<16xf32>
          %add3A_369 = arith.addf %add3A_362, %mul3A_368 : vector<16xf32>
          %get3A_370 = arith.constant 47 : i32
          %get3A_371 = arith.index_cast %get3A_370 : i32 to index
          %get3A_372 = arith.index_cast %mul3A_40 : i32 to index
          %get3A_373 = tpu.vector_load %arg4[%get3A_371, %get3A_372] {strides = array<i32>} : memref<64x512xf32, #tpu.memory_space<vmem>>, vector<1x16xf32>,
          %get3A_374 = vector.shape_cast %get3A_373 : vector<1x16xf32> to vector<16xf32>
          %mul3A_375 = arith.mulf %get3A_374, %get3A_374 : vector<16xf32>
          %add3A_376 = arith.addf %add3A_369, %mul3A_375 : vector<16xf32>
          %get3A_377 = arith.constant 48 : i32
          %get3A_378 = arith.index_cast %get3A_377 : i32 to index
          %get3A_379 = arith.index_cast %mul3A_40 : i32 to index
          %get3A_380 = tpu.vector_load %arg4[%get3A_378, %get3A_379] {strides = array<i32>} : memref<64x512xf32, #tpu.memory_space<vmem>>, vector<1x16xf32>,
          %get3A_381 = vector.shape_cast %get3A_380 : vector<1x16xf32> to vector<16xf32>
          %mul3A_382 = arith.mulf %get3A_381, %get3A_381 : vector<16xf32>
          %add3A_383 = arith.addf %add3A_376, %mul3A_382 : vector<16xf32>
          %get3A_384 = arith.constant 49 : i32
          %get3A_385 = arith.index_cast %get3A_384 : i32 to index
          %get3A_386 = arith.index_cast %mul3A_40 : i32 to index
          %get3A_387 = tpu.vector_load %arg4[%get3A_385, %get3A_386] {strides = array<i32>} : memref<64x512xf32, #tpu.memory_space<vmem>>, vector<1x16xf32>,
          %get3A_388 = vector.shape_cast %get3A_387 : vector<1x16xf32> to vector<16xf32>
          %mul3A_389 = arith.mulf %get3A_388, %get3A_388 : vector<16xf32>
          %add3A_390 = arith.addf %add3A_383, %mul3A_389 : vector<16xf32>
          %get3A_391 = arith.constant 50 : i32
          %get3A_392 = arith.index_cast %get3A_391 : i32 to index
          %get3A_393 = arith.index_cast %mul3A_40 : i32 to index
          %get3A_394 = tpu.vector_load %arg4[%get3A_392, %get3A_393] {strides = array<i32>} : memref<64x512xf32, #tpu.memory_space<vmem>>, vector<1x16xf32>,
          %get3A_395 = vector.shape_cast %get3A_394 : vector<1x16xf32> to vector<16xf32>
          %mul3A_396 = arith.mulf %get3A_395, %get3A_395 : vector<16xf32>
          %add3A_397 = arith.addf %add3A_390, %mul3A_396 : vector<16xf32>
          %get3A_398 = arith.constant 51 : i32
          %get3A_399 = arith.index_cast %get3A_398 : i32 to index
          %get3A_400 = arith.index_cast %mul3A_40 : i32 to index
          %get3A_401 = tpu.vector_load %arg4[%get3A_399, %get3A_400] {strides = array<i32>} : memref<64x512xf32, #tpu.memory_space<vmem>>, vector<1x16xf32>,
          %get3A_402 = vector.shape_cast %get3A_401 : vector<1x16xf32> to vector<16xf32>
          %mul3A_403 = arith.mulf %get3A_402, %get3A_402 : vector<16xf32>
          %add3A_404 = arith.addf %add3A_397, %mul3A_403 : vector<16xf32>
          %get3A_405 = arith.constant 52 : i32
          %get3A_406 = arith.index_cast %get3A_405 : i32 to index
          %get3A_407 = arith.index_cast %mul3A_40 : i32 to index
          %get3A_408 = tpu.vector_load %arg4[%get3A_406, %get3A_407] {strides = array<i32>} : memref<64x512xf32, #tpu.memory_space<vmem>>, vector<1x16xf32>,
          %get3A_409 = vector.shape_cast %get3A_408 : vector<1x16xf32> to vector<16xf32>
          %mul3A_410 = arith.mulf %get3A_409, %get3A_409 : vector<16xf32>
          %add3A_411 = arith.addf %add3A_404, %mul3A_410 : vector<16xf32>
          %get3A_412 = arith.constant 53 : i32
          %get3A_413 = arith.index_cast %get3A_412 : i32 to index
          %get3A_414 = arith.index_cast %mul3A_40 : i32 to index
          %get3A_415 = tpu.vector_load %arg4[%get3A_413, %get3A_414] {strides = array<i32>} : memref<64x512xf32, #tpu.memory_space<vmem>>, vector<1x16xf32>,
          %get3A_416 = vector.shape_cast %get3A_415 : vector<1x16xf32> to vector<16xf32>
          %mul3A_417 = arith.mulf %get3A_416, %get3A_416 : vector<16xf32>
          %add3A_418 = arith.addf %add3A_411, %mul3A_417 : vector<16xf32>
          %get3A_419 = arith.constant 54 : i32
          %get3A_420 = arith.index_cast %get3A_419 : i32 to index
          %get3A_421 = arith.index_cast %mul3A_40 : i32 to index
          %get3A_422 = tpu.vector_load %arg4[%get3A_420, %get3A_421] {strides = array<i32>} : memref<64x512xf32, #tpu.memory_space<vmem>>, vector<1x16xf32>,
          %get3A_423 = vector.shape_cast %get3A_422 : vector<1x16xf32> to vector<16xf32>
          %mul3A_424 = arith.mulf %get3A_423, %get3A_423 : vector<16xf32>
          %add3A_425 = arith.addf %add3A_418, %mul3A_424 : vector<16xf32>
          %get3A_426 = arith.constant 55 : i32
          %get3A_427 = arith.index_cast %get3A_426 : i32 to index
          %get3A_428 = arith.index_cast %mul3A_40 : i32 to index
          %get3A_429 = tpu.vector_load %arg4[%get3A_427, %get3A_428] {strides = array<i32>} : memref<64x512xf32, #tpu.memory_space<vmem>>, vector<1x16xf32>,
          %get3A_430 = vector.shape_cast %get3A_429 : vector<1x16xf32> to vector<16xf32>
          %mul3A_431 = arith.mulf %get3A_430, %get3A_430 : vector<16xf32>
          %add3A_432 = arith.addf %add3A_425, %mul3A_431 : vector<16xf32>
          %get3A_433 = arith.constant 56 : i32
          %get3A_434 = arith.index_cast %get3A_433 : i32 to index
          %get3A_435 = arith.index_cast %mul3A_40 : i32 to index
          %get3A_436 = tpu.vector_load %arg4[%get3A_434, %get3A_435] {strides = array<i32>} : memref<64x512xf32, #tpu.memory_space<vmem>>, vector<1x16xf32>,
          %get3A_437 = vector.shape_cast %get3A_436 : vector<1x16xf32> to vector<16xf32>
          %mul3A_438 = arith.mulf %get3A_437, %get3A_437 : vector<16xf32>
          %add3A_439 = arith.addf %add3A_432, %mul3A_438 : vector<16xf32>
          %get3A_440 = arith.constant 57 : i32
          %get3A_441 = arith.index_cast %get3A_440 : i32 to index
          %get3A_442 = arith.index_cast %mul3A_40 : i32 to index
          %get3A_443 = tpu.vector_load %arg4[%get3A_441, %get3A_442] {strides = array<i32>} : memref<64x512xf32, #tpu.memory_space<vmem>>, vector<1x16xf32>,
          %get3A_444 = vector.shape_cast %get3A_443 : vector<1x16xf32> to vector<16xf32>
          %mul3A_445 = arith.mulf %get3A_444, %get3A_444 : vector<16xf32>
          %add3A_446 = arith.addf %add3A_439, %mul3A_445 : vector<16xf32>
          %get3A_447 = arith.constant 58 : i32
          %get3A_448 = arith.index_cast %get3A_447 : i32 to index
          %get3A_449 = arith.index_cast %mul3A_40 : i32 to index
          %get3A_450 = tpu.vector_load %arg4[%get3A_448, %get3A_449] {strides = array<i32>} : memref<64x512xf32, #tpu.memory_space<vmem>>, vector<1x16xf32>,
          %get3A_451 = vector.shape_cast %get3A_450 : vector<1x16xf32> to vector<16xf32>
          %mul3A_452 = arith.mulf %get3A_451, %get3A_451 : vector<16xf32>
          %add3A_453 = arith.addf %add3A_446, %mul3A_452 : vector<16xf32>
          %get3A_454 = arith.constant 59 : i32
          %get3A_455 = arith.index_cast %get3A_454 : i32 to index
          %get3A_456 = arith.index_cast %mul3A_40 : i32 to index
          %get3A_457 = tpu.vector_load %arg4[%get3A_455, %get3A_456] {strides = array<i32>} : memref<64x512xf32, #tpu.memory_space<vmem>>, vector<1x16xf32>,
          %get3A_458 = vector.shape_cast %get3A_457 : vector<1x16xf32> to vector<16xf32>
          %mul3A_459 = arith.mulf %get3A_458, %get3A_458 : vector<16xf32>
          %add3A_460 = arith.addf %add3A_453, %mul3A_459 : vector<16xf32>
          %get3A_461 = arith.constant 60 : i32
          %get3A_462 = arith.index_cast %get3A_461 : i32 to index
          %get3A_463 = arith.index_cast %mul3A_40 : i32 to index
          %get3A_464 = tpu.vector_load %arg4[%get3A_462, %get3A_463] {strides = array<i32>} : memref<64x512xf32, #tpu.memory_space<vmem>>, vector<1x16xf32>,
          %get3A_465 = vector.shape_cast %get3A_464 : vector<1x16xf32> to vector<16xf32>
          %mul3A_466 = arith.mulf %get3A_465, %get3A_465 : vector<16xf32>
          %add3A_467 = arith.addf %add3A_460, %mul3A_466 : vector<16xf32>
          %get3A_468 = arith.constant 61 : i32
          %get3A_469 = arith.index_cast %get3A_468 : i32 to index
          %get3A_470 = arith.index_cast %mul3A_40 : i32 to index
          %get3A_471 = tpu.vector_load %arg4[%get3A_469, %get3A_470] {strides = array<i32>} : memref<64x512xf32, #tpu.memory_space<vmem>>, vector<1x16xf32>,
          %get3A_472 = vector.shape_cast %get3A_471 : vector<1x16xf32> to vector<16xf32>
          %mul3A_473 = arith.mulf %get3A_472, %get3A_472 : vector<16xf32>
          %add3A_474 = arith.addf %add3A_467, %mul3A_473 : vector<16xf32>
          %get3A_475 = arith.constant 62 : i32
          %get3A_476 = arith.index_cast %get3A_475 : i32 to index
          %get3A_477 = arith.index_cast %mul3A_40 : i32 to index
          %get3A_478 = tpu.vector_load %arg4[%get3A_476, %get3A_477] {strides = array<i32>} : memref<64x512xf32, #tpu.memory_space<vmem>>, vector<1x16xf32>,
          %get3A_479 = vector.shape_cast %get3A_478 : vector<1x16xf32> to vector<16xf32>
          %mul3A_480 = arith.mulf %get3A_479, %get3A_479 : vector<16xf32>
          %add3A_481 = arith.addf %add3A_474, %mul3A_480 : vector<16xf32>
          %get3A_482 = arith.constant 63 : i32
          %get3A_483 = arith.index_cast %get3A_482 : i32 to index
          %get3A_484 = arith.index_cast %mul3A_40 : i32 to index
          %get3A_485 = tpu.vector_load %arg4[%get3A_483, %get3A_484] {strides = array<i32>} : memref<64x512xf32, #tpu.memory_space<vmem>>, vector<1x16xf32>,
          %get3A_486 = vector.shape_cast %get3A_485 : vector<1x16xf32> to vector<16xf32>
          %mul3A_487 = arith.mulf %get3A_486, %get3A_486 : vector<16xf32>
          %add3A_488 = arith.addf %add3A_481, %mul3A_487 : vector<16xf32>
          %max3A = arith.constant 1.000000e-24 : f32
          %max3A_489 = vector.broadcast %max3A : f32 to vector<16xf32>
          %max3A_490 = arith.maximumf %add3A_488, %max3A_489 : vector<16xf32>
          %bitcast_convert_type3A = tpu.bitcast %max3A_490 : vector<16xf32> -> vector<16xi32>
          %shift_right_arithmetic3A = arith.constant 1 : i32
          %shift_right_arithmetic3A_491 = vector.broadcast %shift_right_arithmetic3A : i32 to vector<16xi32>
          %shift_right_arithmetic3A_492 = arith.shrsi %bitcast_convert_type3A, %shift_right_arithmetic3A_491 : vector<16xi32>
          %sub3A = arith.constant 1597463007 : i32
          %sub3A_493 = vector.broadcast %sub3A : i32 to vector<16xi32>
          %sub3A_494 = arith.subi %sub3A_493, %shift_right_arithmetic3A_492 : vector<16xi32>
          %bitcast_convert_type3A_495 = tpu.bitcast %sub3A_494 : vector<16xi32> -> vector<16xf32>
          %mul3A_496 = arith.constant 5.000000e-01 : f32
          %mul3A_497 = vector.broadcast %mul3A_496 : f32 to vector<16xf32>
          %mul3A_498 = arith.mulf %mul3A_497, %max3A_490 : vector<16xf32>
          %mul3A_499 = arith.mulf %mul3A_498, %bitcast_convert_type3A_495 : vector<16xf32>
          %mul3A_500 = arith.mulf %mul3A_499, %bitcast_convert_type3A_495 : vector<16xf32>
          %sub3A_501 = arith.constant 1.500000e+00 : f32
          %sub3A_502 = vector.broadcast %sub3A_501 : f32 to vector<16xf32>
          %sub3A_503 = arith.subf %sub3A_502, %mul3A_500 : vector<16xf32>
          %mul3A_504 = arith.mulf %bitcast_convert_type3A_495, %sub3A_503 : vector<16xf32>
          %mul3A_505 = arith.constant 5.000000e-01 : f32
          %mul3A_506 = vector.broadcast %mul3A_505 : f32 to vector<16xf32>
          %mul3A_507 = arith.mulf %mul3A_506, %max3A_490 : vector<16xf32>
          %mul3A_508 = arith.mulf %mul3A_507, %mul3A_504 : vector<16xf32>
          %mul3A_509 = arith.mulf %mul3A_508, %mul3A_504 : vector<16xf32>
          %sub3A_510 = arith.constant 1.500000e+00 : f32
          %sub3A_511 = vector.broadcast %sub3A_510 : f32 to vector<16xf32>
          %sub3A_512 = arith.subf %sub3A_511, %mul3A_509 : vector<16xf32>
          %mul3A_513 = arith.mulf %mul3A_504, %sub3A_512 : vector<16xf32>
          %mul3A_514 = arith.constant 5.000000e-01 : f32
          %mul3A_515 = vector.broadcast %mul3A_514 : f32 to vector<16xf32>
          %mul3A_516 = arith.mulf %mul3A_515, %max3A_490 : vector<16xf32>
          %mul3A_517 = arith.mulf %mul3A_516, %mul3A_513 : vector<16xf32>
          %mul3A_518 = arith.mulf %mul3A_517, %mul3A_513 : vector<16xf32>
          %sub3A_519 = arith.constant 1.500000e+00 : f32
          %sub3A_520 = vector.broadcast %sub3A_519 : f32 to vector<16xf32>
          %sub3A_521 = arith.subf %sub3A_520, %mul3A_518 : vector<16xf32>
          %mul3A_522 = arith.mulf %mul3A_513, %sub3A_521 : vector<16xf32>
          %get3A_523 = arith.constant 0 : i32
          %get3A_524 = arith.index_cast %get3A_523 : i32 to index
          %get3A_525 = arith.index_cast %mul3A_40 : i32 to index
          %get3A_526 = tpu.vector_load %arg4[%get3A_524, %get3A_525] {strides = array<i32>} : memref<64x512xf32, #tpu.memory_space<vmem>>, vector<1x16xf32>,
          %get3A_527 = vector.shape_cast %get3A_526 : vector<1x16xf32> to vector<16xf32>
          %mul3A_528 = arith.mulf %get3A_527, %mul3A_522 : vector<16xf32>
          %swap3A = arith.constant 0 : i32
          %swap3A_529 = arith.index_cast %swap3A : i32 to index
          %swap3A_530 = arith.index_cast %mul3A_40 : i32 to index
          %swap3A_531 = tpu.vector_load %arg5[%swap3A_529, %swap3A_530] {strides = array<i32>} : memref<64x512xf32, #tpu.memory_space<vmem>>, vector<1x16xf32>,
          %swap3A_532 = vector.shape_cast %swap3A_531 : vector<1x16xf32> to vector<16xf32>
          %swap3A_533 = vector.shape_cast %mul3A_528 : vector<16xf32> to vector<1x16xf32>
          tpu.vector_store %arg5[%swap3A_529, %swap3A_530], %swap3A_533 {strides = array<i32>} : memref<64x512xf32, #tpu.memory_space<vmem>>, vector<1x16xf32>,
          %get3A_534 = arith.constant 1 : i32
          %get3A_535 = arith.index_cast %get3A_534 : i32 to index
          %get3A_536 = arith.index_cast %mul3A_40 : i32 to index
          %get3A_537 = tpu.vector_load %arg4[%get3A_535, %get3A_536] {strides = array<i32>} : memref<64x512xf32, #tpu.memory_space<vmem>>, vector<1x16xf32>,
          %get3A_538 = vector.shape_cast %get3A_537 : vector<1x16xf32> to vector<16xf32>
          %mul3A_539 = arith.mulf %get3A_538, %mul3A_522 : vector<16xf32>
          %swap3A_540 = arith.constant 1 : i32
          %swap3A_541 = arith.index_cast %swap3A_540 : i32 to index
          %swap3A_542 = arith.index_cast %mul3A_40 : i32 to index
          %swap3A_543 = tpu.vector_load %arg5[%swap3A_541, %swap3A_542] {strides = array<i32>} : memref<64x512xf32, #tpu.memory_space<vmem>>, vector<1x16xf32>,
          %swap3A_544 = vector.shape_cast %swap3A_543 : vector<1x16xf32> to vector<16xf32>
          %swap3A_545 = vector.shape_cast %mul3A_539 : vector<16xf32> to vector<1x16xf32>
          tpu.vector_store %arg5[%swap3A_541, %swap3A_542], %swap3A_545 {strides = array<i32>} : memref<64x512xf32, #tpu.memory_space<vmem>>, vector<1x16xf32>,
          %get3A_546 = arith.constant 2 : i32
          %get3A_547 = arith.index_cast %get3A_546 : i32 to index
          %get3A_548 = arith.index_cast %mul3A_40 : i32 to index
          %get3A_549 = tpu.vector_load %arg4[%get3A_547, %get3A_548] {strides = array<i32>} : memref<64x512xf32, #tpu.memory_space<vmem>>, vector<1x16xf32>,
          %get3A_550 = vector.shape_cast %get3A_549 : vector<1x16xf32> to vector<16xf32>
          %mul3A_551 = arith.mulf %get3A_550, %mul3A_522 : vector<16xf32>
          %swap3A_552 = arith.constant 2 : i32
          %swap3A_553 = arith.index_cast %swap3A_552 : i32 to index
          %swap3A_554 = arith.index_cast %mul3A_40 : i32 to index
          %swap3A_555 = tpu.vector_load %arg5[%swap3A_553, %swap3A_554] {strides = array<i32>} : memref<64x512xf32, #tpu.memory_space<vmem>>, vector<1x16xf32>,
          %swap3A_556 = vector.shape_cast %swap3A_555 : vector<1x16xf32> to vector<16xf32>
          %swap3A_557 = vector.shape_cast %mul3A_551 : vector<16xf32> to vector<1x16xf32>
          tpu.vector_store %arg5[%swap3A_553, %swap3A_554], %swap3A_557 {strides = array<i32>} : memref<64x512xf32, #tpu.memory_space<vmem>>, vector<1x16xf32>,
          %get3A_558 = arith.constant 3 : i32
          %get3A_559 = arith.index_cast %get3A_558 : i32 to index
          %get3A_560 = arith.index_cast %mul3A_40 : i32 to index
          %get3A_561 = tpu.vector_load %arg4[%get3A_559, %get3A_560] {strides = array<i32>} : memref<64x512xf32, #tpu.memory_space<vmem>>, vector<1x16xf32>,
          %get3A_562 = vector.shape_cast %get3A_561 : vector<1x16xf32> to vector<16xf32>
          %mul3A_563 = arith.mulf %get3A_562, %mul3A_522 : vector<16xf32>
          %swap3A_564 = arith.constant 3 : i32
          %swap3A_565 = arith.index_cast %swap3A_564 : i32 to index
          %swap3A_566 = arith.index_cast %mul3A_40 : i32 to index
          %swap3A_567 = tpu.vector_load %arg5[%swap3A_565, %swap3A_566] {strides = array<i32>} : memref<64x512xf32, #tpu.memory_space<vmem>>, vector<1x16xf32>,
          %swap3A_568 = vector.shape_cast %swap3A_567 : vector<1x16xf32> to vector<16xf32>
          %swap3A_569 = vector.shape_cast %mul3A_563 : vector<16xf32> to vector<1x16xf32>
          tpu.vector_store %arg5[%swap3A_565, %swap3A_566], %swap3A_569 {strides = array<i32>} : memref<64x512xf32, #tpu.memory_space<vmem>>, vector<1x16xf32>,
          %get3A_570 = arith.constant 4 : i32
          %get3A_571 = arith.index_cast %get3A_570 : i32 to index
          %get3A_572 = arith.index_cast %mul3A_40 : i32 to index
          %get3A_573 = tpu.vector_load %arg4[%get3A_571, %get3A_572] {strides = array<i32>} : memref<64x512xf32, #tpu.memory_space<vmem>>, vector<1x16xf32>,
          %get3A_574 = vector.shape_cast %get3A_573 : vector<1x16xf32> to vector<16xf32>
          %mul3A_575 = arith.mulf %get3A_574, %mul3A_522 : vector<16xf32>
          %swap3A_576 = arith.constant 4 : i32
          %swap3A_577 = arith.index_cast %swap3A_576 : i32 to index
          %swap3A_578 = arith.index_cast %mul3A_40 : i32 to index
          %swap3A_579 = tpu.vector_load %arg5[%swap3A_577, %swap3A_578] {strides = array<i32>} : memref<64x512xf32, #tpu.memory_space<vmem>>, vector<1x16xf32>,
          %swap3A_580 = vector.shape_cast %swap3A_579 : vector<1x16xf32> to vector<16xf32>
          %swap3A_581 = vector.shape_cast %mul3A_575 : vector<16xf32> to vector<1x16xf32>
          tpu.vector_store %arg5[%swap3A_577, %swap3A_578], %swap3A_581 {strides = array<i32>} : memref<64x512xf32, #tpu.memory_space<vmem>>, vector<1x16xf32>,
          %get3A_582 = arith.constant 5 : i32
          %get3A_583 = arith.index_cast %get3A_582 : i32 to index
          %get3A_584 = arith.index_cast %mul3A_40 : i32 to index
          %get3A_585 = tpu.vector_load %arg4[%get3A_583, %get3A_584] {strides = array<i32>} : memref<64x512xf32, #tpu.memory_space<vmem>>, vector<1x16xf32>,
          %get3A_586 = vector.shape_cast %get3A_585 : vector<1x16xf32> to vector<16xf32>
          %mul3A_587 = arith.mulf %get3A_586, %mul3A_522 : vector<16xf32>
          %swap3A_588 = arith.constant 5 : i32
          %swap3A_589 = arith.index_cast %swap3A_588 : i32 to index
          %swap3A_590 = arith.index_cast %mul3A_40 : i32 to index
          %swap3A_591 = tpu.vector_load %arg5[%swap3A_589, %swap3A_590] {strides = array<i32>} : memref<64x512xf32, #tpu.memory_space<vmem>>, vector<1x16xf32>,
          %swap3A_592 = vector.shape_cast %swap3A_591 : vector<1x16xf32> to vector<16xf32>
          %swap3A_593 = vector.shape_cast %mul3A_587 : vector<16xf32> to vector<1x16xf32>
          tpu.vector_store %arg5[%swap3A_589, %swap3A_590], %swap3A_593 {strides = array<i32>} : memref<64x512xf32, #tpu.memory_space<vmem>>, vector<1x16xf32>,
          %get3A_594 = arith.constant 6 : i32
          %get3A_595 = arith.index_cast %get3A_594 : i32 to index
          %get3A_596 = arith.index_cast %mul3A_40 : i32 to index
          %get3A_597 = tpu.vector_load %arg4[%get3A_595, %get3A_596] {strides = array<i32>} : memref<64x512xf32, #tpu.memory_space<vmem>>, vector<1x16xf32>,
          %get3A_598 = vector.shape_cast %get3A_597 : vector<1x16xf32> to vector<16xf32>
          %mul3A_599 = arith.mulf %get3A_598, %mul3A_522 : vector<16xf32>
          %swap3A_600 = arith.constant 6 : i32
          %swap3A_601 = arith.index_cast %swap3A_600 : i32 to index
          %swap3A_602 = arith.index_cast %mul3A_40 : i32 to index
          %swap3A_603 = tpu.vector_load %arg5[%swap3A_601, %swap3A_602] {strides = array<i32>} : memref<64x512xf32, #tpu.memory_space<vmem>>, vector<1x16xf32>,
          %swap3A_604 = vector.shape_cast %swap3A_603 : vector<1x16xf32> to vector<16xf32>
          %swap3A_605 = vector.shape_cast %mul3A_599 : vector<16xf32> to vector<1x16xf32>
          tpu.vector_store %arg5[%swap3A_601, %swap3A_602], %swap3A_605 {strides = array<i32>} : memref<64x512xf32, #tpu.memory_space<vmem>>, vector<1x16xf32>,
          %get3A_606 = arith.constant 7 : i32
          %get3A_607 = arith.index_cast %get3A_606 : i32 to index
          %get3A_608 = arith.index_cast %mul3A_40 : i32 to index
          %get3A_609 = tpu.vector_load %arg4[%get3A_607, %get3A_608] {strides = array<i32>} : memref<64x512xf32, #tpu.memory_space<vmem>>, vector<1x16xf32>,
          %get3A_610 = vector.shape_cast %get3A_609 : vector<1x16xf32> to vector<16xf32>
          %mul3A_611 = arith.mulf %get3A_610, %mul3A_522 : vector<16xf32>
          %swap3A_612 = arith.constant 7 : i32
          %swap3A_613 = arith.index_cast %swap3A_612 : i32 to index
          %swap3A_614 = arith.index_cast %mul3A_40 : i32 to index
          %swap3A_615 = tpu.vector_load %arg5[%swap3A_613, %swap3A_614] {strides = array<i32>} : memref<64x512xf32, #tpu.memory_space<vmem>>, vector<1x16xf32>,
          %swap3A_616 = vector.shape_cast %swap3A_615 : vector<1x16xf32> to vector<16xf32>
          %swap3A_617 = vector.shape_cast %mul3A_611 : vector<16xf32> to vector<1x16xf32>
          tpu.vector_store %arg5[%swap3A_613, %swap3A_614], %swap3A_617 {strides = array<i32>} : memref<64x512xf32, #tpu.memory_space<vmem>>, vector<1x16xf32>,
          %get3A_618 = arith.constant 8 : i32
          %get3A_619 = arith.index_cast %get3A_618 : i32 to index
          %get3A_620 = arith.index_cast %mul3A_40 : i32 to index
          %get3A_621 = tpu.vector_load %arg4[%get3A_619, %get3A_620] {strides = array<i32>} : memref<64x512xf32, #tpu.memory_space<vmem>>, vector<1x16xf32>,
          %get3A_622 = vector.shape_cast %get3A_621 : vector<1x16xf32> to vector<16xf32>
          %mul3A_623 = arith.mulf %get3A_622, %mul3A_522 : vector<16xf32>
          %swap3A_624 = arith.constant 8 : i32
          %swap3A_625 = arith.index_cast %swap3A_624 : i32 to index
          %swap3A_626 = arith.index_cast %mul3A_40 : i32 to index
          %swap3A_627 = tpu.vector_load %arg5[%swap3A_625, %swap3A_626] {strides = array<i32>} : memref<64x512xf32, #tpu.memory_space<vmem>>, vector<1x16xf32>,
          %swap3A_628 = vector.shape_cast %swap3A_627 : vector<1x16xf32> to vector<16xf32>
          %swap3A_629 = vector.shape_cast %mul3A_623 : vector<16xf32> to vector<1x16xf32>
          tpu.vector_store %arg5[%swap3A_625, %swap3A_626], %swap3A_629 {strides = array<i32>} : memref<64x512xf32, #tpu.memory_space<vmem>>, vector<1x16xf32>,
          %get3A_630 = arith.constant 9 : i32
          %get3A_631 = arith.index_cast %get3A_630 : i32 to index
          %get3A_632 = arith.index_cast %mul3A_40 : i32 to index
          %get3A_633 = tpu.vector_load %arg4[%get3A_631, %get3A_632] {strides = array<i32>} : memref<64x512xf32, #tpu.memory_space<vmem>>, vector<1x16xf32>,
          %get3A_634 = vector.shape_cast %get3A_633 : vector<1x16xf32> to vector<16xf32>
          %mul3A_635 = arith.mulf %get3A_634, %mul3A_522 : vector<16xf32>
          %swap3A_636 = arith.constant 9 : i32
          %swap3A_637 = arith.index_cast %swap3A_636 : i32 to index
          %swap3A_638 = arith.index_cast %mul3A_40 : i32 to index
          %swap3A_639 = tpu.vector_load %arg5[%swap3A_637, %swap3A_638] {strides = array<i32>} : memref<64x512xf32, #tpu.memory_space<vmem>>, vector<1x16xf32>,
          %swap3A_640 = vector.shape_cast %swap3A_639 : vector<1x16xf32> to vector<16xf32>
          %swap3A_641 = vector.shape_cast %mul3A_635 : vector<16xf32> to vector<1x16xf32>
          tpu.vector_store %arg5[%swap3A_637, %swap3A_638], %swap3A_641 {strides = array<i32>} : memref<64x512xf32, #tpu.memory_space<vmem>>, vector<1x16xf32>,
          %get3A_642 = arith.constant 10 : i32
          %get3A_643 = arith.index_cast %get3A_642 : i32 to index
          %get3A_644 = arith.index_cast %mul3A_40 : i32 to index
          %get3A_645 = tpu.vector_load %arg4[%get3A_643, %get3A_644] {strides = array<i32>} : memref<64x512xf32, #tpu.memory_space<vmem>>, vector<1x16xf32>,
          %get3A_646 = vector.shape_cast %get3A_645 : vector<1x16xf32> to vector<16xf32>
          %mul3A_647 = arith.mulf %get3A_646, %mul3A_522 : vector<16xf32>
          %swap3A_648 = arith.constant 10 : i32
          %swap3A_649 = arith.index_cast %swap3A_648 : i32 to index
          %swap3A_650 = arith.index_cast %mul3A_40 : i32 to index
          %swap3A_651 = tpu.vector_load %arg5[%swap3A_649, %swap3A_650] {strides = array<i32>} : memref<64x512xf32, #tpu.memory_space<vmem>>, vector<1x16xf32>,
          %swap3A_652 = vector.shape_cast %swap3A_651 : vector<1x16xf32> to vector<16xf32>
          %swap3A_653 = vector.shape_cast %mul3A_647 : vector<16xf32> to vector<1x16xf32>
          tpu.vector_store %arg5[%swap3A_649, %swap3A_650], %swap3A_653 {strides = array<i32>} : memref<64x512xf32, #tpu.memory_space<vmem>>, vector<1x16xf32>,
          %get3A_654 = arith.constant 11 : i32
          %get3A_655 = arith.index_cast %get3A_654 : i32 to index
          %get3A_656 = arith.index_cast %mul3A_40 : i32 to index
          %get3A_657 = tpu.vector_load %arg4[%get3A_655, %get3A_656] {strides = array<i32>} : memref<64x512xf32, #tpu.memory_space<vmem>>, vector<1x16xf32>,
          %get3A_658 = vector.shape_cast %get3A_657 : vector<1x16xf32> to vector<16xf32>
          %mul3A_659 = arith.mulf %get3A_658, %mul3A_522 : vector<16xf32>
          %swap3A_660 = arith.constant 11 : i32
          %swap3A_661 = arith.index_cast %swap3A_660 : i32 to index
          %swap3A_662 = arith.index_cast %mul3A_40 : i32 to index
          %swap3A_663 = tpu.vector_load %arg5[%swap3A_661, %swap3A_662] {strides = array<i32>} : memref<64x512xf32, #tpu.memory_space<vmem>>, vector<1x16xf32>,
          %swap3A_664 = vector.shape_cast %swap3A_663 : vector<1x16xf32> to vector<16xf32>
          %swap3A_665 = vector.shape_cast %mul3A_659 : vector<16xf32> to vector<1x16xf32>
          tpu.vector_store %arg5[%swap3A_661, %swap3A_662], %swap3A_665 {strides = array<i32>} : memref<64x512xf32, #tpu.memory_space<vmem>>, vector<1x16xf32>,
          %get3A_666 = arith.constant 12 : i32
          %get3A_667 = arith.index_cast %get3A_666 : i32 to index
          %get3A_668 = arith.index_cast %mul3A_40 : i32 to index
          %get3A_669 = tpu.vector_load %arg4[%get3A_667, %get3A_668] {strides = array<i32>} : memref<64x512xf32, #tpu.memory_space<vmem>>, vector<1x16xf32>,
          %get3A_670 = vector.shape_cast %get3A_669 : vector<1x16xf32> to vector<16xf32>
          %mul3A_671 = arith.mulf %get3A_670, %mul3A_522 : vector<16xf32>
          %swap3A_672 = arith.constant 12 : i32
          %swap3A_673 = arith.index_cast %swap3A_672 : i32 to index
          %swap3A_674 = arith.index_cast %mul3A_40 : i32 to index
          %swap3A_675 = tpu.vector_load %arg5[%swap3A_673, %swap3A_674] {strides = array<i32>} : memref<64x512xf32, #tpu.memory_space<vmem>>, vector<1x16xf32>,
          %swap3A_676 = vector.shape_cast %swap3A_675 : vector<1x16xf32> to vector<16xf32>
          %swap3A_677 = vector.shape_cast %mul3A_671 : vector<16xf32> to vector<1x16xf32>
          tpu.vector_store %arg5[%swap3A_673, %swap3A_674], %swap3A_677 {strides = array<i32>} : memref<64x512xf32, #tpu.memory_space<vmem>>, vector<1x16xf32>,
          %get3A_678 = arith.constant 13 : i32
          %get3A_679 = arith.index_cast %get3A_678 : i32 to index
          %get3A_680 = arith.index_cast %mul3A_40 : i32 to index
          %get3A_681 = tpu.vector_load %arg4[%get3A_679, %get3A_680] {strides = array<i32>} : memref<64x512xf32, #tpu.memory_space<vmem>>, vector<1x16xf32>,
          %get3A_682 = vector.shape_cast %get3A_681 : vector<1x16xf32> to vector<16xf32>
          %mul3A_683 = arith.mulf %get3A_682, %mul3A_522 : vector<16xf32>
          %swap3A_684 = arith.constant 13 : i32
          %swap3A_685 = arith.index_cast %swap3A_684 : i32 to index
          %swap3A_686 = arith.index_cast %mul3A_40 : i32 to index
          %swap3A_687 = tpu.vector_load %arg5[%swap3A_685, %swap3A_686] {strides = array<i32>} : memref<64x512xf32, #tpu.memory_space<vmem>>, vector<1x16xf32>,
          %swap3A_688 = vector.shape_cast %swap3A_687 : vector<1x16xf32> to vector<16xf32>
          %swap3A_689 = vector.shape_cast %mul3A_683 : vector<16xf32> to vector<1x16xf32>
          tpu.vector_store %arg5[%swap3A_685, %swap3A_686], %swap3A_689 {strides = array<i32>} : memref<64x512xf32, #tpu.memory_space<vmem>>, vector<1x16xf32>,
          %get3A_690 = arith.constant 14 : i32
          %get3A_691 = arith.index_cast %get3A_690 : i32 to index
          %get3A_692 = arith.index_cast %mul3A_40 : i32 to index
          %get3A_693 = tpu.vector_load %arg4[%get3A_691, %get3A_692] {strides = array<i32>} : memref<64x512xf32, #tpu.memory_space<vmem>>, vector<1x16xf32>,
          %get3A_694 = vector.shape_cast %get3A_693 : vector<1x16xf32> to vector<16xf32>
          %mul3A_695 = arith.mulf %get3A_694, %mul3A_522 : vector<16xf32>
          %swap3A_696 = arith.constant 14 : i32
          %swap3A_697 = arith.index_cast %swap3A_696 : i32 to index
          %swap3A_698 = arith.index_cast %mul3A_40 : i32 to index
          %swap3A_699 = tpu.vector_load %arg5[%swap3A_697, %swap3A_698] {strides = array<i32>} : memref<64x512xf32, #tpu.memory_space<vmem>>, vector<1x16xf32>,
          %swap3A_700 = vector.shape_cast %swap3A_699 : vector<1x16xf32> to vector<16xf32>
          %swap3A_701 = vector.shape_cast %mul3A_695 : vector<16xf32> to vector<1x16xf32>
          tpu.vector_store %arg5[%swap3A_697, %swap3A_698], %swap3A_701 {strides = array<i32>} : memref<64x512xf32, #tpu.memory_space<vmem>>, vector<1x16xf32>,
          %get3A_702 = arith.constant 15 : i32
          %get3A_703 = arith.index_cast %get3A_702 : i32 to index
          %get3A_704 = arith.index_cast %mul3A_40 : i32 to index
          %get3A_705 = tpu.vector_load %arg4[%get3A_703, %get3A_704] {strides = array<i32>} : memref<64x512xf32, #tpu.memory_space<vmem>>, vector<1x16xf32>,
          %get3A_706 = vector.shape_cast %get3A_705 : vector<1x16xf32> to vector<16xf32>
          %mul3A_707 = arith.mulf %get3A_706, %mul3A_522 : vector<16xf32>
          %swap3A_708 = arith.constant 15 : i32
          %swap3A_709 = arith.index_cast %swap3A_708 : i32 to index
          %swap3A_710 = arith.index_cast %mul3A_40 : i32 to index
          %swap3A_711 = tpu.vector_load %arg5[%swap3A_709, %swap3A_710] {strides = array<i32>} : memref<64x512xf32, #tpu.memory_space<vmem>>, vector<1x16xf32>,
          %swap3A_712 = vector.shape_cast %swap3A_711 : vector<1x16xf32> to vector<16xf32>
          %swap3A_713 = vector.shape_cast %mul3A_707 : vector<16xf32> to vector<1x16xf32>
          tpu.vector_store %arg5[%swap3A_709, %swap3A_710], %swap3A_713 {strides = array<i32>} : memref<64x512xf32, #tpu.memory_space<vmem>>, vector<1x16xf32>,
          %get3A_714 = arith.constant 16 : i32
          %get3A_715 = arith.index_cast %get3A_714 : i32 to index
          %get3A_716 = arith.index_cast %mul3A_40 : i32 to index
          %get3A_717 = tpu.vector_load %arg4[%get3A_715, %get3A_716] {strides = array<i32>} : memref<64x512xf32, #tpu.memory_space<vmem>>, vector<1x16xf32>,
          %get3A_718 = vector.shape_cast %get3A_717 : vector<1x16xf32> to vector<16xf32>
          %mul3A_719 = arith.mulf %get3A_718, %mul3A_522 : vector<16xf32>
          %swap3A_720 = arith.constant 16 : i32
          %swap3A_721 = arith.index_cast %swap3A_720 : i32 to index
          %swap3A_722 = arith.index_cast %mul3A_40 : i32 to index
          %swap3A_723 = tpu.vector_load %arg5[%swap3A_721, %swap3A_722] {strides = array<i32>} : memref<64x512xf32, #tpu.memory_space<vmem>>, vector<1x16xf32>,
          %swap3A_724 = vector.shape_cast %swap3A_723 : vector<1x16xf32> to vector<16xf32>
          %swap3A_725 = vector.shape_cast %mul3A_719 : vector<16xf32> to vector<1x16xf32>
          tpu.vector_store %arg5[%swap3A_721, %swap3A_722], %swap3A_725 {strides = array<i32>} : memref<64x512xf32, #tpu.memory_space<vmem>>, vector<1x16xf32>,
          %get3A_726 = arith.constant 17 : i32
          %get3A_727 = arith.index_cast %get3A_726 : i32 to index
          %get3A_728 = arith.index_cast %mul3A_40 : i32 to index
          %get3A_729 = tpu.vector_load %arg4[%get3A_727, %get3A_728] {strides = array<i32>} : memref<64x512xf32, #tpu.memory_space<vmem>>, vector<1x16xf32>,
          %get3A_730 = vector.shape_cast %get3A_729 : vector<1x16xf32> to vector<16xf32>
          %mul3A_731 = arith.mulf %get3A_730, %mul3A_522 : vector<16xf32>
          %swap3A_732 = arith.constant 17 : i32
          %swap3A_733 = arith.index_cast %swap3A_732 : i32 to index
          %swap3A_734 = arith.index_cast %mul3A_40 : i32 to index
          %swap3A_735 = tpu.vector_load %arg5[%swap3A_733, %swap3A_734] {strides = array<i32>} : memref<64x512xf32, #tpu.memory_space<vmem>>, vector<1x16xf32>,
          %swap3A_736 = vector.shape_cast %swap3A_735 : vector<1x16xf32> to vector<16xf32>
          %swap3A_737 = vector.shape_cast %mul3A_731 : vector<16xf32> to vector<1x16xf32>
          tpu.vector_store %arg5[%swap3A_733, %swap3A_734], %swap3A_737 {strides = array<i32>} : memref<64x512xf32, #tpu.memory_space<vmem>>, vector<1x16xf32>,
          %get3A_738 = arith.constant 18 : i32
          %get3A_739 = arith.index_cast %get3A_738 : i32 to index
          %get3A_740 = arith.index_cast %mul3A_40 : i32 to index
          %get3A_741 = tpu.vector_load %arg4[%get3A_739, %get3A_740] {strides = array<i32>} : memref<64x512xf32, #tpu.memory_space<vmem>>, vector<1x16xf32>,
          %get3A_742 = vector.shape_cast %get3A_741 : vector<1x16xf32> to vector<16xf32>
          %mul3A_743 = arith.mulf %get3A_742, %mul3A_522 : vector<16xf32>
          %swap3A_744 = arith.constant 18 : i32
          %swap3A_745 = arith.index_cast %swap3A_744 : i32 to index
          %swap3A_746 = arith.index_cast %mul3A_40 : i32 to index
          %swap3A_747 = tpu.vector_load %arg5[%swap3A_745, %swap3A_746] {strides = array<i32>} : memref<64x512xf32, #tpu.memory_space<vmem>>, vector<1x16xf32>,
          %swap3A_748 = vector.shape_cast %swap3A_747 : vector<1x16xf32> to vector<16xf32>
          %swap3A_749 = vector.shape_cast %mul3A_743 : vector<16xf32> to vector<1x16xf32>
          tpu.vector_store %arg5[%swap3A_745, %swap3A_746], %swap3A_749 {strides = array<i32>} : memref<64x512xf32, #tpu.memory_space<vmem>>, vector<1x16xf32>,
          %get3A_750 = arith.constant 19 : i32
          %get3A_751 = arith.index_cast %get3A_750 : i32 to index
          %get3A_752 = arith.index_cast %mul3A_40 : i32 to index
          %get3A_753 = tpu.vector_load %arg4[%get3A_751, %get3A_752] {strides = array<i32>} : memref<64x512xf32, #tpu.memory_space<vmem>>, vector<1x16xf32>,
          %get3A_754 = vector.shape_cast %get3A_753 : vector<1x16xf32> to vector<16xf32>
          %mul3A_755 = arith.mulf %get3A_754, %mul3A_522 : vector<16xf32>
          %swap3A_756 = arith.constant 19 : i32
          %swap3A_757 = arith.index_cast %swap3A_756 : i32 to index
          %swap3A_758 = arith.index_cast %mul3A_40 : i32 to index
          %swap3A_759 = tpu.vector_load %arg5[%swap3A_757, %swap3A_758] {strides = array<i32>} : memref<64x512xf32, #tpu.memory_space<vmem>>, vector<1x16xf32>,
          %swap3A_760 = vector.shape_cast %swap3A_759 : vector<1x16xf32> to vector<16xf32>
          %swap3A_761 = vector.shape_cast %mul3A_755 : vector<16xf32> to vector<1x16xf32>
          tpu.vector_store %arg5[%swap3A_757, %swap3A_758], %swap3A_761 {strides = array<i32>} : memref<64x512xf32, #tpu.memory_space<vmem>>, vector<1x16xf32>,
          %get3A_762 = arith.constant 20 : i32
          %get3A_763 = arith.index_cast %get3A_762 : i32 to index
          %get3A_764 = arith.index_cast %mul3A_40 : i32 to index
          %get3A_765 = tpu.vector_load %arg4[%get3A_763, %get3A_764] {strides = array<i32>} : memref<64x512xf32, #tpu.memory_space<vmem>>, vector<1x16xf32>,
          %get3A_766 = vector.shape_cast %get3A_765 : vector<1x16xf32> to vector<16xf32>
          %mul3A_767 = arith.mulf %get3A_766, %mul3A_522 : vector<16xf32>
          %swap3A_768 = arith.constant 20 : i32
          %swap3A_769 = arith.index_cast %swap3A_768 : i32 to index
          %swap3A_770 = arith.index_cast %mul3A_40 : i32 to index
          %swap3A_771 = tpu.vector_load %arg5[%swap3A_769, %swap3A_770] {strides = array<i32>} : memref<64x512xf32, #tpu.memory_space<vmem>>, vector<1x16xf32>,
          %swap3A_772 = vector.shape_cast %swap3A_771 : vector<1x16xf32> to vector<16xf32>
          %swap3A_773 = vector.shape_cast %mul3A_767 : vector<16xf32> to vector<1x16xf32>
          tpu.vector_store %arg5[%swap3A_769, %swap3A_770], %swap3A_773 {strides = array<i32>} : memref<64x512xf32, #tpu.memory_space<vmem>>, vector<1x16xf32>,
          %get3A_774 = arith.constant 21 : i32
          %get3A_775 = arith.index_cast %get3A_774 : i32 to index
          %get3A_776 = arith.index_cast %mul3A_40 : i32 to index
          %get3A_777 = tpu.vector_load %arg4[%get3A_775, %get3A_776] {strides = array<i32>} : memref<64x512xf32, #tpu.memory_space<vmem>>, vector<1x16xf32>,
          %get3A_778 = vector.shape_cast %get3A_777 : vector<1x16xf32> to vector<16xf32>
          %mul3A_779 = arith.mulf %get3A_778, %mul3A_522 : vector<16xf32>
          %swap3A_780 = arith.constant 21 : i32
          %swap3A_781 = arith.index_cast %swap3A_780 : i32 to index
          %swap3A_782 = arith.index_cast %mul3A_40 : i32 to index
          %swap3A_783 = tpu.vector_load %arg5[%swap3A_781, %swap3A_782] {strides = array<i32>} : memref<64x512xf32, #tpu.memory_space<vmem>>, vector<1x16xf32>,
          %swap3A_784 = vector.shape_cast %swap3A_783 : vector<1x16xf32> to vector<16xf32>
          %swap3A_785 = vector.shape_cast %mul3A_779 : vector<16xf32> to vector<1x16xf32>
          tpu.vector_store %arg5[%swap3A_781, %swap3A_782], %swap3A_785 {strides = array<i32>} : memref<64x512xf32, #tpu.memory_space<vmem>>, vector<1x16xf32>,
          %get3A_786 = arith.constant 22 : i32
          %get3A_787 = arith.index_cast %get3A_786 : i32 to index
          %get3A_788 = arith.index_cast %mul3A_40 : i32 to index
          %get3A_789 = tpu.vector_load %arg4[%get3A_787, %get3A_788] {strides = array<i32>} : memref<64x512xf32, #tpu.memory_space<vmem>>, vector<1x16xf32>,
          %get3A_790 = vector.shape_cast %get3A_789 : vector<1x16xf32> to vector<16xf32>
          %mul3A_791 = arith.mulf %get3A_790, %mul3A_522 : vector<16xf32>
          %swap3A_792 = arith.constant 22 : i32
          %swap3A_793 = arith.index_cast %swap3A_792 : i32 to index
          %swap3A_794 = arith.index_cast %mul3A_40 : i32 to index
          %swap3A_795 = tpu.vector_load %arg5[%swap3A_793, %swap3A_794] {strides = array<i32>} : memref<64x512xf32, #tpu.memory_space<vmem>>, vector<1x16xf32>,
          %swap3A_796 = vector.shape_cast %swap3A_795 : vector<1x16xf32> to vector<16xf32>
          %swap3A_797 = vector.shape_cast %mul3A_791 : vector<16xf32> to vector<1x16xf32>
          tpu.vector_store %arg5[%swap3A_793, %swap3A_794], %swap3A_797 {strides = array<i32>} : memref<64x512xf32, #tpu.memory_space<vmem>>, vector<1x16xf32>,
          %get3A_798 = arith.constant 23 : i32
          %get3A_799 = arith.index_cast %get3A_798 : i32 to index
          %get3A_800 = arith.index_cast %mul3A_40 : i32 to index
          %get3A_801 = tpu.vector_load %arg4[%get3A_799, %get3A_800] {strides = array<i32>} : memref<64x512xf32, #tpu.memory_space<vmem>>, vector<1x16xf32>,
          %get3A_802 = vector.shape_cast %get3A_801 : vector<1x16xf32> to vector<16xf32>
          %mul3A_803 = arith.mulf %get3A_802, %mul3A_522 : vector<16xf32>
          %swap3A_804 = arith.constant 23 : i32
          %swap3A_805 = arith.index_cast %swap3A_804 : i32 to index
          %swap3A_806 = arith.index_cast %mul3A_40 : i32 to index
          %swap3A_807 = tpu.vector_load %arg5[%swap3A_805, %swap3A_806] {strides = array<i32>} : memref<64x512xf32, #tpu.memory_space<vmem>>, vector<1x16xf32>,
          %swap3A_808 = vector.shape_cast %swap3A_807 : vector<1x16xf32> to vector<16xf32>
          %swap3A_809 = vector.shape_cast %mul3A_803 : vector<16xf32> to vector<1x16xf32>
          tpu.vector_store %arg5[%swap3A_805, %swap3A_806], %swap3A_809 {strides = array<i32>} : memref<64x512xf32, #tpu.memory_space<vmem>>, vector<1x16xf32>,
          %get3A_810 = arith.constant 24 : i32
          %get3A_811 = arith.index_cast %get3A_810 : i32 to index
          %get3A_812 = arith.index_cast %mul3A_40 : i32 to index
          %get3A_813 = tpu.vector_load %arg4[%get3A_811, %get3A_812] {strides = array<i32>} : memref<64x512xf32, #tpu.memory_space<vmem>>, vector<1x16xf32>,
          %get3A_814 = vector.shape_cast %get3A_813 : vector<1x16xf32> to vector<16xf32>
          %mul3A_815 = arith.mulf %get3A_814, %mul3A_522 : vector<16xf32>
          %swap3A_816 = arith.constant 24 : i32
          %swap3A_817 = arith.index_cast %swap3A_816 : i32 to index
          %swap3A_818 = arith.index_cast %mul3A_40 : i32 to index
          %swap3A_819 = tpu.vector_load %arg5[%swap3A_817, %swap3A_818] {strides = array<i32>} : memref<64x512xf32, #tpu.memory_space<vmem>>, vector<1x16xf32>,
          %swap3A_820 = vector.shape_cast %swap3A_819 : vector<1x16xf32> to vector<16xf32>
          %swap3A_821 = vector.shape_cast %mul3A_815 : vector<16xf32> to vector<1x16xf32>
          tpu.vector_store %arg5[%swap3A_817, %swap3A_818], %swap3A_821 {strides = array<i32>} : memref<64x512xf32, #tpu.memory_space<vmem>>, vector<1x16xf32>,
          %get3A_822 = arith.constant 25 : i32
          %get3A_823 = arith.index_cast %get3A_822 : i32 to index
          %get3A_824 = arith.index_cast %mul3A_40 : i32 to index
          %get3A_825 = tpu.vector_load %arg4[%get3A_823, %get3A_824] {strides = array<i32>} : memref<64x512xf32, #tpu.memory_space<vmem>>, vector<1x16xf32>,
          %get3A_826 = vector.shape_cast %get3A_825 : vector<1x16xf32> to vector<16xf32>
          %mul3A_827 = arith.mulf %get3A_826, %mul3A_522 : vector<16xf32>
          %swap3A_828 = arith.constant 25 : i32
          %swap3A_829 = arith.index_cast %swap3A_828 : i32 to index
          %swap3A_830 = arith.index_cast %mul3A_40 : i32 to index
          %swap3A_831 = tpu.vector_load %arg5[%swap3A_829, %swap3A_830] {strides = array<i32>} : memref<64x512xf32, #tpu.memory_space<vmem>>, vector<1x16xf32>,
          %swap3A_832 = vector.shape_cast %swap3A_831 : vector<1x16xf32> to vector<16xf32>
          %swap3A_833 = vector.shape_cast %mul3A_827 : vector<16xf32> to vector<1x16xf32>
          tpu.vector_store %arg5[%swap3A_829, %swap3A_830], %swap3A_833 {strides = array<i32>} : memref<64x512xf32, #tpu.memory_space<vmem>>, vector<1x16xf32>,
          %get3A_834 = arith.constant 26 : i32
          %get3A_835 = arith.index_cast %get3A_834 : i32 to index
          %get3A_836 = arith.index_cast %mul3A_40 : i32 to index
          %get3A_837 = tpu.vector_load %arg4[%get3A_835, %get3A_836] {strides = array<i32>} : memref<64x512xf32, #tpu.memory_space<vmem>>, vector<1x16xf32>,
          %get3A_838 = vector.shape_cast %get3A_837 : vector<1x16xf32> to vector<16xf32>
          %mul3A_839 = arith.mulf %get3A_838, %mul3A_522 : vector<16xf32>
          %swap3A_840 = arith.constant 26 : i32
          %swap3A_841 = arith.index_cast %swap3A_840 : i32 to index
          %swap3A_842 = arith.index_cast %mul3A_40 : i32 to index
          %swap3A_843 = tpu.vector_load %arg5[%swap3A_841, %swap3A_842] {strides = array<i32>} : memref<64x512xf32, #tpu.memory_space<vmem>>, vector<1x16xf32>,
          %swap3A_844 = vector.shape_cast %swap3A_843 : vector<1x16xf32> to vector<16xf32>
          %swap3A_845 = vector.shape_cast %mul3A_839 : vector<16xf32> to vector<1x16xf32>
          tpu.vector_store %arg5[%swap3A_841, %swap3A_842], %swap3A_845 {strides = array<i32>} : memref<64x512xf32, #tpu.memory_space<vmem>>, vector<1x16xf32>,
          %get3A_846 = arith.constant 27 : i32
          %get3A_847 = arith.index_cast %get3A_846 : i32 to index
          %get3A_848 = arith.index_cast %mul3A_40 : i32 to index
          %get3A_849 = tpu.vector_load %arg4[%get3A_847, %get3A_848] {strides = array<i32>} : memref<64x512xf32, #tpu.memory_space<vmem>>, vector<1x16xf32>,
          %get3A_850 = vector.shape_cast %get3A_849 : vector<1x16xf32> to vector<16xf32>
          %mul3A_851 = arith.mulf %get3A_850, %mul3A_522 : vector<16xf32>
          %swap3A_852 = arith.constant 27 : i32
          %swap3A_853 = arith.index_cast %swap3A_852 : i32 to index
          %swap3A_854 = arith.index_cast %mul3A_40 : i32 to index
          %swap3A_855 = tpu.vector_load %arg5[%swap3A_853, %swap3A_854] {strides = array<i32>} : memref<64x512xf32, #tpu.memory_space<vmem>>, vector<1x16xf32>,
          %swap3A_856 = vector.shape_cast %swap3A_855 : vector<1x16xf32> to vector<16xf32>
          %swap3A_857 = vector.shape_cast %mul3A_851 : vector<16xf32> to vector<1x16xf32>
          tpu.vector_store %arg5[%swap3A_853, %swap3A_854], %swap3A_857 {strides = array<i32>} : memref<64x512xf32, #tpu.memory_space<vmem>>, vector<1x16xf32>,
          %get3A_858 = arith.constant 28 : i32
          %get3A_859 = arith.index_cast %get3A_858 : i32 to index
          %get3A_860 = arith.index_cast %mul3A_40 : i32 to index
          %get3A_861 = tpu.vector_load %arg4[%get3A_859, %get3A_860] {strides = array<i32>} : memref<64x512xf32, #tpu.memory_space<vmem>>, vector<1x16xf32>,
          %get3A_862 = vector.shape_cast %get3A_861 : vector<1x16xf32> to vector<16xf32>
          %mul3A_863 = arith.mulf %get3A_862, %mul3A_522 : vector<16xf32>
          %swap3A_864 = arith.constant 28 : i32
          %swap3A_865 = arith.index_cast %swap3A_864 : i32 to index
          %swap3A_866 = arith.index_cast %mul3A_40 : i32 to index
          %swap3A_867 = tpu.vector_load %arg5[%swap3A_865, %swap3A_866] {strides = array<i32>} : memref<64x512xf32, #tpu.memory_space<vmem>>, vector<1x16xf32>,
          %swap3A_868 = vector.shape_cast %swap3A_867 : vector<1x16xf32> to vector<16xf32>
          %swap3A_869 = vector.shape_cast %mul3A_863 : vector<16xf32> to vector<1x16xf32>
          tpu.vector_store %arg5[%swap3A_865, %swap3A_866], %swap3A_869 {strides = array<i32>} : memref<64x512xf32, #tpu.memory_space<vmem>>, vector<1x16xf32>,
          %get3A_870 = arith.constant 29 : i32
          %get3A_871 = arith.index_cast %get3A_870 : i32 to index
          %get3A_872 = arith.index_cast %mul3A_40 : i32 to index
          %get3A_873 = tpu.vector_load %arg4[%get3A_871, %get3A_872] {strides = array<i32>} : memref<64x512xf32, #tpu.memory_space<vmem>>, vector<1x16xf32>,
          %get3A_874 = vector.shape_cast %get3A_873 : vector<1x16xf32> to vector<16xf32>
          %mul3A_875 = arith.mulf %get3A_874, %mul3A_522 : vector<16xf32>
          %swap3A_876 = arith.constant 29 : i32
          %swap3A_877 = arith.index_cast %swap3A_876 : i32 to index
          %swap3A_878 = arith.index_cast %mul3A_40 : i32 to index
          %swap3A_879 = tpu.vector_load %arg5[%swap3A_877, %swap3A_878] {strides = array<i32>} : memref<64x512xf32, #tpu.memory_space<vmem>>, vector<1x16xf32>,
          %swap3A_880 = vector.shape_cast %swap3A_879 : vector<1x16xf32> to vector<16xf32>
          %swap3A_881 = vector.shape_cast %mul3A_875 : vector<16xf32> to vector<1x16xf32>
          tpu.vector_store %arg5[%swap3A_877, %swap3A_878], %swap3A_881 {strides = array<i32>} : memref<64x512xf32, #tpu.memory_space<vmem>>, vector<1x16xf32>,
          %get3A_882 = arith.constant 30 : i32
          %get3A_883 = arith.index_cast %get3A_882 : i32 to index
          %get3A_884 = arith.index_cast %mul3A_40 : i32 to index
          %get3A_885 = tpu.vector_load %arg4[%get3A_883, %get3A_884] {strides = array<i32>} : memref<64x512xf32, #tpu.memory_space<vmem>>, vector<1x16xf32>,
          %get3A_886 = vector.shape_cast %get3A_885 : vector<1x16xf32> to vector<16xf32>
          %mul3A_887 = arith.mulf %get3A_886, %mul3A_522 : vector<16xf32>
          %swap3A_888 = arith.constant 30 : i32
          %swap3A_889 = arith.index_cast %swap3A_888 : i32 to index
          %swap3A_890 = arith.index_cast %mul3A_40 : i32 to index
          %swap3A_891 = tpu.vector_load %arg5[%swap3A_889, %swap3A_890] {strides = array<i32>} : memref<64x512xf32, #tpu.memory_space<vmem>>, vector<1x16xf32>,
          %swap3A_892 = vector.shape_cast %swap3A_891 : vector<1x16xf32> to vector<16xf32>
          %swap3A_893 = vector.shape_cast %mul3A_887 : vector<16xf32> to vector<1x16xf32>
          tpu.vector_store %arg5[%swap3A_889, %swap3A_890], %swap3A_893 {strides = array<i32>} : memref<64x512xf32, #tpu.memory_space<vmem>>, vector<1x16xf32>,
          %get3A_894 = arith.constant 31 : i32
          %get3A_895 = arith.index_cast %get3A_894 : i32 to index
          %get3A_896 = arith.index_cast %mul3A_40 : i32 to index
          %get3A_897 = tpu.vector_load %arg4[%get3A_895, %get3A_896] {strides = array<i32>} : memref<64x512xf32, #tpu.memory_space<vmem>>, vector<1x16xf32>,
          %get3A_898 = vector.shape_cast %get3A_897 : vector<1x16xf32> to vector<16xf32>
          %mul3A_899 = arith.mulf %get3A_898, %mul3A_522 : vector<16xf32>
          %swap3A_900 = arith.constant 31 : i32
          %swap3A_901 = arith.index_cast %swap3A_900 : i32 to index
          %swap3A_902 = arith.index_cast %mul3A_40 : i32 to index
          %swap3A_903 = tpu.vector_load %arg5[%swap3A_901, %swap3A_902] {strides = array<i32>} : memref<64x512xf32, #tpu.memory_space<vmem>>, vector<1x16xf32>,
          %swap3A_904 = vector.shape_cast %swap3A_903 : vector<1x16xf32> to vector<16xf32>
          %swap3A_905 = vector.shape_cast %mul3A_899 : vector<16xf32> to vector<1x16xf32>
          tpu.vector_store %arg5[%swap3A_901, %swap3A_902], %swap3A_905 {strides = array<i32>} : memref<64x512xf32, #tpu.memory_space<vmem>>, vector<1x16xf32>,
          %get3A_906 = arith.constant 32 : i32
          %get3A_907 = arith.index_cast %get3A_906 : i32 to index
          %get3A_908 = arith.index_cast %mul3A_40 : i32 to index
          %get3A_909 = tpu.vector_load %arg4[%get3A_907, %get3A_908] {strides = array<i32>} : memref<64x512xf32, #tpu.memory_space<vmem>>, vector<1x16xf32>,
          %get3A_910 = vector.shape_cast %get3A_909 : vector<1x16xf32> to vector<16xf32>
          %mul3A_911 = arith.mulf %get3A_910, %mul3A_522 : vector<16xf32>
          %swap3A_912 = arith.constant 32 : i32
          %swap3A_913 = arith.index_cast %swap3A_912 : i32 to index
          %swap3A_914 = arith.index_cast %mul3A_40 : i32 to index
          %swap3A_915 = tpu.vector_load %arg5[%swap3A_913, %swap3A_914] {strides = array<i32>} : memref<64x512xf32, #tpu.memory_space<vmem>>, vector<1x16xf32>,
          %swap3A_916 = vector.shape_cast %swap3A_915 : vector<1x16xf32> to vector<16xf32>
          %swap3A_917 = vector.shape_cast %mul3A_911 : vector<16xf32> to vector<1x16xf32>
          tpu.vector_store %arg5[%swap3A_913, %swap3A_914], %swap3A_917 {strides = array<i32>} : memref<64x512xf32, #tpu.memory_space<vmem>>, vector<1x16xf32>,
          %get3A_918 = arith.constant 33 : i32
          %get3A_919 = arith.index_cast %get3A_918 : i32 to index
          %get3A_920 = arith.index_cast %mul3A_40 : i32 to index
          %get3A_921 = tpu.vector_load %arg4[%get3A_919, %get3A_920] {strides = array<i32>} : memref<64x512xf32, #tpu.memory_space<vmem>>, vector<1x16xf32>,
          %get3A_922 = vector.shape_cast %get3A_921 : vector<1x16xf32> to vector<16xf32>
          %mul3A_923 = arith.mulf %get3A_922, %mul3A_522 : vector<16xf32>
          %swap3A_924 = arith.constant 33 : i32
          %swap3A_925 = arith.index_cast %swap3A_924 : i32 to index
          %swap3A_926 = arith.index_cast %mul3A_40 : i32 to index
          %swap3A_927 = tpu.vector_load %arg5[%swap3A_925, %swap3A_926] {strides = array<i32>} : memref<64x512xf32, #tpu.memory_space<vmem>>, vector<1x16xf32>,
          %swap3A_928 = vector.shape_cast %swap3A_927 : vector<1x16xf32> to vector<16xf32>
          %swap3A_929 = vector.shape_cast %mul3A_923 : vector<16xf32> to vector<1x16xf32>
          tpu.vector_store %arg5[%swap3A_925, %swap3A_926], %swap3A_929 {strides = array<i32>} : memref<64x512xf32, #tpu.memory_space<vmem>>, vector<1x16xf32>,
          %get3A_930 = arith.constant 34 : i32
          %get3A_931 = arith.index_cast %get3A_930 : i32 to index
          %get3A_932 = arith.index_cast %mul3A_40 : i32 to index
          %get3A_933 = tpu.vector_load %arg4[%get3A_931, %get3A_932] {strides = array<i32>} : memref<64x512xf32, #tpu.memory_space<vmem>>, vector<1x16xf32>,
          %get3A_934 = vector.shape_cast %get3A_933 : vector<1x16xf32> to vector<16xf32>
          %mul3A_935 = arith.mulf %get3A_934, %mul3A_522 : vector<16xf32>
          %swap3A_936 = arith.constant 34 : i32
          %swap3A_937 = arith.index_cast %swap3A_936 : i32 to index
          %swap3A_938 = arith.index_cast %mul3A_40 : i32 to index
          %swap3A_939 = tpu.vector_load %arg5[%swap3A_937, %swap3A_938] {strides = array<i32>} : memref<64x512xf32, #tpu.memory_space<vmem>>, vector<1x16xf32>,
          %swap3A_940 = vector.shape_cast %swap3A_939 : vector<1x16xf32> to vector<16xf32>
          %swap3A_941 = vector.shape_cast %mul3A_935 : vector<16xf32> to vector<1x16xf32>
          tpu.vector_store %arg5[%swap3A_937, %swap3A_938], %swap3A_941 {strides = array<i32>} : memref<64x512xf32, #tpu.memory_space<vmem>>, vector<1x16xf32>,
          %get3A_942 = arith.constant 35 : i32
          %get3A_943 = arith.index_cast %get3A_942 : i32 to index
          %get3A_944 = arith.index_cast %mul3A_40 : i32 to index
          %get3A_945 = tpu.vector_load %arg4[%get3A_943, %get3A_944] {strides = array<i32>} : memref<64x512xf32, #tpu.memory_space<vmem>>, vector<1x16xf32>,
          %get3A_946 = vector.shape_cast %get3A_945 : vector<1x16xf32> to vector<16xf32>
          %mul3A_947 = arith.mulf %get3A_946, %mul3A_522 : vector<16xf32>
          %swap3A_948 = arith.constant 35 : i32
          %swap3A_949 = arith.index_cast %swap3A_948 : i32 to index
          %swap3A_950 = arith.index_cast %mul3A_40 : i32 to index
          %swap3A_951 = tpu.vector_load %arg5[%swap3A_949, %swap3A_950] {strides = array<i32>} : memref<64x512xf32, #tpu.memory_space<vmem>>, vector<1x16xf32>,
          %swap3A_952 = vector.shape_cast %swap3A_951 : vector<1x16xf32> to vector<16xf32>
          %swap3A_953 = vector.shape_cast %mul3A_947 : vector<16xf32> to vector<1x16xf32>
          tpu.vector_store %arg5[%swap3A_949, %swap3A_950], %swap3A_953 {strides = array<i32>} : memref<64x512xf32, #tpu.memory_space<vmem>>, vector<1x16xf32>,
          %get3A_954 = arith.constant 36 : i32
          %get3A_955 = arith.index_cast %get3A_954 : i32 to index
          %get3A_956 = arith.index_cast %mul3A_40 : i32 to index
          %get3A_957 = tpu.vector_load %arg4[%get3A_955, %get3A_956] {strides = array<i32>} : memref<64x512xf32, #tpu.memory_space<vmem>>, vector<1x16xf32>,
          %get3A_958 = vector.shape_cast %get3A_957 : vector<1x16xf32> to vector<16xf32>
          %mul3A_959 = arith.mulf %get3A_958, %mul3A_522 : vector<16xf32>
          %swap3A_960 = arith.constant 36 : i32
          %swap3A_961 = arith.index_cast %swap3A_960 : i32 to index
          %swap3A_962 = arith.index_cast %mul3A_40 : i32 to index
          %swap3A_963 = tpu.vector_load %arg5[%swap3A_961, %swap3A_962] {strides = array<i32>} : memref<64x512xf32, #tpu.memory_space<vmem>>, vector<1x16xf32>,
          %swap3A_964 = vector.shape_cast %swap3A_963 : vector<1x16xf32> to vector<16xf32>
          %swap3A_965 = vector.shape_cast %mul3A_959 : vector<16xf32> to vector<1x16xf32>
          tpu.vector_store %arg5[%swap3A_961, %swap3A_962], %swap3A_965 {strides = array<i32>} : memref<64x512xf32, #tpu.memory_space<vmem>>, vector<1x16xf32>,
          %get3A_966 = arith.constant 37 : i32
          %get3A_967 = arith.index_cast %get3A_966 : i32 to index
          %get3A_968 = arith.index_cast %mul3A_40 : i32 to index
          %get3A_969 = tpu.vector_load %arg4[%get3A_967, %get3A_968] {strides = array<i32>} : memref<64x512xf32, #tpu.memory_space<vmem>>, vector<1x16xf32>,
          %get3A_970 = vector.shape_cast %get3A_969 : vector<1x16xf32> to vector<16xf32>
          %mul3A_971 = arith.mulf %get3A_970, %mul3A_522 : vector<16xf32>
          %swap3A_972 = arith.constant 37 : i32
          %swap3A_973 = arith.index_cast %swap3A_972 : i32 to index
          %swap3A_974 = arith.index_cast %mul3A_40 : i32 to index
          %swap3A_975 = tpu.vector_load %arg5[%swap3A_973, %swap3A_974] {strides = array<i32>} : memref<64x512xf32, #tpu.memory_space<vmem>>, vector<1x16xf32>,
          %swap3A_976 = vector.shape_cast %swap3A_975 : vector<1x16xf32> to vector<16xf32>
          %swap3A_977 = vector.shape_cast %mul3A_971 : vector<16xf32> to vector<1x16xf32>
          tpu.vector_store %arg5[%swap3A_973, %swap3A_974], %swap3A_977 {strides = array<i32>} : memref<64x512xf32, #tpu.memory_space<vmem>>, vector<1x16xf32>,
          %get3A_978 = arith.constant 38 : i32
          %get3A_979 = arith.index_cast %get3A_978 : i32 to index
          %get3A_980 = arith.index_cast %mul3A_40 : i32 to index
          %get3A_981 = tpu.vector_load %arg4[%get3A_979, %get3A_980] {strides = array<i32>} : memref<64x512xf32, #tpu.memory_space<vmem>>, vector<1x16xf32>,
          %get3A_982 = vector.shape_cast %get3A_981 : vector<1x16xf32> to vector<16xf32>
          %mul3A_983 = arith.mulf %get3A_982, %mul3A_522 : vector<16xf32>
          %swap3A_984 = arith.constant 38 : i32
          %swap3A_985 = arith.index_cast %swap3A_984 : i32 to index
          %swap3A_986 = arith.index_cast %mul3A_40 : i32 to index
          %swap3A_987 = tpu.vector_load %arg5[%swap3A_985, %swap3A_986] {strides = array<i32>} : memref<64x512xf32, #tpu.memory_space<vmem>>, vector<1x16xf32>,
          %swap3A_988 = vector.shape_cast %swap3A_987 : vector<1x16xf32> to vector<16xf32>
          %swap3A_989 = vector.shape_cast %mul3A_983 : vector<16xf32> to vector<1x16xf32>
          tpu.vector_store %arg5[%swap3A_985, %swap3A_986], %swap3A_989 {strides = array<i32>} : memref<64x512xf32, #tpu.memory_space<vmem>>, vector<1x16xf32>,
          %get3A_990 = arith.constant 39 : i32
          %get3A_991 = arith.index_cast %get3A_990 : i32 to index
          %get3A_992 = arith.index_cast %mul3A_40 : i32 to index
          %get3A_993 = tpu.vector_load %arg4[%get3A_991, %get3A_992] {strides = array<i32>} : memref<64x512xf32, #tpu.memory_space<vmem>>, vector<1x16xf32>,
          %get3A_994 = vector.shape_cast %get3A_993 : vector<1x16xf32> to vector<16xf32>
          %mul3A_995 = arith.mulf %get3A_994, %mul3A_522 : vector<16xf32>
          %swap3A_996 = arith.constant 39 : i32
          %swap3A_997 = arith.index_cast %swap3A_996 : i32 to index
          %swap3A_998 = arith.index_cast %mul3A_40 : i32 to index
          %swap3A_999 = tpu.vector_load %arg5[%swap3A_997, %swap3A_998] {strides = array<i32>} : memref<64x512xf32, #tpu.memory_space<vmem>>, vector<1x16xf32>,
          %swap3A_1000 = vector.shape_cast %swap3A_999 : vector<1x16xf32> to vector<16xf32>
          %swap3A_1001 = vector.shape_cast %mul3A_995 : vector<16xf32> to vector<1x16xf32>
          tpu.vector_store %arg5[%swap3A_997, %swap3A_998], %swap3A_1001 {strides = array<i32>} : memref<64x512xf32, #tpu.memory_space<vmem>>, vector<1x16xf32>,
          %get3A_1002 = arith.constant 40 : i32
          %get3A_1003 = arith.index_cast %get3A_1002 : i32 to index
          %get3A_1004 = arith.index_cast %mul3A_40 : i32 to index
          %get3A_1005 = tpu.vector_load %arg4[%get3A_1003, %get3A_1004] {strides = array<i32>} : memref<64x512xf32, #tpu.memory_space<vmem>>, vector<1x16xf32>,
          %get3A_1006 = vector.shape_cast %get3A_1005 : vector<1x16xf32> to vector<16xf32>
          %mul3A_1007 = arith.mulf %get3A_1006, %mul3A_522 : vector<16xf32>
          %swap3A_1008 = arith.constant 40 : i32
          %swap3A_1009 = arith.index_cast %swap3A_1008 : i32 to index
          %swap3A_1010 = arith.index_cast %mul3A_40 : i32 to index
          %swap3A_1011 = tpu.vector_load %arg5[%swap3A_1009, %swap3A_1010] {strides = array<i32>} : memref<64x512xf32, #tpu.memory_space<vmem>>, vector<1x16xf32>,
          %swap3A_1012 = vector.shape_cast %swap3A_1011 : vector<1x16xf32> to vector<16xf32>
          %swap3A_1013 = vector.shape_cast %mul3A_1007 : vector<16xf32> to vector<1x16xf32>
          tpu.vector_store %arg5[%swap3A_1009, %swap3A_1010], %swap3A_1013 {strides = array<i32>} : memref<64x512xf32, #tpu.memory_space<vmem>>, vector<1x16xf32>,
          %get3A_1014 = arith.constant 41 : i32
          %get3A_1015 = arith.index_cast %get3A_1014 : i32 to index
          %get3A_1016 = arith.index_cast %mul3A_40 : i32 to index
          %get3A_1017 = tpu.vector_load %arg4[%get3A_1015, %get3A_1016] {strides = array<i32>} : memref<64x512xf32, #tpu.memory_space<vmem>>, vector<1x16xf32>,
          %get3A_1018 = vector.shape_cast %get3A_1017 : vector<1x16xf32> to vector<16xf32>
          %mul3A_1019 = arith.mulf %get3A_1018, %mul3A_522 : vector<16xf32>
          %swap3A_1020 = arith.constant 41 : i32
          %swap3A_1021 = arith.index_cast %swap3A_1020 : i32 to index
          %swap3A_1022 = arith.index_cast %mul3A_40 : i32 to index
          %swap3A_1023 = tpu.vector_load %arg5[%swap3A_1021, %swap3A_1022] {strides = array<i32>} : memref<64x512xf32, #tpu.memory_space<vmem>>, vector<1x16xf32>,
          %swap3A_1024 = vector.shape_cast %swap3A_1023 : vector<1x16xf32> to vector<16xf32>
          %swap3A_1025 = vector.shape_cast %mul3A_1019 : vector<16xf32> to vector<1x16xf32>
          tpu.vector_store %arg5[%swap3A_1021, %swap3A_1022], %swap3A_1025 {strides = array<i32>} : memref<64x512xf32, #tpu.memory_space<vmem>>, vector<1x16xf32>,
          %get3A_1026 = arith.constant 42 : i32
          %get3A_1027 = arith.index_cast %get3A_1026 : i32 to index
          %get3A_1028 = arith.index_cast %mul3A_40 : i32 to index
          %get3A_1029 = tpu.vector_load %arg4[%get3A_1027, %get3A_1028] {strides = array<i32>} : memref<64x512xf32, #tpu.memory_space<vmem>>, vector<1x16xf32>,
          %get3A_1030 = vector.shape_cast %get3A_1029 : vector<1x16xf32> to vector<16xf32>
          %mul3A_1031 = arith.mulf %get3A_1030, %mul3A_522 : vector<16xf32>
          %swap3A_1032 = arith.constant 42 : i32
          %swap3A_1033 = arith.index_cast %swap3A_1032 : i32 to index
          %swap3A_1034 = arith.index_cast %mul3A_40 : i32 to index
          %swap3A_1035 = tpu.vector_load %arg5[%swap3A_1033, %swap3A_1034] {strides = array<i32>} : memref<64x512xf32, #tpu.memory_space<vmem>>, vector<1x16xf32>,
          %swap3A_1036 = vector.shape_cast %swap3A_1035 : vector<1x16xf32> to vector<16xf32>
          %swap3A_1037 = vector.shape_cast %mul3A_1031 : vector<16xf32> to vector<1x16xf32>
          tpu.vector_store %arg5[%swap3A_1033, %swap3A_1034], %swap3A_1037 {strides = array<i32>} : memref<64x512xf32, #tpu.memory_space<vmem>>, vector<1x16xf32>,
          %get3A_1038 = arith.constant 43 : i32
          %get3A_1039 = arith.index_cast %get3A_1038 : i32 to index
          %get3A_1040 = arith.index_cast %mul3A_40 : i32 to index
          %get3A_1041 = tpu.vector_load %arg4[%get3A_1039, %get3A_1040] {strides = array<i32>} : memref<64x512xf32, #tpu.memory_space<vmem>>, vector<1x16xf32>,
          %get3A_1042 = vector.shape_cast %get3A_1041 : vector<1x16xf32> to vector<16xf32>
          %mul3A_1043 = arith.mulf %get3A_1042, %mul3A_522 : vector<16xf32>
          %swap3A_1044 = arith.constant 43 : i32
          %swap3A_1045 = arith.index_cast %swap3A_1044 : i32 to index
          %swap3A_1046 = arith.index_cast %mul3A_40 : i32 to index
          %swap3A_1047 = tpu.vector_load %arg5[%swap3A_1045, %swap3A_1046] {strides = array<i32>} : memref<64x512xf32, #tpu.memory_space<vmem>>, vector<1x16xf32>,
          %swap3A_1048 = vector.shape_cast %swap3A_1047 : vector<1x16xf32> to vector<16xf32>
          %swap3A_1049 = vector.shape_cast %mul3A_1043 : vector<16xf32> to vector<1x16xf32>
          tpu.vector_store %arg5[%swap3A_1045, %swap3A_1046], %swap3A_1049 {strides = array<i32>} : memref<64x512xf32, #tpu.memory_space<vmem>>, vector<1x16xf32>,
          %get3A_1050 = arith.constant 44 : i32
          %get3A_1051 = arith.index_cast %get3A_1050 : i32 to index
          %get3A_1052 = arith.index_cast %mul3A_40 : i32 to index
          %get3A_1053 = tpu.vector_load %arg4[%get3A_1051, %get3A_1052] {strides = array<i32>} : memref<64x512xf32, #tpu.memory_space<vmem>>, vector<1x16xf32>,
          %get3A_1054 = vector.shape_cast %get3A_1053 : vector<1x16xf32> to vector<16xf32>
          %mul3A_1055 = arith.mulf %get3A_1054, %mul3A_522 : vector<16xf32>
          %swap3A_1056 = arith.constant 44 : i32
          %swap3A_1057 = arith.index_cast %swap3A_1056 : i32 to index
          %swap3A_1058 = arith.index_cast %mul3A_40 : i32 to index
          %swap3A_1059 = tpu.vector_load %arg5[%swap3A_1057, %swap3A_1058] {strides = array<i32>} : memref<64x512xf32, #tpu.memory_space<vmem>>, vector<1x16xf32>,
          %swap3A_1060 = vector.shape_cast %swap3A_1059 : vector<1x16xf32> to vector<16xf32>
          %swap3A_1061 = vector.shape_cast %mul3A_1055 : vector<16xf32> to vector<1x16xf32>
          tpu.vector_store %arg5[%swap3A_1057, %swap3A_1058], %swap3A_1061 {strides = array<i32>} : memref<64x512xf32, #tpu.memory_space<vmem>>, vector<1x16xf32>,
          %get3A_1062 = arith.constant 45 : i32
          %get3A_1063 = arith.index_cast %get3A_1062 : i32 to index
          %get3A_1064 = arith.index_cast %mul3A_40 : i32 to index
          %get3A_1065 = tpu.vector_load %arg4[%get3A_1063, %get3A_1064] {strides = array<i32>} : memref<64x512xf32, #tpu.memory_space<vmem>>, vector<1x16xf32>,
          %get3A_1066 = vector.shape_cast %get3A_1065 : vector<1x16xf32> to vector<16xf32>
          %mul3A_1067 = arith.mulf %get3A_1066, %mul3A_522 : vector<16xf32>
          %swap3A_1068 = arith.constant 45 : i32
          %swap3A_1069 = arith.index_cast %swap3A_1068 : i32 to index
          %swap3A_1070 = arith.index_cast %mul3A_40 : i32 to index
          %swap3A_1071 = tpu.vector_load %arg5[%swap3A_1069, %swap3A_1070] {strides = array<i32>} : memref<64x512xf32, #tpu.memory_space<vmem>>, vector<1x16xf32>,
          %swap3A_1072 = vector.shape_cast %swap3A_1071 : vector<1x16xf32> to vector<16xf32>
          %swap3A_1073 = vector.shape_cast %mul3A_1067 : vector<16xf32> to vector<1x16xf32>
          tpu.vector_store %arg5[%swap3A_1069, %swap3A_1070], %swap3A_1073 {strides = array<i32>} : memref<64x512xf32, #tpu.memory_space<vmem>>, vector<1x16xf32>,
          %get3A_1074 = arith.constant 46 : i32
          %get3A_1075 = arith.index_cast %get3A_1074 : i32 to index
          %get3A_1076 = arith.index_cast %mul3A_40 : i32 to index
          %get3A_1077 = tpu.vector_load %arg4[%get3A_1075, %get3A_1076] {strides = array<i32>} : memref<64x512xf32, #tpu.memory_space<vmem>>, vector<1x16xf32>,
          %get3A_1078 = vector.shape_cast %get3A_1077 : vector<1x16xf32> to vector<16xf32>
          %mul3A_1079 = arith.mulf %get3A_1078, %mul3A_522 : vector<16xf32>
          %swap3A_1080 = arith.constant 46 : i32
          %swap3A_1081 = arith.index_cast %swap3A_1080 : i32 to index
          %swap3A_1082 = arith.index_cast %mul3A_40 : i32 to index
          %swap3A_1083 = tpu.vector_load %arg5[%swap3A_1081, %swap3A_1082] {strides = array<i32>} : memref<64x512xf32, #tpu.memory_space<vmem>>, vector<1x16xf32>,
          %swap3A_1084 = vector.shape_cast %swap3A_1083 : vector<1x16xf32> to vector<16xf32>
          %swap3A_1085 = vector.shape_cast %mul3A_1079 : vector<16xf32> to vector<1x16xf32>
          tpu.vector_store %arg5[%swap3A_1081, %swap3A_1082], %swap3A_1085 {strides = array<i32>} : memref<64x512xf32, #tpu.memory_space<vmem>>, vector<1x16xf32>,
          %get3A_1086 = arith.constant 47 : i32
          %get3A_1087 = arith.index_cast %get3A_1086 : i32 to index
          %get3A_1088 = arith.index_cast %mul3A_40 : i32 to index
          %get3A_1089 = tpu.vector_load %arg4[%get3A_1087, %get3A_1088] {strides = array<i32>} : memref<64x512xf32, #tpu.memory_space<vmem>>, vector<1x16xf32>,
          %get3A_1090 = vector.shape_cast %get3A_1089 : vector<1x16xf32> to vector<16xf32>
          %mul3A_1091 = arith.mulf %get3A_1090, %mul3A_522 : vector<16xf32>
          %swap3A_1092 = arith.constant 47 : i32
          %swap3A_1093 = arith.index_cast %swap3A_1092 : i32 to index
          %swap3A_1094 = arith.index_cast %mul3A_40 : i32 to index
          %swap3A_1095 = tpu.vector_load %arg5[%swap3A_1093, %swap3A_1094] {strides = array<i32>} : memref<64x512xf32, #tpu.memory_space<vmem>>, vector<1x16xf32>,
          %swap3A_1096 = vector.shape_cast %swap3A_1095 : vector<1x16xf32> to vector<16xf32>
          %swap3A_1097 = vector.shape_cast %mul3A_1091 : vector<16xf32> to vector<1x16xf32>
          tpu.vector_store %arg5[%swap3A_1093, %swap3A_1094], %swap3A_1097 {strides = array<i32>} : memref<64x512xf32, #tpu.memory_space<vmem>>, vector<1x16xf32>,
          %get3A_1098 = arith.constant 48 : i32
          %get3A_1099 = arith.index_cast %get3A_1098 : i32 to index
          %get3A_1100 = arith.index_cast %mul3A_40 : i32 to index
          %get3A_1101 = tpu.vector_load %arg4[%get3A_1099, %get3A_1100] {strides = array<i32>} : memref<64x512xf32, #tpu.memory_space<vmem>>, vector<1x16xf32>,
          %get3A_1102 = vector.shape_cast %get3A_1101 : vector<1x16xf32> to vector<16xf32>
          %mul3A_1103 = arith.mulf %get3A_1102, %mul3A_522 : vector<16xf32>
          %swap3A_1104 = arith.constant 48 : i32
          %swap3A_1105 = arith.index_cast %swap3A_1104 : i32 to index
          %swap3A_1106 = arith.index_cast %mul3A_40 : i32 to index
          %swap3A_1107 = tpu.vector_load %arg5[%swap3A_1105, %swap3A_1106] {strides = array<i32>} : memref<64x512xf32, #tpu.memory_space<vmem>>, vector<1x16xf32>,
          %swap3A_1108 = vector.shape_cast %swap3A_1107 : vector<1x16xf32> to vector<16xf32>
          %swap3A_1109 = vector.shape_cast %mul3A_1103 : vector<16xf32> to vector<1x16xf32>
          tpu.vector_store %arg5[%swap3A_1105, %swap3A_1106], %swap3A_1109 {strides = array<i32>} : memref<64x512xf32, #tpu.memory_space<vmem>>, vector<1x16xf32>,
          %get3A_1110 = arith.constant 49 : i32
          %get3A_1111 = arith.index_cast %get3A_1110 : i32 to index
          %get3A_1112 = arith.index_cast %mul3A_40 : i32 to index
          %get3A_1113 = tpu.vector_load %arg4[%get3A_1111, %get3A_1112] {strides = array<i32>} : memref<64x512xf32, #tpu.memory_space<vmem>>, vector<1x16xf32>,
          %get3A_1114 = vector.shape_cast %get3A_1113 : vector<1x16xf32> to vector<16xf32>
          %mul3A_1115 = arith.mulf %get3A_1114, %mul3A_522 : vector<16xf32>
          %swap3A_1116 = arith.constant 49 : i32
          %swap3A_1117 = arith.index_cast %swap3A_1116 : i32 to index
          %swap3A_1118 = arith.index_cast %mul3A_40 : i32 to index
          %swap3A_1119 = tpu.vector_load %arg5[%swap3A_1117, %swap3A_1118] {strides = array<i32>} : memref<64x512xf32, #tpu.memory_space<vmem>>, vector<1x16xf32>,
          %swap3A_1120 = vector.shape_cast %swap3A_1119 : vector<1x16xf32> to vector<16xf32>
          %swap3A_1121 = vector.shape_cast %mul3A_1115 : vector<16xf32> to vector<1x16xf32>
          tpu.vector_store %arg5[%swap3A_1117, %swap3A_1118], %swap3A_1121 {strides = array<i32>} : memref<64x512xf32, #tpu.memory_space<vmem>>, vector<1x16xf32>,
          %get3A_1122 = arith.constant 50 : i32
          %get3A_1123 = arith.index_cast %get3A_1122 : i32 to index
          %get3A_1124 = arith.index_cast %mul3A_40 : i32 to index
          %get3A_1125 = tpu.vector_load %arg4[%get3A_1123, %get3A_1124] {strides = array<i32>} : memref<64x512xf32, #tpu.memory_space<vmem>>, vector<1x16xf32>,
          %get3A_1126 = vector.shape_cast %get3A_1125 : vector<1x16xf32> to vector<16xf32>
          %mul3A_1127 = arith.mulf %get3A_1126, %mul3A_522 : vector<16xf32>
          %swap3A_1128 = arith.constant 50 : i32
          %swap3A_1129 = arith.index_cast %swap3A_1128 : i32 to index
          %swap3A_1130 = arith.index_cast %mul3A_40 : i32 to index
          %swap3A_1131 = tpu.vector_load %arg5[%swap3A_1129, %swap3A_1130] {strides = array<i32>} : memref<64x512xf32, #tpu.memory_space<vmem>>, vector<1x16xf32>,
          %swap3A_1132 = vector.shape_cast %swap3A_1131 : vector<1x16xf32> to vector<16xf32>
          %swap3A_1133 = vector.shape_cast %mul3A_1127 : vector<16xf32> to vector<1x16xf32>
          tpu.vector_store %arg5[%swap3A_1129, %swap3A_1130], %swap3A_1133 {strides = array<i32>} : memref<64x512xf32, #tpu.memory_space<vmem>>, vector<1x16xf32>,
          %get3A_1134 = arith.constant 51 : i32
          %get3A_1135 = arith.index_cast %get3A_1134 : i32 to index
          %get3A_1136 = arith.index_cast %mul3A_40 : i32 to index
          %get3A_1137 = tpu.vector_load %arg4[%get3A_1135, %get3A_1136] {strides = array<i32>} : memref<64x512xf32, #tpu.memory_space<vmem>>, vector<1x16xf32>,
          %get3A_1138 = vector.shape_cast %get3A_1137 : vector<1x16xf32> to vector<16xf32>
          %mul3A_1139 = arith.mulf %get3A_1138, %mul3A_522 : vector<16xf32>
          %swap3A_1140 = arith.constant 51 : i32
          %swap3A_1141 = arith.index_cast %swap3A_1140 : i32 to index
          %swap3A_1142 = arith.index_cast %mul3A_40 : i32 to index
          %swap3A_1143 = tpu.vector_load %arg5[%swap3A_1141, %swap3A_1142] {strides = array<i32>} : memref<64x512xf32, #tpu.memory_space<vmem>>, vector<1x16xf32>,
          %swap3A_1144 = vector.shape_cast %swap3A_1143 : vector<1x16xf32> to vector<16xf32>
          %swap3A_1145 = vector.shape_cast %mul3A_1139 : vector<16xf32> to vector<1x16xf32>
          tpu.vector_store %arg5[%swap3A_1141, %swap3A_1142], %swap3A_1145 {strides = array<i32>} : memref<64x512xf32, #tpu.memory_space<vmem>>, vector<1x16xf32>,
          %get3A_1146 = arith.constant 52 : i32
          %get3A_1147 = arith.index_cast %get3A_1146 : i32 to index
          %get3A_1148 = arith.index_cast %mul3A_40 : i32 to index
          %get3A_1149 = tpu.vector_load %arg4[%get3A_1147, %get3A_1148] {strides = array<i32>} : memref<64x512xf32, #tpu.memory_space<vmem>>, vector<1x16xf32>,
          %get3A_1150 = vector.shape_cast %get3A_1149 : vector<1x16xf32> to vector<16xf32>
          %mul3A_1151 = arith.mulf %get3A_1150, %mul3A_522 : vector<16xf32>
          %swap3A_1152 = arith.constant 52 : i32
          %swap3A_1153 = arith.index_cast %swap3A_1152 : i32 to index
          %swap3A_1154 = arith.index_cast %mul3A_40 : i32 to index
          %swap3A_1155 = tpu.vector_load %arg5[%swap3A_1153, %swap3A_1154] {strides = array<i32>} : memref<64x512xf32, #tpu.memory_space<vmem>>, vector<1x16xf32>,
          %swap3A_1156 = vector.shape_cast %swap3A_1155 : vector<1x16xf32> to vector<16xf32>
          %swap3A_1157 = vector.shape_cast %mul3A_1151 : vector<16xf32> to vector<1x16xf32>
          tpu.vector_store %arg5[%swap3A_1153, %swap3A_1154], %swap3A_1157 {strides = array<i32>} : memref<64x512xf32, #tpu.memory_space<vmem>>, vector<1x16xf32>,
          %get3A_1158 = arith.constant 53 : i32
          %get3A_1159 = arith.index_cast %get3A_1158 : i32 to index
          %get3A_1160 = arith.index_cast %mul3A_40 : i32 to index
          %get3A_1161 = tpu.vector_load %arg4[%get3A_1159, %get3A_1160] {strides = array<i32>} : memref<64x512xf32, #tpu.memory_space<vmem>>, vector<1x16xf32>,
          %get3A_1162 = vector.shape_cast %get3A_1161 : vector<1x16xf32> to vector<16xf32>
          %mul3A_1163 = arith.mulf %get3A_1162, %mul3A_522 : vector<16xf32>
          %swap3A_1164 = arith.constant 53 : i32
          %swap3A_1165 = arith.index_cast %swap3A_1164 : i32 to index
          %swap3A_1166 = arith.index_cast %mul3A_40 : i32 to index
          %swap3A_1167 = tpu.vector_load %arg5[%swap3A_1165, %swap3A_1166] {strides = array<i32>} : memref<64x512xf32, #tpu.memory_space<vmem>>, vector<1x16xf32>,
          %swap3A_1168 = vector.shape_cast %swap3A_1167 : vector<1x16xf32> to vector<16xf32>
          %swap3A_1169 = vector.shape_cast %mul3A_1163 : vector<16xf32> to vector<1x16xf32>
          tpu.vector_store %arg5[%swap3A_1165, %swap3A_1166], %swap3A_1169 {strides = array<i32>} : memref<64x512xf32, #tpu.memory_space<vmem>>, vector<1x16xf32>,
          %get3A_1170 = arith.constant 54 : i32
          %get3A_1171 = arith.index_cast %get3A_1170 : i32 to index
          %get3A_1172 = arith.index_cast %mul3A_40 : i32 to index
          %get3A_1173 = tpu.vector_load %arg4[%get3A_1171, %get3A_1172] {strides = array<i32>} : memref<64x512xf32, #tpu.memory_space<vmem>>, vector<1x16xf32>,
          %get3A_1174 = vector.shape_cast %get3A_1173 : vector<1x16xf32> to vector<16xf32>
          %mul3A_1175 = arith.mulf %get3A_1174, %mul3A_522 : vector<16xf32>
          %swap3A_1176 = arith.constant 54 : i32
          %swap3A_1177 = arith.index_cast %swap3A_1176 : i32 to index
          %swap3A_1178 = arith.index_cast %mul3A_40 : i32 to index
          %swap3A_1179 = tpu.vector_load %arg5[%swap3A_1177, %swap3A_1178] {strides = array<i32>} : memref<64x512xf32, #tpu.memory_space<vmem>>, vector<1x16xf32>,
          %swap3A_1180 = vector.shape_cast %swap3A_1179 : vector<1x16xf32> to vector<16xf32>
          %swap3A_1181 = vector.shape_cast %mul3A_1175 : vector<16xf32> to vector<1x16xf32>
          tpu.vector_store %arg5[%swap3A_1177, %swap3A_1178], %swap3A_1181 {strides = array<i32>} : memref<64x512xf32, #tpu.memory_space<vmem>>, vector<1x16xf32>,
          %get3A_1182 = arith.constant 55 : i32
          %get3A_1183 = arith.index_cast %get3A_1182 : i32 to index
          %get3A_1184 = arith.index_cast %mul3A_40 : i32 to index
          %get3A_1185 = tpu.vector_load %arg4[%get3A_1183, %get3A_1184] {strides = array<i32>} : memref<64x512xf32, #tpu.memory_space<vmem>>, vector<1x16xf32>,
          %get3A_1186 = vector.shape_cast %get3A_1185 : vector<1x16xf32> to vector<16xf32>
          %mul3A_1187 = arith.mulf %get3A_1186, %mul3A_522 : vector<16xf32>
          %swap3A_1188 = arith.constant 55 : i32
          %swap3A_1189 = arith.index_cast %swap3A_1188 : i32 to index
          %swap3A_1190 = arith.index_cast %mul3A_40 : i32 to index
          %swap3A_1191 = tpu.vector_load %arg5[%swap3A_1189, %swap3A_1190] {strides = array<i32>} : memref<64x512xf32, #tpu.memory_space<vmem>>, vector<1x16xf32>,
          %swap3A_1192 = vector.shape_cast %swap3A_1191 : vector<1x16xf32> to vector<16xf32>
          %swap3A_1193 = vector.shape_cast %mul3A_1187 : vector<16xf32> to vector<1x16xf32>
          tpu.vector_store %arg5[%swap3A_1189, %swap3A_1190], %swap3A_1193 {strides = array<i32>} : memref<64x512xf32, #tpu.memory_space<vmem>>, vector<1x16xf32>,
          %get3A_1194 = arith.constant 56 : i32
          %get3A_1195 = arith.index_cast %get3A_1194 : i32 to index
          %get3A_1196 = arith.index_cast %mul3A_40 : i32 to index
          %get3A_1197 = tpu.vector_load %arg4[%get3A_1195, %get3A_1196] {strides = array<i32>} : memref<64x512xf32, #tpu.memory_space<vmem>>, vector<1x16xf32>,
          %get3A_1198 = vector.shape_cast %get3A_1197 : vector<1x16xf32> to vector<16xf32>
          %mul3A_1199 = arith.mulf %get3A_1198, %mul3A_522 : vector<16xf32>
          %swap3A_1200 = arith.constant 56 : i32
          %swap3A_1201 = arith.index_cast %swap3A_1200 : i32 to index
          %swap3A_1202 = arith.index_cast %mul3A_40 : i32 to index
          %swap3A_1203 = tpu.vector_load %arg5[%swap3A_1201, %swap3A_1202] {strides = array<i32>} : memref<64x512xf32, #tpu.memory_space<vmem>>, vector<1x16xf32>,
          %swap3A_1204 = vector.shape_cast %swap3A_1203 : vector<1x16xf32> to vector<16xf32>
          %swap3A_1205 = vector.shape_cast %mul3A_1199 : vector<16xf32> to vector<1x16xf32>
          tpu.vector_store %arg5[%swap3A_1201, %swap3A_1202], %swap3A_1205 {strides = array<i32>} : memref<64x512xf32, #tpu.memory_space<vmem>>, vector<1x16xf32>,
          %get3A_1206 = arith.constant 57 : i32
          %get3A_1207 = arith.index_cast %get3A_1206 : i32 to index
          %get3A_1208 = arith.index_cast %mul3A_40 : i32 to index
          %get3A_1209 = tpu.vector_load %arg4[%get3A_1207, %get3A_1208] {strides = array<i32>} : memref<64x512xf32, #tpu.memory_space<vmem>>, vector<1x16xf32>,
          %get3A_1210 = vector.shape_cast %get3A_1209 : vector<1x16xf32> to vector<16xf32>
          %mul3A_1211 = arith.mulf %get3A_1210, %mul3A_522 : vector<16xf32>
          %swap3A_1212 = arith.constant 57 : i32
          %swap3A_1213 = arith.index_cast %swap3A_1212 : i32 to index
          %swap3A_1214 = arith.index_cast %mul3A_40 : i32 to index
          %swap3A_1215 = tpu.vector_load %arg5[%swap3A_1213, %swap3A_1214] {strides = array<i32>} : memref<64x512xf32, #tpu.memory_space<vmem>>, vector<1x16xf32>,
          %swap3A_1216 = vector.shape_cast %swap3A_1215 : vector<1x16xf32> to vector<16xf32>
          %swap3A_1217 = vector.shape_cast %mul3A_1211 : vector<16xf32> to vector<1x16xf32>
          tpu.vector_store %arg5[%swap3A_1213, %swap3A_1214], %swap3A_1217 {strides = array<i32>} : memref<64x512xf32, #tpu.memory_space<vmem>>, vector<1x16xf32>,
          %get3A_1218 = arith.constant 58 : i32
          %get3A_1219 = arith.index_cast %get3A_1218 : i32 to index
          %get3A_1220 = arith.index_cast %mul3A_40 : i32 to index
          %get3A_1221 = tpu.vector_load %arg4[%get3A_1219, %get3A_1220] {strides = array<i32>} : memref<64x512xf32, #tpu.memory_space<vmem>>, vector<1x16xf32>,
          %get3A_1222 = vector.shape_cast %get3A_1221 : vector<1x16xf32> to vector<16xf32>
          %mul3A_1223 = arith.mulf %get3A_1222, %mul3A_522 : vector<16xf32>
          %swap3A_1224 = arith.constant 58 : i32
          %swap3A_1225 = arith.index_cast %swap3A_1224 : i32 to index
          %swap3A_1226 = arith.index_cast %mul3A_40 : i32 to index
          %swap3A_1227 = tpu.vector_load %arg5[%swap3A_1225, %swap3A_1226] {strides = array<i32>} : memref<64x512xf32, #tpu.memory_space<vmem>>, vector<1x16xf32>,
          %swap3A_1228 = vector.shape_cast %swap3A_1227 : vector<1x16xf32> to vector<16xf32>
          %swap3A_1229 = vector.shape_cast %mul3A_1223 : vector<16xf32> to vector<1x16xf32>
          tpu.vector_store %arg5[%swap3A_1225, %swap3A_1226], %swap3A_1229 {strides = array<i32>} : memref<64x512xf32, #tpu.memory_space<vmem>>, vector<1x16xf32>,
          %get3A_1230 = arith.constant 59 : i32
          %get3A_1231 = arith.index_cast %get3A_1230 : i32 to index
          %get3A_1232 = arith.index_cast %mul3A_40 : i32 to index
          %get3A_1233 = tpu.vector_load %arg4[%get3A_1231, %get3A_1232] {strides = array<i32>} : memref<64x512xf32, #tpu.memory_space<vmem>>, vector<1x16xf32>,
          %get3A_1234 = vector.shape_cast %get3A_1233 : vector<1x16xf32> to vector<16xf32>
          %mul3A_1235 = arith.mulf %get3A_1234, %mul3A_522 : vector<16xf32>
          %swap3A_1236 = arith.constant 59 : i32
          %swap3A_1237 = arith.index_cast %swap3A_1236 : i32 to index
          %swap3A_1238 = arith.index_cast %mul3A_40 : i32 to index
          %swap3A_1239 = tpu.vector_load %arg5[%swap3A_1237, %swap3A_1238] {strides = array<i32>} : memref<64x512xf32, #tpu.memory_space<vmem>>, vector<1x16xf32>,
          %swap3A_1240 = vector.shape_cast %swap3A_1239 : vector<1x16xf32> to vector<16xf32>
          %swap3A_1241 = vector.shape_cast %mul3A_1235 : vector<16xf32> to vector<1x16xf32>
          tpu.vector_store %arg5[%swap3A_1237, %swap3A_1238], %swap3A_1241 {strides = array<i32>} : memref<64x512xf32, #tpu.memory_space<vmem>>, vector<1x16xf32>,
          %get3A_1242 = arith.constant 60 : i32
          %get3A_1243 = arith.index_cast %get3A_1242 : i32 to index
          %get3A_1244 = arith.index_cast %mul3A_40 : i32 to index
          %get3A_1245 = tpu.vector_load %arg4[%get3A_1243, %get3A_1244] {strides = array<i32>} : memref<64x512xf32, #tpu.memory_space<vmem>>, vector<1x16xf32>,
          %get3A_1246 = vector.shape_cast %get3A_1245 : vector<1x16xf32> to vector<16xf32>
          %mul3A_1247 = arith.mulf %get3A_1246, %mul3A_522 : vector<16xf32>
          %swap3A_1248 = arith.constant 60 : i32
          %swap3A_1249 = arith.index_cast %swap3A_1248 : i32 to index
          %swap3A_1250 = arith.index_cast %mul3A_40 : i32 to index
          %swap3A_1251 = tpu.vector_load %arg5[%swap3A_1249, %swap3A_1250] {strides = array<i32>} : memref<64x512xf32, #tpu.memory_space<vmem>>, vector<1x16xf32>,
          %swap3A_1252 = vector.shape_cast %swap3A_1251 : vector<1x16xf32> to vector<16xf32>
          %swap3A_1253 = vector.shape_cast %mul3A_1247 : vector<16xf32> to vector<1x16xf32>
          tpu.vector_store %arg5[%swap3A_1249, %swap3A_1250], %swap3A_1253 {strides = array<i32>} : memref<64x512xf32, #tpu.memory_space<vmem>>, vector<1x16xf32>,
          %get3A_1254 = arith.constant 61 : i32
          %get3A_1255 = arith.index_cast %get3A_1254 : i32 to index
          %get3A_1256 = arith.index_cast %mul3A_40 : i32 to index
          %get3A_1257 = tpu.vector_load %arg4[%get3A_1255, %get3A_1256] {strides = array<i32>} : memref<64x512xf32, #tpu.memory_space<vmem>>, vector<1x16xf32>,
          %get3A_1258 = vector.shape_cast %get3A_1257 : vector<1x16xf32> to vector<16xf32>
          %mul3A_1259 = arith.mulf %get3A_1258, %mul3A_522 : vector<16xf32>
          %swap3A_1260 = arith.constant 61 : i32
          %swap3A_1261 = arith.index_cast %swap3A_1260 : i32 to index
          %swap3A_1262 = arith.index_cast %mul3A_40 : i32 to index
          %swap3A_1263 = tpu.vector_load %arg5[%swap3A_1261, %swap3A_1262] {strides = array<i32>} : memref<64x512xf32, #tpu.memory_space<vmem>>, vector<1x16xf32>,
          %swap3A_1264 = vector.shape_cast %swap3A_1263 : vector<1x16xf32> to vector<16xf32>
          %swap3A_1265 = vector.shape_cast %mul3A_1259 : vector<16xf32> to vector<1x16xf32>
          tpu.vector_store %arg5[%swap3A_1261, %swap3A_1262], %swap3A_1265 {strides = array<i32>} : memref<64x512xf32, #tpu.memory_space<vmem>>, vector<1x16xf32>,
          %get3A_1266 = arith.constant 62 : i32
          %get3A_1267 = arith.index_cast %get3A_1266 : i32 to index
          %get3A_1268 = arith.index_cast %mul3A_40 : i32 to index
          %get3A_1269 = tpu.vector_load %arg4[%get3A_1267, %get3A_1268] {strides = array<i32>} : memref<64x512xf32, #tpu.memory_space<vmem>>, vector<1x16xf32>,
          %get3A_1270 = vector.shape_cast %get3A_1269 : vector<1x16xf32> to vector<16xf32>
          %mul3A_1271 = arith.mulf %get3A_1270, %mul3A_522 : vector<16xf32>
          %swap3A_1272 = arith.constant 62 : i32
          %swap3A_1273 = arith.index_cast %swap3A_1272 : i32 to index
          %swap3A_1274 = arith.index_cast %mul3A_40 : i32 to index
          %swap3A_1275 = tpu.vector_load %arg5[%swap3A_1273, %swap3A_1274] {strides = array<i32>} : memref<64x512xf32, #tpu.memory_space<vmem>>, vector<1x16xf32>,
          %swap3A_1276 = vector.shape_cast %swap3A_1275 : vector<1x16xf32> to vector<16xf32>
          %swap3A_1277 = vector.shape_cast %mul3A_1271 : vector<16xf32> to vector<1x16xf32>
          tpu.vector_store %arg5[%swap3A_1273, %swap3A_1274], %swap3A_1277 {strides = array<i32>} : memref<64x512xf32, #tpu.memory_space<vmem>>, vector<1x16xf32>,
          %get3A_1278 = arith.constant 63 : i32
          %get3A_1279 = arith.index_cast %get3A_1278 : i32 to index
          %get3A_1280 = arith.index_cast %mul3A_40 : i32 to index
          %get3A_1281 = tpu.vector_load %arg4[%get3A_1279, %get3A_1280] {strides = array<i32>} : memref<64x512xf32, #tpu.memory_space<vmem>>, vector<1x16xf32>,
          %get3A_1282 = vector.shape_cast %get3A_1281 : vector<1x16xf32> to vector<16xf32>
          %mul3A_1283 = arith.mulf %get3A_1282, %mul3A_522 : vector<16xf32>
          %swap3A_1284 = arith.constant 63 : i32
          %swap3A_1285 = arith.index_cast %swap3A_1284 : i32 to index
          %swap3A_1286 = arith.index_cast %mul3A_40 : i32 to index
          %swap3A_1287 = tpu.vector_load %arg5[%swap3A_1285, %swap3A_1286] {strides = array<i32>} : memref<64x512xf32, #tpu.memory_space<vmem>>, vector<1x16xf32>,
          %swap3A_1288 = vector.shape_cast %swap3A_1287 : vector<1x16xf32> to vector<16xf32>
          %swap3A_1289 = vector.shape_cast %mul3A_1283 : vector<16xf32> to vector<1x16xf32>
          tpu.vector_store %arg5[%swap3A_1285, %swap3A_1286], %swap3A_1289 {strides = array<i32>} : memref<64x512xf32, #tpu.memory_space<vmem>>, vector<1x16xf32>,
        }
        %scan3A_29 = arith.constant 32 : i32
        %dma_start3A_30 = arith.constant 0 : i32
        %dma_start3A_31 = tpu.memref_slice %arg3[%dma_start3A_30, %mul3A_17] : memref<64x1000000xf32, #tpu.memory_space<hbm>> -> memref<64x512xf32, #tpu.memory_space<hbm>>
        %dma_start3A_32 = arith.constant 0 : i32
        %dma_start3A_33 = tpu.memref_slice %arg3[%dma_start3A_32, %mul3A_17] : memref<64x1000000xf32, #tpu.memory_space<hbm>> -> memref<64x512xf32, #tpu.memory_space<hbm>>
        tpu.enqueue_dma source(%arg5 : memref<64x512xf32, #tpu.memory_space<vmem>>) target(%dma_start3A_33 : memref<64x512xf32, #tpu.memory_space<hbm>>) target_semaphore(%arg8 : memref<!tpu.dma_semaphore, #tpu.memory_space<semaphore_mem>>)
        %dma_wait3A_34 = arith.constant 0 : i32
        %dma_wait3A_35 = tpu.memref_slice %arg3[%dma_wait3A_34, %mul3A_17] : memref<64x1000000xf32, #tpu.memory_space<hbm>> -> memref<64x512xf32, #tpu.memory_space<hbm>>
        %dma_wait3A_36 = arith.constant 0 : i32
        %dma_wait3A_37 = tpu.memref_slice %arg3[%dma_wait3A_36, %mul3A_17] : memref<64x1000000xf32, #tpu.memory_space<hbm>> -> memref<64x512xf32, #tpu.memory_space<hbm>>
        tpu.wait_dma2 semaphore(%arg8 : memref<!tpu.dma_semaphore, #tpu.memory_space<semaphore_mem>>) src(%arg5 : memref<64x512xf32, #tpu.memory_space<vmem>>) dst(%dma_wait3A_37 : memref<64x512xf32, #tpu.memory_space<hbm>>)
      } else {
      }
    }
    %scan3A_5 = arith.constant 62 : i32
    %eq3A = arith.constant 0 : i32
    %eq3A_6 = arith.cmpi eq, %add3A, %eq3A : i32
    %convert_element_type3A = arith.extui %eq3A_6 : i1 to i32
    %cond3A = arith.constant 0 : i32
    %cond3A_7 = arith.cmpi ne, %convert_element_type3A, %cond3A : i32
    scf.if %cond3A_7 {
      %dma_start3A = arith.constant 0 : i32
      %dma_start3A_8 = arith.constant 999936 : i32
      %dma_start3A_9 = tpu.memref_slice %arg2[%dma_start3A, %dma_start3A_8] : memref<64x1000000xf32, #tpu.memory_space<hbm>> -> memref<64x64xf32, #tpu.memory_space<hbm>>
      %dma_start3A_10 = arith.constant 0 : i32
      %dma_start3A_11 = arith.constant 999936 : i32
      %dma_start3A_12 = tpu.memref_slice %arg2[%dma_start3A_10, %dma_start3A_11] : memref<64x1000000xf32, #tpu.memory_space<hbm>> -> memref<64x64xf32, #tpu.memory_space<hbm>>
      tpu.enqueue_dma source(%dma_start3A_12 : memref<64x64xf32, #tpu.memory_space<hbm>>) target(%arg6 : memref<64x64xf32, #tpu.memory_space<vmem>>) target_semaphore(%arg8 : memref<!tpu.dma_semaphore, #tpu.memory_space<semaphore_mem>>)
      %dma_wait3A = arith.constant 0 : i32
      %dma_wait3A_13 = arith.constant 999936 : i32
      %dma_wait3A_14 = tpu.memref_slice %arg2[%dma_wait3A, %dma_wait3A_13] : memref<64x1000000xf32, #tpu.memory_space<hbm>> -> memref<64x64xf32, #tpu.memory_space<hbm>>
      %dma_wait3A_15 = arith.constant 0 : i32
      %dma_wait3A_16 = arith.constant 999936 : i32
      %dma_wait3A_17 = tpu.memref_slice %arg2[%dma_wait3A_15, %dma_wait3A_16] : memref<64x1000000xf32, #tpu.memory_space<hbm>> -> memref<64x64xf32, #tpu.memory_space<hbm>>
      tpu.wait_dma2 semaphore(%arg8 : memref<!tpu.dma_semaphore, #tpu.memory_space<semaphore_mem>>) src(%dma_wait3A_17 : memref<64x64xf32, #tpu.memory_space<hbm>>) dst(%arg6 : memref<64x64xf32, #tpu.memory_space<vmem>>)
      %scan3A_18 = arith.constant 0 : i32
      %scan3A_19 = arith.constant 0 : i32
      %scan3A_20 = arith.constant 4 : i32
      %scan3A_21 = arith.addi %scan3A_19, %scan3A_20 : i32
      %scan3A_22 = arith.constant 1 : i32
      scf.for %scan3A_36 = %scan3A_19 to %scan3A_21 step %scan3A_22  : i32 {
        %mul3A_37 = arith.constant 16 : i32
        %mul3A_38 = arith.muli %scan3A_36, %mul3A_37 : i32
        %broadcast_in_dim3A = arith.constant 0.000000e+00 : f32
        %broadcast_in_dim3A_39 = vector.broadcast %broadcast_in_dim3A : f32 to vector<16xf32>
        %get3A = arith.constant 0 : i32
        %get3A_40 = arith.index_cast %get3A : i32 to index
        %get3A_41 = arith.index_cast %mul3A_38 : i32 to index
        %get3A_42 = tpu.vector_load %arg6[%get3A_40, %get3A_41] {strides = array<i32>} : memref<64x64xf32, #tpu.memory_space<vmem>>, vector<1x16xf32>,
        %get3A_43 = vector.shape_cast %get3A_42 : vector<1x16xf32> to vector<16xf32>
        %mul3A_44 = arith.mulf %get3A_43, %get3A_43 : vector<16xf32>
        %add3A_45 = arith.addf %broadcast_in_dim3A_39, %mul3A_44 : vector<16xf32>
        %get3A_46 = arith.constant 1 : i32
        %get3A_47 = arith.index_cast %get3A_46 : i32 to index
        %get3A_48 = arith.index_cast %mul3A_38 : i32 to index
        %get3A_49 = tpu.vector_load %arg6[%get3A_47, %get3A_48] {strides = array<i32>} : memref<64x64xf32, #tpu.memory_space<vmem>>, vector<1x16xf32>,
        %get3A_50 = vector.shape_cast %get3A_49 : vector<1x16xf32> to vector<16xf32>
        %mul3A_51 = arith.mulf %get3A_50, %get3A_50 : vector<16xf32>
        %add3A_52 = arith.addf %add3A_45, %mul3A_51 : vector<16xf32>
        %get3A_53 = arith.constant 2 : i32
        %get3A_54 = arith.index_cast %get3A_53 : i32 to index
        %get3A_55 = arith.index_cast %mul3A_38 : i32 to index
        %get3A_56 = tpu.vector_load %arg6[%get3A_54, %get3A_55] {strides = array<i32>} : memref<64x64xf32, #tpu.memory_space<vmem>>, vector<1x16xf32>,
        %get3A_57 = vector.shape_cast %get3A_56 : vector<1x16xf32> to vector<16xf32>
        %mul3A_58 = arith.mulf %get3A_57, %get3A_57 : vector<16xf32>
        %add3A_59 = arith.addf %add3A_52, %mul3A_58 : vector<16xf32>
        %get3A_60 = arith.constant 3 : i32
        %get3A_61 = arith.index_cast %get3A_60 : i32 to index
        %get3A_62 = arith.index_cast %mul3A_38 : i32 to index
        %get3A_63 = tpu.vector_load %arg6[%get3A_61, %get3A_62] {strides = array<i32>} : memref<64x64xf32, #tpu.memory_space<vmem>>, vector<1x16xf32>,
        %get3A_64 = vector.shape_cast %get3A_63 : vector<1x16xf32> to vector<16xf32>
        %mul3A_65 = arith.mulf %get3A_64, %get3A_64 : vector<16xf32>
        %add3A_66 = arith.addf %add3A_59, %mul3A_65 : vector<16xf32>
        %get3A_67 = arith.constant 4 : i32
        %get3A_68 = arith.index_cast %get3A_67 : i32 to index
        %get3A_69 = arith.index_cast %mul3A_38 : i32 to index
        %get3A_70 = tpu.vector_load %arg6[%get3A_68, %get3A_69] {strides = array<i32>} : memref<64x64xf32, #tpu.memory_space<vmem>>, vector<1x16xf32>,
        %get3A_71 = vector.shape_cast %get3A_70 : vector<1x16xf32> to vector<16xf32>
        %mul3A_72 = arith.mulf %get3A_71, %get3A_71 : vector<16xf32>
        %add3A_73 = arith.addf %add3A_66, %mul3A_72 : vector<16xf32>
        %get3A_74 = arith.constant 5 : i32
        %get3A_75 = arith.index_cast %get3A_74 : i32 to index
        %get3A_76 = arith.index_cast %mul3A_38 : i32 to index
        %get3A_77 = tpu.vector_load %arg6[%get3A_75, %get3A_76] {strides = array<i32>} : memref<64x64xf32, #tpu.memory_space<vmem>>, vector<1x16xf32>,
        %get3A_78 = vector.shape_cast %get3A_77 : vector<1x16xf32> to vector<16xf32>
        %mul3A_79 = arith.mulf %get3A_78, %get3A_78 : vector<16xf32>
        %add3A_80 = arith.addf %add3A_73, %mul3A_79 : vector<16xf32>
        %get3A_81 = arith.constant 6 : i32
        %get3A_82 = arith.index_cast %get3A_81 : i32 to index
        %get3A_83 = arith.index_cast %mul3A_38 : i32 to index
        %get3A_84 = tpu.vector_load %arg6[%get3A_82, %get3A_83] {strides = array<i32>} : memref<64x64xf32, #tpu.memory_space<vmem>>, vector<1x16xf32>,
        %get3A_85 = vector.shape_cast %get3A_84 : vector<1x16xf32> to vector<16xf32>
        %mul3A_86 = arith.mulf %get3A_85, %get3A_85 : vector<16xf32>
        %add3A_87 = arith.addf %add3A_80, %mul3A_86 : vector<16xf32>
        %get3A_88 = arith.constant 7 : i32
        %get3A_89 = arith.index_cast %get3A_88 : i32 to index
        %get3A_90 = arith.index_cast %mul3A_38 : i32 to index
        %get3A_91 = tpu.vector_load %arg6[%get3A_89, %get3A_90] {strides = array<i32>} : memref<64x64xf32, #tpu.memory_space<vmem>>, vector<1x16xf32>,
        %get3A_92 = vector.shape_cast %get3A_91 : vector<1x16xf32> to vector<16xf32>
        %mul3A_93 = arith.mulf %get3A_92, %get3A_92 : vector<16xf32>
        %add3A_94 = arith.addf %add3A_87, %mul3A_93 : vector<16xf32>
        %get3A_95 = arith.constant 8 : i32
        %get3A_96 = arith.index_cast %get3A_95 : i32 to index
        %get3A_97 = arith.index_cast %mul3A_38 : i32 to index
        %get3A_98 = tpu.vector_load %arg6[%get3A_96, %get3A_97] {strides = array<i32>} : memref<64x64xf32, #tpu.memory_space<vmem>>, vector<1x16xf32>,
        %get3A_99 = vector.shape_cast %get3A_98 : vector<1x16xf32> to vector<16xf32>
        %mul3A_100 = arith.mulf %get3A_99, %get3A_99 : vector<16xf32>
        %add3A_101 = arith.addf %add3A_94, %mul3A_100 : vector<16xf32>
        %get3A_102 = arith.constant 9 : i32
        %get3A_103 = arith.index_cast %get3A_102 : i32 to index
        %get3A_104 = arith.index_cast %mul3A_38 : i32 to index
        %get3A_105 = tpu.vector_load %arg6[%get3A_103, %get3A_104] {strides = array<i32>} : memref<64x64xf32, #tpu.memory_space<vmem>>, vector<1x16xf32>,
        %get3A_106 = vector.shape_cast %get3A_105 : vector<1x16xf32> to vector<16xf32>
        %mul3A_107 = arith.mulf %get3A_106, %get3A_106 : vector<16xf32>
        %add3A_108 = arith.addf %add3A_101, %mul3A_107 : vector<16xf32>
        %get3A_109 = arith.constant 10 : i32
        %get3A_110 = arith.index_cast %get3A_109 : i32 to index
        %get3A_111 = arith.index_cast %mul3A_38 : i32 to index
        %get3A_112 = tpu.vector_load %arg6[%get3A_110, %get3A_111] {strides = array<i32>} : memref<64x64xf32, #tpu.memory_space<vmem>>, vector<1x16xf32>,
        %get3A_113 = vector.shape_cast %get3A_112 : vector<1x16xf32> to vector<16xf32>
        %mul3A_114 = arith.mulf %get3A_113, %get3A_113 : vector<16xf32>
        %add3A_115 = arith.addf %add3A_108, %mul3A_114 : vector<16xf32>
        %get3A_116 = arith.constant 11 : i32
        %get3A_117 = arith.index_cast %get3A_116 : i32 to index
        %get3A_118 = arith.index_cast %mul3A_38 : i32 to index
        %get3A_119 = tpu.vector_load %arg6[%get3A_117, %get3A_118] {strides = array<i32>} : memref<64x64xf32, #tpu.memory_space<vmem>>, vector<1x16xf32>,
        %get3A_120 = vector.shape_cast %get3A_119 : vector<1x16xf32> to vector<16xf32>
        %mul3A_121 = arith.mulf %get3A_120, %get3A_120 : vector<16xf32>
        %add3A_122 = arith.addf %add3A_115, %mul3A_121 : vector<16xf32>
        %get3A_123 = arith.constant 12 : i32
        %get3A_124 = arith.index_cast %get3A_123 : i32 to index
        %get3A_125 = arith.index_cast %mul3A_38 : i32 to index
        %get3A_126 = tpu.vector_load %arg6[%get3A_124, %get3A_125] {strides = array<i32>} : memref<64x64xf32, #tpu.memory_space<vmem>>, vector<1x16xf32>,
        %get3A_127 = vector.shape_cast %get3A_126 : vector<1x16xf32> to vector<16xf32>
        %mul3A_128 = arith.mulf %get3A_127, %get3A_127 : vector<16xf32>
        %add3A_129 = arith.addf %add3A_122, %mul3A_128 : vector<16xf32>
        %get3A_130 = arith.constant 13 : i32
        %get3A_131 = arith.index_cast %get3A_130 : i32 to index
        %get3A_132 = arith.index_cast %mul3A_38 : i32 to index
        %get3A_133 = tpu.vector_load %arg6[%get3A_131, %get3A_132] {strides = array<i32>} : memref<64x64xf32, #tpu.memory_space<vmem>>, vector<1x16xf32>,
        %get3A_134 = vector.shape_cast %get3A_133 : vector<1x16xf32> to vector<16xf32>
        %mul3A_135 = arith.mulf %get3A_134, %get3A_134 : vector<16xf32>
        %add3A_136 = arith.addf %add3A_129, %mul3A_135 : vector<16xf32>
        %get3A_137 = arith.constant 14 : i32
        %get3A_138 = arith.index_cast %get3A_137 : i32 to index
        %get3A_139 = arith.index_cast %mul3A_38 : i32 to index
        %get3A_140 = tpu.vector_load %arg6[%get3A_138, %get3A_139] {strides = array<i32>} : memref<64x64xf32, #tpu.memory_space<vmem>>, vector<1x16xf32>,
        %get3A_141 = vector.shape_cast %get3A_140 : vector<1x16xf32> to vector<16xf32>
        %mul3A_142 = arith.mulf %get3A_141, %get3A_141 : vector<16xf32>
        %add3A_143 = arith.addf %add3A_136, %mul3A_142 : vector<16xf32>
        %get3A_144 = arith.constant 15 : i32
        %get3A_145 = arith.index_cast %get3A_144 : i32 to index
        %get3A_146 = arith.index_cast %mul3A_38 : i32 to index
        %get3A_147 = tpu.vector_load %arg6[%get3A_145, %get3A_146] {strides = array<i32>} : memref<64x64xf32, #tpu.memory_space<vmem>>, vector<1x16xf32>,
        %get3A_148 = vector.shape_cast %get3A_147 : vector<1x16xf32> to vector<16xf32>
        %mul3A_149 = arith.mulf %get3A_148, %get3A_148 : vector<16xf32>
        %add3A_150 = arith.addf %add3A_143, %mul3A_149 : vector<16xf32>
        %get3A_151 = arith.constant 16 : i32
        %get3A_152 = arith.index_cast %get3A_151 : i32 to index
        %get3A_153 = arith.index_cast %mul3A_38 : i32 to index
        %get3A_154 = tpu.vector_load %arg6[%get3A_152, %get3A_153] {strides = array<i32>} : memref<64x64xf32, #tpu.memory_space<vmem>>, vector<1x16xf32>,
        %get3A_155 = vector.shape_cast %get3A_154 : vector<1x16xf32> to vector<16xf32>
        %mul3A_156 = arith.mulf %get3A_155, %get3A_155 : vector<16xf32>
        %add3A_157 = arith.addf %add3A_150, %mul3A_156 : vector<16xf32>
        %get3A_158 = arith.constant 17 : i32
        %get3A_159 = arith.index_cast %get3A_158 : i32 to index
        %get3A_160 = arith.index_cast %mul3A_38 : i32 to index
        %get3A_161 = tpu.vector_load %arg6[%get3A_159, %get3A_160] {strides = array<i32>} : memref<64x64xf32, #tpu.memory_space<vmem>>, vector<1x16xf32>,
        %get3A_162 = vector.shape_cast %get3A_161 : vector<1x16xf32> to vector<16xf32>
        %mul3A_163 = arith.mulf %get3A_162, %get3A_162 : vector<16xf32>
        %add3A_164 = arith.addf %add3A_157, %mul3A_163 : vector<16xf32>
        %get3A_165 = arith.constant 18 : i32
        %get3A_166 = arith.index_cast %get3A_165 : i32 to index
        %get3A_167 = arith.index_cast %mul3A_38 : i32 to index
        %get3A_168 = tpu.vector_load %arg6[%get3A_166, %get3A_167] {strides = array<i32>} : memref<64x64xf32, #tpu.memory_space<vmem>>, vector<1x16xf32>,
        %get3A_169 = vector.shape_cast %get3A_168 : vector<1x16xf32> to vector<16xf32>
        %mul3A_170 = arith.mulf %get3A_169, %get3A_169 : vector<16xf32>
        %add3A_171 = arith.addf %add3A_164, %mul3A_170 : vector<16xf32>
        %get3A_172 = arith.constant 19 : i32
        %get3A_173 = arith.index_cast %get3A_172 : i32 to index
        %get3A_174 = arith.index_cast %mul3A_38 : i32 to index
        %get3A_175 = tpu.vector_load %arg6[%get3A_173, %get3A_174] {strides = array<i32>} : memref<64x64xf32, #tpu.memory_space<vmem>>, vector<1x16xf32>,
        %get3A_176 = vector.shape_cast %get3A_175 : vector<1x16xf32> to vector<16xf32>
        %mul3A_177 = arith.mulf %get3A_176, %get3A_176 : vector<16xf32>
        %add3A_178 = arith.addf %add3A_171, %mul3A_177 : vector<16xf32>
        %get3A_179 = arith.constant 20 : i32
        %get3A_180 = arith.index_cast %get3A_179 : i32 to index
        %get3A_181 = arith.index_cast %mul3A_38 : i32 to index
        %get3A_182 = tpu.vector_load %arg6[%get3A_180, %get3A_181] {strides = array<i32>} : memref<64x64xf32, #tpu.memory_space<vmem>>, vector<1x16xf32>,
        %get3A_183 = vector.shape_cast %get3A_182 : vector<1x16xf32> to vector<16xf32>
        %mul3A_184 = arith.mulf %get3A_183, %get3A_183 : vector<16xf32>
        %add3A_185 = arith.addf %add3A_178, %mul3A_184 : vector<16xf32>
        %get3A_186 = arith.constant 21 : i32
        %get3A_187 = arith.index_cast %get3A_186 : i32 to index
        %get3A_188 = arith.index_cast %mul3A_38 : i32 to index
        %get3A_189 = tpu.vector_load %arg6[%get3A_187, %get3A_188] {strides = array<i32>} : memref<64x64xf32, #tpu.memory_space<vmem>>, vector<1x16xf32>,
        %get3A_190 = vector.shape_cast %get3A_189 : vector<1x16xf32> to vector<16xf32>
        %mul3A_191 = arith.mulf %get3A_190, %get3A_190 : vector<16xf32>
        %add3A_192 = arith.addf %add3A_185, %mul3A_191 : vector<16xf32>
        %get3A_193 = arith.constant 22 : i32
        %get3A_194 = arith.index_cast %get3A_193 : i32 to index
        %get3A_195 = arith.index_cast %mul3A_38 : i32 to index
        %get3A_196 = tpu.vector_load %arg6[%get3A_194, %get3A_195] {strides = array<i32>} : memref<64x64xf32, #tpu.memory_space<vmem>>, vector<1x16xf32>,
        %get3A_197 = vector.shape_cast %get3A_196 : vector<1x16xf32> to vector<16xf32>
        %mul3A_198 = arith.mulf %get3A_197, %get3A_197 : vector<16xf32>
        %add3A_199 = arith.addf %add3A_192, %mul3A_198 : vector<16xf32>
        %get3A_200 = arith.constant 23 : i32
        %get3A_201 = arith.index_cast %get3A_200 : i32 to index
        %get3A_202 = arith.index_cast %mul3A_38 : i32 to index
        %get3A_203 = tpu.vector_load %arg6[%get3A_201, %get3A_202] {strides = array<i32>} : memref<64x64xf32, #tpu.memory_space<vmem>>, vector<1x16xf32>,
        %get3A_204 = vector.shape_cast %get3A_203 : vector<1x16xf32> to vector<16xf32>
        %mul3A_205 = arith.mulf %get3A_204, %get3A_204 : vector<16xf32>
        %add3A_206 = arith.addf %add3A_199, %mul3A_205 : vector<16xf32>
        %get3A_207 = arith.constant 24 : i32
        %get3A_208 = arith.index_cast %get3A_207 : i32 to index
        %get3A_209 = arith.index_cast %mul3A_38 : i32 to index
        %get3A_210 = tpu.vector_load %arg6[%get3A_208, %get3A_209] {strides = array<i32>} : memref<64x64xf32, #tpu.memory_space<vmem>>, vector<1x16xf32>,
        %get3A_211 = vector.shape_cast %get3A_210 : vector<1x16xf32> to vector<16xf32>
        %mul3A_212 = arith.mulf %get3A_211, %get3A_211 : vector<16xf32>
        %add3A_213 = arith.addf %add3A_206, %mul3A_212 : vector<16xf32>
        %get3A_214 = arith.constant 25 : i32
        %get3A_215 = arith.index_cast %get3A_214 : i32 to index
        %get3A_216 = arith.index_cast %mul3A_38 : i32 to index
        %get3A_217 = tpu.vector_load %arg6[%get3A_215, %get3A_216] {strides = array<i32>} : memref<64x64xf32, #tpu.memory_space<vmem>>, vector<1x16xf32>,
        %get3A_218 = vector.shape_cast %get3A_217 : vector<1x16xf32> to vector<16xf32>
        %mul3A_219 = arith.mulf %get3A_218, %get3A_218 : vector<16xf32>
        %add3A_220 = arith.addf %add3A_213, %mul3A_219 : vector<16xf32>
        %get3A_221 = arith.constant 26 : i32
        %get3A_222 = arith.index_cast %get3A_221 : i32 to index
        %get3A_223 = arith.index_cast %mul3A_38 : i32 to index
        %get3A_224 = tpu.vector_load %arg6[%get3A_222, %get3A_223] {strides = array<i32>} : memref<64x64xf32, #tpu.memory_space<vmem>>, vector<1x16xf32>,
        %get3A_225 = vector.shape_cast %get3A_224 : vector<1x16xf32> to vector<16xf32>
        %mul3A_226 = arith.mulf %get3A_225, %get3A_225 : vector<16xf32>
        %add3A_227 = arith.addf %add3A_220, %mul3A_226 : vector<16xf32>
        %get3A_228 = arith.constant 27 : i32
        %get3A_229 = arith.index_cast %get3A_228 : i32 to index
        %get3A_230 = arith.index_cast %mul3A_38 : i32 to index
        %get3A_231 = tpu.vector_load %arg6[%get3A_229, %get3A_230] {strides = array<i32>} : memref<64x64xf32, #tpu.memory_space<vmem>>, vector<1x16xf32>,
        %get3A_232 = vector.shape_cast %get3A_231 : vector<1x16xf32> to vector<16xf32>
        %mul3A_233 = arith.mulf %get3A_232, %get3A_232 : vector<16xf32>
        %add3A_234 = arith.addf %add3A_227, %mul3A_233 : vector<16xf32>
        %get3A_235 = arith.constant 28 : i32
        %get3A_236 = arith.index_cast %get3A_235 : i32 to index
        %get3A_237 = arith.index_cast %mul3A_38 : i32 to index
        %get3A_238 = tpu.vector_load %arg6[%get3A_236, %get3A_237] {strides = array<i32>} : memref<64x64xf32, #tpu.memory_space<vmem>>, vector<1x16xf32>,
        %get3A_239 = vector.shape_cast %get3A_238 : vector<1x16xf32> to vector<16xf32>
        %mul3A_240 = arith.mulf %get3A_239, %get3A_239 : vector<16xf32>
        %add3A_241 = arith.addf %add3A_234, %mul3A_240 : vector<16xf32>
        %get3A_242 = arith.constant 29 : i32
        %get3A_243 = arith.index_cast %get3A_242 : i32 to index
        %get3A_244 = arith.index_cast %mul3A_38 : i32 to index
        %get3A_245 = tpu.vector_load %arg6[%get3A_243, %get3A_244] {strides = array<i32>} : memref<64x64xf32, #tpu.memory_space<vmem>>, vector<1x16xf32>,
        %get3A_246 = vector.shape_cast %get3A_245 : vector<1x16xf32> to vector<16xf32>
        %mul3A_247 = arith.mulf %get3A_246, %get3A_246 : vector<16xf32>
        %add3A_248 = arith.addf %add3A_241, %mul3A_247 : vector<16xf32>
        %get3A_249 = arith.constant 30 : i32
        %get3A_250 = arith.index_cast %get3A_249 : i32 to index
        %get3A_251 = arith.index_cast %mul3A_38 : i32 to index
        %get3A_252 = tpu.vector_load %arg6[%get3A_250, %get3A_251] {strides = array<i32>} : memref<64x64xf32, #tpu.memory_space<vmem>>, vector<1x16xf32>,
        %get3A_253 = vector.shape_cast %get3A_252 : vector<1x16xf32> to vector<16xf32>
        %mul3A_254 = arith.mulf %get3A_253, %get3A_253 : vector<16xf32>
        %add3A_255 = arith.addf %add3A_248, %mul3A_254 : vector<16xf32>
        %get3A_256 = arith.constant 31 : i32
        %get3A_257 = arith.index_cast %get3A_256 : i32 to index
        %get3A_258 = arith.index_cast %mul3A_38 : i32 to index
        %get3A_259 = tpu.vector_load %arg6[%get3A_257, %get3A_258] {strides = array<i32>} : memref<64x64xf32, #tpu.memory_space<vmem>>, vector<1x16xf32>,
        %get3A_260 = vector.shape_cast %get3A_259 : vector<1x16xf32> to vector<16xf32>
        %mul3A_261 = arith.mulf %get3A_260, %get3A_260 : vector<16xf32>
        %add3A_262 = arith.addf %add3A_255, %mul3A_261 : vector<16xf32>
        %get3A_263 = arith.constant 32 : i32
        %get3A_264 = arith.index_cast %get3A_263 : i32 to index
        %get3A_265 = arith.index_cast %mul3A_38 : i32 to index
        %get3A_266 = tpu.vector_load %arg6[%get3A_264, %get3A_265] {strides = array<i32>} : memref<64x64xf32, #tpu.memory_space<vmem>>, vector<1x16xf32>,
        %get3A_267 = vector.shape_cast %get3A_266 : vector<1x16xf32> to vector<16xf32>
        %mul3A_268 = arith.mulf %get3A_267, %get3A_267 : vector<16xf32>
        %add3A_269 = arith.addf %add3A_262, %mul3A_268 : vector<16xf32>
        %get3A_270 = arith.constant 33 : i32
        %get3A_271 = arith.index_cast %get3A_270 : i32 to index
        %get3A_272 = arith.index_cast %mul3A_38 : i32 to index
        %get3A_273 = tpu.vector_load %arg6[%get3A_271, %get3A_272] {strides = array<i32>} : memref<64x64xf32, #tpu.memory_space<vmem>>, vector<1x16xf32>,
        %get3A_274 = vector.shape_cast %get3A_273 : vector<1x16xf32> to vector<16xf32>
        %mul3A_275 = arith.mulf %get3A_274, %get3A_274 : vector<16xf32>
        %add3A_276 = arith.addf %add3A_269, %mul3A_275 : vector<16xf32>
        %get3A_277 = arith.constant 34 : i32
        %get3A_278 = arith.index_cast %get3A_277 : i32 to index
        %get3A_279 = arith.index_cast %mul3A_38 : i32 to index
        %get3A_280 = tpu.vector_load %arg6[%get3A_278, %get3A_279] {strides = array<i32>} : memref<64x64xf32, #tpu.memory_space<vmem>>, vector<1x16xf32>,
        %get3A_281 = vector.shape_cast %get3A_280 : vector<1x16xf32> to vector<16xf32>
        %mul3A_282 = arith.mulf %get3A_281, %get3A_281 : vector<16xf32>
        %add3A_283 = arith.addf %add3A_276, %mul3A_282 : vector<16xf32>
        %get3A_284 = arith.constant 35 : i32
        %get3A_285 = arith.index_cast %get3A_284 : i32 to index
        %get3A_286 = arith.index_cast %mul3A_38 : i32 to index
        %get3A_287 = tpu.vector_load %arg6[%get3A_285, %get3A_286] {strides = array<i32>} : memref<64x64xf32, #tpu.memory_space<vmem>>, vector<1x16xf32>,
        %get3A_288 = vector.shape_cast %get3A_287 : vector<1x16xf32> to vector<16xf32>
        %mul3A_289 = arith.mulf %get3A_288, %get3A_288 : vector<16xf32>
        %add3A_290 = arith.addf %add3A_283, %mul3A_289 : vector<16xf32>
        %get3A_291 = arith.constant 36 : i32
        %get3A_292 = arith.index_cast %get3A_291 : i32 to index
        %get3A_293 = arith.index_cast %mul3A_38 : i32 to index
        %get3A_294 = tpu.vector_load %arg6[%get3A_292, %get3A_293] {strides = array<i32>} : memref<64x64xf32, #tpu.memory_space<vmem>>, vector<1x16xf32>,
        %get3A_295 = vector.shape_cast %get3A_294 : vector<1x16xf32> to vector<16xf32>
        %mul3A_296 = arith.mulf %get3A_295, %get3A_295 : vector<16xf32>
        %add3A_297 = arith.addf %add3A_290, %mul3A_296 : vector<16xf32>
        %get3A_298 = arith.constant 37 : i32
        %get3A_299 = arith.index_cast %get3A_298 : i32 to index
        %get3A_300 = arith.index_cast %mul3A_38 : i32 to index
        %get3A_301 = tpu.vector_load %arg6[%get3A_299, %get3A_300] {strides = array<i32>} : memref<64x64xf32, #tpu.memory_space<vmem>>, vector<1x16xf32>,
        %get3A_302 = vector.shape_cast %get3A_301 : vector<1x16xf32> to vector<16xf32>
        %mul3A_303 = arith.mulf %get3A_302, %get3A_302 : vector<16xf32>
        %add3A_304 = arith.addf %add3A_297, %mul3A_303 : vector<16xf32>
        %get3A_305 = arith.constant 38 : i32
        %get3A_306 = arith.index_cast %get3A_305 : i32 to index
        %get3A_307 = arith.index_cast %mul3A_38 : i32 to index
        %get3A_308 = tpu.vector_load %arg6[%get3A_306, %get3A_307] {strides = array<i32>} : memref<64x64xf32, #tpu.memory_space<vmem>>, vector<1x16xf32>,
        %get3A_309 = vector.shape_cast %get3A_308 : vector<1x16xf32> to vector<16xf32>
        %mul3A_310 = arith.mulf %get3A_309, %get3A_309 : vector<16xf32>
        %add3A_311 = arith.addf %add3A_304, %mul3A_310 : vector<16xf32>
        %get3A_312 = arith.constant 39 : i32
        %get3A_313 = arith.index_cast %get3A_312 : i32 to index
        %get3A_314 = arith.index_cast %mul3A_38 : i32 to index
        %get3A_315 = tpu.vector_load %arg6[%get3A_313, %get3A_314] {strides = array<i32>} : memref<64x64xf32, #tpu.memory_space<vmem>>, vector<1x16xf32>,
        %get3A_316 = vector.shape_cast %get3A_315 : vector<1x16xf32> to vector<16xf32>
        %mul3A_317 = arith.mulf %get3A_316, %get3A_316 : vector<16xf32>
        %add3A_318 = arith.addf %add3A_311, %mul3A_317 : vector<16xf32>
        %get3A_319 = arith.constant 40 : i32
        %get3A_320 = arith.index_cast %get3A_319 : i32 to index
        %get3A_321 = arith.index_cast %mul3A_38 : i32 to index
        %get3A_322 = tpu.vector_load %arg6[%get3A_320, %get3A_321] {strides = array<i32>} : memref<64x64xf32, #tpu.memory_space<vmem>>, vector<1x16xf32>,
        %get3A_323 = vector.shape_cast %get3A_322 : vector<1x16xf32> to vector<16xf32>
        %mul3A_324 = arith.mulf %get3A_323, %get3A_323 : vector<16xf32>
        %add3A_325 = arith.addf %add3A_318, %mul3A_324 : vector<16xf32>
        %get3A_326 = arith.constant 41 : i32
        %get3A_327 = arith.index_cast %get3A_326 : i32 to index
        %get3A_328 = arith.index_cast %mul3A_38 : i32 to index
        %get3A_329 = tpu.vector_load %arg6[%get3A_327, %get3A_328] {strides = array<i32>} : memref<64x64xf32, #tpu.memory_space<vmem>>, vector<1x16xf32>,
        %get3A_330 = vector.shape_cast %get3A_329 : vector<1x16xf32> to vector<16xf32>
        %mul3A_331 = arith.mulf %get3A_330, %get3A_330 : vector<16xf32>
        %add3A_332 = arith.addf %add3A_325, %mul3A_331 : vector<16xf32>
        %get3A_333 = arith.constant 42 : i32
        %get3A_334 = arith.index_cast %get3A_333 : i32 to index
        %get3A_335 = arith.index_cast %mul3A_38 : i32 to index
        %get3A_336 = tpu.vector_load %arg6[%get3A_334, %get3A_335] {strides = array<i32>} : memref<64x64xf32, #tpu.memory_space<vmem>>, vector<1x16xf32>,
        %get3A_337 = vector.shape_cast %get3A_336 : vector<1x16xf32> to vector<16xf32>
        %mul3A_338 = arith.mulf %get3A_337, %get3A_337 : vector<16xf32>
        %add3A_339 = arith.addf %add3A_332, %mul3A_338 : vector<16xf32>
        %get3A_340 = arith.constant 43 : i32
        %get3A_341 = arith.index_cast %get3A_340 : i32 to index
        %get3A_342 = arith.index_cast %mul3A_38 : i32 to index
        %get3A_343 = tpu.vector_load %arg6[%get3A_341, %get3A_342] {strides = array<i32>} : memref<64x64xf32, #tpu.memory_space<vmem>>, vector<1x16xf32>,
        %get3A_344 = vector.shape_cast %get3A_343 : vector<1x16xf32> to vector<16xf32>
        %mul3A_345 = arith.mulf %get3A_344, %get3A_344 : vector<16xf32>
        %add3A_346 = arith.addf %add3A_339, %mul3A_345 : vector<16xf32>
        %get3A_347 = arith.constant 44 : i32
        %get3A_348 = arith.index_cast %get3A_347 : i32 to index
        %get3A_349 = arith.index_cast %mul3A_38 : i32 to index
        %get3A_350 = tpu.vector_load %arg6[%get3A_348, %get3A_349] {strides = array<i32>} : memref<64x64xf32, #tpu.memory_space<vmem>>, vector<1x16xf32>,
        %get3A_351 = vector.shape_cast %get3A_350 : vector<1x16xf32> to vector<16xf32>
        %mul3A_352 = arith.mulf %get3A_351, %get3A_351 : vector<16xf32>
        %add3A_353 = arith.addf %add3A_346, %mul3A_352 : vector<16xf32>
        %get3A_354 = arith.constant 45 : i32
        %get3A_355 = arith.index_cast %get3A_354 : i32 to index
        %get3A_356 = arith.index_cast %mul3A_38 : i32 to index
        %get3A_357 = tpu.vector_load %arg6[%get3A_355, %get3A_356] {strides = array<i32>} : memref<64x64xf32, #tpu.memory_space<vmem>>, vector<1x16xf32>,
        %get3A_358 = vector.shape_cast %get3A_357 : vector<1x16xf32> to vector<16xf32>
        %mul3A_359 = arith.mulf %get3A_358, %get3A_358 : vector<16xf32>
        %add3A_360 = arith.addf %add3A_353, %mul3A_359 : vector<16xf32>
        %get3A_361 = arith.constant 46 : i32
        %get3A_362 = arith.index_cast %get3A_361 : i32 to index
        %get3A_363 = arith.index_cast %mul3A_38 : i32 to index
        %get3A_364 = tpu.vector_load %arg6[%get3A_362, %get3A_363] {strides = array<i32>} : memref<64x64xf32, #tpu.memory_space<vmem>>, vector<1x16xf32>,
        %get3A_365 = vector.shape_cast %get3A_364 : vector<1x16xf32> to vector<16xf32>
        %mul3A_366 = arith.mulf %get3A_365, %get3A_365 : vector<16xf32>
        %add3A_367 = arith.addf %add3A_360, %mul3A_366 : vector<16xf32>
        %get3A_368 = arith.constant 47 : i32
        %get3A_369 = arith.index_cast %get3A_368 : i32 to index
        %get3A_370 = arith.index_cast %mul3A_38 : i32 to index
        %get3A_371 = tpu.vector_load %arg6[%get3A_369, %get3A_370] {strides = array<i32>} : memref<64x64xf32, #tpu.memory_space<vmem>>, vector<1x16xf32>,
        %get3A_372 = vector.shape_cast %get3A_371 : vector<1x16xf32> to vector<16xf32>
        %mul3A_373 = arith.mulf %get3A_372, %get3A_372 : vector<16xf32>
        %add3A_374 = arith.addf %add3A_367, %mul3A_373 : vector<16xf32>
        %get3A_375 = arith.constant 48 : i32
        %get3A_376 = arith.index_cast %get3A_375 : i32 to index
        %get3A_377 = arith.index_cast %mul3A_38 : i32 to index
        %get3A_378 = tpu.vector_load %arg6[%get3A_376, %get3A_377] {strides = array<i32>} : memref<64x64xf32, #tpu.memory_space<vmem>>, vector<1x16xf32>,
        %get3A_379 = vector.shape_cast %get3A_378 : vector<1x16xf32> to vector<16xf32>
        %mul3A_380 = arith.mulf %get3A_379, %get3A_379 : vector<16xf32>
        %add3A_381 = arith.addf %add3A_374, %mul3A_380 : vector<16xf32>
        %get3A_382 = arith.constant 49 : i32
        %get3A_383 = arith.index_cast %get3A_382 : i32 to index
        %get3A_384 = arith.index_cast %mul3A_38 : i32 to index
        %get3A_385 = tpu.vector_load %arg6[%get3A_383, %get3A_384] {strides = array<i32>} : memref<64x64xf32, #tpu.memory_space<vmem>>, vector<1x16xf32>,
        %get3A_386 = vector.shape_cast %get3A_385 : vector<1x16xf32> to vector<16xf32>
        %mul3A_387 = arith.mulf %get3A_386, %get3A_386 : vector<16xf32>
        %add3A_388 = arith.addf %add3A_381, %mul3A_387 : vector<16xf32>
        %get3A_389 = arith.constant 50 : i32
        %get3A_390 = arith.index_cast %get3A_389 : i32 to index
        %get3A_391 = arith.index_cast %mul3A_38 : i32 to index
        %get3A_392 = tpu.vector_load %arg6[%get3A_390, %get3A_391] {strides = array<i32>} : memref<64x64xf32, #tpu.memory_space<vmem>>, vector<1x16xf32>,
        %get3A_393 = vector.shape_cast %get3A_392 : vector<1x16xf32> to vector<16xf32>
        %mul3A_394 = arith.mulf %get3A_393, %get3A_393 : vector<16xf32>
        %add3A_395 = arith.addf %add3A_388, %mul3A_394 : vector<16xf32>
        %get3A_396 = arith.constant 51 : i32
        %get3A_397 = arith.index_cast %get3A_396 : i32 to index
        %get3A_398 = arith.index_cast %mul3A_38 : i32 to index
        %get3A_399 = tpu.vector_load %arg6[%get3A_397, %get3A_398] {strides = array<i32>} : memref<64x64xf32, #tpu.memory_space<vmem>>, vector<1x16xf32>,
        %get3A_400 = vector.shape_cast %get3A_399 : vector<1x16xf32> to vector<16xf32>
        %mul3A_401 = arith.mulf %get3A_400, %get3A_400 : vector<16xf32>
        %add3A_402 = arith.addf %add3A_395, %mul3A_401 : vector<16xf32>
        %get3A_403 = arith.constant 52 : i32
        %get3A_404 = arith.index_cast %get3A_403 : i32 to index
        %get3A_405 = arith.index_cast %mul3A_38 : i32 to index
        %get3A_406 = tpu.vector_load %arg6[%get3A_404, %get3A_405] {strides = array<i32>} : memref<64x64xf32, #tpu.memory_space<vmem>>, vector<1x16xf32>,
        %get3A_407 = vector.shape_cast %get3A_406 : vector<1x16xf32> to vector<16xf32>
        %mul3A_408 = arith.mulf %get3A_407, %get3A_407 : vector<16xf32>
        %add3A_409 = arith.addf %add3A_402, %mul3A_408 : vector<16xf32>
        %get3A_410 = arith.constant 53 : i32
        %get3A_411 = arith.index_cast %get3A_410 : i32 to index
        %get3A_412 = arith.index_cast %mul3A_38 : i32 to index
        %get3A_413 = tpu.vector_load %arg6[%get3A_411, %get3A_412] {strides = array<i32>} : memref<64x64xf32, #tpu.memory_space<vmem>>, vector<1x16xf32>,
        %get3A_414 = vector.shape_cast %get3A_413 : vector<1x16xf32> to vector<16xf32>
        %mul3A_415 = arith.mulf %get3A_414, %get3A_414 : vector<16xf32>
        %add3A_416 = arith.addf %add3A_409, %mul3A_415 : vector<16xf32>
        %get3A_417 = arith.constant 54 : i32
        %get3A_418 = arith.index_cast %get3A_417 : i32 to index
        %get3A_419 = arith.index_cast %mul3A_38 : i32 to index
        %get3A_420 = tpu.vector_load %arg6[%get3A_418, %get3A_419] {strides = array<i32>} : memref<64x64xf32, #tpu.memory_space<vmem>>, vector<1x16xf32>,
        %get3A_421 = vector.shape_cast %get3A_420 : vector<1x16xf32> to vector<16xf32>
        %mul3A_422 = arith.mulf %get3A_421, %get3A_421 : vector<16xf32>
        %add3A_423 = arith.addf %add3A_416, %mul3A_422 : vector<16xf32>
        %get3A_424 = arith.constant 55 : i32
        %get3A_425 = arith.index_cast %get3A_424 : i32 to index
        %get3A_426 = arith.index_cast %mul3A_38 : i32 to index
        %get3A_427 = tpu.vector_load %arg6[%get3A_425, %get3A_426] {strides = array<i32>} : memref<64x64xf32, #tpu.memory_space<vmem>>, vector<1x16xf32>,
        %get3A_428 = vector.shape_cast %get3A_427 : vector<1x16xf32> to vector<16xf32>
        %mul3A_429 = arith.mulf %get3A_428, %get3A_428 : vector<16xf32>
        %add3A_430 = arith.addf %add3A_423, %mul3A_429 : vector<16xf32>
        %get3A_431 = arith.constant 56 : i32
        %get3A_432 = arith.index_cast %get3A_431 : i32 to index
        %get3A_433 = arith.index_cast %mul3A_38 : i32 to index
        %get3A_434 = tpu.vector_load %arg6[%get3A_432, %get3A_433] {strides = array<i32>} : memref<64x64xf32, #tpu.memory_space<vmem>>, vector<1x16xf32>,
        %get3A_435 = vector.shape_cast %get3A_434 : vector<1x16xf32> to vector<16xf32>
        %mul3A_436 = arith.mulf %get3A_435, %get3A_435 : vector<16xf32>
        %add3A_437 = arith.addf %add3A_430, %mul3A_436 : vector<16xf32>
        %get3A_438 = arith.constant 57 : i32
        %get3A_439 = arith.index_cast %get3A_438 : i32 to index
        %get3A_440 = arith.index_cast %mul3A_38 : i32 to index
        %get3A_441 = tpu.vector_load %arg6[%get3A_439, %get3A_440] {strides = array<i32>} : memref<64x64xf32, #tpu.memory_space<vmem>>, vector<1x16xf32>,
        %get3A_442 = vector.shape_cast %get3A_441 : vector<1x16xf32> to vector<16xf32>
        %mul3A_443 = arith.mulf %get3A_442, %get3A_442 : vector<16xf32>
        %add3A_444 = arith.addf %add3A_437, %mul3A_443 : vector<16xf32>
        %get3A_445 = arith.constant 58 : i32
        %get3A_446 = arith.index_cast %get3A_445 : i32 to index
        %get3A_447 = arith.index_cast %mul3A_38 : i32 to index
        %get3A_448 = tpu.vector_load %arg6[%get3A_446, %get3A_447] {strides = array<i32>} : memref<64x64xf32, #tpu.memory_space<vmem>>, vector<1x16xf32>,
        %get3A_449 = vector.shape_cast %get3A_448 : vector<1x16xf32> to vector<16xf32>
        %mul3A_450 = arith.mulf %get3A_449, %get3A_449 : vector<16xf32>
        %add3A_451 = arith.addf %add3A_444, %mul3A_450 : vector<16xf32>
        %get3A_452 = arith.constant 59 : i32
        %get3A_453 = arith.index_cast %get3A_452 : i32 to index
        %get3A_454 = arith.index_cast %mul3A_38 : i32 to index
        %get3A_455 = tpu.vector_load %arg6[%get3A_453, %get3A_454] {strides = array<i32>} : memref<64x64xf32, #tpu.memory_space<vmem>>, vector<1x16xf32>,
        %get3A_456 = vector.shape_cast %get3A_455 : vector<1x16xf32> to vector<16xf32>
        %mul3A_457 = arith.mulf %get3A_456, %get3A_456 : vector<16xf32>
        %add3A_458 = arith.addf %add3A_451, %mul3A_457 : vector<16xf32>
        %get3A_459 = arith.constant 60 : i32
        %get3A_460 = arith.index_cast %get3A_459 : i32 to index
        %get3A_461 = arith.index_cast %mul3A_38 : i32 to index
        %get3A_462 = tpu.vector_load %arg6[%get3A_460, %get3A_461] {strides = array<i32>} : memref<64x64xf32, #tpu.memory_space<vmem>>, vector<1x16xf32>,
        %get3A_463 = vector.shape_cast %get3A_462 : vector<1x16xf32> to vector<16xf32>
        %mul3A_464 = arith.mulf %get3A_463, %get3A_463 : vector<16xf32>
        %add3A_465 = arith.addf %add3A_458, %mul3A_464 : vector<16xf32>
        %get3A_466 = arith.constant 61 : i32
        %get3A_467 = arith.index_cast %get3A_466 : i32 to index
        %get3A_468 = arith.index_cast %mul3A_38 : i32 to index
        %get3A_469 = tpu.vector_load %arg6[%get3A_467, %get3A_468] {strides = array<i32>} : memref<64x64xf32, #tpu.memory_space<vmem>>, vector<1x16xf32>,
        %get3A_470 = vector.shape_cast %get3A_469 : vector<1x16xf32> to vector<16xf32>
        %mul3A_471 = arith.mulf %get3A_470, %get3A_470 : vector<16xf32>
        %add3A_472 = arith.addf %add3A_465, %mul3A_471 : vector<16xf32>
        %get3A_473 = arith.constant 62 : i32
        %get3A_474 = arith.index_cast %get3A_473 : i32 to index
        %get3A_475 = arith.index_cast %mul3A_38 : i32 to index
        %get3A_476 = tpu.vector_load %arg6[%get3A_474, %get3A_475] {strides = array<i32>} : memref<64x64xf32, #tpu.memory_space<vmem>>, vector<1x16xf32>,
        %get3A_477 = vector.shape_cast %get3A_476 : vector<1x16xf32> to vector<16xf32>
        %mul3A_478 = arith.mulf %get3A_477, %get3A_477 : vector<16xf32>
        %add3A_479 = arith.addf %add3A_472, %mul3A_478 : vector<16xf32>
        %get3A_480 = arith.constant 63 : i32
        %get3A_481 = arith.index_cast %get3A_480 : i32 to index
        %get3A_482 = arith.index_cast %mul3A_38 : i32 to index
        %get3A_483 = tpu.vector_load %arg6[%get3A_481, %get3A_482] {strides = array<i32>} : memref<64x64xf32, #tpu.memory_space<vmem>>, vector<1x16xf32>,
        %get3A_484 = vector.shape_cast %get3A_483 : vector<1x16xf32> to vector<16xf32>
        %mul3A_485 = arith.mulf %get3A_484, %get3A_484 : vector<16xf32>
        %add3A_486 = arith.addf %add3A_479, %mul3A_485 : vector<16xf32>
        %max3A = arith.constant 1.000000e-24 : f32
        %max3A_487 = vector.broadcast %max3A : f32 to vector<16xf32>
        %max3A_488 = arith.maximumf %add3A_486, %max3A_487 : vector<16xf32>
        %bitcast_convert_type3A = tpu.bitcast %max3A_488 : vector<16xf32> -> vector<16xi32>
        %shift_right_arithmetic3A = arith.constant 1 : i32
        %shift_right_arithmetic3A_489 = vector.broadcast %shift_right_arithmetic3A : i32 to vector<16xi32>
        %shift_right_arithmetic3A_490 = arith.shrsi %bitcast_convert_type3A, %shift_right_arithmetic3A_489 : vector<16xi32>
        %sub3A = arith.constant 1597463007 : i32
        %sub3A_491 = vector.broadcast %sub3A : i32 to vector<16xi32>
        %sub3A_492 = arith.subi %sub3A_491, %shift_right_arithmetic3A_490 : vector<16xi32>
        %bitcast_convert_type3A_493 = tpu.bitcast %sub3A_492 : vector<16xi32> -> vector<16xf32>
        %mul3A_494 = arith.constant 5.000000e-01 : f32
        %mul3A_495 = vector.broadcast %mul3A_494 : f32 to vector<16xf32>
        %mul3A_496 = arith.mulf %mul3A_495, %max3A_488 : vector<16xf32>
        %mul3A_497 = arith.mulf %mul3A_496, %bitcast_convert_type3A_493 : vector<16xf32>
        %mul3A_498 = arith.mulf %mul3A_497, %bitcast_convert_type3A_493 : vector<16xf32>
        %sub3A_499 = arith.constant 1.500000e+00 : f32
        %sub3A_500 = vector.broadcast %sub3A_499 : f32 to vector<16xf32>
        %sub3A_501 = arith.subf %sub3A_500, %mul3A_498 : vector<16xf32>
        %mul3A_502 = arith.mulf %bitcast_convert_type3A_493, %sub3A_501 : vector<16xf32>
        %mul3A_503 = arith.constant 5.000000e-01 : f32
        %mul3A_504 = vector.broadcast %mul3A_503 : f32 to vector<16xf32>
        %mul3A_505 = arith.mulf %mul3A_504, %max3A_488 : vector<16xf32>
        %mul3A_506 = arith.mulf %mul3A_505, %mul3A_502 : vector<16xf32>
        %mul3A_507 = arith.mulf %mul3A_506, %mul3A_502 : vector<16xf32>
        %sub3A_508 = arith.constant 1.500000e+00 : f32
        %sub3A_509 = vector.broadcast %sub3A_508 : f32 to vector<16xf32>
        %sub3A_510 = arith.subf %sub3A_509, %mul3A_507 : vector<16xf32>
        %mul3A_511 = arith.mulf %mul3A_502, %sub3A_510 : vector<16xf32>
        %mul3A_512 = arith.constant 5.000000e-01 : f32
        %mul3A_513 = vector.broadcast %mul3A_512 : f32 to vector<16xf32>
        %mul3A_514 = arith.mulf %mul3A_513, %max3A_488 : vector<16xf32>
        %mul3A_515 = arith.mulf %mul3A_514, %mul3A_511 : vector<16xf32>
        %mul3A_516 = arith.mulf %mul3A_515, %mul3A_511 : vector<16xf32>
        %sub3A_517 = arith.constant 1.500000e+00 : f32
        %sub3A_518 = vector.broadcast %sub3A_517 : f32 to vector<16xf32>
        %sub3A_519 = arith.subf %sub3A_518, %mul3A_516 : vector<16xf32>
        %mul3A_520 = arith.mulf %mul3A_511, %sub3A_519 : vector<16xf32>
        %get3A_521 = arith.constant 0 : i32
        %get3A_522 = arith.index_cast %get3A_521 : i32 to index
        %get3A_523 = arith.index_cast %mul3A_38 : i32 to index
        %get3A_524 = tpu.vector_load %arg6[%get3A_522, %get3A_523] {strides = array<i32>} : memref<64x64xf32, #tpu.memory_space<vmem>>, vector<1x16xf32>,
        %get3A_525 = vector.shape_cast %get3A_524 : vector<1x16xf32> to vector<16xf32>
        %mul3A_526 = arith.mulf %get3A_525, %mul3A_520 : vector<16xf32>
        %swap3A = arith.constant 0 : i32
        %swap3A_527 = arith.index_cast %swap3A : i32 to index
        %swap3A_528 = arith.index_cast %mul3A_38 : i32 to index
        %swap3A_529 = tpu.vector_load %arg7[%swap3A_527, %swap3A_528] {strides = array<i32>} : memref<64x64xf32, #tpu.memory_space<vmem>>, vector<1x16xf32>,
        %swap3A_530 = vector.shape_cast %swap3A_529 : vector<1x16xf32> to vector<16xf32>
        %swap3A_531 = vector.shape_cast %mul3A_526 : vector<16xf32> to vector<1x16xf32>
        tpu.vector_store %arg7[%swap3A_527, %swap3A_528], %swap3A_531 {strides = array<i32>} : memref<64x64xf32, #tpu.memory_space<vmem>>, vector<1x16xf32>,
        %get3A_532 = arith.constant 1 : i32
        %get3A_533 = arith.index_cast %get3A_532 : i32 to index
        %get3A_534 = arith.index_cast %mul3A_38 : i32 to index
        %get3A_535 = tpu.vector_load %arg6[%get3A_533, %get3A_534] {strides = array<i32>} : memref<64x64xf32, #tpu.memory_space<vmem>>, vector<1x16xf32>,
        %get3A_536 = vector.shape_cast %get3A_535 : vector<1x16xf32> to vector<16xf32>
        %mul3A_537 = arith.mulf %get3A_536, %mul3A_520 : vector<16xf32>
        %swap3A_538 = arith.constant 1 : i32
        %swap3A_539 = arith.index_cast %swap3A_538 : i32 to index
        %swap3A_540 = arith.index_cast %mul3A_38 : i32 to index
        %swap3A_541 = tpu.vector_load %arg7[%swap3A_539, %swap3A_540] {strides = array<i32>} : memref<64x64xf32, #tpu.memory_space<vmem>>, vector<1x16xf32>,
        %swap3A_542 = vector.shape_cast %swap3A_541 : vector<1x16xf32> to vector<16xf32>
        %swap3A_543 = vector.shape_cast %mul3A_537 : vector<16xf32> to vector<1x16xf32>
        tpu.vector_store %arg7[%swap3A_539, %swap3A_540], %swap3A_543 {strides = array<i32>} : memref<64x64xf32, #tpu.memory_space<vmem>>, vector<1x16xf32>,
        %get3A_544 = arith.constant 2 : i32
        %get3A_545 = arith.index_cast %get3A_544 : i32 to index
        %get3A_546 = arith.index_cast %mul3A_38 : i32 to index
        %get3A_547 = tpu.vector_load %arg6[%get3A_545, %get3A_546] {strides = array<i32>} : memref<64x64xf32, #tpu.memory_space<vmem>>, vector<1x16xf32>,
        %get3A_548 = vector.shape_cast %get3A_547 : vector<1x16xf32> to vector<16xf32>
        %mul3A_549 = arith.mulf %get3A_548, %mul3A_520 : vector<16xf32>
        %swap3A_550 = arith.constant 2 : i32
        %swap3A_551 = arith.index_cast %swap3A_550 : i32 to index
        %swap3A_552 = arith.index_cast %mul3A_38 : i32 to index
        %swap3A_553 = tpu.vector_load %arg7[%swap3A_551, %swap3A_552] {strides = array<i32>} : memref<64x64xf32, #tpu.memory_space<vmem>>, vector<1x16xf32>,
        %swap3A_554 = vector.shape_cast %swap3A_553 : vector<1x16xf32> to vector<16xf32>
        %swap3A_555 = vector.shape_cast %mul3A_549 : vector<16xf32> to vector<1x16xf32>
        tpu.vector_store %arg7[%swap3A_551, %swap3A_552], %swap3A_555 {strides = array<i32>} : memref<64x64xf32, #tpu.memory_space<vmem>>, vector<1x16xf32>,
        %get3A_556 = arith.constant 3 : i32
        %get3A_557 = arith.index_cast %get3A_556 : i32 to index
        %get3A_558 = arith.index_cast %mul3A_38 : i32 to index
        %get3A_559 = tpu.vector_load %arg6[%get3A_557, %get3A_558] {strides = array<i32>} : memref<64x64xf32, #tpu.memory_space<vmem>>, vector<1x16xf32>,
        %get3A_560 = vector.shape_cast %get3A_559 : vector<1x16xf32> to vector<16xf32>
        %mul3A_561 = arith.mulf %get3A_560, %mul3A_520 : vector<16xf32>
        %swap3A_562 = arith.constant 3 : i32
        %swap3A_563 = arith.index_cast %swap3A_562 : i32 to index
        %swap3A_564 = arith.index_cast %mul3A_38 : i32 to index
        %swap3A_565 = tpu.vector_load %arg7[%swap3A_563, %swap3A_564] {strides = array<i32>} : memref<64x64xf32, #tpu.memory_space<vmem>>, vector<1x16xf32>,
        %swap3A_566 = vector.shape_cast %swap3A_565 : vector<1x16xf32> to vector<16xf32>
        %swap3A_567 = vector.shape_cast %mul3A_561 : vector<16xf32> to vector<1x16xf32>
        tpu.vector_store %arg7[%swap3A_563, %swap3A_564], %swap3A_567 {strides = array<i32>} : memref<64x64xf32, #tpu.memory_space<vmem>>, vector<1x16xf32>,
        %get3A_568 = arith.constant 4 : i32
        %get3A_569 = arith.index_cast %get3A_568 : i32 to index
        %get3A_570 = arith.index_cast %mul3A_38 : i32 to index
        %get3A_571 = tpu.vector_load %arg6[%get3A_569, %get3A_570] {strides = array<i32>} : memref<64x64xf32, #tpu.memory_space<vmem>>, vector<1x16xf32>,
        %get3A_572 = vector.shape_cast %get3A_571 : vector<1x16xf32> to vector<16xf32>
        %mul3A_573 = arith.mulf %get3A_572, %mul3A_520 : vector<16xf32>
        %swap3A_574 = arith.constant 4 : i32
        %swap3A_575 = arith.index_cast %swap3A_574 : i32 to index
        %swap3A_576 = arith.index_cast %mul3A_38 : i32 to index
        %swap3A_577 = tpu.vector_load %arg7[%swap3A_575, %swap3A_576] {strides = array<i32>} : memref<64x64xf32, #tpu.memory_space<vmem>>, vector<1x16xf32>,
        %swap3A_578 = vector.shape_cast %swap3A_577 : vector<1x16xf32> to vector<16xf32>
        %swap3A_579 = vector.shape_cast %mul3A_573 : vector<16xf32> to vector<1x16xf32>
        tpu.vector_store %arg7[%swap3A_575, %swap3A_576], %swap3A_579 {strides = array<i32>} : memref<64x64xf32, #tpu.memory_space<vmem>>, vector<1x16xf32>,
        %get3A_580 = arith.constant 5 : i32
        %get3A_581 = arith.index_cast %get3A_580 : i32 to index
        %get3A_582 = arith.index_cast %mul3A_38 : i32 to index
        %get3A_583 = tpu.vector_load %arg6[%get3A_581, %get3A_582] {strides = array<i32>} : memref<64x64xf32, #tpu.memory_space<vmem>>, vector<1x16xf32>,
        %get3A_584 = vector.shape_cast %get3A_583 : vector<1x16xf32> to vector<16xf32>
        %mul3A_585 = arith.mulf %get3A_584, %mul3A_520 : vector<16xf32>
        %swap3A_586 = arith.constant 5 : i32
        %swap3A_587 = arith.index_cast %swap3A_586 : i32 to index
        %swap3A_588 = arith.index_cast %mul3A_38 : i32 to index
        %swap3A_589 = tpu.vector_load %arg7[%swap3A_587, %swap3A_588] {strides = array<i32>} : memref<64x64xf32, #tpu.memory_space<vmem>>, vector<1x16xf32>,
        %swap3A_590 = vector.shape_cast %swap3A_589 : vector<1x16xf32> to vector<16xf32>
        %swap3A_591 = vector.shape_cast %mul3A_585 : vector<16xf32> to vector<1x16xf32>
        tpu.vector_store %arg7[%swap3A_587, %swap3A_588], %swap3A_591 {strides = array<i32>} : memref<64x64xf32, #tpu.memory_space<vmem>>, vector<1x16xf32>,
        %get3A_592 = arith.constant 6 : i32
        %get3A_593 = arith.index_cast %get3A_592 : i32 to index
        %get3A_594 = arith.index_cast %mul3A_38 : i32 to index
        %get3A_595 = tpu.vector_load %arg6[%get3A_593, %get3A_594] {strides = array<i32>} : memref<64x64xf32, #tpu.memory_space<vmem>>, vector<1x16xf32>,
        %get3A_596 = vector.shape_cast %get3A_595 : vector<1x16xf32> to vector<16xf32>
        %mul3A_597 = arith.mulf %get3A_596, %mul3A_520 : vector<16xf32>
        %swap3A_598 = arith.constant 6 : i32
        %swap3A_599 = arith.index_cast %swap3A_598 : i32 to index
        %swap3A_600 = arith.index_cast %mul3A_38 : i32 to index
        %swap3A_601 = tpu.vector_load %arg7[%swap3A_599, %swap3A_600] {strides = array<i32>} : memref<64x64xf32, #tpu.memory_space<vmem>>, vector<1x16xf32>,
        %swap3A_602 = vector.shape_cast %swap3A_601 : vector<1x16xf32> to vector<16xf32>
        %swap3A_603 = vector.shape_cast %mul3A_597 : vector<16xf32> to vector<1x16xf32>
        tpu.vector_store %arg7[%swap3A_599, %swap3A_600], %swap3A_603 {strides = array<i32>} : memref<64x64xf32, #tpu.memory_space<vmem>>, vector<1x16xf32>,
        %get3A_604 = arith.constant 7 : i32
        %get3A_605 = arith.index_cast %get3A_604 : i32 to index
        %get3A_606 = arith.index_cast %mul3A_38 : i32 to index
        %get3A_607 = tpu.vector_load %arg6[%get3A_605, %get3A_606] {strides = array<i32>} : memref<64x64xf32, #tpu.memory_space<vmem>>, vector<1x16xf32>,
        %get3A_608 = vector.shape_cast %get3A_607 : vector<1x16xf32> to vector<16xf32>
        %mul3A_609 = arith.mulf %get3A_608, %mul3A_520 : vector<16xf32>
        %swap3A_610 = arith.constant 7 : i32
        %swap3A_611 = arith.index_cast %swap3A_610 : i32 to index
        %swap3A_612 = arith.index_cast %mul3A_38 : i32 to index
        %swap3A_613 = tpu.vector_load %arg7[%swap3A_611, %swap3A_612] {strides = array<i32>} : memref<64x64xf32, #tpu.memory_space<vmem>>, vector<1x16xf32>,
        %swap3A_614 = vector.shape_cast %swap3A_613 : vector<1x16xf32> to vector<16xf32>
        %swap3A_615 = vector.shape_cast %mul3A_609 : vector<16xf32> to vector<1x16xf32>
        tpu.vector_store %arg7[%swap3A_611, %swap3A_612], %swap3A_615 {strides = array<i32>} : memref<64x64xf32, #tpu.memory_space<vmem>>, vector<1x16xf32>,
        %get3A_616 = arith.constant 8 : i32
        %get3A_617 = arith.index_cast %get3A_616 : i32 to index
        %get3A_618 = arith.index_cast %mul3A_38 : i32 to index
        %get3A_619 = tpu.vector_load %arg6[%get3A_617, %get3A_618] {strides = array<i32>} : memref<64x64xf32, #tpu.memory_space<vmem>>, vector<1x16xf32>,
        %get3A_620 = vector.shape_cast %get3A_619 : vector<1x16xf32> to vector<16xf32>
        %mul3A_621 = arith.mulf %get3A_620, %mul3A_520 : vector<16xf32>
        %swap3A_622 = arith.constant 8 : i32
        %swap3A_623 = arith.index_cast %swap3A_622 : i32 to index
        %swap3A_624 = arith.index_cast %mul3A_38 : i32 to index
        %swap3A_625 = tpu.vector_load %arg7[%swap3A_623, %swap3A_624] {strides = array<i32>} : memref<64x64xf32, #tpu.memory_space<vmem>>, vector<1x16xf32>,
        %swap3A_626 = vector.shape_cast %swap3A_625 : vector<1x16xf32> to vector<16xf32>
        %swap3A_627 = vector.shape_cast %mul3A_621 : vector<16xf32> to vector<1x16xf32>
        tpu.vector_store %arg7[%swap3A_623, %swap3A_624], %swap3A_627 {strides = array<i32>} : memref<64x64xf32, #tpu.memory_space<vmem>>, vector<1x16xf32>,
        %get3A_628 = arith.constant 9 : i32
        %get3A_629 = arith.index_cast %get3A_628 : i32 to index
        %get3A_630 = arith.index_cast %mul3A_38 : i32 to index
        %get3A_631 = tpu.vector_load %arg6[%get3A_629, %get3A_630] {strides = array<i32>} : memref<64x64xf32, #tpu.memory_space<vmem>>, vector<1x16xf32>,
        %get3A_632 = vector.shape_cast %get3A_631 : vector<1x16xf32> to vector<16xf32>
        %mul3A_633 = arith.mulf %get3A_632, %mul3A_520 : vector<16xf32>
        %swap3A_634 = arith.constant 9 : i32
        %swap3A_635 = arith.index_cast %swap3A_634 : i32 to index
        %swap3A_636 = arith.index_cast %mul3A_38 : i32 to index
        %swap3A_637 = tpu.vector_load %arg7[%swap3A_635, %swap3A_636] {strides = array<i32>} : memref<64x64xf32, #tpu.memory_space<vmem>>, vector<1x16xf32>,
        %swap3A_638 = vector.shape_cast %swap3A_637 : vector<1x16xf32> to vector<16xf32>
        %swap3A_639 = vector.shape_cast %mul3A_633 : vector<16xf32> to vector<1x16xf32>
        tpu.vector_store %arg7[%swap3A_635, %swap3A_636], %swap3A_639 {strides = array<i32>} : memref<64x64xf32, #tpu.memory_space<vmem>>, vector<1x16xf32>,
        %get3A_640 = arith.constant 10 : i32
        %get3A_641 = arith.index_cast %get3A_640 : i32 to index
        %get3A_642 = arith.index_cast %mul3A_38 : i32 to index
        %get3A_643 = tpu.vector_load %arg6[%get3A_641, %get3A_642] {strides = array<i32>} : memref<64x64xf32, #tpu.memory_space<vmem>>, vector<1x16xf32>,
        %get3A_644 = vector.shape_cast %get3A_643 : vector<1x16xf32> to vector<16xf32>
        %mul3A_645 = arith.mulf %get3A_644, %mul3A_520 : vector<16xf32>
        %swap3A_646 = arith.constant 10 : i32
        %swap3A_647 = arith.index_cast %swap3A_646 : i32 to index
        %swap3A_648 = arith.index_cast %mul3A_38 : i32 to index
        %swap3A_649 = tpu.vector_load %arg7[%swap3A_647, %swap3A_648] {strides = array<i32>} : memref<64x64xf32, #tpu.memory_space<vmem>>, vector<1x16xf32>,
        %swap3A_650 = vector.shape_cast %swap3A_649 : vector<1x16xf32> to vector<16xf32>
        %swap3A_651 = vector.shape_cast %mul3A_645 : vector<16xf32> to vector<1x16xf32>
        tpu.vector_store %arg7[%swap3A_647, %swap3A_648], %swap3A_651 {strides = array<i32>} : memref<64x64xf32, #tpu.memory_space<vmem>>, vector<1x16xf32>,
        %get3A_652 = arith.constant 11 : i32
        %get3A_653 = arith.index_cast %get3A_652 : i32 to index
        %get3A_654 = arith.index_cast %mul3A_38 : i32 to index
        %get3A_655 = tpu.vector_load %arg6[%get3A_653, %get3A_654] {strides = array<i32>} : memref<64x64xf32, #tpu.memory_space<vmem>>, vector<1x16xf32>,
        %get3A_656 = vector.shape_cast %get3A_655 : vector<1x16xf32> to vector<16xf32>
        %mul3A_657 = arith.mulf %get3A_656, %mul3A_520 : vector<16xf32>
        %swap3A_658 = arith.constant 11 : i32
        %swap3A_659 = arith.index_cast %swap3A_658 : i32 to index
        %swap3A_660 = arith.index_cast %mul3A_38 : i32 to index
        %swap3A_661 = tpu.vector_load %arg7[%swap3A_659, %swap3A_660] {strides = array<i32>} : memref<64x64xf32, #tpu.memory_space<vmem>>, vector<1x16xf32>,
        %swap3A_662 = vector.shape_cast %swap3A_661 : vector<1x16xf32> to vector<16xf32>
        %swap3A_663 = vector.shape_cast %mul3A_657 : vector<16xf32> to vector<1x16xf32>
        tpu.vector_store %arg7[%swap3A_659, %swap3A_660], %swap3A_663 {strides = array<i32>} : memref<64x64xf32, #tpu.memory_space<vmem>>, vector<1x16xf32>,
        %get3A_664 = arith.constant 12 : i32
        %get3A_665 = arith.index_cast %get3A_664 : i32 to index
        %get3A_666 = arith.index_cast %mul3A_38 : i32 to index
        %get3A_667 = tpu.vector_load %arg6[%get3A_665, %get3A_666] {strides = array<i32>} : memref<64x64xf32, #tpu.memory_space<vmem>>, vector<1x16xf32>,
        %get3A_668 = vector.shape_cast %get3A_667 : vector<1x16xf32> to vector<16xf32>
        %mul3A_669 = arith.mulf %get3A_668, %mul3A_520 : vector<16xf32>
        %swap3A_670 = arith.constant 12 : i32
        %swap3A_671 = arith.index_cast %swap3A_670 : i32 to index
        %swap3A_672 = arith.index_cast %mul3A_38 : i32 to index
        %swap3A_673 = tpu.vector_load %arg7[%swap3A_671, %swap3A_672] {strides = array<i32>} : memref<64x64xf32, #tpu.memory_space<vmem>>, vector<1x16xf32>,
        %swap3A_674 = vector.shape_cast %swap3A_673 : vector<1x16xf32> to vector<16xf32>
        %swap3A_675 = vector.shape_cast %mul3A_669 : vector<16xf32> to vector<1x16xf32>
        tpu.vector_store %arg7[%swap3A_671, %swap3A_672], %swap3A_675 {strides = array<i32>} : memref<64x64xf32, #tpu.memory_space<vmem>>, vector<1x16xf32>,
        %get3A_676 = arith.constant 13 : i32
        %get3A_677 = arith.index_cast %get3A_676 : i32 to index
        %get3A_678 = arith.index_cast %mul3A_38 : i32 to index
        %get3A_679 = tpu.vector_load %arg6[%get3A_677, %get3A_678] {strides = array<i32>} : memref<64x64xf32, #tpu.memory_space<vmem>>, vector<1x16xf32>,
        %get3A_680 = vector.shape_cast %get3A_679 : vector<1x16xf32> to vector<16xf32>
        %mul3A_681 = arith.mulf %get3A_680, %mul3A_520 : vector<16xf32>
        %swap3A_682 = arith.constant 13 : i32
        %swap3A_683 = arith.index_cast %swap3A_682 : i32 to index
        %swap3A_684 = arith.index_cast %mul3A_38 : i32 to index
        %swap3A_685 = tpu.vector_load %arg7[%swap3A_683, %swap3A_684] {strides = array<i32>} : memref<64x64xf32, #tpu.memory_space<vmem>>, vector<1x16xf32>,
        %swap3A_686 = vector.shape_cast %swap3A_685 : vector<1x16xf32> to vector<16xf32>
        %swap3A_687 = vector.shape_cast %mul3A_681 : vector<16xf32> to vector<1x16xf32>
        tpu.vector_store %arg7[%swap3A_683, %swap3A_684], %swap3A_687 {strides = array<i32>} : memref<64x64xf32, #tpu.memory_space<vmem>>, vector<1x16xf32>,
        %get3A_688 = arith.constant 14 : i32
        %get3A_689 = arith.index_cast %get3A_688 : i32 to index
        %get3A_690 = arith.index_cast %mul3A_38 : i32 to index
        %get3A_691 = tpu.vector_load %arg6[%get3A_689, %get3A_690] {strides = array<i32>} : memref<64x64xf32, #tpu.memory_space<vmem>>, vector<1x16xf32>,
        %get3A_692 = vector.shape_cast %get3A_691 : vector<1x16xf32> to vector<16xf32>
        %mul3A_693 = arith.mulf %get3A_692, %mul3A_520 : vector<16xf32>
        %swap3A_694 = arith.constant 14 : i32
        %swap3A_695 = arith.index_cast %swap3A_694 : i32 to index
        %swap3A_696 = arith.index_cast %mul3A_38 : i32 to index
        %swap3A_697 = tpu.vector_load %arg7[%swap3A_695, %swap3A_696] {strides = array<i32>} : memref<64x64xf32, #tpu.memory_space<vmem>>, vector<1x16xf32>,
        %swap3A_698 = vector.shape_cast %swap3A_697 : vector<1x16xf32> to vector<16xf32>
        %swap3A_699 = vector.shape_cast %mul3A_693 : vector<16xf32> to vector<1x16xf32>
        tpu.vector_store %arg7[%swap3A_695, %swap3A_696], %swap3A_699 {strides = array<i32>} : memref<64x64xf32, #tpu.memory_space<vmem>>, vector<1x16xf32>,
        %get3A_700 = arith.constant 15 : i32
        %get3A_701 = arith.index_cast %get3A_700 : i32 to index
        %get3A_702 = arith.index_cast %mul3A_38 : i32 to index
        %get3A_703 = tpu.vector_load %arg6[%get3A_701, %get3A_702] {strides = array<i32>} : memref<64x64xf32, #tpu.memory_space<vmem>>, vector<1x16xf32>,
        %get3A_704 = vector.shape_cast %get3A_703 : vector<1x16xf32> to vector<16xf32>
        %mul3A_705 = arith.mulf %get3A_704, %mul3A_520 : vector<16xf32>
        %swap3A_706 = arith.constant 15 : i32
        %swap3A_707 = arith.index_cast %swap3A_706 : i32 to index
        %swap3A_708 = arith.index_cast %mul3A_38 : i32 to index
        %swap3A_709 = tpu.vector_load %arg7[%swap3A_707, %swap3A_708] {strides = array<i32>} : memref<64x64xf32, #tpu.memory_space<vmem>>, vector<1x16xf32>,
        %swap3A_710 = vector.shape_cast %swap3A_709 : vector<1x16xf32> to vector<16xf32>
        %swap3A_711 = vector.shape_cast %mul3A_705 : vector<16xf32> to vector<1x16xf32>
        tpu.vector_store %arg7[%swap3A_707, %swap3A_708], %swap3A_711 {strides = array<i32>} : memref<64x64xf32, #tpu.memory_space<vmem>>, vector<1x16xf32>,
        %get3A_712 = arith.constant 16 : i32
        %get3A_713 = arith.index_cast %get3A_712 : i32 to index
        %get3A_714 = arith.index_cast %mul3A_38 : i32 to index
        %get3A_715 = tpu.vector_load %arg6[%get3A_713, %get3A_714] {strides = array<i32>} : memref<64x64xf32, #tpu.memory_space<vmem>>, vector<1x16xf32>,
        %get3A_716 = vector.shape_cast %get3A_715 : vector<1x16xf32> to vector<16xf32>
        %mul3A_717 = arith.mulf %get3A_716, %mul3A_520 : vector<16xf32>
        %swap3A_718 = arith.constant 16 : i32
        %swap3A_719 = arith.index_cast %swap3A_718 : i32 to index
        %swap3A_720 = arith.index_cast %mul3A_38 : i32 to index
        %swap3A_721 = tpu.vector_load %arg7[%swap3A_719, %swap3A_720] {strides = array<i32>} : memref<64x64xf32, #tpu.memory_space<vmem>>, vector<1x16xf32>,
        %swap3A_722 = vector.shape_cast %swap3A_721 : vector<1x16xf32> to vector<16xf32>
        %swap3A_723 = vector.shape_cast %mul3A_717 : vector<16xf32> to vector<1x16xf32>
        tpu.vector_store %arg7[%swap3A_719, %swap3A_720], %swap3A_723 {strides = array<i32>} : memref<64x64xf32, #tpu.memory_space<vmem>>, vector<1x16xf32>,
        %get3A_724 = arith.constant 17 : i32
        %get3A_725 = arith.index_cast %get3A_724 : i32 to index
        %get3A_726 = arith.index_cast %mul3A_38 : i32 to index
        %get3A_727 = tpu.vector_load %arg6[%get3A_725, %get3A_726] {strides = array<i32>} : memref<64x64xf32, #tpu.memory_space<vmem>>, vector<1x16xf32>,
        %get3A_728 = vector.shape_cast %get3A_727 : vector<1x16xf32> to vector<16xf32>
        %mul3A_729 = arith.mulf %get3A_728, %mul3A_520 : vector<16xf32>
        %swap3A_730 = arith.constant 17 : i32
        %swap3A_731 = arith.index_cast %swap3A_730 : i32 to index
        %swap3A_732 = arith.index_cast %mul3A_38 : i32 to index
        %swap3A_733 = tpu.vector_load %arg7[%swap3A_731, %swap3A_732] {strides = array<i32>} : memref<64x64xf32, #tpu.memory_space<vmem>>, vector<1x16xf32>,
        %swap3A_734 = vector.shape_cast %swap3A_733 : vector<1x16xf32> to vector<16xf32>
        %swap3A_735 = vector.shape_cast %mul3A_729 : vector<16xf32> to vector<1x16xf32>
        tpu.vector_store %arg7[%swap3A_731, %swap3A_732], %swap3A_735 {strides = array<i32>} : memref<64x64xf32, #tpu.memory_space<vmem>>, vector<1x16xf32>,
        %get3A_736 = arith.constant 18 : i32
        %get3A_737 = arith.index_cast %get3A_736 : i32 to index
        %get3A_738 = arith.index_cast %mul3A_38 : i32 to index
        %get3A_739 = tpu.vector_load %arg6[%get3A_737, %get3A_738] {strides = array<i32>} : memref<64x64xf32, #tpu.memory_space<vmem>>, vector<1x16xf32>,
        %get3A_740 = vector.shape_cast %get3A_739 : vector<1x16xf32> to vector<16xf32>
        %mul3A_741 = arith.mulf %get3A_740, %mul3A_520 : vector<16xf32>
        %swap3A_742 = arith.constant 18 : i32
        %swap3A_743 = arith.index_cast %swap3A_742 : i32 to index
        %swap3A_744 = arith.index_cast %mul3A_38 : i32 to index
        %swap3A_745 = tpu.vector_load %arg7[%swap3A_743, %swap3A_744] {strides = array<i32>} : memref<64x64xf32, #tpu.memory_space<vmem>>, vector<1x16xf32>,
        %swap3A_746 = vector.shape_cast %swap3A_745 : vector<1x16xf32> to vector<16xf32>
        %swap3A_747 = vector.shape_cast %mul3A_741 : vector<16xf32> to vector<1x16xf32>
        tpu.vector_store %arg7[%swap3A_743, %swap3A_744], %swap3A_747 {strides = array<i32>} : memref<64x64xf32, #tpu.memory_space<vmem>>, vector<1x16xf32>,
        %get3A_748 = arith.constant 19 : i32
        %get3A_749 = arith.index_cast %get3A_748 : i32 to index
        %get3A_750 = arith.index_cast %mul3A_38 : i32 to index
        %get3A_751 = tpu.vector_load %arg6[%get3A_749, %get3A_750] {strides = array<i32>} : memref<64x64xf32, #tpu.memory_space<vmem>>, vector<1x16xf32>,
        %get3A_752 = vector.shape_cast %get3A_751 : vector<1x16xf32> to vector<16xf32>
        %mul3A_753 = arith.mulf %get3A_752, %mul3A_520 : vector<16xf32>
        %swap3A_754 = arith.constant 19 : i32
        %swap3A_755 = arith.index_cast %swap3A_754 : i32 to index
        %swap3A_756 = arith.index_cast %mul3A_38 : i32 to index
        %swap3A_757 = tpu.vector_load %arg7[%swap3A_755, %swap3A_756] {strides = array<i32>} : memref<64x64xf32, #tpu.memory_space<vmem>>, vector<1x16xf32>,
        %swap3A_758 = vector.shape_cast %swap3A_757 : vector<1x16xf32> to vector<16xf32>
        %swap3A_759 = vector.shape_cast %mul3A_753 : vector<16xf32> to vector<1x16xf32>
        tpu.vector_store %arg7[%swap3A_755, %swap3A_756], %swap3A_759 {strides = array<i32>} : memref<64x64xf32, #tpu.memory_space<vmem>>, vector<1x16xf32>,
        %get3A_760 = arith.constant 20 : i32
        %get3A_761 = arith.index_cast %get3A_760 : i32 to index
        %get3A_762 = arith.index_cast %mul3A_38 : i32 to index
        %get3A_763 = tpu.vector_load %arg6[%get3A_761, %get3A_762] {strides = array<i32>} : memref<64x64xf32, #tpu.memory_space<vmem>>, vector<1x16xf32>,
        %get3A_764 = vector.shape_cast %get3A_763 : vector<1x16xf32> to vector<16xf32>
        %mul3A_765 = arith.mulf %get3A_764, %mul3A_520 : vector<16xf32>
        %swap3A_766 = arith.constant 20 : i32
        %swap3A_767 = arith.index_cast %swap3A_766 : i32 to index
        %swap3A_768 = arith.index_cast %mul3A_38 : i32 to index
        %swap3A_769 = tpu.vector_load %arg7[%swap3A_767, %swap3A_768] {strides = array<i32>} : memref<64x64xf32, #tpu.memory_space<vmem>>, vector<1x16xf32>,
        %swap3A_770 = vector.shape_cast %swap3A_769 : vector<1x16xf32> to vector<16xf32>
        %swap3A_771 = vector.shape_cast %mul3A_765 : vector<16xf32> to vector<1x16xf32>
        tpu.vector_store %arg7[%swap3A_767, %swap3A_768], %swap3A_771 {strides = array<i32>} : memref<64x64xf32, #tpu.memory_space<vmem>>, vector<1x16xf32>,
        %get3A_772 = arith.constant 21 : i32
        %get3A_773 = arith.index_cast %get3A_772 : i32 to index
        %get3A_774 = arith.index_cast %mul3A_38 : i32 to index
        %get3A_775 = tpu.vector_load %arg6[%get3A_773, %get3A_774] {strides = array<i32>} : memref<64x64xf32, #tpu.memory_space<vmem>>, vector<1x16xf32>,
        %get3A_776 = vector.shape_cast %get3A_775 : vector<1x16xf32> to vector<16xf32>
        %mul3A_777 = arith.mulf %get3A_776, %mul3A_520 : vector<16xf32>
        %swap3A_778 = arith.constant 21 : i32
        %swap3A_779 = arith.index_cast %swap3A_778 : i32 to index
        %swap3A_780 = arith.index_cast %mul3A_38 : i32 to index
        %swap3A_781 = tpu.vector_load %arg7[%swap3A_779, %swap3A_780] {strides = array<i32>} : memref<64x64xf32, #tpu.memory_space<vmem>>, vector<1x16xf32>,
        %swap3A_782 = vector.shape_cast %swap3A_781 : vector<1x16xf32> to vector<16xf32>
        %swap3A_783 = vector.shape_cast %mul3A_777 : vector<16xf32> to vector<1x16xf32>
        tpu.vector_store %arg7[%swap3A_779, %swap3A_780], %swap3A_783 {strides = array<i32>} : memref<64x64xf32, #tpu.memory_space<vmem>>, vector<1x16xf32>,
        %get3A_784 = arith.constant 22 : i32
        %get3A_785 = arith.index_cast %get3A_784 : i32 to index
        %get3A_786 = arith.index_cast %mul3A_38 : i32 to index
        %get3A_787 = tpu.vector_load %arg6[%get3A_785, %get3A_786] {strides = array<i32>} : memref<64x64xf32, #tpu.memory_space<vmem>>, vector<1x16xf32>,
        %get3A_788 = vector.shape_cast %get3A_787 : vector<1x16xf32> to vector<16xf32>
        %mul3A_789 = arith.mulf %get3A_788, %mul3A_520 : vector<16xf32>
        %swap3A_790 = arith.constant 22 : i32
        %swap3A_791 = arith.index_cast %swap3A_790 : i32 to index
        %swap3A_792 = arith.index_cast %mul3A_38 : i32 to index
        %swap3A_793 = tpu.vector_load %arg7[%swap3A_791, %swap3A_792] {strides = array<i32>} : memref<64x64xf32, #tpu.memory_space<vmem>>, vector<1x16xf32>,
        %swap3A_794 = vector.shape_cast %swap3A_793 : vector<1x16xf32> to vector<16xf32>
        %swap3A_795 = vector.shape_cast %mul3A_789 : vector<16xf32> to vector<1x16xf32>
        tpu.vector_store %arg7[%swap3A_791, %swap3A_792], %swap3A_795 {strides = array<i32>} : memref<64x64xf32, #tpu.memory_space<vmem>>, vector<1x16xf32>,
        %get3A_796 = arith.constant 23 : i32
        %get3A_797 = arith.index_cast %get3A_796 : i32 to index
        %get3A_798 = arith.index_cast %mul3A_38 : i32 to index
        %get3A_799 = tpu.vector_load %arg6[%get3A_797, %get3A_798] {strides = array<i32>} : memref<64x64xf32, #tpu.memory_space<vmem>>, vector<1x16xf32>,
        %get3A_800 = vector.shape_cast %get3A_799 : vector<1x16xf32> to vector<16xf32>
        %mul3A_801 = arith.mulf %get3A_800, %mul3A_520 : vector<16xf32>
        %swap3A_802 = arith.constant 23 : i32
        %swap3A_803 = arith.index_cast %swap3A_802 : i32 to index
        %swap3A_804 = arith.index_cast %mul3A_38 : i32 to index
        %swap3A_805 = tpu.vector_load %arg7[%swap3A_803, %swap3A_804] {strides = array<i32>} : memref<64x64xf32, #tpu.memory_space<vmem>>, vector<1x16xf32>,
        %swap3A_806 = vector.shape_cast %swap3A_805 : vector<1x16xf32> to vector<16xf32>
        %swap3A_807 = vector.shape_cast %mul3A_801 : vector<16xf32> to vector<1x16xf32>
        tpu.vector_store %arg7[%swap3A_803, %swap3A_804], %swap3A_807 {strides = array<i32>} : memref<64x64xf32, #tpu.memory_space<vmem>>, vector<1x16xf32>,
        %get3A_808 = arith.constant 24 : i32
        %get3A_809 = arith.index_cast %get3A_808 : i32 to index
        %get3A_810 = arith.index_cast %mul3A_38 : i32 to index
        %get3A_811 = tpu.vector_load %arg6[%get3A_809, %get3A_810] {strides = array<i32>} : memref<64x64xf32, #tpu.memory_space<vmem>>, vector<1x16xf32>,
        %get3A_812 = vector.shape_cast %get3A_811 : vector<1x16xf32> to vector<16xf32>
        %mul3A_813 = arith.mulf %get3A_812, %mul3A_520 : vector<16xf32>
        %swap3A_814 = arith.constant 24 : i32
        %swap3A_815 = arith.index_cast %swap3A_814 : i32 to index
        %swap3A_816 = arith.index_cast %mul3A_38 : i32 to index
        %swap3A_817 = tpu.vector_load %arg7[%swap3A_815, %swap3A_816] {strides = array<i32>} : memref<64x64xf32, #tpu.memory_space<vmem>>, vector<1x16xf32>,
        %swap3A_818 = vector.shape_cast %swap3A_817 : vector<1x16xf32> to vector<16xf32>
        %swap3A_819 = vector.shape_cast %mul3A_813 : vector<16xf32> to vector<1x16xf32>
        tpu.vector_store %arg7[%swap3A_815, %swap3A_816], %swap3A_819 {strides = array<i32>} : memref<64x64xf32, #tpu.memory_space<vmem>>, vector<1x16xf32>,
        %get3A_820 = arith.constant 25 : i32
        %get3A_821 = arith.index_cast %get3A_820 : i32 to index
        %get3A_822 = arith.index_cast %mul3A_38 : i32 to index
        %get3A_823 = tpu.vector_load %arg6[%get3A_821, %get3A_822] {strides = array<i32>} : memref<64x64xf32, #tpu.memory_space<vmem>>, vector<1x16xf32>,
        %get3A_824 = vector.shape_cast %get3A_823 : vector<1x16xf32> to vector<16xf32>
        %mul3A_825 = arith.mulf %get3A_824, %mul3A_520 : vector<16xf32>
        %swap3A_826 = arith.constant 25 : i32
        %swap3A_827 = arith.index_cast %swap3A_826 : i32 to index
        %swap3A_828 = arith.index_cast %mul3A_38 : i32 to index
        %swap3A_829 = tpu.vector_load %arg7[%swap3A_827, %swap3A_828] {strides = array<i32>} : memref<64x64xf32, #tpu.memory_space<vmem>>, vector<1x16xf32>,
        %swap3A_830 = vector.shape_cast %swap3A_829 : vector<1x16xf32> to vector<16xf32>
        %swap3A_831 = vector.shape_cast %mul3A_825 : vector<16xf32> to vector<1x16xf32>
        tpu.vector_store %arg7[%swap3A_827, %swap3A_828], %swap3A_831 {strides = array<i32>} : memref<64x64xf32, #tpu.memory_space<vmem>>, vector<1x16xf32>,
        %get3A_832 = arith.constant 26 : i32
        %get3A_833 = arith.index_cast %get3A_832 : i32 to index
        %get3A_834 = arith.index_cast %mul3A_38 : i32 to index
        %get3A_835 = tpu.vector_load %arg6[%get3A_833, %get3A_834] {strides = array<i32>} : memref<64x64xf32, #tpu.memory_space<vmem>>, vector<1x16xf32>,
        %get3A_836 = vector.shape_cast %get3A_835 : vector<1x16xf32> to vector<16xf32>
        %mul3A_837 = arith.mulf %get3A_836, %mul3A_520 : vector<16xf32>
        %swap3A_838 = arith.constant 26 : i32
        %swap3A_839 = arith.index_cast %swap3A_838 : i32 to index
        %swap3A_840 = arith.index_cast %mul3A_38 : i32 to index
        %swap3A_841 = tpu.vector_load %arg7[%swap3A_839, %swap3A_840] {strides = array<i32>} : memref<64x64xf32, #tpu.memory_space<vmem>>, vector<1x16xf32>,
        %swap3A_842 = vector.shape_cast %swap3A_841 : vector<1x16xf32> to vector<16xf32>
        %swap3A_843 = vector.shape_cast %mul3A_837 : vector<16xf32> to vector<1x16xf32>
        tpu.vector_store %arg7[%swap3A_839, %swap3A_840], %swap3A_843 {strides = array<i32>} : memref<64x64xf32, #tpu.memory_space<vmem>>, vector<1x16xf32>,
        %get3A_844 = arith.constant 27 : i32
        %get3A_845 = arith.index_cast %get3A_844 : i32 to index
        %get3A_846 = arith.index_cast %mul3A_38 : i32 to index
        %get3A_847 = tpu.vector_load %arg6[%get3A_845, %get3A_846] {strides = array<i32>} : memref<64x64xf32, #tpu.memory_space<vmem>>, vector<1x16xf32>,
        %get3A_848 = vector.shape_cast %get3A_847 : vector<1x16xf32> to vector<16xf32>
        %mul3A_849 = arith.mulf %get3A_848, %mul3A_520 : vector<16xf32>
        %swap3A_850 = arith.constant 27 : i32
        %swap3A_851 = arith.index_cast %swap3A_850 : i32 to index
        %swap3A_852 = arith.index_cast %mul3A_38 : i32 to index
        %swap3A_853 = tpu.vector_load %arg7[%swap3A_851, %swap3A_852] {strides = array<i32>} : memref<64x64xf32, #tpu.memory_space<vmem>>, vector<1x16xf32>,
        %swap3A_854 = vector.shape_cast %swap3A_853 : vector<1x16xf32> to vector<16xf32>
        %swap3A_855 = vector.shape_cast %mul3A_849 : vector<16xf32> to vector<1x16xf32>
        tpu.vector_store %arg7[%swap3A_851, %swap3A_852], %swap3A_855 {strides = array<i32>} : memref<64x64xf32, #tpu.memory_space<vmem>>, vector<1x16xf32>,
        %get3A_856 = arith.constant 28 : i32
        %get3A_857 = arith.index_cast %get3A_856 : i32 to index
        %get3A_858 = arith.index_cast %mul3A_38 : i32 to index
        %get3A_859 = tpu.vector_load %arg6[%get3A_857, %get3A_858] {strides = array<i32>} : memref<64x64xf32, #tpu.memory_space<vmem>>, vector<1x16xf32>,
        %get3A_860 = vector.shape_cast %get3A_859 : vector<1x16xf32> to vector<16xf32>
        %mul3A_861 = arith.mulf %get3A_860, %mul3A_520 : vector<16xf32>
        %swap3A_862 = arith.constant 28 : i32
        %swap3A_863 = arith.index_cast %swap3A_862 : i32 to index
        %swap3A_864 = arith.index_cast %mul3A_38 : i32 to index
        %swap3A_865 = tpu.vector_load %arg7[%swap3A_863, %swap3A_864] {strides = array<i32>} : memref<64x64xf32, #tpu.memory_space<vmem>>, vector<1x16xf32>,
        %swap3A_866 = vector.shape_cast %swap3A_865 : vector<1x16xf32> to vector<16xf32>
        %swap3A_867 = vector.shape_cast %mul3A_861 : vector<16xf32> to vector<1x16xf32>
        tpu.vector_store %arg7[%swap3A_863, %swap3A_864], %swap3A_867 {strides = array<i32>} : memref<64x64xf32, #tpu.memory_space<vmem>>, vector<1x16xf32>,
        %get3A_868 = arith.constant 29 : i32
        %get3A_869 = arith.index_cast %get3A_868 : i32 to index
        %get3A_870 = arith.index_cast %mul3A_38 : i32 to index
        %get3A_871 = tpu.vector_load %arg6[%get3A_869, %get3A_870] {strides = array<i32>} : memref<64x64xf32, #tpu.memory_space<vmem>>, vector<1x16xf32>,
        %get3A_872 = vector.shape_cast %get3A_871 : vector<1x16xf32> to vector<16xf32>
        %mul3A_873 = arith.mulf %get3A_872, %mul3A_520 : vector<16xf32>
        %swap3A_874 = arith.constant 29 : i32
        %swap3A_875 = arith.index_cast %swap3A_874 : i32 to index
        %swap3A_876 = arith.index_cast %mul3A_38 : i32 to index
        %swap3A_877 = tpu.vector_load %arg7[%swap3A_875, %swap3A_876] {strides = array<i32>} : memref<64x64xf32, #tpu.memory_space<vmem>>, vector<1x16xf32>,
        %swap3A_878 = vector.shape_cast %swap3A_877 : vector<1x16xf32> to vector<16xf32>
        %swap3A_879 = vector.shape_cast %mul3A_873 : vector<16xf32> to vector<1x16xf32>
        tpu.vector_store %arg7[%swap3A_875, %swap3A_876], %swap3A_879 {strides = array<i32>} : memref<64x64xf32, #tpu.memory_space<vmem>>, vector<1x16xf32>,
        %get3A_880 = arith.constant 30 : i32
        %get3A_881 = arith.index_cast %get3A_880 : i32 to index
        %get3A_882 = arith.index_cast %mul3A_38 : i32 to index
        %get3A_883 = tpu.vector_load %arg6[%get3A_881, %get3A_882] {strides = array<i32>} : memref<64x64xf32, #tpu.memory_space<vmem>>, vector<1x16xf32>,
        %get3A_884 = vector.shape_cast %get3A_883 : vector<1x16xf32> to vector<16xf32>
        %mul3A_885 = arith.mulf %get3A_884, %mul3A_520 : vector<16xf32>
        %swap3A_886 = arith.constant 30 : i32
        %swap3A_887 = arith.index_cast %swap3A_886 : i32 to index
        %swap3A_888 = arith.index_cast %mul3A_38 : i32 to index
        %swap3A_889 = tpu.vector_load %arg7[%swap3A_887, %swap3A_888] {strides = array<i32>} : memref<64x64xf32, #tpu.memory_space<vmem>>, vector<1x16xf32>,
        %swap3A_890 = vector.shape_cast %swap3A_889 : vector<1x16xf32> to vector<16xf32>
        %swap3A_891 = vector.shape_cast %mul3A_885 : vector<16xf32> to vector<1x16xf32>
        tpu.vector_store %arg7[%swap3A_887, %swap3A_888], %swap3A_891 {strides = array<i32>} : memref<64x64xf32, #tpu.memory_space<vmem>>, vector<1x16xf32>,
        %get3A_892 = arith.constant 31 : i32
        %get3A_893 = arith.index_cast %get3A_892 : i32 to index
        %get3A_894 = arith.index_cast %mul3A_38 : i32 to index
        %get3A_895 = tpu.vector_load %arg6[%get3A_893, %get3A_894] {strides = array<i32>} : memref<64x64xf32, #tpu.memory_space<vmem>>, vector<1x16xf32>,
        %get3A_896 = vector.shape_cast %get3A_895 : vector<1x16xf32> to vector<16xf32>
        %mul3A_897 = arith.mulf %get3A_896, %mul3A_520 : vector<16xf32>
        %swap3A_898 = arith.constant 31 : i32
        %swap3A_899 = arith.index_cast %swap3A_898 : i32 to index
        %swap3A_900 = arith.index_cast %mul3A_38 : i32 to index
        %swap3A_901 = tpu.vector_load %arg7[%swap3A_899, %swap3A_900] {strides = array<i32>} : memref<64x64xf32, #tpu.memory_space<vmem>>, vector<1x16xf32>,
        %swap3A_902 = vector.shape_cast %swap3A_901 : vector<1x16xf32> to vector<16xf32>
        %swap3A_903 = vector.shape_cast %mul3A_897 : vector<16xf32> to vector<1x16xf32>
        tpu.vector_store %arg7[%swap3A_899, %swap3A_900], %swap3A_903 {strides = array<i32>} : memref<64x64xf32, #tpu.memory_space<vmem>>, vector<1x16xf32>,
        %get3A_904 = arith.constant 32 : i32
        %get3A_905 = arith.index_cast %get3A_904 : i32 to index
        %get3A_906 = arith.index_cast %mul3A_38 : i32 to index
        %get3A_907 = tpu.vector_load %arg6[%get3A_905, %get3A_906] {strides = array<i32>} : memref<64x64xf32, #tpu.memory_space<vmem>>, vector<1x16xf32>,
        %get3A_908 = vector.shape_cast %get3A_907 : vector<1x16xf32> to vector<16xf32>
        %mul3A_909 = arith.mulf %get3A_908, %mul3A_520 : vector<16xf32>
        %swap3A_910 = arith.constant 32 : i32
        %swap3A_911 = arith.index_cast %swap3A_910 : i32 to index
        %swap3A_912 = arith.index_cast %mul3A_38 : i32 to index
        %swap3A_913 = tpu.vector_load %arg7[%swap3A_911, %swap3A_912] {strides = array<i32>} : memref<64x64xf32, #tpu.memory_space<vmem>>, vector<1x16xf32>,
        %swap3A_914 = vector.shape_cast %swap3A_913 : vector<1x16xf32> to vector<16xf32>
        %swap3A_915 = vector.shape_cast %mul3A_909 : vector<16xf32> to vector<1x16xf32>
        tpu.vector_store %arg7[%swap3A_911, %swap3A_912], %swap3A_915 {strides = array<i32>} : memref<64x64xf32, #tpu.memory_space<vmem>>, vector<1x16xf32>,
        %get3A_916 = arith.constant 33 : i32
        %get3A_917 = arith.index_cast %get3A_916 : i32 to index
        %get3A_918 = arith.index_cast %mul3A_38 : i32 to index
        %get3A_919 = tpu.vector_load %arg6[%get3A_917, %get3A_918] {strides = array<i32>} : memref<64x64xf32, #tpu.memory_space<vmem>>, vector<1x16xf32>,
        %get3A_920 = vector.shape_cast %get3A_919 : vector<1x16xf32> to vector<16xf32>
        %mul3A_921 = arith.mulf %get3A_920, %mul3A_520 : vector<16xf32>
        %swap3A_922 = arith.constant 33 : i32
        %swap3A_923 = arith.index_cast %swap3A_922 : i32 to index
        %swap3A_924 = arith.index_cast %mul3A_38 : i32 to index
        %swap3A_925 = tpu.vector_load %arg7[%swap3A_923, %swap3A_924] {strides = array<i32>} : memref<64x64xf32, #tpu.memory_space<vmem>>, vector<1x16xf32>,
        %swap3A_926 = vector.shape_cast %swap3A_925 : vector<1x16xf32> to vector<16xf32>
        %swap3A_927 = vector.shape_cast %mul3A_921 : vector<16xf32> to vector<1x16xf32>
        tpu.vector_store %arg7[%swap3A_923, %swap3A_924], %swap3A_927 {strides = array<i32>} : memref<64x64xf32, #tpu.memory_space<vmem>>, vector<1x16xf32>,
        %get3A_928 = arith.constant 34 : i32
        %get3A_929 = arith.index_cast %get3A_928 : i32 to index
        %get3A_930 = arith.index_cast %mul3A_38 : i32 to index
        %get3A_931 = tpu.vector_load %arg6[%get3A_929, %get3A_930] {strides = array<i32>} : memref<64x64xf32, #tpu.memory_space<vmem>>, vector<1x16xf32>,
        %get3A_932 = vector.shape_cast %get3A_931 : vector<1x16xf32> to vector<16xf32>
        %mul3A_933 = arith.mulf %get3A_932, %mul3A_520 : vector<16xf32>
        %swap3A_934 = arith.constant 34 : i32
        %swap3A_935 = arith.index_cast %swap3A_934 : i32 to index
        %swap3A_936 = arith.index_cast %mul3A_38 : i32 to index
        %swap3A_937 = tpu.vector_load %arg7[%swap3A_935, %swap3A_936] {strides = array<i32>} : memref<64x64xf32, #tpu.memory_space<vmem>>, vector<1x16xf32>,
        %swap3A_938 = vector.shape_cast %swap3A_937 : vector<1x16xf32> to vector<16xf32>
        %swap3A_939 = vector.shape_cast %mul3A_933 : vector<16xf32> to vector<1x16xf32>
        tpu.vector_store %arg7[%swap3A_935, %swap3A_936], %swap3A_939 {strides = array<i32>} : memref<64x64xf32, #tpu.memory_space<vmem>>, vector<1x16xf32>,
        %get3A_940 = arith.constant 35 : i32
        %get3A_941 = arith.index_cast %get3A_940 : i32 to index
        %get3A_942 = arith.index_cast %mul3A_38 : i32 to index
        %get3A_943 = tpu.vector_load %arg6[%get3A_941, %get3A_942] {strides = array<i32>} : memref<64x64xf32, #tpu.memory_space<vmem>>, vector<1x16xf32>,
        %get3A_944 = vector.shape_cast %get3A_943 : vector<1x16xf32> to vector<16xf32>
        %mul3A_945 = arith.mulf %get3A_944, %mul3A_520 : vector<16xf32>
        %swap3A_946 = arith.constant 35 : i32
        %swap3A_947 = arith.index_cast %swap3A_946 : i32 to index
        %swap3A_948 = arith.index_cast %mul3A_38 : i32 to index
        %swap3A_949 = tpu.vector_load %arg7[%swap3A_947, %swap3A_948] {strides = array<i32>} : memref<64x64xf32, #tpu.memory_space<vmem>>, vector<1x16xf32>,
        %swap3A_950 = vector.shape_cast %swap3A_949 : vector<1x16xf32> to vector<16xf32>
        %swap3A_951 = vector.shape_cast %mul3A_945 : vector<16xf32> to vector<1x16xf32>
        tpu.vector_store %arg7[%swap3A_947, %swap3A_948], %swap3A_951 {strides = array<i32>} : memref<64x64xf32, #tpu.memory_space<vmem>>, vector<1x16xf32>,
        %get3A_952 = arith.constant 36 : i32
        %get3A_953 = arith.index_cast %get3A_952 : i32 to index
        %get3A_954 = arith.index_cast %mul3A_38 : i32 to index
        %get3A_955 = tpu.vector_load %arg6[%get3A_953, %get3A_954] {strides = array<i32>} : memref<64x64xf32, #tpu.memory_space<vmem>>, vector<1x16xf32>,
        %get3A_956 = vector.shape_cast %get3A_955 : vector<1x16xf32> to vector<16xf32>
        %mul3A_957 = arith.mulf %get3A_956, %mul3A_520 : vector<16xf32>
        %swap3A_958 = arith.constant 36 : i32
        %swap3A_959 = arith.index_cast %swap3A_958 : i32 to index
        %swap3A_960 = arith.index_cast %mul3A_38 : i32 to index
        %swap3A_961 = tpu.vector_load %arg7[%swap3A_959, %swap3A_960] {strides = array<i32>} : memref<64x64xf32, #tpu.memory_space<vmem>>, vector<1x16xf32>,
        %swap3A_962 = vector.shape_cast %swap3A_961 : vector<1x16xf32> to vector<16xf32>
        %swap3A_963 = vector.shape_cast %mul3A_957 : vector<16xf32> to vector<1x16xf32>
        tpu.vector_store %arg7[%swap3A_959, %swap3A_960], %swap3A_963 {strides = array<i32>} : memref<64x64xf32, #tpu.memory_space<vmem>>, vector<1x16xf32>,
        %get3A_964 = arith.constant 37 : i32
        %get3A_965 = arith.index_cast %get3A_964 : i32 to index
        %get3A_966 = arith.index_cast %mul3A_38 : i32 to index
        %get3A_967 = tpu.vector_load %arg6[%get3A_965, %get3A_966] {strides = array<i32>} : memref<64x64xf32, #tpu.memory_space<vmem>>, vector<1x16xf32>,
        %get3A_968 = vector.shape_cast %get3A_967 : vector<1x16xf32> to vector<16xf32>
        %mul3A_969 = arith.mulf %get3A_968, %mul3A_520 : vector<16xf32>
        %swap3A_970 = arith.constant 37 : i32
        %swap3A_971 = arith.index_cast %swap3A_970 : i32 to index
        %swap3A_972 = arith.index_cast %mul3A_38 : i32 to index
        %swap3A_973 = tpu.vector_load %arg7[%swap3A_971, %swap3A_972] {strides = array<i32>} : memref<64x64xf32, #tpu.memory_space<vmem>>, vector<1x16xf32>,
        %swap3A_974 = vector.shape_cast %swap3A_973 : vector<1x16xf32> to vector<16xf32>
        %swap3A_975 = vector.shape_cast %mul3A_969 : vector<16xf32> to vector<1x16xf32>
        tpu.vector_store %arg7[%swap3A_971, %swap3A_972], %swap3A_975 {strides = array<i32>} : memref<64x64xf32, #tpu.memory_space<vmem>>, vector<1x16xf32>,
        %get3A_976 = arith.constant 38 : i32
        %get3A_977 = arith.index_cast %get3A_976 : i32 to index
        %get3A_978 = arith.index_cast %mul3A_38 : i32 to index
        %get3A_979 = tpu.vector_load %arg6[%get3A_977, %get3A_978] {strides = array<i32>} : memref<64x64xf32, #tpu.memory_space<vmem>>, vector<1x16xf32>,
        %get3A_980 = vector.shape_cast %get3A_979 : vector<1x16xf32> to vector<16xf32>
        %mul3A_981 = arith.mulf %get3A_980, %mul3A_520 : vector<16xf32>
        %swap3A_982 = arith.constant 38 : i32
        %swap3A_983 = arith.index_cast %swap3A_982 : i32 to index
        %swap3A_984 = arith.index_cast %mul3A_38 : i32 to index
        %swap3A_985 = tpu.vector_load %arg7[%swap3A_983, %swap3A_984] {strides = array<i32>} : memref<64x64xf32, #tpu.memory_space<vmem>>, vector<1x16xf32>,
        %swap3A_986 = vector.shape_cast %swap3A_985 : vector<1x16xf32> to vector<16xf32>
        %swap3A_987 = vector.shape_cast %mul3A_981 : vector<16xf32> to vector<1x16xf32>
        tpu.vector_store %arg7[%swap3A_983, %swap3A_984], %swap3A_987 {strides = array<i32>} : memref<64x64xf32, #tpu.memory_space<vmem>>, vector<1x16xf32>,
        %get3A_988 = arith.constant 39 : i32
        %get3A_989 = arith.index_cast %get3A_988 : i32 to index
        %get3A_990 = arith.index_cast %mul3A_38 : i32 to index
        %get3A_991 = tpu.vector_load %arg6[%get3A_989, %get3A_990] {strides = array<i32>} : memref<64x64xf32, #tpu.memory_space<vmem>>, vector<1x16xf32>,
        %get3A_992 = vector.shape_cast %get3A_991 : vector<1x16xf32> to vector<16xf32>
        %mul3A_993 = arith.mulf %get3A_992, %mul3A_520 : vector<16xf32>
        %swap3A_994 = arith.constant 39 : i32
        %swap3A_995 = arith.index_cast %swap3A_994 : i32 to index
        %swap3A_996 = arith.index_cast %mul3A_38 : i32 to index
        %swap3A_997 = tpu.vector_load %arg7[%swap3A_995, %swap3A_996] {strides = array<i32>} : memref<64x64xf32, #tpu.memory_space<vmem>>, vector<1x16xf32>,
        %swap3A_998 = vector.shape_cast %swap3A_997 : vector<1x16xf32> to vector<16xf32>
        %swap3A_999 = vector.shape_cast %mul3A_993 : vector<16xf32> to vector<1x16xf32>
        tpu.vector_store %arg7[%swap3A_995, %swap3A_996], %swap3A_999 {strides = array<i32>} : memref<64x64xf32, #tpu.memory_space<vmem>>, vector<1x16xf32>,
        %get3A_1000 = arith.constant 40 : i32
        %get3A_1001 = arith.index_cast %get3A_1000 : i32 to index
        %get3A_1002 = arith.index_cast %mul3A_38 : i32 to index
        %get3A_1003 = tpu.vector_load %arg6[%get3A_1001, %get3A_1002] {strides = array<i32>} : memref<64x64xf32, #tpu.memory_space<vmem>>, vector<1x16xf32>,
        %get3A_1004 = vector.shape_cast %get3A_1003 : vector<1x16xf32> to vector<16xf32>
        %mul3A_1005 = arith.mulf %get3A_1004, %mul3A_520 : vector<16xf32>
        %swap3A_1006 = arith.constant 40 : i32
        %swap3A_1007 = arith.index_cast %swap3A_1006 : i32 to index
        %swap3A_1008 = arith.index_cast %mul3A_38 : i32 to index
        %swap3A_1009 = tpu.vector_load %arg7[%swap3A_1007, %swap3A_1008] {strides = array<i32>} : memref<64x64xf32, #tpu.memory_space<vmem>>, vector<1x16xf32>,
        %swap3A_1010 = vector.shape_cast %swap3A_1009 : vector<1x16xf32> to vector<16xf32>
        %swap3A_1011 = vector.shape_cast %mul3A_1005 : vector<16xf32> to vector<1x16xf32>
        tpu.vector_store %arg7[%swap3A_1007, %swap3A_1008], %swap3A_1011 {strides = array<i32>} : memref<64x64xf32, #tpu.memory_space<vmem>>, vector<1x16xf32>,
        %get3A_1012 = arith.constant 41 : i32
        %get3A_1013 = arith.index_cast %get3A_1012 : i32 to index
        %get3A_1014 = arith.index_cast %mul3A_38 : i32 to index
        %get3A_1015 = tpu.vector_load %arg6[%get3A_1013, %get3A_1014] {strides = array<i32>} : memref<64x64xf32, #tpu.memory_space<vmem>>, vector<1x16xf32>,
        %get3A_1016 = vector.shape_cast %get3A_1015 : vector<1x16xf32> to vector<16xf32>
        %mul3A_1017 = arith.mulf %get3A_1016, %mul3A_520 : vector<16xf32>
        %swap3A_1018 = arith.constant 41 : i32
        %swap3A_1019 = arith.index_cast %swap3A_1018 : i32 to index
        %swap3A_1020 = arith.index_cast %mul3A_38 : i32 to index
        %swap3A_1021 = tpu.vector_load %arg7[%swap3A_1019, %swap3A_1020] {strides = array<i32>} : memref<64x64xf32, #tpu.memory_space<vmem>>, vector<1x16xf32>,
        %swap3A_1022 = vector.shape_cast %swap3A_1021 : vector<1x16xf32> to vector<16xf32>
        %swap3A_1023 = vector.shape_cast %mul3A_1017 : vector<16xf32> to vector<1x16xf32>
        tpu.vector_store %arg7[%swap3A_1019, %swap3A_1020], %swap3A_1023 {strides = array<i32>} : memref<64x64xf32, #tpu.memory_space<vmem>>, vector<1x16xf32>,
        %get3A_1024 = arith.constant 42 : i32
        %get3A_1025 = arith.index_cast %get3A_1024 : i32 to index
        %get3A_1026 = arith.index_cast %mul3A_38 : i32 to index
        %get3A_1027 = tpu.vector_load %arg6[%get3A_1025, %get3A_1026] {strides = array<i32>} : memref<64x64xf32, #tpu.memory_space<vmem>>, vector<1x16xf32>,
        %get3A_1028 = vector.shape_cast %get3A_1027 : vector<1x16xf32> to vector<16xf32>
        %mul3A_1029 = arith.mulf %get3A_1028, %mul3A_520 : vector<16xf32>
        %swap3A_1030 = arith.constant 42 : i32
        %swap3A_1031 = arith.index_cast %swap3A_1030 : i32 to index
        %swap3A_1032 = arith.index_cast %mul3A_38 : i32 to index
        %swap3A_1033 = tpu.vector_load %arg7[%swap3A_1031, %swap3A_1032] {strides = array<i32>} : memref<64x64xf32, #tpu.memory_space<vmem>>, vector<1x16xf32>,
        %swap3A_1034 = vector.shape_cast %swap3A_1033 : vector<1x16xf32> to vector<16xf32>
        %swap3A_1035 = vector.shape_cast %mul3A_1029 : vector<16xf32> to vector<1x16xf32>
        tpu.vector_store %arg7[%swap3A_1031, %swap3A_1032], %swap3A_1035 {strides = array<i32>} : memref<64x64xf32, #tpu.memory_space<vmem>>, vector<1x16xf32>,
        %get3A_1036 = arith.constant 43 : i32
        %get3A_1037 = arith.index_cast %get3A_1036 : i32 to index
        %get3A_1038 = arith.index_cast %mul3A_38 : i32 to index
        %get3A_1039 = tpu.vector_load %arg6[%get3A_1037, %get3A_1038] {strides = array<i32>} : memref<64x64xf32, #tpu.memory_space<vmem>>, vector<1x16xf32>,
        %get3A_1040 = vector.shape_cast %get3A_1039 : vector<1x16xf32> to vector<16xf32>
        %mul3A_1041 = arith.mulf %get3A_1040, %mul3A_520 : vector<16xf32>
        %swap3A_1042 = arith.constant 43 : i32
        %swap3A_1043 = arith.index_cast %swap3A_1042 : i32 to index
        %swap3A_1044 = arith.index_cast %mul3A_38 : i32 to index
        %swap3A_1045 = tpu.vector_load %arg7[%swap3A_1043, %swap3A_1044] {strides = array<i32>} : memref<64x64xf32, #tpu.memory_space<vmem>>, vector<1x16xf32>,
        %swap3A_1046 = vector.shape_cast %swap3A_1045 : vector<1x16xf32> to vector<16xf32>
        %swap3A_1047 = vector.shape_cast %mul3A_1041 : vector<16xf32> to vector<1x16xf32>
        tpu.vector_store %arg7[%swap3A_1043, %swap3A_1044], %swap3A_1047 {strides = array<i32>} : memref<64x64xf32, #tpu.memory_space<vmem>>, vector<1x16xf32>,
        %get3A_1048 = arith.constant 44 : i32
        %get3A_1049 = arith.index_cast %get3A_1048 : i32 to index
        %get3A_1050 = arith.index_cast %mul3A_38 : i32 to index
        %get3A_1051 = tpu.vector_load %arg6[%get3A_1049, %get3A_1050] {strides = array<i32>} : memref<64x64xf32, #tpu.memory_space<vmem>>, vector<1x16xf32>,
        %get3A_1052 = vector.shape_cast %get3A_1051 : vector<1x16xf32> to vector<16xf32>
        %mul3A_1053 = arith.mulf %get3A_1052, %mul3A_520 : vector<16xf32>
        %swap3A_1054 = arith.constant 44 : i32
        %swap3A_1055 = arith.index_cast %swap3A_1054 : i32 to index
        %swap3A_1056 = arith.index_cast %mul3A_38 : i32 to index
        %swap3A_1057 = tpu.vector_load %arg7[%swap3A_1055, %swap3A_1056] {strides = array<i32>} : memref<64x64xf32, #tpu.memory_space<vmem>>, vector<1x16xf32>,
        %swap3A_1058 = vector.shape_cast %swap3A_1057 : vector<1x16xf32> to vector<16xf32>
        %swap3A_1059 = vector.shape_cast %mul3A_1053 : vector<16xf32> to vector<1x16xf32>
        tpu.vector_store %arg7[%swap3A_1055, %swap3A_1056], %swap3A_1059 {strides = array<i32>} : memref<64x64xf32, #tpu.memory_space<vmem>>, vector<1x16xf32>,
        %get3A_1060 = arith.constant 45 : i32
        %get3A_1061 = arith.index_cast %get3A_1060 : i32 to index
        %get3A_1062 = arith.index_cast %mul3A_38 : i32 to index
        %get3A_1063 = tpu.vector_load %arg6[%get3A_1061, %get3A_1062] {strides = array<i32>} : memref<64x64xf32, #tpu.memory_space<vmem>>, vector<1x16xf32>,
        %get3A_1064 = vector.shape_cast %get3A_1063 : vector<1x16xf32> to vector<16xf32>
        %mul3A_1065 = arith.mulf %get3A_1064, %mul3A_520 : vector<16xf32>
        %swap3A_1066 = arith.constant 45 : i32
        %swap3A_1067 = arith.index_cast %swap3A_1066 : i32 to index
        %swap3A_1068 = arith.index_cast %mul3A_38 : i32 to index
        %swap3A_1069 = tpu.vector_load %arg7[%swap3A_1067, %swap3A_1068] {strides = array<i32>} : memref<64x64xf32, #tpu.memory_space<vmem>>, vector<1x16xf32>,
        %swap3A_1070 = vector.shape_cast %swap3A_1069 : vector<1x16xf32> to vector<16xf32>
        %swap3A_1071 = vector.shape_cast %mul3A_1065 : vector<16xf32> to vector<1x16xf32>
        tpu.vector_store %arg7[%swap3A_1067, %swap3A_1068], %swap3A_1071 {strides = array<i32>} : memref<64x64xf32, #tpu.memory_space<vmem>>, vector<1x16xf32>,
        %get3A_1072 = arith.constant 46 : i32
        %get3A_1073 = arith.index_cast %get3A_1072 : i32 to index
        %get3A_1074 = arith.index_cast %mul3A_38 : i32 to index
        %get3A_1075 = tpu.vector_load %arg6[%get3A_1073, %get3A_1074] {strides = array<i32>} : memref<64x64xf32, #tpu.memory_space<vmem>>, vector<1x16xf32>,
        %get3A_1076 = vector.shape_cast %get3A_1075 : vector<1x16xf32> to vector<16xf32>
        %mul3A_1077 = arith.mulf %get3A_1076, %mul3A_520 : vector<16xf32>
        %swap3A_1078 = arith.constant 46 : i32
        %swap3A_1079 = arith.index_cast %swap3A_1078 : i32 to index
        %swap3A_1080 = arith.index_cast %mul3A_38 : i32 to index
        %swap3A_1081 = tpu.vector_load %arg7[%swap3A_1079, %swap3A_1080] {strides = array<i32>} : memref<64x64xf32, #tpu.memory_space<vmem>>, vector<1x16xf32>,
        %swap3A_1082 = vector.shape_cast %swap3A_1081 : vector<1x16xf32> to vector<16xf32>
        %swap3A_1083 = vector.shape_cast %mul3A_1077 : vector<16xf32> to vector<1x16xf32>
        tpu.vector_store %arg7[%swap3A_1079, %swap3A_1080], %swap3A_1083 {strides = array<i32>} : memref<64x64xf32, #tpu.memory_space<vmem>>, vector<1x16xf32>,
        %get3A_1084 = arith.constant 47 : i32
        %get3A_1085 = arith.index_cast %get3A_1084 : i32 to index
        %get3A_1086 = arith.index_cast %mul3A_38 : i32 to index
        %get3A_1087 = tpu.vector_load %arg6[%get3A_1085, %get3A_1086] {strides = array<i32>} : memref<64x64xf32, #tpu.memory_space<vmem>>, vector<1x16xf32>,
        %get3A_1088 = vector.shape_cast %get3A_1087 : vector<1x16xf32> to vector<16xf32>
        %mul3A_1089 = arith.mulf %get3A_1088, %mul3A_520 : vector<16xf32>
        %swap3A_1090 = arith.constant 47 : i32
        %swap3A_1091 = arith.index_cast %swap3A_1090 : i32 to index
        %swap3A_1092 = arith.index_cast %mul3A_38 : i32 to index
        %swap3A_1093 = tpu.vector_load %arg7[%swap3A_1091, %swap3A_1092] {strides = array<i32>} : memref<64x64xf32, #tpu.memory_space<vmem>>, vector<1x16xf32>,
        %swap3A_1094 = vector.shape_cast %swap3A_1093 : vector<1x16xf32> to vector<16xf32>
        %swap3A_1095 = vector.shape_cast %mul3A_1089 : vector<16xf32> to vector<1x16xf32>
        tpu.vector_store %arg7[%swap3A_1091, %swap3A_1092], %swap3A_1095 {strides = array<i32>} : memref<64x64xf32, #tpu.memory_space<vmem>>, vector<1x16xf32>,
        %get3A_1096 = arith.constant 48 : i32
        %get3A_1097 = arith.index_cast %get3A_1096 : i32 to index
        %get3A_1098 = arith.index_cast %mul3A_38 : i32 to index
        %get3A_1099 = tpu.vector_load %arg6[%get3A_1097, %get3A_1098] {strides = array<i32>} : memref<64x64xf32, #tpu.memory_space<vmem>>, vector<1x16xf32>,
        %get3A_1100 = vector.shape_cast %get3A_1099 : vector<1x16xf32> to vector<16xf32>
        %mul3A_1101 = arith.mulf %get3A_1100, %mul3A_520 : vector<16xf32>
        %swap3A_1102 = arith.constant 48 : i32
        %swap3A_1103 = arith.index_cast %swap3A_1102 : i32 to index
        %swap3A_1104 = arith.index_cast %mul3A_38 : i32 to index
        %swap3A_1105 = tpu.vector_load %arg7[%swap3A_1103, %swap3A_1104] {strides = array<i32>} : memref<64x64xf32, #tpu.memory_space<vmem>>, vector<1x16xf32>,
        %swap3A_1106 = vector.shape_cast %swap3A_1105 : vector<1x16xf32> to vector<16xf32>
        %swap3A_1107 = vector.shape_cast %mul3A_1101 : vector<16xf32> to vector<1x16xf32>
        tpu.vector_store %arg7[%swap3A_1103, %swap3A_1104], %swap3A_1107 {strides = array<i32>} : memref<64x64xf32, #tpu.memory_space<vmem>>, vector<1x16xf32>,
        %get3A_1108 = arith.constant 49 : i32
        %get3A_1109 = arith.index_cast %get3A_1108 : i32 to index
        %get3A_1110 = arith.index_cast %mul3A_38 : i32 to index
        %get3A_1111 = tpu.vector_load %arg6[%get3A_1109, %get3A_1110] {strides = array<i32>} : memref<64x64xf32, #tpu.memory_space<vmem>>, vector<1x16xf32>,
        %get3A_1112 = vector.shape_cast %get3A_1111 : vector<1x16xf32> to vector<16xf32>
        %mul3A_1113 = arith.mulf %get3A_1112, %mul3A_520 : vector<16xf32>
        %swap3A_1114 = arith.constant 49 : i32
        %swap3A_1115 = arith.index_cast %swap3A_1114 : i32 to index
        %swap3A_1116 = arith.index_cast %mul3A_38 : i32 to index
        %swap3A_1117 = tpu.vector_load %arg7[%swap3A_1115, %swap3A_1116] {strides = array<i32>} : memref<64x64xf32, #tpu.memory_space<vmem>>, vector<1x16xf32>,
        %swap3A_1118 = vector.shape_cast %swap3A_1117 : vector<1x16xf32> to vector<16xf32>
        %swap3A_1119 = vector.shape_cast %mul3A_1113 : vector<16xf32> to vector<1x16xf32>
        tpu.vector_store %arg7[%swap3A_1115, %swap3A_1116], %swap3A_1119 {strides = array<i32>} : memref<64x64xf32, #tpu.memory_space<vmem>>, vector<1x16xf32>,
        %get3A_1120 = arith.constant 50 : i32
        %get3A_1121 = arith.index_cast %get3A_1120 : i32 to index
        %get3A_1122 = arith.index_cast %mul3A_38 : i32 to index
        %get3A_1123 = tpu.vector_load %arg6[%get3A_1121, %get3A_1122] {strides = array<i32>} : memref<64x64xf32, #tpu.memory_space<vmem>>, vector<1x16xf32>,
        %get3A_1124 = vector.shape_cast %get3A_1123 : vector<1x16xf32> to vector<16xf32>
        %mul3A_1125 = arith.mulf %get3A_1124, %mul3A_520 : vector<16xf32>
        %swap3A_1126 = arith.constant 50 : i32
        %swap3A_1127 = arith.index_cast %swap3A_1126 : i32 to index
        %swap3A_1128 = arith.index_cast %mul3A_38 : i32 to index
        %swap3A_1129 = tpu.vector_load %arg7[%swap3A_1127, %swap3A_1128] {strides = array<i32>} : memref<64x64xf32, #tpu.memory_space<vmem>>, vector<1x16xf32>,
        %swap3A_1130 = vector.shape_cast %swap3A_1129 : vector<1x16xf32> to vector<16xf32>
        %swap3A_1131 = vector.shape_cast %mul3A_1125 : vector<16xf32> to vector<1x16xf32>
        tpu.vector_store %arg7[%swap3A_1127, %swap3A_1128], %swap3A_1131 {strides = array<i32>} : memref<64x64xf32, #tpu.memory_space<vmem>>, vector<1x16xf32>,
        %get3A_1132 = arith.constant 51 : i32
        %get3A_1133 = arith.index_cast %get3A_1132 : i32 to index
        %get3A_1134 = arith.index_cast %mul3A_38 : i32 to index
        %get3A_1135 = tpu.vector_load %arg6[%get3A_1133, %get3A_1134] {strides = array<i32>} : memref<64x64xf32, #tpu.memory_space<vmem>>, vector<1x16xf32>,
        %get3A_1136 = vector.shape_cast %get3A_1135 : vector<1x16xf32> to vector<16xf32>
        %mul3A_1137 = arith.mulf %get3A_1136, %mul3A_520 : vector<16xf32>
        %swap3A_1138 = arith.constant 51 : i32
        %swap3A_1139 = arith.index_cast %swap3A_1138 : i32 to index
        %swap3A_1140 = arith.index_cast %mul3A_38 : i32 to index
        %swap3A_1141 = tpu.vector_load %arg7[%swap3A_1139, %swap3A_1140] {strides = array<i32>} : memref<64x64xf32, #tpu.memory_space<vmem>>, vector<1x16xf32>,
        %swap3A_1142 = vector.shape_cast %swap3A_1141 : vector<1x16xf32> to vector<16xf32>
        %swap3A_1143 = vector.shape_cast %mul3A_1137 : vector<16xf32> to vector<1x16xf32>
        tpu.vector_store %arg7[%swap3A_1139, %swap3A_1140], %swap3A_1143 {strides = array<i32>} : memref<64x64xf32, #tpu.memory_space<vmem>>, vector<1x16xf32>,
        %get3A_1144 = arith.constant 52 : i32
        %get3A_1145 = arith.index_cast %get3A_1144 : i32 to index
        %get3A_1146 = arith.index_cast %mul3A_38 : i32 to index
        %get3A_1147 = tpu.vector_load %arg6[%get3A_1145, %get3A_1146] {strides = array<i32>} : memref<64x64xf32, #tpu.memory_space<vmem>>, vector<1x16xf32>,
        %get3A_1148 = vector.shape_cast %get3A_1147 : vector<1x16xf32> to vector<16xf32>
        %mul3A_1149 = arith.mulf %get3A_1148, %mul3A_520 : vector<16xf32>
        %swap3A_1150 = arith.constant 52 : i32
        %swap3A_1151 = arith.index_cast %swap3A_1150 : i32 to index
        %swap3A_1152 = arith.index_cast %mul3A_38 : i32 to index
        %swap3A_1153 = tpu.vector_load %arg7[%swap3A_1151, %swap3A_1152] {strides = array<i32>} : memref<64x64xf32, #tpu.memory_space<vmem>>, vector<1x16xf32>,
        %swap3A_1154 = vector.shape_cast %swap3A_1153 : vector<1x16xf32> to vector<16xf32>
        %swap3A_1155 = vector.shape_cast %mul3A_1149 : vector<16xf32> to vector<1x16xf32>
        tpu.vector_store %arg7[%swap3A_1151, %swap3A_1152], %swap3A_1155 {strides = array<i32>} : memref<64x64xf32, #tpu.memory_space<vmem>>, vector<1x16xf32>,
        %get3A_1156 = arith.constant 53 : i32
        %get3A_1157 = arith.index_cast %get3A_1156 : i32 to index
        %get3A_1158 = arith.index_cast %mul3A_38 : i32 to index
        %get3A_1159 = tpu.vector_load %arg6[%get3A_1157, %get3A_1158] {strides = array<i32>} : memref<64x64xf32, #tpu.memory_space<vmem>>, vector<1x16xf32>,
        %get3A_1160 = vector.shape_cast %get3A_1159 : vector<1x16xf32> to vector<16xf32>
        %mul3A_1161 = arith.mulf %get3A_1160, %mul3A_520 : vector<16xf32>
        %swap3A_1162 = arith.constant 53 : i32
        %swap3A_1163 = arith.index_cast %swap3A_1162 : i32 to index
        %swap3A_1164 = arith.index_cast %mul3A_38 : i32 to index
        %swap3A_1165 = tpu.vector_load %arg7[%swap3A_1163, %swap3A_1164] {strides = array<i32>} : memref<64x64xf32, #tpu.memory_space<vmem>>, vector<1x16xf32>,
        %swap3A_1166 = vector.shape_cast %swap3A_1165 : vector<1x16xf32> to vector<16xf32>
        %swap3A_1167 = vector.shape_cast %mul3A_1161 : vector<16xf32> to vector<1x16xf32>
        tpu.vector_store %arg7[%swap3A_1163, %swap3A_1164], %swap3A_1167 {strides = array<i32>} : memref<64x64xf32, #tpu.memory_space<vmem>>, vector<1x16xf32>,
        %get3A_1168 = arith.constant 54 : i32
        %get3A_1169 = arith.index_cast %get3A_1168 : i32 to index
        %get3A_1170 = arith.index_cast %mul3A_38 : i32 to index
        %get3A_1171 = tpu.vector_load %arg6[%get3A_1169, %get3A_1170] {strides = array<i32>} : memref<64x64xf32, #tpu.memory_space<vmem>>, vector<1x16xf32>,
        %get3A_1172 = vector.shape_cast %get3A_1171 : vector<1x16xf32> to vector<16xf32>
        %mul3A_1173 = arith.mulf %get3A_1172, %mul3A_520 : vector<16xf32>
        %swap3A_1174 = arith.constant 54 : i32
        %swap3A_1175 = arith.index_cast %swap3A_1174 : i32 to index
        %swap3A_1176 = arith.index_cast %mul3A_38 : i32 to index
        %swap3A_1177 = tpu.vector_load %arg7[%swap3A_1175, %swap3A_1176] {strides = array<i32>} : memref<64x64xf32, #tpu.memory_space<vmem>>, vector<1x16xf32>,
        %swap3A_1178 = vector.shape_cast %swap3A_1177 : vector<1x16xf32> to vector<16xf32>
        %swap3A_1179 = vector.shape_cast %mul3A_1173 : vector<16xf32> to vector<1x16xf32>
        tpu.vector_store %arg7[%swap3A_1175, %swap3A_1176], %swap3A_1179 {strides = array<i32>} : memref<64x64xf32, #tpu.memory_space<vmem>>, vector<1x16xf32>,
        %get3A_1180 = arith.constant 55 : i32
        %get3A_1181 = arith.index_cast %get3A_1180 : i32 to index
        %get3A_1182 = arith.index_cast %mul3A_38 : i32 to index
        %get3A_1183 = tpu.vector_load %arg6[%get3A_1181, %get3A_1182] {strides = array<i32>} : memref<64x64xf32, #tpu.memory_space<vmem>>, vector<1x16xf32>,
        %get3A_1184 = vector.shape_cast %get3A_1183 : vector<1x16xf32> to vector<16xf32>
        %mul3A_1185 = arith.mulf %get3A_1184, %mul3A_520 : vector<16xf32>
        %swap3A_1186 = arith.constant 55 : i32
        %swap3A_1187 = arith.index_cast %swap3A_1186 : i32 to index
        %swap3A_1188 = arith.index_cast %mul3A_38 : i32 to index
        %swap3A_1189 = tpu.vector_load %arg7[%swap3A_1187, %swap3A_1188] {strides = array<i32>} : memref<64x64xf32, #tpu.memory_space<vmem>>, vector<1x16xf32>,
        %swap3A_1190 = vector.shape_cast %swap3A_1189 : vector<1x16xf32> to vector<16xf32>
        %swap3A_1191 = vector.shape_cast %mul3A_1185 : vector<16xf32> to vector<1x16xf32>
        tpu.vector_store %arg7[%swap3A_1187, %swap3A_1188], %swap3A_1191 {strides = array<i32>} : memref<64x64xf32, #tpu.memory_space<vmem>>, vector<1x16xf32>,
        %get3A_1192 = arith.constant 56 : i32
        %get3A_1193 = arith.index_cast %get3A_1192 : i32 to index
        %get3A_1194 = arith.index_cast %mul3A_38 : i32 to index
        %get3A_1195 = tpu.vector_load %arg6[%get3A_1193, %get3A_1194] {strides = array<i32>} : memref<64x64xf32, #tpu.memory_space<vmem>>, vector<1x16xf32>,
        %get3A_1196 = vector.shape_cast %get3A_1195 : vector<1x16xf32> to vector<16xf32>
        %mul3A_1197 = arith.mulf %get3A_1196, %mul3A_520 : vector<16xf32>
        %swap3A_1198 = arith.constant 56 : i32
        %swap3A_1199 = arith.index_cast %swap3A_1198 : i32 to index
        %swap3A_1200 = arith.index_cast %mul3A_38 : i32 to index
        %swap3A_1201 = tpu.vector_load %arg7[%swap3A_1199, %swap3A_1200] {strides = array<i32>} : memref<64x64xf32, #tpu.memory_space<vmem>>, vector<1x16xf32>,
        %swap3A_1202 = vector.shape_cast %swap3A_1201 : vector<1x16xf32> to vector<16xf32>
        %swap3A_1203 = vector.shape_cast %mul3A_1197 : vector<16xf32> to vector<1x16xf32>
        tpu.vector_store %arg7[%swap3A_1199, %swap3A_1200], %swap3A_1203 {strides = array<i32>} : memref<64x64xf32, #tpu.memory_space<vmem>>, vector<1x16xf32>,
        %get3A_1204 = arith.constant 57 : i32
        %get3A_1205 = arith.index_cast %get3A_1204 : i32 to index
        %get3A_1206 = arith.index_cast %mul3A_38 : i32 to index
        %get3A_1207 = tpu.vector_load %arg6[%get3A_1205, %get3A_1206] {strides = array<i32>} : memref<64x64xf32, #tpu.memory_space<vmem>>, vector<1x16xf32>,
        %get3A_1208 = vector.shape_cast %get3A_1207 : vector<1x16xf32> to vector<16xf32>
        %mul3A_1209 = arith.mulf %get3A_1208, %mul3A_520 : vector<16xf32>
        %swap3A_1210 = arith.constant 57 : i32
        %swap3A_1211 = arith.index_cast %swap3A_1210 : i32 to index
        %swap3A_1212 = arith.index_cast %mul3A_38 : i32 to index
        %swap3A_1213 = tpu.vector_load %arg7[%swap3A_1211, %swap3A_1212] {strides = array<i32>} : memref<64x64xf32, #tpu.memory_space<vmem>>, vector<1x16xf32>,
        %swap3A_1214 = vector.shape_cast %swap3A_1213 : vector<1x16xf32> to vector<16xf32>
        %swap3A_1215 = vector.shape_cast %mul3A_1209 : vector<16xf32> to vector<1x16xf32>
        tpu.vector_store %arg7[%swap3A_1211, %swap3A_1212], %swap3A_1215 {strides = array<i32>} : memref<64x64xf32, #tpu.memory_space<vmem>>, vector<1x16xf32>,
        %get3A_1216 = arith.constant 58 : i32
        %get3A_1217 = arith.index_cast %get3A_1216 : i32 to index
        %get3A_1218 = arith.index_cast %mul3A_38 : i32 to index
        %get3A_1219 = tpu.vector_load %arg6[%get3A_1217, %get3A_1218] {strides = array<i32>} : memref<64x64xf32, #tpu.memory_space<vmem>>, vector<1x16xf32>,
        %get3A_1220 = vector.shape_cast %get3A_1219 : vector<1x16xf32> to vector<16xf32>
        %mul3A_1221 = arith.mulf %get3A_1220, %mul3A_520 : vector<16xf32>
        %swap3A_1222 = arith.constant 58 : i32
        %swap3A_1223 = arith.index_cast %swap3A_1222 : i32 to index
        %swap3A_1224 = arith.index_cast %mul3A_38 : i32 to index
        %swap3A_1225 = tpu.vector_load %arg7[%swap3A_1223, %swap3A_1224] {strides = array<i32>} : memref<64x64xf32, #tpu.memory_space<vmem>>, vector<1x16xf32>,
        %swap3A_1226 = vector.shape_cast %swap3A_1225 : vector<1x16xf32> to vector<16xf32>
        %swap3A_1227 = vector.shape_cast %mul3A_1221 : vector<16xf32> to vector<1x16xf32>
        tpu.vector_store %arg7[%swap3A_1223, %swap3A_1224], %swap3A_1227 {strides = array<i32>} : memref<64x64xf32, #tpu.memory_space<vmem>>, vector<1x16xf32>,
        %get3A_1228 = arith.constant 59 : i32
        %get3A_1229 = arith.index_cast %get3A_1228 : i32 to index
        %get3A_1230 = arith.index_cast %mul3A_38 : i32 to index
        %get3A_1231 = tpu.vector_load %arg6[%get3A_1229, %get3A_1230] {strides = array<i32>} : memref<64x64xf32, #tpu.memory_space<vmem>>, vector<1x16xf32>,
        %get3A_1232 = vector.shape_cast %get3A_1231 : vector<1x16xf32> to vector<16xf32>
        %mul3A_1233 = arith.mulf %get3A_1232, %mul3A_520 : vector<16xf32>
        %swap3A_1234 = arith.constant 59 : i32
        %swap3A_1235 = arith.index_cast %swap3A_1234 : i32 to index
        %swap3A_1236 = arith.index_cast %mul3A_38 : i32 to index
        %swap3A_1237 = tpu.vector_load %arg7[%swap3A_1235, %swap3A_1236] {strides = array<i32>} : memref<64x64xf32, #tpu.memory_space<vmem>>, vector<1x16xf32>,
        %swap3A_1238 = vector.shape_cast %swap3A_1237 : vector<1x16xf32> to vector<16xf32>
        %swap3A_1239 = vector.shape_cast %mul3A_1233 : vector<16xf32> to vector<1x16xf32>
        tpu.vector_store %arg7[%swap3A_1235, %swap3A_1236], %swap3A_1239 {strides = array<i32>} : memref<64x64xf32, #tpu.memory_space<vmem>>, vector<1x16xf32>,
        %get3A_1240 = arith.constant 60 : i32
        %get3A_1241 = arith.index_cast %get3A_1240 : i32 to index
        %get3A_1242 = arith.index_cast %mul3A_38 : i32 to index
        %get3A_1243 = tpu.vector_load %arg6[%get3A_1241, %get3A_1242] {strides = array<i32>} : memref<64x64xf32, #tpu.memory_space<vmem>>, vector<1x16xf32>,
        %get3A_1244 = vector.shape_cast %get3A_1243 : vector<1x16xf32> to vector<16xf32>
        %mul3A_1245 = arith.mulf %get3A_1244, %mul3A_520 : vector<16xf32>
        %swap3A_1246 = arith.constant 60 : i32
        %swap3A_1247 = arith.index_cast %swap3A_1246 : i32 to index
        %swap3A_1248 = arith.index_cast %mul3A_38 : i32 to index
        %swap3A_1249 = tpu.vector_load %arg7[%swap3A_1247, %swap3A_1248] {strides = array<i32>} : memref<64x64xf32, #tpu.memory_space<vmem>>, vector<1x16xf32>,
        %swap3A_1250 = vector.shape_cast %swap3A_1249 : vector<1x16xf32> to vector<16xf32>
        %swap3A_1251 = vector.shape_cast %mul3A_1245 : vector<16xf32> to vector<1x16xf32>
        tpu.vector_store %arg7[%swap3A_1247, %swap3A_1248], %swap3A_1251 {strides = array<i32>} : memref<64x64xf32, #tpu.memory_space<vmem>>, vector<1x16xf32>,
        %get3A_1252 = arith.constant 61 : i32
        %get3A_1253 = arith.index_cast %get3A_1252 : i32 to index
        %get3A_1254 = arith.index_cast %mul3A_38 : i32 to index
        %get3A_1255 = tpu.vector_load %arg6[%get3A_1253, %get3A_1254] {strides = array<i32>} : memref<64x64xf32, #tpu.memory_space<vmem>>, vector<1x16xf32>,
        %get3A_1256 = vector.shape_cast %get3A_1255 : vector<1x16xf32> to vector<16xf32>
        %mul3A_1257 = arith.mulf %get3A_1256, %mul3A_520 : vector<16xf32>
        %swap3A_1258 = arith.constant 61 : i32
        %swap3A_1259 = arith.index_cast %swap3A_1258 : i32 to index
        %swap3A_1260 = arith.index_cast %mul3A_38 : i32 to index
        %swap3A_1261 = tpu.vector_load %arg7[%swap3A_1259, %swap3A_1260] {strides = array<i32>} : memref<64x64xf32, #tpu.memory_space<vmem>>, vector<1x16xf32>,
        %swap3A_1262 = vector.shape_cast %swap3A_1261 : vector<1x16xf32> to vector<16xf32>
        %swap3A_1263 = vector.shape_cast %mul3A_1257 : vector<16xf32> to vector<1x16xf32>
        tpu.vector_store %arg7[%swap3A_1259, %swap3A_1260], %swap3A_1263 {strides = array<i32>} : memref<64x64xf32, #tpu.memory_space<vmem>>, vector<1x16xf32>,
        %get3A_1264 = arith.constant 62 : i32
        %get3A_1265 = arith.index_cast %get3A_1264 : i32 to index
        %get3A_1266 = arith.index_cast %mul3A_38 : i32 to index
        %get3A_1267 = tpu.vector_load %arg6[%get3A_1265, %get3A_1266] {strides = array<i32>} : memref<64x64xf32, #tpu.memory_space<vmem>>, vector<1x16xf32>,
        %get3A_1268 = vector.shape_cast %get3A_1267 : vector<1x16xf32> to vector<16xf32>
        %mul3A_1269 = arith.mulf %get3A_1268, %mul3A_520 : vector<16xf32>
        %swap3A_1270 = arith.constant 62 : i32
        %swap3A_1271 = arith.index_cast %swap3A_1270 : i32 to index
        %swap3A_1272 = arith.index_cast %mul3A_38 : i32 to index
        %swap3A_1273 = tpu.vector_load %arg7[%swap3A_1271, %swap3A_1272] {strides = array<i32>} : memref<64x64xf32, #tpu.memory_space<vmem>>, vector<1x16xf32>,
        %swap3A_1274 = vector.shape_cast %swap3A_1273 : vector<1x16xf32> to vector<16xf32>
        %swap3A_1275 = vector.shape_cast %mul3A_1269 : vector<16xf32> to vector<1x16xf32>
        tpu.vector_store %arg7[%swap3A_1271, %swap3A_1272], %swap3A_1275 {strides = array<i32>} : memref<64x64xf32, #tpu.memory_space<vmem>>, vector<1x16xf32>,
        %get3A_1276 = arith.constant 63 : i32
        %get3A_1277 = arith.index_cast %get3A_1276 : i32 to index
        %get3A_1278 = arith.index_cast %mul3A_38 : i32 to index
        %get3A_1279 = tpu.vector_load %arg6[%get3A_1277, %get3A_1278] {strides = array<i32>} : memref<64x64xf32, #tpu.memory_space<vmem>>, vector<1x16xf32>,
        %get3A_1280 = vector.shape_cast %get3A_1279 : vector<1x16xf32> to vector<16xf32>
        %mul3A_1281 = arith.mulf %get3A_1280, %mul3A_520 : vector<16xf32>
        %swap3A_1282 = arith.constant 63 : i32
        %swap3A_1283 = arith.index_cast %swap3A_1282 : i32 to index
        %swap3A_1284 = arith.index_cast %mul3A_38 : i32 to index
        %swap3A_1285 = tpu.vector_load %arg7[%swap3A_1283, %swap3A_1284] {strides = array<i32>} : memref<64x64xf32, #tpu.memory_space<vmem>>, vector<1x16xf32>,
        %swap3A_1286 = vector.shape_cast %swap3A_1285 : vector<1x16xf32> to vector<16xf32>
        %swap3A_1287 = vector.shape_cast %mul3A_1281 : vector<16xf32> to vector<1x16xf32>
        tpu.vector_store %arg7[%swap3A_1283, %swap3A_1284], %swap3A_1287 {strides = array<i32>} : memref<64x64xf32, #tpu.memory_space<vmem>>, vector<1x16xf32>,
      }
      %scan3A_23 = arith.constant 4 : i32
      %dma_start3A_24 = arith.constant 0 : i32
      %dma_start3A_25 = arith.constant 999936 : i32
      %dma_start3A_26 = tpu.memref_slice %arg3[%dma_start3A_24, %dma_start3A_25] : memref<64x1000000xf32, #tpu.memory_space<hbm>> -> memref<64x64xf32, #tpu.memory_space<hbm>>
      %dma_start3A_27 = arith.constant 0 : i32
      %dma_start3A_28 = arith.constant 999936 : i32
      %dma_start3A_29 = tpu.memref_slice %arg3[%dma_start3A_27, %dma_start3A_28] : memref<64x1000000xf32, #tpu.memory_space<hbm>> -> memref<64x64xf32, #tpu.memory_space<hbm>>
      tpu.enqueue_dma source(%arg7 : memref<64x64xf32, #tpu.memory_space<vmem>>) target(%dma_start3A_29 : memref<64x64xf32, #tpu.memory_space<hbm>>) target_semaphore(%arg8 : memref<!tpu.dma_semaphore, #tpu.memory_space<semaphore_mem>>)
      %dma_wait3A_30 = arith.constant 0 : i32
      %dma_wait3A_31 = arith.constant 999936 : i32
      %dma_wait3A_32 = tpu.memref_slice %arg3[%dma_wait3A_30, %dma_wait3A_31] : memref<64x1000000xf32, #tpu.memory_space<hbm>> -> memref<64x64xf32, #tpu.memory_space<hbm>>
      %dma_wait3A_33 = arith.constant 0 : i32
      %dma_wait3A_34 = arith.constant 999936 : i32
      %dma_wait3A_35 = tpu.memref_slice %arg3[%dma_wait3A_33, %dma_wait3A_34] : memref<64x1000000xf32, #tpu.memory_space<hbm>> -> memref<64x64xf32, #tpu.memory_space<hbm>>
      tpu.wait_dma2 semaphore(%arg8 : memref<!tpu.dma_semaphore, #tpu.memory_space<semaphore_mem>>) src(%arg7 : memref<64x64xf32, #tpu.memory_space<vmem>>) dst(%dma_wait3A_35 : memref<64x64xf32, #tpu.memory_space<hbm>>)
    } else {
    }
    return
  }
}

</mosaic_0001>

<sc_bundles>
// kernel: kernel.3.cloned.1.call-start
scs
__scs_entry_jumppad:
0x0: {  	(pc) =	sbr.rel $0x88, $3  }
0x1: {  	(tag) =	ssettag $0x0;
	lr =	simm.s32 $0x1  }
0x2: {  	[smem:$0x3FA0] =	sst lr;
	_ =	strace $0xD0000000  }
0x3: {  	_ = 	snop  }
0x4: {  	_ = 	snop  }
0x5: {  	_ = 	snop  }
0x6: {  	_ = 	snop  }
0x7: {  	_ = 	snop  }
__scs_overlays_trampoline_lowered:
0x8: {  	[smem:$0x3FAF] =	sst s0  }
0x9: {  	[smem:$0x3FB0] =	sst s1  }
0xa: {  	[smem:$0x3FB1] =	sst s2  }
0xb: {  	[smem:$0x3FB2] =	sst s3  }
0xc: {  	[smem:$0x3FB3] =	sst s4  }
0xd: {  	[smem:$0x3FB4] =	sst s5  }
0xe: {  	[smem:$0x3FB5] =	sst s6  }
0xf: {  	[smem:$0x3FB6] =	sst s7  }
0x10: {  	[smem:$0x3FB7] =	sst s8  }
0x11: {  	[smem:$0x3FB8] =	sst s9;
	s0 =	simm.s32 @!p0 $0x0  }
0x12: {  	s1 =	sld [smem:$0x3F9E];
	s0 =	simm.s32 @p0 $0x1  }
0x13: {  	[smem:$0x3FB9] =	sst s0;
	s0 =	simm.s32 @!p1 $0x0  }
0x14: {  	s2 =	sld [smem:$0x3F9D];
	s0 =	simm.s32 @p1 $0x1  }
0x15: {  	[smem:$0x3FBA] =	sst s0;
	s0 =	simm.s32 @!p2 $0x0  }
0x16: {  	s3 =	sld [smem:$0x3FDB];
	s0 =	simm.s32 @p2 $0x1  }
0x17: {  	s4 =	simm.s32 $0x1BF5;
	[smem:$0x3FBC] =	sst s0  }
0x18: {  	s0 =	sld [smem:$0x3F9F];
	_ =	swait.ge [sflag:s4], $0x0  }
0x19: {  	s7 =	sld [smem:$0x3FA0]  }
0x1a: {  	s8 =	sadd.s32 $0xFFFFE003, lr  }
0x1b: {  	s9 =	sadd.s32 $0xFFFFFEF7, lr;
	s5 =	simm.s32 $0xFFFFFFFF;
	p2 =	slt.u32 s8, $0xFFFFF086  }
0x1c: {  	p1 =	slt.u32 s9, $0xF7A;
	s5 =	simm.s32 @!p2 $0x0  }
0x1d: {  	s5 =	simm.s32 @p1 $0x1;
	p0 =	seq.s32 s7, s2  }
0x1e: {  	s7 =	smul.u32 @!p0 $0xF7A, s2;
	p2 =	seq.s32 @!p0 s5, $0x0  }
0x1f: {  	s9 =	smul.u32 $0xF7A, s1;
	s8 =	simm.s32 @!p0 $0x1BF5;
	p2 =	por !p2, p0  }
0x20: {  	[sflag:s8] =	ssyncset.s32 @!p0 $0xFFFFF086;
	s6 =	sadd.s32 @!p0 s3, s7;
	s7 =	simm.s32 @!p0 $0x108  }
0x21: {  	s3 =	sadd.s32 s3, s9;
	s6 =	sadd.s32 @!p0 $0x88, s6;
	s7 =	simm.s32 @p2 $0x1082  }
0x22: {  	[simem:s7], [sflag:s8] =	dma.local @!p0 [hbm:s6], $0xF7A  }
0x23: {  	s9 =	sor.u32 $0xD0000000, s2;
	s6 =	simm.s32 $0x108;
	_ =	swait.ge @!p0 [sflag:s8], $0x0  }
0x24: {  	s3 =	sadd.s32 $0x88, s3;
	s6 =	simm.s32 @!p1 $0x1082;
	[sflag:s4] =	ssyncset.s32 $0xFFFFF086  }
0x25: {  	[simem:s6], [sflag:s4] =	dma.local [hbm:s3], $0xF7A  }
0x26: {  	[smem:$0x3FA0] =	sst s1;
	(tag) =	ssettag s2;
	_ =	strace s9  }
0x27: {  	s1 =	sld [smem:$0x3FB0]  }
0x28: {  	s2 =	sld [smem:$0x3FB1]  }
0x29: {  	s4 =	sld [smem:$0x3FB3]  }
0x2a: {  	p0 =	seq.s32 s5, $0x0;
	s5 =	sld [smem:$0x3FB4]  }
0x2b: {  	s6 =	sld [smem:$0x3FB5]  }
0x2c: {  	s7 =	sld [smem:$0x3FB6]  }
0x2d: {  	s3 =	simm.s32 $0x108;
	s8 =	sld [smem:$0x3FB7]  }
0x2e: {  	s3 =	simm.s32 @!p0 $0x1082;
	s9 =	sld [smem:$0x3FB8]  }
0x2f: {  	lr =	sadd.s32 s0, s3;
	s0 =	sld [smem:$0x3FAF]  }
0x30: {  	s3 =	sld [smem:$0x3FB2]  }
0x31: {  	[smem:$0x3FBB] =	sst s10  }
0x32: {  	s10 =	sld [smem:$0x3FB9];
	_ =	sdelay $0x3  }
0x33: {  	p0 =	seq.s32 s10, $0x1;
	s10 =	sld [smem:$0x3FBB];
	_ =	sdelay $0x3  }
0x34: {  	[smem:$0x3FBB] =	sst s10  }
0x35: {  	s10 =	sld [smem:$0x3FBA];
	_ =	sdelay $0x3  }
0x36: {  	p1 =	seq.s32 s10, $0x1;
	s10 =	sld [smem:$0x3FBB];
	_ =	sdelay $0x3  }
0x37: {  	[smem:$0x3FBB] =	sst s10  }
0x38: {  	s10 =	sld [smem:$0x3FBC]  }
0x39: {  	_ = 	snop;
	(pc) =	sbr.ind lr, $3  }
0x3a: {  	_ = 	snop  }
0x3b: {  	_ = 	snop  }
0x3c: {  	p2 =	seq.s32 s10, $0x1;
	s10 =	sld [smem:$0x3FBB]  }
0x3d: {  	_ =	shalt  }
0x3e: {  	_ =	shalt  }
0x3f: {  	_ =	shalt  }
0x40: {  	_ =	shalt  }
0x41: {  	_ =	shalt  }
0x42: {  	_ =	shalt  }
0x43: {  	_ =	shalt  }
0x44: {  	_ =	shalt  }
0x45: {  	_ =	shalt  }
0x46: {  	_ =	shalt  }
0x47: {  	_ =	shalt  }
0x48: {  	_ =	shalt  }
0x49: {  	_ =	shalt  }
0x4a: {  	_ =	shalt  }
0x4b: {  	_ =	shalt  }
0x4c: {  	_ =	shalt  }
0x4d: {  	_ =	shalt  }
0x4e: {  	_ =	shalt  }
0x4f: {  	_ =	shalt  }
0x50: {  	_ =	shalt  }
0x51: {  	_ =	shalt  }
0x52: {  	_ =	shalt  }
0x53: {  	_ =	shalt  }
0x54: {  	_ =	shalt  }
0x55: {  	_ =	shalt  }
0x56: {  	_ =	shalt  }
0x57: {  	_ =	shalt  }
0x58: {  	_ =	shalt  }
0x59: {  	_ =	shalt  }
0x5a: {  	_ =	shalt  }
0x5b: {  	_ =	shalt  }
0x5c: {  	_ =	shalt  }
0x5d: {  	_ =	shalt  }
0x5e: {  	_ =	shalt  }
0x5f: {  	_ =	shalt  }
0x60: {  	_ =	shalt  }
0x61: {  	_ =	shalt  }
0x62: {  	_ =	shalt  }
0x63: {  	_ =	shalt  }
0x64: {  	_ =	shalt  }
0x65: {  	_ =	shalt  }
0x66: {  	_ =	shalt  }
0x67: {  	_ =	shalt  }
0x68: {  	_ =	shalt  }
0x69: {  	_ =	shalt  }
0x6a: {  	_ =	shalt  }
0x6b: {  	_ =	shalt  }
0x6c: {  	_ =	shalt  }
0x6d: {  	_ =	shalt  }
0x6e: {  	_ =	shalt  }
0x6f: {  	_ =	shalt  }
0x70: {  	_ =	shalt  }
0x71: {  	_ =	shalt  }
0x72: {  	_ =	shalt  }
0x73: {  	_ =	shalt  }
0x74: {  	_ =	shalt  }
0x75: {  	_ =	shalt  }
0x76: {  	_ =	shalt  }
0x77: {  	_ =	shalt  }
0x78: {  	_ =	shalt  }
0x79: {  	_ =	shalt  }
0x7a: {  	_ =	shalt  }
0x7b: {  	_ =	shalt  }
0x7c: {  	_ =	shalt  }
0x7d: {  	_ =	shalt  }
0x7e: {  	_ =	shalt  }
0x7f: {  	_ =	shalt  }
0x80: {  	_ =	shalt  }
0x81: {  	_ =	shalt  }
0x82: {  	_ =	shalt  }
0x83: {  	_ =	shalt  }
0x84: {  	_ =	shalt  }
0x85: {  	_ =	shalt  }
0x86: {  	_ =	shalt  }
0x87: {  	_ =	shalt  }
.Lfunc_end0:
.L_simem_size_0:
called_computation_lowered:
.L_overlay_start_0:
0x88: {  	s2 =	sld [smem:$0x3FD9]  }
0x89: {  	s3 =	sld [smem:$0x3FFE];
	_ =	sdelay $0x1  }
0x8a: {  	s1 =	srdreg.scid  }
0x8b: {  	s0 =	sand.u32 $0x1, s1  }
0x8c: {  	s18 =	sshll.u32 s0, $0xA;
	s2 =	sadd.s32 s3, s2  }
0x8d: {  	s2 =	sadd.s32 s2, s18  }
0x8e: {  	[smem:$0x3FC7] =	sst s2  }
0x8f: {  	_ = 	snop  }
0x90: {  	s2 =	sld [smem:$0x3FC9]  }
0x91: {  	s19 =	sld [smem:$0x3FD0];
	(tm) =	ssettm $0x1  }
0x92: {  	s4 =	sld [smem:$0x3FFB];
	_ =	sdelay $0x3  }
0x93: {  	_ =	strace s4  }
0x94: {  	s4 =	sld [smem:$0x3FFC];
	_ =	sdelay $0x3  }
0x95: {  	_ =	strace s4  }
0x96: {  	s4 =	sld [smem:$0x3FFD];
	_ =	sdelay $0x3  }
0x97: {  	_ =	strace s4  }
0x98: {  	_ =	strace $0x8FFFFFFF  }
0x99: {  	s20 =	sld [smem:$0x3FDB];
	_ =	sdelay $0x1  }
0x9a: {  	s5 =	simm.s32 $_scs_section_size  }
0x9b: {  	s6 =	simm.s32 $_size__tile_overlayer_lowered;
	s7 =	simm.s32 $_tile_overlayer_lowered  }
0x9c: {  	s23 =	simm.s32 $0x1BFF;
	s22 =	sshll.u32 s7, $0x1;
	s4 =	sadd.s32 s5, s20  }
0x9d: {  	s8 =	simm.s32 $0x0;
	s21 =	sshll.u32 s6, $0x1;
	s6 =	sadd.s32 s22, s4  }
0x9e: {  	[timem:s8], [sflag:s23] =	dma.local [hbm:s6], s21  }
0x9f: {  	_ =	swait.ge [sflag:s23], s21  }
0xa0: {  	s5 =	ssub.s32 $0x0, s21;
	[sflag:s23] =	ssyncset.done $0x0  }
0xa1: {  	[sflag:s23] =	ssyncadd.s32 s5;
	_ =	sdelay $0x1  }
0xa2: {  	s24 =	simm.s32 $0x1B8B  }
0xa3: {  	_ =	swait.ge [sflag:s24], $0x1  }
0xa4: {  	[sflag:s24] =	ssyncset.done $0x0  }
0xa5: {  	s25 =	simm.s32 $0x1B8E;
	[sflag:s24] =	ssyncadd.s32 $0xFFFFFFFF  }
0xa6: {  	s26 =	simm.s32 $execute0_lowered;
	[smem:$0x3FD2] =	sst s25  }
0xa7: {  	s5 =	sshll.u32 s26, $0x1;
	_ =	strace $0x80000046;
	[dreg:$0x1] =	wrdreg $0xFFFFFFFF  }
0xa8: {  	s28 =	simm.s32 $_size_execute0_lowered;
	s4 =	sadd.s32 s4, s5;
	[dreg:$0x0] =	wrdreg $0x0  }
0xa9: {  	s5 =	sshll.u32 s28, $0x1;
	[dreg:$0x2] =	wrdreg s4  }
0xaa: {  	[dreg:$0x3] =	wrdreg s5  }
0xab: {  	[dreg:$0x4] =	wrdreg $0xC0  }
0xac: {  	_ =	task [dreg:s8], $0x5FFFF  }
0xad: {  	[dreg:$0x1] =	wrdreg $0xFFFFFFFF  }
0xae: {  	[dreg:$0x0] =	wrdreg $0x60  }
0xaf: {  	[dreg:$0x2] =	wrdreg s2  }
0xb0: {  	[dreg:$0x3] =	wrdreg s19  }
0xb1: {  	[dreg:$0x4] =	wrdreg $0x9  }
0xb2: {  	_ =	task.clear_ibuf [dreg:s8], $0x5FFFF;
	_ =	strace $0x90000046  }
0xb3: {  	s29 =	simm.s32 $0x9;
	_ =	strace $0x80000048  }
0xb4: {  	_ =	swait.ge [sflag:s29], $0x1  }
0xb5: {  	[sflag:s29] =	ssyncadd.s32 $0xFFFFFFFF  }
0xb6: {  	_ =	strace $0x90000048  }
0xb7: {  	_ =	sfence  }
0xb8: {  	s30 =	sld [smem:$0x0];
	_ =	sdelay $0x2  }
0xb9: {  	s31 =	sshll.u32 s1, $0xD;
	s1 =	sshrl.u32 s1, $0x2  }
0xba: {  	s3 =	sand.u32 $0x4000, s31;
	s1 =	sadd.s32 s1, s30  }
0xbb: {  	s0 =	sor.u32 s3, s0;
	s1 =	sshll.u32 s1, $0x11  }
0xbc: {  	s0 =	sor.u32 s1, s0  }
0xbd: {  	s0 =	sadd.s32 $0x8F2B, s0  }
0xbe: {  	[sflag:s0] =	ssyncadd.remote.s32 $0x1  }
0xbf: {  	_ =	sfence.sel $0xFFFF  }
0xc0: {  	[dreg:$0x0] =	wrdreg $0xFFFFFFFF;
	(pc) =	sbr.abs _section_cstart, $3  }
0xc1: {  	[dreg:$0x1] =	wrdreg $0xFFFFFFFF  }
0xc2: {  	_ =	task.clear_ibuf [dreg:s8], $0x2FFFF;
	_ =	strace $0x9FFFFFFF  }
0xc3: {  	(tm) =	ssettm $0x7FFFFFFF  }
tec
execute0_lowered:
.L_overlay_start_1:
0x0: {  	(tag) =	ssettag $0x1  }
0x1: {  	s1 =	rddreg [dreg:$0x0];
	s0 =	srdreg.scid  }
0x2: {  	s2 =	rddreg [dreg:$0x1];
	s4 =	simm.s32 $0x0;
	s6 =	stileid.u32  }
0x3: {  	s9 =	simm.s32 $0x1000;
	s10 =	simm.s32 $0x7A1400;
	s11 =	simm.s32 $0x1  }
.Ltmp0:
0x4: {  	s12 =	simm.s32 $0x8000;
	s0 =	sand.u32 $0x1, s0;
	(pc) =	sbr.rel .LBB2_1-.Ltmp0, $4  }
0x5: {  	[smem:$0x7FF] =	sst s4;
	s30 =	sshll.u32 s6, $0x1;
	s3 =	ssub.s32 $0x2, s0  }
0x6: {  	s31 =	sadd.s32 $0xF4200, s1;
	s7 =	sadd.s32 $0xF4200, s2;
	s5 =	sshrl.u32 s3, $0x1  }
0x7: {  	_ =	strace $0x80000047;
	s3 =	ssub.s32 s3, s5;
	s5 =	sor.u32 s0, s30  }
0x8: {  	[dreg:$0x3] =	wrdreg s31;
	s8 =	smax.u32 s3, $0x1;
	p0 =	sne.s32 s5, $0x0  }
.LBB2_7:
.Ltmp1:
0x9: {  	(pc) =	sbr.rel @!p0 .LBB2_8-.Ltmp1, $1  }
0xa: {  	_ =	sdelay $0x3  }
.LBB2_11:
0xb: {  	s4 =	sadd.s32 $0x1, s4  }
0xc: {  	p1 =	sne.s32 s4, s8  }
.Ltmp2:
0xd: {  	_ = 	snop;
	(pc) =	sbr.rel @!p1 .LBB2_12-.Ltmp2, $1  }
0xe: {  	_ =	sdelay $0x3  }
.LBB2_1:
.Ltmp3:
0xf: {  	(pc) =	sbr.rel .LBB2_2-.Ltmp3, $2  }
0x10: {  	_ =	sdelay $0x2  }
0x11: {  	s16 =	simm.s32 $0x0  }
.LBB2_6:
0x12: {  	s16 =	sadd.s32 $0x1, s16  }
0x13: {  	p1 =	sne.s32 s16, $0x3E  }
.Ltmp4:
0x14: {  	_ = 	snop;
	(pc) =	sbr.rel @!p1 .LBB2_7-.Ltmp4, $1  }
0x15: {  	_ =	sdelay $0x3  }
.LBB2_2:
0x16: {  	s0 =	sshll.u32 s16, $0x5  }
0x17: {  	s0 =	sor.u32 s5, s0  }
0x18: {  	p1 =	sgt.u32 s0, $0x7A0  }
.Ltmp5:
0x19: {  	_ = 	snop;
	(pc) =	sbr.rel @p1 .LBB2_6-.Ltmp5, $1  }
0x1a: {  	_ =	sdelay $0x3  }
0x1b: {  	s17 =	sshll.u32 s0, $0x9  }
0x1c: {  	s18 =	simm.s32 $0x0;
	s0 =	sadd.s32 s1, s17  }
0x1d: {  	[tilespmem:s18], [sflag:$0x1] =	stream.strided.gather [hbm4b:s0+s9], $0x8000, s10, s9, $0x38;
	[tilespmem:$0x14000] =	vst v63  }
0x1e: {  	_ =	swait.ge [sflag:s11], $0x8000  }
0x1f: {  	[sflag:s11] =	ssyncset.done $0x0  }
0x20: {  	s19 =	simm.s32 $0x0;
	[sflag:s11] =	ssyncadd.s32 $0xFFFF8000  }
.LBB2_4:
0x21: {  	s0 =	sand.u32 $0x70, s19;
	s3 =	sand.u32 $0xC00, s18  }
0x22: {  	s20 =	sor.u32 s0, s3  }
0x23: {  	v0 =	vld [tilespmem:s20+$0x0]  }
0x24: {  	v1 =	vld [tilespmem:s20+$0x80]  }
0x25: {  	s31 =	sand.u32 $0xFFFFFC00, s18  }
0x26: {  	s13 =	sadd.s32 s31, s19;
	v2 =	vld [tilespmem:s20+$0x100]  }
0x27: {  	s21 =	sor.u32 $0x180, s13  }
0x28: {  	v3 =	vld [tilespmem:s21+$0x0]  }
0x29: {  	v4 =	vmul.f32 v0, v0;
	v1 =	vmul.f32 v1, v1  }
0x2a: {  	v5 =	vld [tilespmem:s20+$0x200]  }
0x2b: {  	v2 =	vmul.f32 v2, v2;
	v1 =	vadd.f32 v1, v4  }
0x2c: {  	v63 =	vld [tilespmem:s20+$0x280]  }
0x2d: {  	v7 =	vmul.f32 v3, v3;
	v1 =	vadd.f32 v2, v1  }
0x2e: {  	s6 =	sor.u32 s19, s18;
	v8 =	vld [tilespmem:s20+$0x300]  }
0x2f: {  	s22 =	sor.u32 $0x380, s6;
	v9 =	vmul.f32 v5, v5;
	v1 =	vadd.f32 v7, v1  }
0x30: {  	v10 =	vld [tilespmem:s22+$0x0]  }
0x31: {  	v11 =	vmul.f32 v63, v63;
	v1 =	vadd.f32 v9, v1  }
0x32: {  	v12 =	vld [tilespmem:s20+$0x1000]  }
0x33: {  	v13 =	vmul.f32 v8, v8;
	v1 =	vadd.f32 v11, v1  }
0x34: {  	v14 =	vld [tilespmem:s20+$0x1080]  }
0x35: {  	v15 =	vmul.f32 v10, v10;
	v1 =	vadd.f32 v13, v1  }
0x36: {  	v16 =	vld [tilespmem:s20+$0x1100]  }
0x37: {  	s23 =	sor.u32 $0x1180, s13;
	v17 =	vmul.f32 v12, v12;
	v1 =	vadd.f32 v15, v1  }
0x38: {  	v18 =	vld [tilespmem:s23+$0x0]  }
0x39: {  	v19 =	vmul.f32 v14, v14;
	v1 =	vadd.f32 v17, v1  }
0x3a: {  	v20 =	vld [tilespmem:s20+$0x1200]  }
0x3b: {  	v21 =	vmul.f32 v16, v16;
	v1 =	vadd.f32 v19, v1  }
0x3c: {  	v22 =	vld [tilespmem:s20+$0x1280]  }
0x3d: {  	v23 =	vmul.f32 v18, v18;
	v1 =	vadd.f32 v21, v1  }
0x3e: {  	v24 =	vld [tilespmem:s20+$0x1300]  }
0x3f: {  	s24 =	sor.u32 $0x1380, s6;
	v25 =	vmul.f32 v20, v20;
	v1 =	vadd.f32 v23, v1  }
0x40: {  	v26 =	vld [tilespmem:s24+$0x0]  }
0x41: {  	v27 =	vmul.f32 v22, v22;
	v1 =	vadd.f32 v25, v1  }
0x42: {  	v28 =	vld [tilespmem:s20+$0x2000]  }
0x43: {  	v29 =	vmul.f32 v24, v24;
	v1 =	vadd.f32 v27, v1  }
0x44: {  	v30 =	vld [tilespmem:s20+$0x2080]  }
0x45: {  	v31 =	vmul.f32 v26, v26;
	v1 =	vadd.f32 v29, v1  }
0x46: {  	v32 =	vld [tilespmem:s20+$0x2100]  }
0x47: {  	s25 =	sor.u32 $0x2180, s13;
	v33 =	vmul.f32 v28, v28;
	v1 =	vadd.f32 v31, v1  }
0x48: {  	v34 =	vld [tilespmem:s25+$0x0]  }
0x49: {  	v35 =	vmul.f32 v30, v30;
	v1 =	vadd.f32 v33, v1  }
0x4a: {  	v36 =	vld [tilespmem:s20+$0x2200]  }
0x4b: {  	v37 =	vmul.f32 v32, v32;
	v1 =	vadd.f32 v35, v1  }
0x4c: {  	v38 =	vld [tilespmem:s20+$0x2280]  }
0x4d: {  	v39 =	vmul.f32 v34, v34;
	v1 =	vadd.f32 v37, v1  }
0x4e: {  	v40 =	vld [tilespmem:s20+$0x2300]  }
0x4f: {  	s26 =	sor.u32 $0x2380, s6;
	v41 =	vmul.f32 v36, v36;
	v1 =	vadd.f32 v39, v1  }
0x50: {  	v42 =	vld [tilespmem:s26+$0x0]  }
0x51: {  	v43 =	vmul.f32 v38, v38;
	v1 =	vadd.f32 v41, v1  }
0x52: {  	v44 =	vld [tilespmem:s20+$0x3000]  }
0x53: {  	v45 =	vmul.f32 v40, v40;
	v1 =	vadd.f32 v43, v1  }
0x54: {  	v46 =	vld [tilespmem:s20+$0x3080]  }
0x55: {  	v47 =	vmul.f32 v42, v42;
	v1 =	vadd.f32 v45, v1  }
0x56: {  	v48 =	vld [tilespmem:s20+$0x3100]  }
0x57: {  	s28 =	sor.u32 $0x3180, s13;
	v49 =	vmul.f32 v44, v44;
	v1 =	vadd.f32 v47, v1  }
0x58: {  	v50 =	vld [tilespmem:s28+$0x0]  }
0x59: {  	v51 =	vmul.f32 v46, v46;
	v1 =	vadd.f32 v49, v1  }
0x5a: {  	v52 =	vld [tilespmem:s20+$0x3200]  }
0x5b: {  	v53 =	vmul.f32 v48, v48;
	v1 =	vadd.f32 v51, v1  }
0x5c: {  	v54 =	vld [tilespmem:s20+$0x3280]  }
0x5d: {  	v55 =	vmul.f32 v50, v50;
	v1 =	vadd.f32 v53, v1  }
0x5e: {  	v56 =	vld [tilespmem:s20+$0x3300]  }
0x5f: {  	s29 =	sor.u32 $0x3380, s6;
	v57 =	vmul.f32 v52, v52;
	v1 =	vadd.f32 v55, v1  }
0x60: {  	v58 =	vld [tilespmem:s29+$0x0]  }
0x61: {  	v59 =	vmul.f32 v54, v54;
	v1 =	vadd.f32 v57, v1  }
0x62: {  	v60 =	vld [tilespmem:s20+$0x4000]  }
0x63: {  	v61 =	vmul.f32 v56, v56;
	v1 =	vadd.f32 v59, v1  }
0x64: {  	v62 =	vld [tilespmem:s20+$0x4080]  }
0x65: {  	v63 =	vmul.f32 v58, v58;
	v1 =	vadd.f32 v61, v1  }
0x66: {  	v8 =	vld [tilespmem:s20+$0x4100]  }
0x67: {  	s30 =	sor.u32 $0x4180, s13;
	v9 =	vmul.f32 v60, v60;
	v1 =	vadd.f32 v63, v1  }
0x68: {  	v10 =	vld [tilespmem:s30+$0x0]  }
0x69: {  	v11 =	vmul.f32 v62, v62;
	v1 =	vadd.f32 v9, v1  }
0x6a: {  	v12 =	vld [tilespmem:s20+$0x4200]  }
0x6b: {  	v13 =	vmul.f32 v8, v8;
	v1 =	vadd.f32 v11, v1  }
0x6c: {  	v14 =	vld [tilespmem:s20+$0x4280]  }
0x6d: {  	v15 =	vmul.f32 v10, v10;
	v1 =	vadd.f32 v13, v1  }
0x6e: {  	v16 =	vld [tilespmem:s20+$0x4300]  }
0x6f: {  	s31 =	sor.u32 $0x4380, s6;
	v17 =	vmul.f32 v12, v12;
	v1 =	vadd.f32 v15, v1  }
0x70: {  	v18 =	vld [tilespmem:s31+$0x0]  }
0x71: {  	v19 =	vmul.f32 v14, v14;
	v1 =	vadd.f32 v17, v1  }
0x72: {  	v20 =	vld [tilespmem:s20+$0x5000]  }
0x73: {  	v21 =	vmul.f32 v16, v16;
	v1 =	vadd.f32 v19, v1  }
0x74: {  	v22 =	vld [tilespmem:s20+$0x5080]  }
0x75: {  	v23 =	vmul.f32 v18, v18;
	v1 =	vadd.f32 v21, v1  }
0x76: {  	v24 =	vld [tilespmem:s20+$0x5100]  }
0x77: {  	s0 =	sor.u32 $0x5180, s13;
	v25 =	vmul.f32 v20, v20;
	v1 =	vadd.f32 v23, v1  }
0x78: {  	v26 =	vld [tilespmem:s0+$0x0]  }
0x79: {  	v27 =	vmul.f32 v22, v22;
	v1 =	vadd.f32 v25, v1  }
0x7a: {  	v28 =	vld [tilespmem:s20+$0x5200]  }
0x7b: {  	v29 =	vmul.f32 v24, v24;
	v1 =	vadd.f32 v27, v1  }
0x7c: {  	v30 =	vld [tilespmem:s20+$0x5280]  }
0x7d: {  	v31 =	vmul.f32 v26, v26;
	v1 =	vadd.f32 v29, v1  }
0x7e: {  	v32 =	vld [tilespmem:s20+$0x5300]  }
0x7f: {  	s3 =	sor.u32 $0x5380, s6;
	v33 =	vmul.f32 v28, v28;
	v1 =	vadd.f32 v31, v1  }
0x80: {  	v34 =	vld [tilespmem:s3+$0x0]  }
0x81: {  	v35 =	vmul.f32 v30, v30;
	v1 =	vadd.f32 v33, v1  }
0x82: {  	v36 =	vld [tilespmem:s20+$0x6000]  }
0x83: {  	v37 =	vmul.f32 v32, v32;
	v1 =	vadd.f32 v35, v1  }
0x84: {  	v38 =	vld [tilespmem:s20+$0x6080]  }
0x85: {  	v39 =	vmul.f32 v34, v34;
	v1 =	vadd.f32 v37, v1  }
0x86: {  	v40 =	vld [tilespmem:s20+$0x6100]  }
0x87: {  	s14 =	sor.u32 $0x6180, s13;
	v41 =	vmul.f32 v36, v36;
	v1 =	vadd.f32 v39, v1  }
0x88: {  	v42 =	vld [tilespmem:s14+$0x0]  }
0x89: {  	v43 =	vmul.f32 v38, v38;
	v1 =	vadd.f32 v41, v1  }
0x8a: {  	v44 =	vld [tilespmem:s20+$0x6200]  }
0x8b: {  	v45 =	vmul.f32 v40, v40;
	v1 =	vadd.f32 v43, v1  }
0x8c: {  	v46 =	vld [tilespmem:s20+$0x6280]  }
0x8d: {  	v47 =	vmul.f32 v42, v42;
	v1 =	vadd.f32 v45, v1  }
0x8e: {  	v48 =	vld [tilespmem:s20+$0x6300]  }
0x8f: {  	s15 =	sor.u32 $0x6380, s6;
	v49 =	vmul.f32 v44, v44;
	v1 =	vadd.f32 v47, v1  }
0x90: {  	v50 =	vld [tilespmem:s15+$0x0]  }
0x91: {  	v51 =	vmul.f32 v46, v46;
	v1 =	vadd.f32 v49, v1  }
0x92: {  	v52 =	vld [tilespmem:s20+$0x7000]  }
0x93: {  	v53 =	vmul.f32 v48, v48;
	v1 =	vadd.f32 v51, v1  }
0x94: {  	v54 =	vld [tilespmem:s20+$0x7080]  }
0x95: {  	v55 =	vmul.f32 v50, v50;
	v1 =	vadd.f32 v53, v1  }
0x96: {  	v56 =	vld [tilespmem:s20+$0x7100]  }
0x97: {  	s13 =	sor.u32 $0x7180, s13;
	v57 =	vmul.f32 v52, v52;
	v1 =	vadd.f32 v55, v1  }
0x98: {  	v58 =	vld [tilespmem:s13+$0x0]  }
0x99: {  	v59 =	vmul.f32 v54, v54;
	v1 =	vadd.f32 v57, v1  }
0x9a: {  	v60 =	vld [tilespmem:s20+$0x7200]  }
0x9b: {  	v61 =	vmul.f32 v56, v56;
	v1 =	vadd.f32 v59, v1  }
0x9c: {  	v62 =	vld [tilespmem:s20+$0x7280]  }
0x9d: {  	v63 =	vmul.f32 v58, v58;
	v1 =	vadd.f32 v61, v1  }
0x9e: {  	v8 =	vld [tilespmem:s20+$0x7300]  }
0x9f: {  	s6 =	sor.u32 $0x7380, s6;
	v9 =	vmul.f32 v60, v60;
	v1 =	vadd.f32 v63, v1  }
0xa0: {  	v10 =	vld [tilespmem:s6+$0x0]  }
0xa1: {  	v11 =	vmul.f32 v62, v62;
	v1 =	vadd.f32 v9, v1;
	_ =	sdelay $0x1  }
0xa2: {  	v12 =	vmul.f32 v8, v8;
	v1 =	vadd.f32 v11, v1;
	_ =	sdelay $0x1  }
0xa3: {  	v13 =	vmul.f32 v10, v10;
	v1 =	vadd.f32 v12, v1;
	_ =	sdelay $0x1  }
0xa4: {  	v1 =	vadd.f32 v13, v1;
	_ =	sdelay $0x1  }
0xa5: {  	v1 =	vmax.f32 v1, $1.000000020e-24  }
0xa6: {  	v14 =	vshra.s32 v1, $0x1;
	v1 =	vmul.f32 $5.000000000e-01, v1  }
0xa7: {  	v2 =	vsub.s32 $0x5F3759DF, v14  }
0xa8: {  	v15 =	vmul.f32 v2, v1;
	_ =	sdelay $0x1  }
0xa9: {  	v3 =	vmul.f32 v2, v15;
	_ =	sdelay $0x1  }
0xaa: {  	v3 =	vsub.f32 $1.500000000e+00, v3;
	_ =	sdelay $0x1  }
0xab: {  	v2 =	vmul.f32 v2, v3;
	_ =	sdelay $0x1  }
0xac: {  	v3 =	vmul.f32 v2, v1;
	_ =	sdelay $0x1  }
0xad: {  	v3 =	vmul.f32 v3, v2;
	_ =	sdelay $0x1  }
0xae: {  	v3 =	vsub.f32 $1.500000000e+00, v3;
	_ =	sdelay $0x1  }
0xaf: {  	v2 =	vmul.f32 v3, v2;
	_ =	sdelay $0x1  }
0xb0: {  	v1 =	vmul.f32 v2, v1;
	_ =	sdelay $0x1  }
0xb1: {  	v1 =	vmul.f32 v1, v2;
	_ =	sdelay $0x1  }
0xb2: {  	v16 =	vld [tilespmem:s20+$0x80];
	v1 =	vsub.f32 $1.500000000e+00, v1  }
0xb3: {  	v17 =	vld [tilespmem:s20+$0x100]  }
0xb4: {  	v1 =	vmul.f32 v1, v2;
	_ =	sdelay $0x1  }
0xb5: {  	v0 =	vmul.f32 v1, v0  }
0xb6: {  	v2 =	vmul.f32 v1, v16  }
0xb7: {  	v18 =	vmul.f32 v1, v17;
	[tilespmem:s20+$0x8000] =	vst v0  }
0xb8: {  	[tilespmem:s20+$0x8080] =	vst v2  }
0xb9: {  	[tilespmem:s20+$0x8100] =	vst v18  }
0xba: {  	v0 =	vld [tilespmem:s21+$0x0];
	_ =	sdelay $0x4  }
0xbb: {  	v0 =	vmul.f32 v1, v0;
	_ =	sdelay $0x1  }
0xbc: {  	[tilespmem:s21+$0x8000] =	vst v0  }
0xbd: {  	v0 =	vld [tilespmem:s20+$0x200]  }
0xbe: {  	v19 =	vld [tilespmem:s20+$0x280]  }
0xbf: {  	v20 =	vld [tilespmem:s20+$0x300];
	_ =	sdelay $0x2  }
0xc0: {  	v0 =	vmul.f32 v1, v0  }
0xc1: {  	v2 =	vmul.f32 v1, v19  }
0xc2: {  	v21 =	vmul.f32 v1, v20;
	[tilespmem:s20+$0x8200] =	vst v0  }
0xc3: {  	[tilespmem:s20+$0x8280] =	vst v2  }
0xc4: {  	[tilespmem:s20+$0x8300] =	vst v21  }
0xc5: {  	v0 =	vld [tilespmem:s22+$0x0];
	_ =	sdelay $0x4  }
0xc6: {  	v0 =	vmul.f32 v1, v0;
	_ =	sdelay $0x1  }
0xc7: {  	[tilespmem:s22+$0x8000] =	vst v0  }
0xc8: {  	v0 =	vld [tilespmem:s20+$0x1000]  }
0xc9: {  	v22 =	vld [tilespmem:s20+$0x1080]  }
0xca: {  	v23 =	vld [tilespmem:s20+$0x1100];
	_ =	sdelay $0x2  }
0xcb: {  	v0 =	vmul.f32 v1, v0  }
0xcc: {  	v2 =	vmul.f32 v1, v22  }
0xcd: {  	v24 =	vmul.f32 v23, v1;
	[tilespmem:s20+$0x9000] =	vst v0  }
0xce: {  	[tilespmem:s20+$0x9080] =	vst v2  }
0xcf: {  	[tilespmem:s20+$0x9100] =	vst v24  }
0xd0: {  	v0 =	vld [tilespmem:s23+$0x0];
	_ =	sdelay $0x4  }
0xd1: {  	v0 =	vmul.f32 v0, v1;
	_ =	sdelay $0x1  }
0xd2: {  	[tilespmem:s23+$0x8000] =	vst v0  }
0xd3: {  	v0 =	vld [tilespmem:s20+$0x1200]  }
0xd4: {  	v25 =	vld [tilespmem:s20+$0x1280]  }
0xd5: {  	v26 =	vld [tilespmem:s20+$0x1300];
	_ =	sdelay $0x2  }
0xd6: {  	v0 =	vmul.f32 v0, v1  }
0xd7: {  	v2 =	vmul.f32 v25, v1  }
0xd8: {  	v27 =	vmul.f32 v26, v1;
	[tilespmem:s20+$0x9200] =	vst v0  }
0xd9: {  	[tilespmem:s20+$0x9280] =	vst v2  }
0xda: {  	[tilespmem:s20+$0x9300] =	vst v27  }
0xdb: {  	v0 =	vld [tilespmem:s24+$0x0];
	_ =	sdelay $0x4  }
0xdc: {  	v0 =	vmul.f32 v0, v1;
	_ =	sdelay $0x1  }
0xdd: {  	[tilespmem:s24+$0x8000] =	vst v0  }
0xde: {  	v0 =	vld [tilespmem:s20+$0x2000]  }
0xdf: {  	v28 =	vld [tilespmem:s20+$0x2080]  }
0xe0: {  	v29 =	vld [tilespmem:s20+$0x2100];
	_ =	sdelay $0x2  }
0xe1: {  	v0 =	vmul.f32 v0, v1  }
0xe2: {  	v2 =	vmul.f32 v28, v1  }
0xe3: {  	v30 =	vmul.f32 v29, v1;
	[tilespmem:s20+$0xA000] =	vst v0  }
0xe4: {  	[tilespmem:s20+$0xA080] =	vst v2  }
0xe5: {  	[tilespmem:s20+$0xA100] =	vst v30  }
0xe6: {  	v0 =	vld [tilespmem:s25+$0x0];
	_ =	sdelay $0x4  }
0xe7: {  	v0 =	vmul.f32 v0, v1;
	_ =	sdelay $0x1  }
0xe8: {  	[tilespmem:s25+$0x8000] =	vst v0  }
0xe9: {  	v0 =	vld [tilespmem:s20+$0x2200]  }
0xea: {  	v31 =	vld [tilespmem:s20+$0x2280]  }
0xeb: {  	v32 =	vld [tilespmem:s20+$0x2300];
	_ =	sdelay $0x2  }
0xec: {  	v0 =	vmul.f32 v0, v1  }
0xed: {  	v2 =	vmul.f32 v31, v1  }
0xee: {  	v33 =	vmul.f32 v32, v1;
	[tilespmem:s20+$0xA200] =	vst v0  }
0xef: {  	[tilespmem:s20+$0xA280] =	vst v2  }
0xf0: {  	[tilespmem:s20+$0xA300] =	vst v33  }
0xf1: {  	v0 =	vld [tilespmem:s26+$0x0];
	_ =	sdelay $0x4  }
0xf2: {  	v0 =	vmul.f32 v0, v1;
	_ =	sdelay $0x1  }
0xf3: {  	[tilespmem:s26+$0x8000] =	vst v0  }
0xf4: {  	v0 =	vld [tilespmem:s20+$0x3000]  }
0xf5: {  	v34 =	vld [tilespmem:s20+$0x3080]  }
0xf6: {  	v35 =	vld [tilespmem:s20+$0x3100];
	_ =	sdelay $0x2  }
0xf7: {  	v0 =	vmul.f32 v0, v1  }
0xf8: {  	v2 =	vmul.f32 v34, v1  }
0xf9: {  	v36 =	vmul.f32 v35, v1;
	[tilespmem:s20+$0xB000] =	vst v0  }
0xfa: {  	[tilespmem:s20+$0xB080] =	vst v2  }
0xfb: {  	[tilespmem:s20+$0xB100] =	vst v36  }
0xfc: {  	v0 =	vld [tilespmem:s28+$0x0];
	_ =	sdelay $0x4  }
0xfd: {  	v0 =	vmul.f32 v0, v1;
	_ =	sdelay $0x1  }
0xfe: {  	[tilespmem:s28+$0x8000] =	vst v0  }
0xff: {  	v0 =	vld [tilespmem:s20+$0x3200]  }
0x100: {  	v37 =	vld [tilespmem:s20+$0x3280]  }
0x101: {  	v38 =	vld [tilespmem:s20+$0x3300];
	_ =	sdelay $0x2  }
0x102: {  	v0 =	vmul.f32 v0, v1  }
0x103: {  	v2 =	vmul.f32 v37, v1  }
0x104: {  	v39 =	vmul.f32 v38, v1;
	[tilespmem:s20+$0xB200] =	vst v0  }
0x105: {  	[tilespmem:s20+$0xB280] =	vst v2  }
0x106: {  	[tilespmem:s20+$0xB300] =	vst v39  }
0x107: {  	v0 =	vld [tilespmem:s29+$0x0];
	_ =	sdelay $0x4  }
0x108: {  	v0 =	vmul.f32 v0, v1;
	_ =	sdelay $0x1  }
0x109: {  	[tilespmem:s29+$0x8000] =	vst v0  }
0x10a: {  	v0 =	vld [tilespmem:s20+$0x4000]  }
0x10b: {  	v40 =	vld [tilespmem:s20+$0x4080]  }
0x10c: {  	v41 =	vld [tilespmem:s20+$0x4100];
	_ =	sdelay $0x2  }
0x10d: {  	v0 =	vmul.f32 v0, v1  }
0x10e: {  	v2 =	vmul.f32 v40, v1  }
0x10f: {  	v42 =	vmul.f32 v41, v1;
	[tilespmem:s20+$0xC000] =	vst v0  }
0x110: {  	[tilespmem:s20+$0xC080] =	vst v2  }
0x111: {  	[tilespmem:s20+$0xC100] =	vst v42  }
0x112: {  	v0 =	vld [tilespmem:s30+$0x0];
	_ =	sdelay $0x4  }
0x113: {  	v0 =	vmul.f32 v0, v1;
	_ =	sdelay $0x1  }
0x114: {  	[tilespmem:s30+$0x8000] =	vst v0  }
0x115: {  	v0 =	vld [tilespmem:s20+$0x4200]  }
0x116: {  	v43 =	vld [tilespmem:s20+$0x4280]  }
0x117: {  	v44 =	vld [tilespmem:s20+$0x4300];
	_ =	sdelay $0x2  }
0x118: {  	v0 =	vmul.f32 v0, v1  }
0x119: {  	v2 =	vmul.f32 v43, v1  }
0x11a: {  	v45 =	vmul.f32 v44, v1;
	[tilespmem:s20+$0xC200] =	vst v0  }
0x11b: {  	[tilespmem:s20+$0xC280] =	vst v2  }
0x11c: {  	[tilespmem:s20+$0xC300] =	vst v45  }
0x11d: {  	v0 =	vld [tilespmem:s31+$0x0];
	_ =	sdelay $0x4  }
0x11e: {  	v0 =	vmul.f32 v0, v1;
	_ =	sdelay $0x1  }
0x11f: {  	[tilespmem:s31+$0x8000] =	vst v0  }
0x120: {  	v0 =	vld [tilespmem:s20+$0x5000]  }
0x121: {  	v46 =	vld [tilespmem:s20+$0x5080]  }
0x122: {  	v47 =	vld [tilespmem:s20+$0x5100];
	_ =	sdelay $0x2  }
0x123: {  	v0 =	vmul.f32 v0, v1  }
0x124: {  	v2 =	vmul.f32 v46, v1  }
0x125: {  	v48 =	vmul.f32 v47, v1;
	[tilespmem:s20+$0xD000] =	vst v0  }
0x126: {  	[tilespmem:s20+$0xD080] =	vst v2  }
0x127: {  	[tilespmem:s20+$0xD100] =	vst v48  }
0x128: {  	v0 =	vld [tilespmem:s0+$0x0];
	_ =	sdelay $0x4  }
0x129: {  	v0 =	vmul.f32 v0, v1;
	_ =	sdelay $0x1  }
0x12a: {  	[tilespmem:s0+$0x8000] =	vst v0  }
0x12b: {  	v0 =	vld [tilespmem:s20+$0x5200]  }
0x12c: {  	v49 =	vld [tilespmem:s20+$0x5280]  }
0x12d: {  	v50 =	vld [tilespmem:s20+$0x5300];
	_ =	sdelay $0x2  }
0x12e: {  	v0 =	vmul.f32 v0, v1  }
0x12f: {  	v2 =	vmul.f32 v49, v1  }
0x130: {  	v51 =	vmul.f32 v50, v1;
	[tilespmem:s20+$0xD200] =	vst v0  }
0x131: {  	[tilespmem:s20+$0xD280] =	vst v2  }
0x132: {  	[tilespmem:s20+$0xD300] =	vst v51  }
0x133: {  	v0 =	vld [tilespmem:s3+$0x0];
	_ =	sdelay $0x4  }
0x134: {  	v0 =	vmul.f32 v0, v1;
	_ =	sdelay $0x1  }
0x135: {  	[tilespmem:s3+$0x8000] =	vst v0  }
0x136: {  	v0 =	vld [tilespmem:s20+$0x6000]  }
0x137: {  	v52 =	vld [tilespmem:s20+$0x6080]  }
0x138: {  	v53 =	vld [tilespmem:s20+$0x6100];
	_ =	sdelay $0x2  }
0x139: {  	v0 =	vmul.f32 v0, v1  }
0x13a: {  	v2 =	vmul.f32 v52, v1  }
0x13b: {  	v54 =	vmul.f32 v53, v1;
	[tilespmem:s20+$0xE000] =	vst v0  }
0x13c: {  	[tilespmem:s20+$0xE080] =	vst v2  }
0x13d: {  	[tilespmem:s20+$0xE100] =	vst v54  }
0x13e: {  	v0 =	vld [tilespmem:s14+$0x0];
	_ =	sdelay $0x4  }
0x13f: {  	v0 =	vmul.f32 v0, v1;
	_ =	sdelay $0x1  }
0x140: {  	[tilespmem:s14+$0x8000] =	vst v0  }
0x141: {  	v0 =	vld [tilespmem:s20+$0x6200]  }
0x142: {  	v55 =	vld [tilespmem:s20+$0x6280]  }
0x143: {  	v56 =	vld [tilespmem:s20+$0x6300];
	_ =	sdelay $0x2  }
0x144: {  	v0 =	vmul.f32 v0, v1  }
0x145: {  	v2 =	vmul.f32 v55, v1  }
0x146: {  	v57 =	vmul.f32 v56, v1;
	[tilespmem:s20+$0xE200] =	vst v0  }
0x147: {  	[tilespmem:s20+$0xE280] =	vst v2  }
0x148: {  	[tilespmem:s20+$0xE300] =	vst v57  }
0x149: {  	v0 =	vld [tilespmem:s15+$0x0];
	_ =	sdelay $0x4  }
0x14a: {  	v0 =	vmul.f32 v0, v1;
	_ =	sdelay $0x1  }
0x14b: {  	[tilespmem:s15+$0x8000] =	vst v0  }
0x14c: {  	v0 =	vld [tilespmem:s20+$0x7000]  }
0x14d: {  	v58 =	vld [tilespmem:s20+$0x7080]  }
0x14e: {  	v59 =	vld [tilespmem:s20+$0x7100];
	_ =	sdelay $0x2  }
0x14f: {  	v0 =	vmul.f32 v0, v1  }
0x150: {  	v2 =	vmul.f32 v58, v1  }
0x151: {  	v60 =	vmul.f32 v59, v1;
	[tilespmem:s20+$0xF000] =	vst v0  }
0x152: {  	[tilespmem:s20+$0xF080] =	vst v2  }
0x153: {  	[tilespmem:s20+$0xF100] =	vst v60  }
0x154: {  	v0 =	vld [tilespmem:s13+$0x0];
	_ =	sdelay $0x4  }
0x155: {  	v0 =	vmul.f32 v0, v1;
	_ =	sdelay $0x1  }
0x156: {  	[tilespmem:s13+$0x8000] =	vst v0  }
0x157: {  	v0 =	vld [tilespmem:s20+$0x7200]  }
0x158: {  	v61 =	vld [tilespmem:s20+$0x7280]  }
0x159: {  	v62 =	vld [tilespmem:s20+$0x7300];
	_ =	sdelay $0x2  }
0x15a: {  	v0 =	vmul.f32 v0, v1  }
0x15b: {  	v2 =	vmul.f32 v61, v1  }
0x15c: {  	v63 =	vmul.f32 v62, v1;
	[tilespmem:s20+$0xF200] =	vst v0  }
0x15d: {  	[tilespmem:s20+$0xF280] =	vst v2  }
0x15e: {  	[tilespmem:s20+$0xF300] =	vst v63  }
0x15f: {  	v0 =	vld [tilespmem:s6+$0x0];
	_ =	sdelay $0x1  }
0x160: {  	p1 =	sne.s32 s19, $0x1F0  }
.Ltmp6:
0x161: {  	_ = 	snop;
	(pc) =	sbr.rel @p1 .LBB2_4-.Ltmp6, $3  }
0x162: {  	_ = 	snop  }
0x163: {  	v0 =	vmul.f32 v0, v1;
	_ =	sdelay $0x1  }
0x164: {  	s18 =	sadd.s32 $0x80, s18;
	s19 =	sadd.s32 $0x10, s19;
	[tilespmem:s6+$0x8000] =	vst v0  }
.Ltmp7:
0x165: {  	s0 =	sadd.s32 s2, s17;
	(pc) =	sbr.rel .LBB2_6-.Ltmp7, $4  }
0x166: {  	[hbm4b:s0+s9] =	stream.strided.scatter [tilespmem:s12], [sflag:$0x1], $0x8000, s10, s9, $0x38;
	[tilespmem:$0x14000] =	vst v63  }
0x167: {  	_ =	swait.ge [sflag:s11], $0x8000  }
0x168: {  	[sflag:s11] =	ssyncset.done $0x0  }
0x169: {  	[sflag:s11] =	ssyncadd.s32 $0xFFFF8000  }
.LBB2_8:
0x16a: {  	s0 =	rddreg [dreg:$0x3];
	s3 =	simm.s32 $0x400;
	s6 =	simm.s32 $0x10000  }
0x16b: {  	[tilespmem:s6], [sflag:$0x1] =	stream.strided.gather [hbm4b:s0+s3], $0x2000, s10, s3, $0x38;
	[tilespmem:$0x14000] =	vst v63  }
0x16c: {  	_ =	swait.ge [sflag:s11], $0x2000  }
0x16d: {  	[sflag:s11] =	ssyncset.done $0x0  }
0x16e: {  	s16 =	simm.s32 $0x0;
	[sflag:s11] =	ssyncadd.s32 $0xFFFFE000  }
0x16f: {  	v2 =	vld [tilespmem:s16+$0x10080];
	_ =	sdelay $0x3  }
0x170: {  	v3 =	vld [tilespmem:s16+$0x10000]  }
0x171: {  	[tilespmem:$0x1FE70] =	vst v2;
	v2 =	vld [tilespmem:s16+$0x10100]  }
0x172: {  	v0 =	vld [tilespmem:s16+$0x10080];
	_ =	sdelay $0x1  }
0x173: {  	v1 =	vld [tilespmem:s16+$0x10100];
	_ =	sdelay $0x1  }
0x174: {  	[tilespmem:$0x1FE80] =	vst v2;
	v2 =	vld [tilespmem:s16+$0x10180]  }
0x175: {  	[tilespmem:$0x1FE90] =	vst v3;
	v3 =	vmul.f32 v3, v3;
	v0 =	vmul.f32 v0, v0;
	_ =	sdelay $0x1  }
0x176: {  	v1 =	vmul.f32 v1, v1;
	v0 =	vadd.f32 v0, v3;
	v3 =	vld [tilespmem:s16+$0x10200];
	_ =	sdelay $0x1  }
0x177: {  	v0 =	vadd.f32 v1, v0;
	v1 =	vmul.f32 v2, v2;
	v2 =	vld [tilespmem:s16+$0x10280]  }
0x178: {  	v5 =	vld [tilespmem:s16+$0x10200]  }
0x179: {  	v4 =	vld [tilespmem:s16+$0x10180]  }
0x17a: {  	[tilespmem:$0x1FEB0] =	vst v3;
	v3 =	vld [tilespmem:s16+$0x10280];
	_ =	sdelay $0x1  }
0x17b: {  	[tilespmem:$0x1FEC0] =	vst v2;
	v2 =	vld [tilespmem:s16+$0x10300]  }
0x17c: {  	v0 =	vadd.f32 v1, v0;
	v1 =	vmul.f32 v5, v5  }
0x17d: {  	v5 =	vld [tilespmem:s16+$0x10380]  }
0x17e: {  	[tilespmem:$0x1FEA0] =	vst v4;
	v4 =	vld [tilespmem:s16+$0x10600];
	v0 =	vadd.f32 v1, v0;
	v1 =	vmul.f32 v3, v3  }
0x17f: {  	v3 =	vld [tilespmem:s16+$0x10400]  }
0x180: {  	v0 =	vadd.f32 v1, v0;
	v1 =	vmul.f32 v2, v2  }
0x181: {  	v2 =	vld [tilespmem:s16+$0x10480]  }
0x182: {  	v0 =	vadd.f32 v1, v0;
	v1 =	vmul.f32 v5, v5  }
0x183: {  	v5 =	vld [tilespmem:s16+$0x10500]  }
0x184: {  	[tilespmem:$0x1FED0] =	vst v4;
	v4 =	vld [tilespmem:s16+$0x10700];
	v0 =	vadd.f32 v1, v0;
	v1 =	vmul.f32 v3, v3  }
0x185: {  	v3 =	vld [tilespmem:s16+$0x10580]  }
0x186: {  	v0 =	vadd.f32 v1, v0;
	v1 =	vmul.f32 v2, v2  }
0x187: {  	v25 =	vld [tilespmem:s16+$0x10300]  }
0x188: {  	v26 =	vld [tilespmem:s16+$0x10380];
	v0 =	vadd.f32 v1, v0;
	v1 =	vmul.f32 v5, v5  }
0x189: {  	[tilespmem:$0x1FEF0] =	vst v4;
	v4 =	vld [tilespmem:s16+$0x10780]  }
0x18a: {  	v0 =	vadd.f32 v1, v0;
	v1 =	vmul.f32 v3, v3;
	v3 =	vld [tilespmem:s16+$0x10680]  }
0x18b: {  	v2 =	vld [tilespmem:s16+$0x10600]  }
0x18c: {  	v28 =	vld [tilespmem:s16+$0x10400]  }
0x18d: {  	v5 =	vld [tilespmem:s16+$0x10680]  }
0x18e: {  	v27 =	vld [tilespmem:s16+$0x10480]  }
0x18f: {  	[tilespmem:$0x1FEE0] =	vst v3;
	v3 =	vld [tilespmem:s16+$0x10700]  }
0x190: {  	[tilespmem:$0x1FF00] =	vst v4;
	v4 =	vld [tilespmem:s16+$0x10800];
	v0 =	vadd.f32 v1, v0;
	v1 =	vmul.f32 v2, v2  }
0x191: {  	v2 =	vld [tilespmem:s16+$0x10780]  }
0x192: {  	v30 =	vld [tilespmem:s16+$0x10500];
	v0 =	vadd.f32 v1, v0;
	v1 =	vmul.f32 v5, v5  }
0x193: {  	v5 =	vld [tilespmem:s16+$0x10800]  }
0x194: {  	v29 =	vld [tilespmem:s16+$0x10580];
	v0 =	vadd.f32 v1, v0;
	v1 =	vmul.f32 v3, v3  }
0x195: {  	v3 =	vld [tilespmem:s16+$0x10880]  }
0x196: {  	[tilespmem:$0x1FF10] =	vst v4;
	v4 =	vld [tilespmem:s16+$0x10880];
	v0 =	vadd.f32 v1, v0;
	v1 =	vmul.f32 v2, v2  }
0x197: {  	v2 =	vld [tilespmem:s16+$0x10900]  }
0x198: {  	v33 =	vld [tilespmem:s16+$0x10B00];
	v0 =	vadd.f32 v1, v0;
	v1 =	vmul.f32 v5, v5  }
0x199: {  	v5 =	vld [tilespmem:s16+$0x10980]  }
0x19a: {  	v10 =	vld [tilespmem:s16+$0x10C80];
	v0 =	vadd.f32 v1, v0;
	v1 =	vmul.f32 v3, v3  }
0x19b: {  	v3 =	vld [tilespmem:s16+$0x10A00]  }
0x19c: {  	[tilespmem:$0x1FF20] =	vst v4;
	v4 =	vld [tilespmem:s16+$0x10900];
	v0 =	vadd.f32 v1, v0;
	v1 =	vmul.f32 v2, v2  }
0x19d: {  	v2 =	vld [tilespmem:s16+$0x10A80]  }
0x19e: {  	v19 =	vld [tilespmem:s16+$0x10E00];
	v0 =	vadd.f32 v1, v0;
	v1 =	vmul.f32 v5, v5  }
0x19f: {  	v5 =	vld [tilespmem:s16+$0x10B00]  }
0x1a0: {  	v31 =	vld [tilespmem:s16+$0x10E80];
	v0 =	vadd.f32 v1, v0;
	v1 =	vmul.f32 v3, v3  }
0x1a1: {  	v3 =	vld [tilespmem:s16+$0x10B80]  }
0x1a2: {  	[tilespmem:$0x1FF30] =	vst v4;
	v4 =	vld [tilespmem:s16+$0x10980];
	v0 =	vadd.f32 v1, v0;
	v1 =	vmul.f32 v2, v2  }
0x1a3: {  	v2 =	vld [tilespmem:s16+$0x10C00]  }
0x1a4: {  	v32 =	vld [tilespmem:s16+$0x10F80];
	v0 =	vadd.f32 v1, v0;
	v1 =	vmul.f32 v5, v5  }
0x1a5: {  	v36 =	vld [tilespmem:s16+$0x11100]  }
0x1a6: {  	v34 =	vld [tilespmem:s16+$0x11100];
	v0 =	vadd.f32 v1, v0;
	v1 =	vmul.f32 v3, v3  }
0x1a7: {  	v3 =	vld [tilespmem:s16+$0x10D00]  }
0x1a8: {  	[tilespmem:$0x1FF40] =	vst v4;
	v4 =	vld [tilespmem:s16+$0x10A00];
	v0 =	vadd.f32 v1, v0;
	v1 =	vmul.f32 v2, v2  }
0x1a9: {  	v2 =	vld [tilespmem:s16+$0x10D80]  }
0x1aa: {  	v35 =	vld [tilespmem:s16+$0x11180];
	v0 =	vadd.f32 v1, v0;
	v1 =	vmul.f32 v10, v10  }
0x1ab: {  	v39 =	vld [tilespmem:s16+$0x11280]  }
0x1ac: {  	v37 =	vld [tilespmem:s16+$0x11280];
	v0 =	vadd.f32 v1, v0;
	v1 =	vmul.f32 v3, v3  }
0x1ad: {  	v3 =	vld [tilespmem:s16+$0x10E80]  }
0x1ae: {  	[tilespmem:$0x1FF50] =	vst v4;
	v4 =	vld [tilespmem:s16+$0x10A80];
	v0 =	vadd.f32 v1, v0;
	v1 =	vmul.f32 v2, v2  }
0x1af: {  	v2 =	vld [tilespmem:s16+$0x10F00]  }
0x1b0: {  	v38 =	vld [tilespmem:s16+$0x11300];
	v0 =	vadd.f32 v1, v0;
	v1 =	vmul.f32 v19, v19  }
0x1b1: {  	v42 =	vld [tilespmem:s16+$0x11400]  }
0x1b2: {  	v40 =	vld [tilespmem:s16+$0x11400];
	v0 =	vadd.f32 v1, v0;
	v1 =	vmul.f32 v3, v3  }
0x1b3: {  	v3 =	vld [tilespmem:s16+$0x11000]  }
0x1b4: {  	[tilespmem:$0x1FF60] =	vst v4;
	v4 =	vld [tilespmem:s16+$0x10B80];
	v0 =	vadd.f32 v1, v0;
	v1 =	vmul.f32 v2, v2  }
0x1b5: {  	v2 =	vld [tilespmem:s16+$0x11080]  }
0x1b6: {  	v41 =	vld [tilespmem:s16+$0x11480];
	v0 =	vadd.f32 v1, v0;
	v1 =	vmul.f32 v32, v32  }
0x1b7: {  	v45 =	vld [tilespmem:s16+$0x11580]  }
0x1b8: {  	v43 =	vld [tilespmem:s16+$0x11580];
	v0 =	vadd.f32 v1, v0;
	v1 =	vmul.f32 v3, v3  }
0x1b9: {  	v3 =	vld [tilespmem:s16+$0x11180]  }
0x1ba: {  	[tilespmem:$0x1FF70] =	vst v4;
	v4 =	vld [tilespmem:s16+$0x10C00];
	v0 =	vadd.f32 v1, v0;
	v1 =	vmul.f32 v2, v2  }
0x1bb: {  	v2 =	vld [tilespmem:s16+$0x11200]  }
0x1bc: {  	v44 =	vld [tilespmem:s16+$0x11600];
	v0 =	vadd.f32 v1, v0;
	v1 =	vmul.f32 v36, v36  }
0x1bd: {  	v48 =	vld [tilespmem:s16+$0x11700]  }
0x1be: {  	v46 =	vld [tilespmem:s16+$0x11700];
	v0 =	vadd.f32 v1, v0;
	v1 =	vmul.f32 v3, v3  }
0x1bf: {  	v3 =	vld [tilespmem:s16+$0x11300]  }
0x1c0: {  	[tilespmem:$0x1FF80] =	vst v4;
	v4 =	vld [tilespmem:s16+$0x10C80];
	v0 =	vadd.f32 v1, v0;
	v1 =	vmul.f32 v2, v2  }
0x1c1: {  	v2 =	vld [tilespmem:s16+$0x11380]  }
0x1c2: {  	v47 =	vld [tilespmem:s16+$0x11780];
	v0 =	vadd.f32 v1, v0;
	v1 =	vmul.f32 v39, v39  }
0x1c3: {  	v51 =	vld [tilespmem:s16+$0x11880]  }
0x1c4: {  	v50 =	vld [tilespmem:s16+$0x11880];
	v0 =	vadd.f32 v1, v0;
	v1 =	vmul.f32 v3, v3  }
0x1c5: {  	v3 =	vld [tilespmem:s16+$0x11480]  }
0x1c6: {  	[tilespmem:$0x1FF90] =	vst v4;
	v4 =	vld [tilespmem:s16+$0x10D00];
	v0 =	vadd.f32 v1, v0;
	v1 =	vmul.f32 v2, v2  }
0x1c7: {  	v2 =	vld [tilespmem:s16+$0x11500]  }
0x1c8: {  	v49 =	vld [tilespmem:s16+$0x11900];
	v0 =	vadd.f32 v1, v0;
	v1 =	vmul.f32 v42, v42  }
0x1c9: {  	v54 =	vld [tilespmem:s16+$0x11A00]  }
0x1ca: {  	v53 =	vld [tilespmem:s16+$0x11A00];
	v0 =	vadd.f32 v1, v0;
	v1 =	vmul.f32 v3, v3  }
0x1cb: {  	v3 =	vld [tilespmem:s16+$0x11600]  }
0x1cc: {  	[tilespmem:$0x1FFA0] =	vst v4;
	v4 =	vld [tilespmem:s16+$0x10D80];
	v0 =	vadd.f32 v1, v0;
	v1 =	vmul.f32 v2, v2  }
0x1cd: {  	v2 =	vld [tilespmem:s16+$0x11680]  }
0x1ce: {  	v52 =	vld [tilespmem:s16+$0x11A80];
	v0 =	vadd.f32 v1, v0;
	v1 =	vmul.f32 v45, v45  }
0x1cf: {  	v57 =	vld [tilespmem:s16+$0x11B80]  }
0x1d0: {  	v56 =	vld [tilespmem:s16+$0x11B80];
	v0 =	vadd.f32 v1, v0;
	v1 =	vmul.f32 v3, v3  }
0x1d1: {  	v3 =	vld [tilespmem:s16+$0x11780]  }
0x1d2: {  	[tilespmem:$0x1FFB0] =	vst v4;
	v4 =	vld [tilespmem:s16+$0x10E00];
	v0 =	vadd.f32 v1, v0;
	v1 =	vmul.f32 v2, v2  }
0x1d3: {  	v2 =	vld [tilespmem:s16+$0x11800]  }
0x1d4: {  	v55 =	vld [tilespmem:s16+$0x11C00];
	v0 =	vadd.f32 v1, v0;
	v1 =	vmul.f32 v48, v48  }
0x1d5: {  	v60 =	vld [tilespmem:s16+$0x11D00]  }
0x1d6: {  	v59 =	vld [tilespmem:s16+$0x11D00];
	v0 =	vadd.f32 v1, v0;
	v1 =	vmul.f32 v3, v3  }
0x1d7: {  	v3 =	vld [tilespmem:s16+$0x11900]  }
0x1d8: {  	[tilespmem:$0x1FFC0] =	vst v4;
	v4 =	vld [tilespmem:s16+$0x10F00];
	v0 =	vadd.f32 v1, v0;
	v1 =	vmul.f32 v2, v2  }
0x1d9: {  	v2 =	vld [tilespmem:s16+$0x11980]  }
0x1da: {  	v58 =	vld [tilespmem:s16+$0x11D80];
	v0 =	vadd.f32 v1, v0;
	v1 =	vmul.f32 v51, v51  }
0x1db: {  	v63 =	vld [tilespmem:s16+$0x11E80]  }
0x1dc: {  	v61 =	vld [tilespmem:s16+$0x11E80];
	v0 =	vadd.f32 v1, v0;
	v1 =	vmul.f32 v3, v3  }
0x1dd: {  	v3 =	vld [tilespmem:s16+$0x11A80]  }
0x1de: {  	[tilespmem:$0x1FFD0] =	vst v4;
	v4 =	vld [tilespmem:s16+$0x10F80];
	v0 =	vadd.f32 v1, v0;
	v1 =	vmul.f32 v2, v2  }
0x1df: {  	v2 =	vld [tilespmem:s16+$0x11B00]  }
0x1e0: {  	v62 =	vld [tilespmem:s16+$0x11F00];
	v0 =	vadd.f32 v1, v0;
	v1 =	vmul.f32 v54, v54  }
0x1e1: {  	v32 =	vld [tilespmem:s16+$0x11080]  }
0x1e2: {  	v36 =	vld [tilespmem:s16+$0x11200];
	v0 =	vadd.f32 v1, v0;
	v1 =	vmul.f32 v3, v3  }
0x1e3: {  	v3 =	vld [tilespmem:s16+$0x11C00]  }
0x1e4: {  	[tilespmem:$0x1FFE0] =	vst v4;
	v4 =	vld [tilespmem:s16+$0x11000];
	v0 =	vadd.f32 v1, v0;
	v1 =	vmul.f32 v2, v2  }
0x1e5: {  	v2 =	vld [tilespmem:s16+$0x11C80]  }
0x1e6: {  	v39 =	vld [tilespmem:s16+$0x11380];
	v0 =	vadd.f32 v1, v0;
	v1 =	vmul.f32 v57, v57  }
0x1e7: {  	v42 =	vld [tilespmem:s16+$0x11500]  }
0x1e8: {  	v45 =	vld [tilespmem:s16+$0x11680];
	v0 =	vadd.f32 v1, v0;
	v1 =	vmul.f32 v3, v3  }
0x1e9: {  	v3 =	vld [tilespmem:s16+$0x11D80]  }
0x1ea: {  	v48 =	vld [tilespmem:s16+$0x11800];
	v0 =	vadd.f32 v1, v0;
	v1 =	vmul.f32 v2, v2  }
0x1eb: {  	v2 =	vld [tilespmem:s16+$0x11E00]  }
0x1ec: {  	v51 =	vld [tilespmem:s16+$0x11980];
	v0 =	vadd.f32 v1, v0;
	v1 =	vmul.f32 v60, v60  }
0x1ed: {  	v54 =	vld [tilespmem:s16+$0x11B00]  }
0x1ee: {  	v57 =	vld [tilespmem:s16+$0x11C80];
	v3 =	vmul.f32 v3, v3;
	v1 =	vadd.f32 v1, v0  }
0x1ef: {  	v60 =	vld [tilespmem:s16+$0x11E00]  }
0x1f0: {  	v0 =	vld [tilespmem:s16+$0x11F00];
	v2 =	vmul.f32 v2, v2;
	v3 =	vadd.f32 v3, v1  }
0x1f1: {  	s17 =	simm.s32 $0x10;
	v1 =	vld [tilespmem:s16+$0x11F80]  }
0x1f2: {  	s18 =	simm.s32 $0x80;
	[tilespmem:$0x1FFF0] =	vst v4;
	v2 =	vadd.f32 v2, v3;
	v3 =	vmul.f32 v63, v63;
	v63 =	vld [tilespmem:s17+$0x10000]  }
.LBB2_9:
0x1f3: {  	_ =	sdelay $0x2  }
0x1f4: {  	v2 =	vadd.f32 v3, v2;
	v0 =	vmul.f32 v0, v0;
	_ =	sdelay $0x1  }
0x1f5: {  	v1 =	vmul.f32 v1, v1;
	v0 =	vadd.f32 v0, v2  }
0x1f6: {  	v4 =	vld [tilespmem:s17+$0x10080]  }
0x1f7: {  	v0 =	vadd.f32 v1, v0  }
0x1f8: {  	v3 =	vld [tilespmem:s17+$0x10100]  }
0x1f9: {  	v0 =	vmax.f32 v0, $1.000000020e-24  }
0x1fa: {  	v6 =	vld [tilespmem:s17+$0x10180];
	v9 =	vshra.s32 v0, $0x1;
	v0 =	vmul.f32 $5.000000000e-01, v0  }
0x1fb: {  	v4 =	vmul.f32 v4, v4;
	v1 =	vmul.f32 v63, v63;
	v9 =	vsub.s32 $0x5F3759DF, v9  }
0x1fc: {  	v8 =	vld [tilespmem:s17+$0x10200];
	v11 =	vmul.f32 v9, v0  }
0x1fd: {  	v3 =	vmul.f32 v3, v3;
	v1 =	vadd.f32 v4, v1  }
0x1fe: {  	v10 =	vld [tilespmem:s17+$0x10280];
	v11 =	vmul.f32 v9, v11  }
0x1ff: {  	v1 =	vadd.f32 v3, v1;
	v3 =	vmul.f32 v6, v6  }
0x200: {  	v12 =	vld [tilespmem:s17+$0x10300];
	v11 =	vsub.f32 $1.500000000e+00, v11  }
0x201: {  	v5 =	vld [tilespmem:s17+$0x10080];
	v1 =	vadd.f32 v3, v1;
	v3 =	vmul.f32 v8, v8  }
0x202: {  	v13 =	vld [tilespmem:s17+$0x10380];
	v9 =	vmul.f32 v9, v11  }
0x203: {  	v7 =	vld [tilespmem:s17+$0x10180];
	v1 =	vadd.f32 v3, v1;
	v3 =	vmul.f32 v10, v10  }
0x204: {  	v14 =	vld [tilespmem:s17+$0x10400];
	v15 =	vmul.f32 v9, v0  }
0x205: {  	v23 =	vld [tilespmem:s17+$0x10480];
	v1 =	vadd.f32 v3, v1;
	v3 =	vmul.f32 v12, v12  }
0x206: {  	v16 =	vld [tilespmem:s17+$0x10500];
	v15 =	vmul.f32 v15, v9  }
0x207: {  	v17 =	vld [tilespmem:s17+$0x10580];
	v1 =	vadd.f32 v3, v1;
	v3 =	vmul.f32 v13, v13  }
0x208: {  	v18 =	vld [tilespmem:s17+$0x10600];
	v15 =	vsub.f32 $1.500000000e+00, v15  }
0x209: {  	v19 =	vld [tilespmem:s17+$0x10700];
	v1 =	vadd.f32 v3, v1;
	v3 =	vmul.f32 v14, v14  }
0x20a: {  	v20 =	vld [tilespmem:s17+$0x10780];
	v9 =	vmul.f32 v15, v9  }
0x20b: {  	v21 =	vld [tilespmem:s17+$0x10800];
	v1 =	vadd.f32 v3, v1;
	v3 =	vmul.f32 v23, v23  }
0x20c: {  	v22 =	vld [tilespmem:s17+$0x10900];
	v0 =	vmul.f32 v9, v0  }
0x20d: {  	v24 =	vld [tilespmem:$0x1FE70];
	v1 =	vadd.f32 v3, v1;
	v3 =	vmul.f32 v16, v16  }
0x20e: {  	[tilespmem:$0x1FE60] =	vst v62;
	v62 =	vld [tilespmem:s16+$0x11F80];
	v0 =	vmul.f32 v0, v9  }
0x20f: {  	v15 =	vld [tilespmem:s17+$0x10680];
	v1 =	vadd.f32 v3, v1;
	v3 =	vmul.f32 v17, v17  }
0x210: {  	v2 =	vld [tilespmem:s17+$0x10100];
	v0 =	vsub.f32 $1.500000000e+00, v0  }
0x211: {  	v4 =	vld [tilespmem:s17+$0x10200];
	v1 =	vadd.f32 v3, v1;
	v3 =	vmul.f32 v18, v18  }
0x212: {  	v6 =	vld [tilespmem:s17+$0x10280];
	v0 =	vmul.f32 v0, v9  }
0x213: {  	v8 =	vld [tilespmem:s17+$0x10300];
	v1 =	vadd.f32 v3, v1  }
0x214: {  	v10 =	vld [tilespmem:s17+$0x10380];
	v3 =	vmul.f32 v15, v15;
	v18 =	vmul.f32 v62, v0;
	v62 =	vmovc v61;
	v61 =	vmov v60  }
0x215: {  	v12 =	vld [tilespmem:s17+$0x10400];
	v60 =	vmovc v58;
	v58 =	vmovc v57;
	v57 =	vmov v55;
	v55 =	vmov v54;
	v54 =	vmov v52  }
0x216: {  	v11 =	vld [tilespmem:s17+$0x10580];
	v52 =	vmovc v51;
	v51 =	vmovc v49;
	v49 =	vmov v48;
	v48 =	vmov v47;
	v47 =	vmov v46  }
0x217: {  	v13 =	vld [tilespmem:s17+$0x10480];
	v46 =	vmovc v45;
	v45 =	vmovc v44;
	v44 =	vmov v43;
	v43 =	vmov v42;
	v42 =	vmov v41  }
0x218: {  	v14 =	vld [tilespmem:s17+$0x10500];
	v41 =	vmovc v40;
	v40 =	vmovc v39;
	v39 =	vmov v38;
	v38 =	vmov v37;
	v37 =	vmov v36  }
0x219: {  	v23 =	vld [tilespmem:$0x1FE90];
	v36 =	vmovc v35;
	v35 =	vmovc v34;
	v34 =	vmov v32;
	v32 =	vmov v31;
	v31 =	vmov v29  }
0x21a: {  	v29 =	vmovc v27;
	v27 =	vmovc v26;
	v26 =	vmov v25;
	v25 =	vmov v5;
	v5 =	vmov v63;
	v63 =	vld [tilespmem:$0x1FE80]  }
0x21b: {  	v16 =	vld [tilespmem:s17+$0x10600];
	v1 =	vadd.f32 v3, v1;
	v3 =	vmul.f32 v19, v19  }
0x21c: {  	v17 =	vld [tilespmem:s17+$0x10680]  }
0x21d: {  	v15 =	vld [tilespmem:s17+$0x10700];
	v1 =	vadd.f32 v3, v1;
	v3 =	vmul.f32 v20, v20  }
0x21e: {  	[tilespmem:$0x1FE70] =	vst v25;
	v25 =	vld [tilespmem:$0x1FEB0]  }
0x21f: {  	v1 =	vadd.f32 v3, v1;
	v3 =	vmul.f32 v21, v21;
	v21 =	vmul.f32 v0, v63;
	v63 =	vld [tilespmem:$0x1FEA0]  }
0x220: {  	v9 =	vld [tilespmem:s17+$0x10880]  }
0x221: {  	v19 =	vld [tilespmem:s17+$0x10780]  }
0x222: {  	v20 =	vld [tilespmem:s17+$0x10800];
	v23 =	vmul.f32 v0, v23;
	[tilespmem:$0x1FE90] =	vst v5  }
0x223: {  	v5 =	vld [tilespmem:s17+$0x10880];
	[tilespmem:s16+$0x13F80] =	vst v18  }
0x224: {  	v18 =	vld [tilespmem:s17+$0x10980];
	[tilespmem:s16+$0x12000] =	vst v23;
	v23 =	vmul.f32 v0, v63;
	v63 =	vmul.f32 v0, v25;
	v25 =	vmovc v2;
	v2 =	vmov v7  }
0x225: {  	[tilespmem:$0x1FEA0] =	vst v2;
	v2 =	vmul.f32 v9, v9;
	v9 =	vld [tilespmem:$0x1FEC0]  }
0x226: {  	v24 =	vmul.f32 v0, v24;
	_ =	sdelay $0x1  }
0x227: {  	v1 =	vadd.f32 v3, v1;
	v3 =	vld [tilespmem:s17+$0x10900];
	[tilespmem:s16+$0x12080] =	vst v24;
	v24 =	vmul.f32 v0, v27;
	v27 =	vmovc v4;
	v4 =	vmov v6  }
0x228: {  	[tilespmem:$0x1FEC0] =	vst v4  }
0x229: {  	v7 =	vmul.f32 v0, v9;
	v9 =	vld [tilespmem:s17+$0x10A00];
	[tilespmem:s16+$0x12100] =	vst v21  }
0x22a: {  	v4 =	vld [tilespmem:s17+$0x10980];
	[tilespmem:s16+$0x12180] =	vst v23  }
0x22b: {  	v1 =	vadd.f32 v2, v1;
	v2 =	vmul.f32 v22, v22;
	v22 =	vld [tilespmem:s17+$0x10A80];
	[tilespmem:s16+$0x12200] =	vst v63  }
0x22c: {  	[tilespmem:$0x1FE80] =	vst v25;
	v25 =	vmov v8;
	v8 =	vld [tilespmem:s17+$0x10A00]  }
0x22d: {  	v21 =	vmul.f32 v0, v26;
	[tilespmem:s16+$0x12280] =	vst v7;
	v7 =	vmul.f32 v31, v0;
	v31 =	vld [tilespmem:$0x1FF40]  }
0x22e: {  	[tilespmem:$0x1FEB0] =	vst v27;
	v1 =	vadd.f32 v2, v1;
	v2 =	vmul.f32 v18, v18;
	v26 =	vmov v10;
	v10 =	vld [tilespmem:s17+$0x10B00]  }
0x22f: {  	v6 =	vmul.f32 v0, v28;
	[tilespmem:s16+$0x12300] =	vst v21;
	v21 =	vld [tilespmem:$0x1FED0]  }
0x230: {  	v1 =	vadd.f32 v2, v1;
	v2 =	vmul.f32 v9, v9;
	v9 =	vld [tilespmem:s17+$0x10A80];
	[tilespmem:s16+$0x12380] =	vst v24  }
0x231: {  	v27 =	vmov v13;
	v23 =	vmul.f32 v0, v29;
	v13 =	vld [tilespmem:s17+$0x10B80];
	[tilespmem:s16+$0x12400] =	vst v6  }
0x232: {  	v29 =	vmov v11;
	v11 =	vld [tilespmem:s17+$0x10B00]  }
0x233: {  	v63 =	vmul.f32 v30, v0;
	[tilespmem:s16+$0x12480] =	vst v23;
	v23 =	vld [tilespmem:$0x1FF20]  }
0x234: {  	v1 =	vadd.f32 v2, v1;
	v2 =	vmul.f32 v22, v22;
	v22 =	vld [tilespmem:s17+$0x10C00]  }
0x235: {  	[tilespmem:s16+$0x12500] =	vst v63;
	v63 =	vld [tilespmem:$0x1FF30];
	_ =	sdelay $0x1  }
0x236: {  	v18 =	vmul.f32 v21, v0;
	v21 =	vld [tilespmem:$0x1FEE0]  }
0x237: {  	v28 =	vmov v12;
	v12 =	vld [tilespmem:$0x1FEF0]  }
0x238: {  	v30 =	vmovc v14;
	v24 =	vld [tilespmem:$0x1FF10];
	v1 =	vadd.f32 v2, v1;
	v2 =	vmul.f32 v10, v10;
	v14 =	vmul.f32 v23, v0  }
0x239: {  	v10 =	vld [tilespmem:s17+$0x10B80];
	[tilespmem:s16+$0x12580] =	vst v7;
	v23 =	vmul.f32 v63, v0;
	v63 =	vmul.f32 v31, v0;
	v31 =	vmovc v16;
	v16 =	vmov v17  }
0x23a: {  	v6 =	vld [tilespmem:$0x1FF00];
	[tilespmem:$0x1FEE0] =	vst v16  }
0x23b: {  	v21 =	vmul.f32 v21, v0;
	v16 =	vld [tilespmem:s17+$0x10C80];
	[tilespmem:s16+$0x12600] =	vst v18;
	v18 =	vmul.f32 v33, v0;
	v33 =	vmov v15  }
0x23c: {  	v1 =	vadd.f32 v2, v1;
	v2 =	vmul.f32 v13, v13;
	v13 =	vld [tilespmem:s17+$0x10C00]  }
0x23d: {  	[tilespmem:s16+$0x12680] =	vst v21;
	v21 =	vld [tilespmem:$0x1FF80]  }
0x23e: {  	[tilespmem:$0x1FEF0] =	vst v33;
	v33 =	vmov v19;
	v19 =	vld [tilespmem:$0x1FF70]  }
0x23f: {  	[tilespmem:$0x1FF00] =	vst v33;
	v33 =	vld [tilespmem:$0x1FF90];
	_ =	sdelay $0x1  }
0x240: {  	v12 =	vmul.f32 v12, v0  }
0x241: {  	v24 =	vmul.f32 v24, v0;
	v6 =	vmul.f32 v6, v0;
	v17 =	vld [tilespmem:$0x1FF50]  }
0x242: {  	v15 =	vmul.f32 v19, v0;
	v19 =	vld [tilespmem:s17+$0x10D00];
	[tilespmem:s16+$0x12700] =	vst v12  }
0x243: {  	v12 =	vmul.f32 v21, v0;
	v21 =	vmul.f32 v33, v0;
	v33 =	vmov v5;
	v5 =	vld [tilespmem:s17+$0x10C80];
	[tilespmem:s16+$0x12780] =	vst v6  }
0x244: {  	[tilespmem:$0x1FF20] =	vst v33;
	v33 =	vld [tilespmem:$0x1FFB0]  }
0x245: {  	v6 =	vld [tilespmem:s17+$0x10D80];
	[tilespmem:s16+$0x12800] =	vst v24;
	v24 =	vmov v3;
	v3 =	vmov v4  }
0x246: {  	[tilespmem:$0x1FF40] =	vst v3;
	v3 =	vld [tilespmem:s17+$0x10D00];
	_ =	sdelay $0x1  }
0x247: {  	[tilespmem:$0x1FED0] =	vst v31;
	v7 =	vmul.f32 v17, v0;
	v17 =	vld [tilespmem:$0x1FF60]  }
0x248: {  	v31 =	vmov v20;
	[tilespmem:s16+$0x12880] =	vst v14;
	v20 =	vmul.f32 v33, v0;
	v33 =	vld [tilespmem:$0x1FFC0]  }
0x249: {  	[tilespmem:$0x1FF90] =	vst v5;
	v5 =	vld [tilespmem:$0x1FFA0]  }
0x24a: {  	v1 =	vadd.f32 v2, v1;
	v2 =	vmul.f32 v22, v22;
	[tilespmem:$0x1FFA0] =	vst v3;
	v3 =	vmul.f32 v32, v0;
	v32 =	vld [tilespmem:$0x1FFE0]  }
0x24b: {  	[tilespmem:$0x1FF10] =	vst v31;
	v4 =	vld [tilespmem:s17+$0x10E00]  }
0x24c: {  	v1 =	vadd.f32 v2, v1;
	v2 =	vmul.f32 v16, v16;
	[tilespmem:s16+$0x12900] =	vst v23;
	v23 =	vld [tilespmem:$0x1FFD0]  }
0x24d: {  	[tilespmem:$0x1FF30] =	vst v24;
	v22 =	vmul.f32 v33, v0;
	v33 =	vmov v8  }
0x24e: {  	v1 =	vadd.f32 v2, v1;
	v2 =	vmul.f32 v19, v19;
	v19 =	vld [tilespmem:$0x1FFF0];
	[tilespmem:$0x1FF50] =	vst v33  }
0x24f: {  	v16 =	vmul.f32 v32, v0;
	v32 =	vmov v9;
	v33 =	vld [tilespmem:s17+$0x10D80];
	[tilespmem:s16+$0x12980] =	vst v63  }
0x250: {  	v17 =	vmul.f32 v17, v0;
	[tilespmem:$0x1FF60] =	vst v32  }
0x251: {  	v14 =	vmul.f32 v23, v0;
	v23 =	vld [tilespmem:s17+$0x10E80];
	[tilespmem:s16+$0x12A00] =	vst v7;
	v7 =	vmul.f32 v34, v0;
	v34 =	vmov v10  }
0x252: {  	v1 =	vadd.f32 v2, v1;
	v2 =	vmul.f32 v6, v6;
	[tilespmem:$0x1FF70] =	vst v34  }
0x253: {  	v8 =	vmul.f32 v19, v0;
	v19 =	vmul.f32 v35, v0;
	v35 =	vld [tilespmem:s17+$0x10E00];
	[tilespmem:s16+$0x12A80] =	vst v17  }
0x254: {  	v6 =	vmul.f32 v36, v0;
	v17 =	vmul.f32 v38, v0;
	v38 =	vmov v13;
	v36 =	vld [tilespmem:s17+$0x10F00];
	[tilespmem:s16+$0x12B00] =	vst v18  }
0x255: {  	[tilespmem:$0x1FF80] =	vst v38  }
0x256: {  	v31 =	vld [tilespmem:s17+$0x10E80];
	[tilespmem:s16+$0x12B80] =	vst v15  }
0x257: {  	v1 =	vadd.f32 v2, v1;
	v2 =	vmul.f32 v4, v4;
	v4 =	vmul.f32 v39, v0;
	v39 =	vld [tilespmem:s17+$0x10F80];
	[tilespmem:s16+$0x12C00] =	vst v12  }
0x258: {  	v5 =	vmul.f32 v5, v0;
	v63 =	vmul.f32 v40, v0;
	v40 =	vld [tilespmem:s17+$0x10F00];
	[tilespmem:s16+$0x12C80] =	vst v21  }
0x259: {  	[tilespmem:$0x1FFC0] =	vst v35  }
0x25a: {  	v15 =	vmul.f32 v41, v0;
	v41 =	vmul.f32 v42, v0;
	v42 =	vld [tilespmem:s17+$0x11000];
	[tilespmem:s16+$0x12D00] =	vst v5  }
0x25b: {  	v21 =	vmul.f32 v44, v0;
	v44 =	vld [tilespmem:s17+$0x10F80];
	[tilespmem:s16+$0x12D80] =	vst v20  }
0x25c: {  	v1 =	vadd.f32 v2, v1;
	v2 =	vmul.f32 v23, v23;
	v20 =	vld [tilespmem:s17+$0x11080];
	[tilespmem:s16+$0x12E00] =	vst v22  }
0x25d: {  	v23 =	vmul.f32 v47, v0;
	v47 =	vld [tilespmem:s17+$0x11000];
	[tilespmem:s16+$0x12E80] =	vst v3  }
0x25e: {  	v1 =	vadd.f32 v2, v1;
	v2 =	vmul.f32 v36, v36;
	[tilespmem:$0x1FFD0] =	vst v40  }
0x25f: {  	v3 =	vmul.f32 v48, v0;
	v48 =	vld [tilespmem:s17+$0x11100];
	[tilespmem:s16+$0x12F00] =	vst v14  }
0x260: {  	v1 =	vadd.f32 v2, v1;
	v2 =	vmul.f32 v39, v39;
	v32 =	vld [tilespmem:s17+$0x11080];
	[tilespmem:s16+$0x12F80] =	vst v16  }
0x261: {  	v37 =	vmul.f32 v37, v0;
	[tilespmem:$0x1FFE0] =	vst v44  }
0x262: {  	v1 =	vadd.f32 v2, v1;
	v2 =	vmul.f32 v42, v42;
	v16 =	vmul.f32 v51, v0;
	v51 =	vld [tilespmem:s17+$0x11180];
	[tilespmem:s16+$0x13000] =	vst v8  }
0x263: {  	v8 =	vmul.f32 v52, v0;
	v44 =	vmul.f32 v53, v0;
	v34 =	vld [tilespmem:s17+$0x11100];
	[tilespmem:s16+$0x13080] =	vst v7  }
0x264: {  	v53 =	vmul.f32 v55, v0;
	v1 =	vadd.f32 v2, v1;
	v2 =	vmul.f32 v20, v20;
	v52 =	vld [tilespmem:s17+$0x11200];
	[tilespmem:s16+$0x13100] =	vst v19  }
0x265: {  	v55 =	vmul.f32 v57, v0;
	v7 =	vmul.f32 v54, v0;
	v35 =	vld [tilespmem:s17+$0x11180];
	[tilespmem:s16+$0x13180] =	vst v6  }
0x266: {  	v54 =	vmul.f32 v56, v0;
	v1 =	vadd.f32 v2, v1;
	v2 =	vmul.f32 v48, v48;
	v56 =	vld [tilespmem:s17+$0x11280];
	[tilespmem:s16+$0x13200] =	vst v37  }
0x267: {  	v57 =	vmul.f32 v58, v0;
	v58 =	vmul.f32 v59, v0;
	v36 =	vld [tilespmem:s17+$0x11200];
	[tilespmem:s16+$0x13280] =	vst v17  }
0x268: {  	v59 =	vmul.f32 v60, v0;
	[tilespmem:$0x1FFF0] =	vst v47;
	v1 =	vadd.f32 v2, v1;
	v2 =	vmul.f32 v51, v51;
	v60 =	vld [tilespmem:s17+$0x11300]  }
0x269: {  	[tilespmem:s16+$0x13300] =	vst v4;
	v4 =	vmul.f32 v61, v0;
	v61 =	vmul.f32 v62, v0;
	v62 =	vld [tilespmem:$0x1FE60]  }
0x26a: {  	v37 =	vld [tilespmem:s17+$0x11280];
	[tilespmem:s16+$0x13380] =	vst v63  }
0x26b: {  	v5 =	vmul.f32 v43, v0;
	v1 =	vadd.f32 v2, v1;
	v2 =	vmul.f32 v52, v52;
	v63 =	vld [tilespmem:s17+$0x11380];
	[tilespmem:s16+$0x13400] =	vst v15  }
0x26c: {  	v38 =	vld [tilespmem:s17+$0x11300];
	[tilespmem:s16+$0x13480] =	vst v41  }
0x26d: {  	v10 =	vmul.f32 v45, v0;
	v1 =	vadd.f32 v2, v1;
	v2 =	vmul.f32 v56, v56;
	v9 =	vld [tilespmem:s17+$0x11400];
	[tilespmem:s16+$0x13500] =	vst v5  }
0x26e: {  	v22 =	vmul.f32 v46, v0;
	v39 =	vld [tilespmem:s17+$0x11380];
	[tilespmem:s16+$0x13580] =	vst v21  }
0x26f: {  	v1 =	vadd.f32 v2, v1;
	v2 =	vmul.f32 v60, v60;
	v5 =	vld [tilespmem:s17+$0x11480];
	[tilespmem:s16+$0x13600] =	vst v10  }
0x270: {  	v40 =	vld [tilespmem:s17+$0x11400];
	[tilespmem:s16+$0x13680] =	vst v22  }
0x271: {  	v14 =	vmul.f32 v49, v0;
	v1 =	vadd.f32 v2, v1;
	v2 =	vmul.f32 v63, v63;
	v10 =	vld [tilespmem:s17+$0x11500];
	[tilespmem:s16+$0x13700] =	vst v23  }
0x272: {  	v24 =	vmul.f32 v50, v0;
	v41 =	vld [tilespmem:s17+$0x11480];
	[tilespmem:s16+$0x13780] =	vst v3  }
0x273: {  	v1 =	vadd.f32 v2, v1;
	v2 =	vmul.f32 v9, v9;
	v3 =	vld [tilespmem:s17+$0x11580];
	[tilespmem:s16+$0x13800] =	vst v14  }
0x274: {  	v42 =	vld [tilespmem:s17+$0x11500];
	[tilespmem:s16+$0x13880] =	vst v24  }
0x275: {  	v1 =	vadd.f32 v2, v1;
	v2 =	vmul.f32 v5, v5;
	v5 =	vld [tilespmem:s17+$0x11600];
	[tilespmem:s16+$0x13900] =	vst v16  }
0x276: {  	v43 =	vld [tilespmem:s17+$0x11580];
	[tilespmem:s16+$0x13980] =	vst v8  }
0x277: {  	v1 =	vadd.f32 v2, v1;
	v2 =	vmul.f32 v10, v10;
	v8 =	vld [tilespmem:s17+$0x11680];
	[tilespmem:s16+$0x13A00] =	vst v44  }
0x278: {  	v44 =	vld [tilespmem:s17+$0x11600];
	[tilespmem:s16+$0x13A80] =	vst v7  }
0x279: {  	v1 =	vadd.f32 v2, v1;
	v2 =	vmul.f32 v3, v3;
	v3 =	vld [tilespmem:s17+$0x11700];
	[tilespmem:s16+$0x13B00] =	vst v53  }
0x27a: {  	v45 =	vld [tilespmem:s17+$0x11680];
	[tilespmem:s16+$0x13B80] =	vst v54  }
0x27b: {  	v1 =	vadd.f32 v2, v1;
	v2 =	vmul.f32 v5, v5;
	v5 =	vld [tilespmem:s17+$0x11780];
	[tilespmem:s16+$0x13C00] =	vst v55  }
0x27c: {  	v46 =	vld [tilespmem:s17+$0x11700];
	[tilespmem:s16+$0x13C80] =	vst v57  }
0x27d: {  	v1 =	vadd.f32 v2, v1;
	v2 =	vmul.f32 v8, v8;
	v6 =	vld [tilespmem:s17+$0x11800];
	[tilespmem:s16+$0x13D00] =	vst v58  }
0x27e: {  	v47 =	vld [tilespmem:s17+$0x11780];
	[tilespmem:s16+$0x13D80] =	vst v59  }
0x27f: {  	v0 =	vmul.f32 v62, v0;
	v1 =	vadd.f32 v2, v1;
	v2 =	vmul.f32 v3, v3;
	v3 =	vld [tilespmem:s17+$0x11880];
	[tilespmem:s16+$0x13E00] =	vst v4  }
0x280: {  	v48 =	vld [tilespmem:s17+$0x11800];
	[tilespmem:s16+$0x13E80] =	vst v61  }
0x281: {  	v1 =	vadd.f32 v2, v1;
	v2 =	vmul.f32 v5, v5;
	v4 =	vld [tilespmem:s17+$0x11900];
	[tilespmem:s16+$0x13F00] =	vst v0;
	s16 =	smov.u32 s17  }
0x282: {  	v50 =	vld [tilespmem:s16+$0x11880]  }
0x283: {  	v0 =	vadd.f32 v2, v1;
	v1 =	vmul.f32 v6, v6;
	v2 =	vld [tilespmem:s16+$0x11980]  }
0x284: {  	v49 =	vld [tilespmem:s16+$0x11900]  }
0x285: {  	v51 =	vld [tilespmem:s16+$0x11980];
	v0 =	vadd.f32 v1, v0;
	v1 =	vmul.f32 v3, v3  }
0x286: {  	v3 =	vld [tilespmem:s16+$0x11A00]  }
0x287: {  	v53 =	vld [tilespmem:s16+$0x11A00];
	v0 =	vadd.f32 v1, v0;
	v1 =	vmul.f32 v4, v4  }
0x288: {  	v4 =	vld [tilespmem:s16+$0x11A80]  }
0x289: {  	v52 =	vld [tilespmem:s16+$0x11A80];
	v0 =	vadd.f32 v1, v0;
	v1 =	vmul.f32 v2, v2  }
0x28a: {  	v2 =	vld [tilespmem:s16+$0x11B00]  }
0x28b: {  	v54 =	vld [tilespmem:s16+$0x11B00];
	v0 =	vadd.f32 v1, v0;
	v1 =	vmul.f32 v3, v3  }
0x28c: {  	v3 =	vld [tilespmem:s16+$0x11B80]  }
0x28d: {  	v56 =	vld [tilespmem:s16+$0x11B80];
	v0 =	vadd.f32 v1, v0;
	v1 =	vmul.f32 v4, v4  }
0x28e: {  	v4 =	vld [tilespmem:s16+$0x11C00]  }
0x28f: {  	v55 =	vld [tilespmem:s16+$0x11C00];
	v0 =	vadd.f32 v1, v0;
	v1 =	vmul.f32 v2, v2  }
0x290: {  	v2 =	vld [tilespmem:s16+$0x11C80]  }
0x291: {  	v57 =	vld [tilespmem:s16+$0x11C80];
	v0 =	vadd.f32 v1, v0;
	v1 =	vmul.f32 v3, v3  }
0x292: {  	v3 =	vld [tilespmem:s16+$0x11D00]  }
0x293: {  	v59 =	vld [tilespmem:s16+$0x11D00];
	v0 =	vadd.f32 v1, v0;
	v1 =	vmul.f32 v4, v4  }
0x294: {  	v4 =	vld [tilespmem:s16+$0x11D80]  }
0x295: {  	v58 =	vld [tilespmem:s16+$0x11D80];
	v0 =	vadd.f32 v1, v0;
	v1 =	vmul.f32 v2, v2  }
0x296: {  	v2 =	vld [tilespmem:s16+$0x11E00]  }
0x297: {  	v60 =	vld [tilespmem:s16+$0x11E00];
	v0 =	vadd.f32 v1, v0;
	v1 =	vmul.f32 v3, v3  }
0x298: {  	p1 =	sne.s32 s18, $0xC0;
	v3 =	vld [tilespmem:s16+$0x11E80]  }
.Ltmp8:
0x299: {  	v61 =	vld [tilespmem:s16+$0x11E80];
	v4 =	vmul.f32 v4, v4;
	v1 =	vadd.f32 v1, v0;
	(pc) =	sbr.rel @p1 .LBB2_9-.Ltmp8, $4  }
0x29a: {  	s17 =	sshra.s32 s18, $0x2;
	v62 =	vld [tilespmem:s16+$0x11F00]  }
0x29b: {  	v63 =	vld [tilespmem:s17+$0x10000];
	v2 =	vmul.f32 v2, v2;
	v4 =	vadd.f32 v4, v1  }
0x29c: {  	v0 =	vld [tilespmem:s16+$0x11F00]  }
0x29d: {  	[tilespmem:$0x1FFB0] =	vst v33;
	v33 =	vmov v11;
	s18 =	sadd.s32 $0x40, s18;
	v1 =	vld [tilespmem:s16+$0x11F80];
	v3 =	vmul.f32 v3, v3;
	v2 =	vadd.f32 v2, v4  }
0x29e: {  	v5 =	vld [tilespmem:s17+$0x10080]  }
0x29f: {  	v6 =	vld [tilespmem:s17+$0x10100]  }
0x2a0: {  	v15 =	vld [tilespmem:s17+$0x10080]  }
0x2a1: {  	v16 =	vld [tilespmem:s17+$0x10100];
	v2 =	vadd.f32 v3, v2;
	v0 =	vmul.f32 v0, v0  }
0x2a2: {  	v10 =	vld [tilespmem:s17+$0x10180]  }
0x2a3: {  	v17 =	vld [tilespmem:s17+$0x10180];
	v1 =	vmul.f32 v1, v1;
	v0 =	vadd.f32 v0, v2  }
0x2a4: {  	v12 =	vld [tilespmem:s17+$0x10200]  }
0x2a5: {  	v18 =	vld [tilespmem:s17+$0x10200];
	v0 =	vadd.f32 v1, v0  }
0x2a6: {  	v13 =	vld [tilespmem:s17+$0x10280]  }
0x2a7: {  	v20 =	vld [tilespmem:s17+$0x10280];
	v0 =	vmax.f32 v0, $1.000000020e-24  }
0x2a8: {  	v14 =	vld [tilespmem:s17+$0x10300];
	v19 =	vshra.s32 v0, $0x1;
	v0 =	vmul.f32 $5.000000000e-01, v0  }
0x2a9: {  	v22 =	vld [tilespmem:s17+$0x10300];
	v1 =	vsub.s32 $0x5F3759DF, v19  }
0x2aa: {  	v23 =	vld [tilespmem:s17+$0x10380];
	v21 =	vmul.f32 v1, v0  }
0x2ab: {  	v24 =	vld [tilespmem:s17+$0x10400]  }
0x2ac: {  	v7 =	vld [tilespmem:s17+$0x10480];
	v2 =	vmul.f32 v1, v21  }
0x2ad: {  	v9 =	vld [tilespmem:s17+$0x10500]  }
0x2ae: {  	v11 =	vld [tilespmem:s17+$0x10580];
	v2 =	vsub.f32 $1.500000000e+00, v2  }
0x2af: {  	v4 =	vld [tilespmem:s17+$0x10800]  }
0x2b0: {  	[tilespmem:$0x1FD10] =	vst v16;
	v16 =	vld [tilespmem:s17+$0x10380];
	v1 =	vmul.f32 v1, v2  }
0x2b1: {  	[tilespmem:$0x1FD30] =	vst v18;
	v18 =	vld [tilespmem:s17+$0x10400]  }
0x2b2: {  	[tilespmem:$0x1FD40] =	vst v20;
	v20 =	vld [tilespmem:s17+$0x10500];
	v8 =	vmul.f32 v1, v0  }
0x2b3: {  	[tilespmem:$0x1FD50] =	vst v22;
	v22 =	vld [tilespmem:s17+$0x10580]  }
0x2b4: {  	[tilespmem:$0x1FD60] =	vst v23;
	v23 =	vld [tilespmem:s17+$0x10600];
	v2 =	vmul.f32 v8, v1  }
0x2b5: {  	[tilespmem:$0x1FD00] =	vst v15;
	v15 =	vld [tilespmem:s17+$0x10600]  }
0x2b6: {  	[tilespmem:$0x1FD70] =	vst v24;
	v24 =	vld [tilespmem:s17+$0x10680];
	v2 =	vsub.f32 $1.500000000e+00, v2  }
0x2b7: {  	[tilespmem:$0x1FD20] =	vst v17;
	v17 =	vld [tilespmem:s17+$0x10680]  }
0x2b8: {  	[tilespmem:$0x1FD80] =	vst v7;
	v7 =	vld [tilespmem:s16+$0x11F80];
	v1 =	vmul.f32 v2, v1  }
0x2b9: {  	v8 =	vld [tilespmem:s17+$0x10780]  }
0x2ba: {  	[tilespmem:$0x1FD90] =	vst v9;
	v9 =	vld [tilespmem:s17+$0x10700];
	v21 =	vmul.f32 v1, v0  }
0x2bb: {  	[tilespmem:$0x1FDA0] =	vst v11;
	v11 =	vld [tilespmem:s17+$0x10800]  }
0x2bc: {  	[tilespmem:$0x1FDF0] =	vst v4;
	v4 =	vld [tilespmem:$0x1FE70];
	v2 =	vmul.f32 v21, v1  }
0x2bd: {  	[tilespmem:$0x1FDC0] =	vst v17;
	v17 =	vld [tilespmem:s17+$0x10780]  }
0x2be: {  	[tilespmem:$0x1FC90] =	vst v8;
	v8 =	vld [tilespmem:s17+$0x10880];
	v2 =	vsub.f32 $1.500000000e+00, v2  }
0x2bf: {  	[tilespmem:$0x1FDD0] =	vst v9;
	v9 =	vld [tilespmem:$0x1FE90]  }
0x2c0: {  	[tilespmem:$0x1FCA0] =	vst v11;
	v21 =	vld [tilespmem:s17+$0x10880];
	v11 =	vmul.f32 v2, v1  }
0x2c1: {  	[tilespmem:$0x1FDB0] =	vst v15;
	v15 =	vld [tilespmem:s17+$0x10700]  }
0x2c2: {  	[tilespmem:$0x1FDE0] =	vst v17;
	v1 =	vmul.f32 v7, v11;
	v7 =	vld [tilespmem:s17+$0x10900]  }
0x2c3: {  	v19 =	vld [tilespmem:s17+$0x10480];
	[tilespmem:$0x1FE00] =	vst v8  }
0x2c4: {  	v17 =	vmul.f32 v11, v9;
	v9 =	vld [tilespmem:$0x1FE80];
	[tilespmem:s16+$0x13F80] =	vst v1  }
0x2c5: {  	[tilespmem:$0x1FCB0] =	vst v21;
	v21 =	vld [tilespmem:s17+$0x10980]  }
0x2c6: {  	[tilespmem:s16+$0x12000] =	vst v17  }
0x2c7: {  	v8 =	vld [tilespmem:s17+$0x10900];
	[tilespmem:$0x1FCC0] =	vst v7;
	v7 =	vmul.f32 v11, v4  }
0x2c8: {  	v4 =	vld [tilespmem:$0x1FEA0]  }
0x2c9: {  	v17 =	vmul.f32 v11, v9;
	[tilespmem:s16+$0x12080] =	vst v7  }
0x2ca: {  	v9 =	vld [tilespmem:$0x1FEB0];
	[tilespmem:$0x1FCD0] =	vst v21  }
0x2cb: {  	v21 =	vld [tilespmem:s17+$0x10A00];
	[tilespmem:s16+$0x12100] =	vst v17  }
0x2cc: {  	[tilespmem:$0x1FE10] =	vst v8;
	v8 =	vld [tilespmem:s17+$0x10980]  }
0x2cd: {  	v7 =	vmul.f32 v11, v4;
	v4 =	vld [tilespmem:$0x1FEC0];
	_ =	sdelay $0x1  }
0x2ce: {  	v17 =	vmul.f32 v11, v9;
	[tilespmem:s16+$0x12180] =	vst v7  }
0x2cf: {  	[tilespmem:$0x1FCE0] =	vst v21;
	v21 =	vld [tilespmem:s17+$0x10A80]  }
0x2d0: {  	[tilespmem:s16+$0x12200] =	vst v17  }
0x2d1: {  	[tilespmem:$0x1FE20] =	vst v8;
	v8 =	vld [tilespmem:s17+$0x10A00];
	v7 =	vmul.f32 v11, v4  }
0x2d2: {  	v9 =	vmul.f32 v11, v25  }
0x2d3: {  	v17 =	vmul.f32 v11, v26;
	v26 =	vmul.f32 v30, v11;
	v30 =	vld [tilespmem:$0x1FEF0];
	[tilespmem:s16+$0x12280] =	vst v7  }
0x2d4: {  	v7 =	vmul.f32 v11, v27;
	v27 =	vld [tilespmem:$0x1FED0];
	[tilespmem:$0x1FCF0] =	vst v21  }
0x2d5: {  	v3 =	vld [tilespmem:s17+$0x10B00];
	[tilespmem:s16+$0x12300] =	vst v9  }
0x2d6: {  	v4 =	vmul.f32 v11, v28;
	[tilespmem:$0x1FE30] =	vst v8;
	v21 =	vld [tilespmem:s17+$0x10A80]  }
0x2d7: {  	[tilespmem:s16+$0x12380] =	vst v17;
	v8 =	vmul.f32 v29, v11;
	v29 =	vld [tilespmem:$0x1FEE0]  }
0x2d8: {  	v2 =	vld [tilespmem:s17+$0x10B80];
	[tilespmem:s16+$0x12400] =	vst v4  }
0x2d9: {  	v25 =	vld [tilespmem:s17+$0x10B00];
	[tilespmem:s16+$0x12480] =	vst v7  }
0x2da: {  	v1 =	vld [tilespmem:s17+$0x10C00];
	[tilespmem:s16+$0x12500] =	vst v26;
	v28 =	vmul.f32 v27, v11  }
0x2db: {  	v7 =	vld [tilespmem:s17+$0x10B80];
	[tilespmem:s16+$0x12580] =	vst v8  }
0x2dc: {  	v17 =	vld [tilespmem:s17+$0x10C80];
	[tilespmem:s16+$0x12600] =	vst v28;
	v9 =	vmul.f32 v29, v11  }
0x2dd: {  	v8 =	vld [tilespmem:s17+$0x10C00]  }
0x2de: {  	[tilespmem:s16+$0x12680] =	vst v9;
	v9 =	vld [tilespmem:$0x1FF00];
	_ =	sdelay $0x2  }
0x2df: {  	v0 =	vmul.f32 v30, v11  }
0x2e0: {  	[tilespmem:$0x1FE40] =	vst v21  }
0x2e1: {  	v4 =	vmov v11;
	v21 =	vld [tilespmem:s17+$0x10D00];
	[tilespmem:s16+$0x12700] =	vst v0;
	v11 =	vmul.f32 v9, v11  }
0x2e2: {  	v9 =	vld [tilespmem:s17+$0x10C80]  }
0x2e3: {  	[tilespmem:s16+$0x12780] =	vst v11;
	v11 =	vld [tilespmem:$0x1FF10];
	_ =	sdelay $0x3  }
0x2e4: {  	v5 =	vmul.f32 v5, v5  }
0x2e5: {  	v26 =	vmul.f32 v63, v63;
	v29 =	vld [tilespmem:$0x1FF30];
	[tilespmem:$0x1FE50] =	vst v25;
	v25 =	vmul.f32 v11, v4  }
0x2e6: {  	v0 =	vld [tilespmem:s17+$0x10D80]  }
0x2e7: {  	v6 =	vmul.f32 v6, v6;
	v5 =	vadd.f32 v5, v26;
	[tilespmem:s16+$0x12800] =	vst v25;
	v25 =	vld [tilespmem:$0x1FF20];
	_ =	sdelay $0x1  }
0x2e8: {  	v28 =	vmul.f32 v10, v10;
	v5 =	vadd.f32 v6, v5  }
0x2e9: {  	v30 =	vmul.f32 v12, v12;
	v12 =	vld [tilespmem:$0x1FF40]  }
0x2ea: {  	v5 =	vadd.f32 v28, v5  }
0x2eb: {  	v10 =	vmul.f32 v29, v4;
	v29 =	vld [tilespmem:$0x1FF50];
	v26 =	vmul.f32 v25, v4  }
0x2ec: {  	v5 =	vadd.f32 v30, v5;
	v30 =	vmul.f32 v14, v14;
	v14 =	vld [tilespmem:$0x1FF60]  }
0x2ed: {  	v11 =	vld [tilespmem:s17+$0x10D00];
	v25 =	vmul.f32 v13, v13;
	[tilespmem:s16+$0x12880] =	vst v26  }
0x2ee: {  	v26 =	vld [tilespmem:s17+$0x10E00];
	[tilespmem:s16+$0x12900] =	vst v10;
	v10 =	vmul.f32 v12, v4  }
0x2ef: {  	v27 =	vmul.f32 v33, v4;
	v33 =	vld [tilespmem:$0x1FF70];
	v5 =	vadd.f32 v25, v5  }
0x2f0: {  	v12 =	vld [tilespmem:s17+$0x10D80];
	[tilespmem:s16+$0x12980] =	vst v10;
	v10 =	vmul.f32 v29, v4  }
0x2f1: {  	v25 =	vmul.f32 v16, v16;
	v16 =	vld [tilespmem:$0x1FF80];
	v5 =	vadd.f32 v30, v5  }
0x2f2: {  	v29 =	vld [tilespmem:s17+$0x10E80];
	[tilespmem:s16+$0x12A00] =	vst v10;
	v10 =	vmul.f32 v14, v4  }
0x2f3: {  	v28 =	vmul.f32 v18, v18;
	v5 =	vadd.f32 v25, v5;
	v14 =	vmul.f32 v19, v19;
	v19 =	vld [tilespmem:$0x1FF90]  }
0x2f4: {  	v13 =	vld [tilespmem:s17+$0x10E00];
	[tilespmem:s16+$0x12A80] =	vst v10;
	v10 =	vmul.f32 v33, v4  }
0x2f5: {  	v5 =	vadd.f32 v28, v5;
	v30 =	vld [tilespmem:s17+$0x10F00];
	[tilespmem:s16+$0x12B00] =	vst v27  }
0x2f6: {  	v33 =	vld [tilespmem:s17+$0x10E80];
	[tilespmem:s16+$0x12B80] =	vst v10;
	v10 =	vmul.f32 v16, v4  }
0x2f7: {  	v18 =	vmul.f32 v20, v20;
	v25 =	vld [tilespmem:$0x1FFA0];
	v6 =	vadd.f32 v14, v5  }
0x2f8: {  	v27 =	vld [tilespmem:s17+$0x10F80];
	v20 =	vmul.f32 v19, v4;
	[tilespmem:s16+$0x12C00] =	vst v10  }
0x2f9: {  	v22 =	vmul.f32 v22, v22;
	v6 =	vadd.f32 v18, v6;
	v5 =	vld [tilespmem:s17+$0x10F00]  }
0x2fa: {  	[tilespmem:s16+$0x12C80] =	vst v20;
	v20 =	vld [tilespmem:$0x1FFB0]  }
0x2fb: {  	v28 =	vmul.f32 v23, v23;
	v23 =	vmul.f32 v24, v24;
	v24 =	vld [tilespmem:$0x1FFC0];
	v10 =	vadd.f32 v22, v6  }
0x2fc: {  	v14 =	vmul.f32 v25, v4;
	v25 =	vmul.f32 v31, v4;
	v31 =	vld [tilespmem:$0x1FFD0]  }
0x2fd: {  	v10 =	vadd.f32 v28, v10;
	v28 =	vld [tilespmem:$0x1FC90]  }
0x2fe: {  	v16 =	vld [tilespmem:s17+$0x11000]  }
0x2ff: {  	v22 =	vmul.f32 v20, v4;
	v20 =	vld [tilespmem:$0x1FCA0]  }
0x300: {  	v15 =	vmul.f32 v15, v15;
	[tilespmem:s16+$0x12D00] =	vst v14;
	v14 =	vadd.f32 v23, v10;
	v23 =	vld [tilespmem:$0x1FFE0]  }
0x301: {  	v18 =	vmul.f32 v24, v4;
	v6 =	vld [tilespmem:s17+$0x10F80]  }
0x302: {  	v14 =	vadd.f32 v15, v14;
	[tilespmem:s16+$0x12D80] =	vst v22;
	v15 =	vmul.f32 v28, v28;
	v28 =	vld [tilespmem:$0x1FCB0]  }
0x303: {  	v24 =	vld [tilespmem:s17+$0x11080];
	[tilespmem:s16+$0x12E00] =	vst v18  }
0x304: {  	v10 =	vld [tilespmem:s17+$0x11000];
	v15 =	vadd.f32 v15, v14;
	v22 =	vmul.f32 v20, v20  }
0x305: {  	[tilespmem:s16+$0x12E80] =	vst v25;
	v25 =	vmul.f32 v23, v4;
	v23 =	vld [tilespmem:$0x1FCC0]  }
0x306: {  	v15 =	vadd.f32 v22, v15;
	v22 =	vld [tilespmem:$0x1FFF0]  }
0x307: {  	v18 =	vmul.f32 v31, v4;
	_ =	sdelay $0x1  }
0x308: {  	v31 =	vld [tilespmem:s17+$0x11100];
	[tilespmem:s16+$0x12F00] =	vst v18;
	v18 =	vmul.f32 v28, v28;
	_ =	sdelay $0x1  }
0x309: {  	v14 =	vld [tilespmem:s17+$0x11080];
	[tilespmem:s16+$0x12F80] =	vst v25;
	v18 =	vadd.f32 v18, v15;
	v28 =	vmul.f32 v23, v23;
	v19 =	vmul.f32 v22, v4  }
0x30a: {  	v25 =	vld [tilespmem:s17+$0x11180]  }
0x30b: {  	v32 =	vmul.f32 v32, v4;
	v18 =	vadd.f32 v28, v18;
	v28 =	vld [tilespmem:$0x1FCD0];
	[tilespmem:s16+$0x13000] =	vst v19  }
0x30c: {  	v15 =	vld [tilespmem:s17+$0x11100]  }
0x30d: {  	[tilespmem:s16+$0x13080] =	vst v32;
	v32 =	vmul.f32 v34, v4;
	v34 =	vld [tilespmem:$0x1FCE0];
	_ =	sdelay $0x1  }
0x30e: {  	v20 =	vmul.f32 v35, v4;
	v35 =	vld [tilespmem:$0x1FCF0]  }
0x30f: {  	v19 =	vmul.f32 v28, v28;
	_ =	sdelay $0x1  }
0x310: {  	v18 =	vadd.f32 v19, v18;
	v19 =	vmul.f32 v34, v34;
	_ =	sdelay $0x1  }
0x311: {  	v18 =	vadd.f32 v19, v18;
	v19 =	vmul.f32 v35, v35;
	_ =	sdelay $0x1  }
0x312: {  	v3 =	vmul.f32 v3, v3;
	v19 =	vadd.f32 v19, v18;
	_ =	sdelay $0x1  }
0x313: {  	v2 =	vmul.f32 v2, v2;
	v3 =	vadd.f32 v3, v19  }
0x314: {  	v36 =	vmul.f32 v36, v4;
	v28 =	vld [tilespmem:s17+$0x11200];
	[tilespmem:s16+$0x13100] =	vst v32  }
0x315: {  	v37 =	vmul.f32 v37, v4;
	v1 =	vmul.f32 v1, v1;
	v32 =	vld [tilespmem:s17+$0x11180];
	[tilespmem:s16+$0x13180] =	vst v20;
	v2 =	vadd.f32 v2, v3  }
0x316: {  	v34 =	vld [tilespmem:s17+$0x11280];
	[tilespmem:s16+$0x13200] =	vst v36  }
0x317: {  	v18 =	vld [tilespmem:s17+$0x11200];
	[tilespmem:s16+$0x13280] =	vst v37;
	v37 =	vmul.f32 v17, v17;
	v1 =	vadd.f32 v1, v2;
	_ =	sdelay $0x1  }
0x318: {  	v36 =	vmul.f32 v39, v4;
	v39 =	vmul.f32 v21, v21;
	v1 =	vadd.f32 v37, v1;
	_ =	sdelay $0x1  }
0x319: {  	v0 =	vmul.f32 v0, v0;
	v23 =	vmul.f32 v38, v4;
	v1 =	vadd.f32 v39, v1  }
0x31a: {  	v38 =	vmul.f32 v40, v4;
	v40 =	vmul.f32 v41, v4  }
0x31b: {  	v41 =	vmul.f32 v42, v4;
	v42 =	vmul.f32 v26, v26;
	v0 =	vadd.f32 v0, v1;
	_ =	sdelay $0x1  }
0x31c: {  	v35 =	vld [tilespmem:s17+$0x11300];
	[tilespmem:s16+$0x13300] =	vst v23;
	v23 =	vmul.f32 v29, v29;
	v0 =	vadd.f32 v42, v0;
	_ =	sdelay $0x1  }
0x31d: {  	v19 =	vld [tilespmem:s17+$0x11280];
	[tilespmem:s16+$0x13380] =	vst v36;
	v36 =	vmul.f32 v30, v30;
	v0 =	vadd.f32 v23, v0;
	_ =	sdelay $0x1  }
0x31e: {  	v17 =	vld [tilespmem:s17+$0x11380];
	[tilespmem:s16+$0x13400] =	vst v38;
	v39 =	vmul.f32 v27, v27;
	v0 =	vadd.f32 v36, v0  }
0x31f: {  	v20 =	vld [tilespmem:s17+$0x11300];
	[tilespmem:s16+$0x13480] =	vst v40  }
0x320: {  	v43 =	vmul.f32 v43, v4;
	v3 =	vld [tilespmem:s17+$0x11400];
	[tilespmem:s16+$0x13500] =	vst v41;
	v41 =	vmul.f32 v16, v16;
	v0 =	vadd.f32 v39, v0;
	_ =	sdelay $0x1  }
0x321: {  	v21 =	vld [tilespmem:s17+$0x11380];
	[tilespmem:s16+$0x13580] =	vst v43;
	v43 =	vmul.f32 v24, v24;
	v0 =	vadd.f32 v41, v0;
	_ =	sdelay $0x1  }
0x322: {  	v37 =	vmul.f32 v45, v4;
	v45 =	vmul.f32 v31, v31;
	v0 =	vadd.f32 v43, v0;
	_ =	sdelay $0x1  }
0x323: {  	v40 =	vmul.f32 v47, v4;
	v47 =	vmul.f32 v25, v25;
	v0 =	vadd.f32 v45, v0  }
0x324: {  	v38 =	vmul.f32 v46, v4  }
0x325: {  	v46 =	vmul.f32 v49, v4;
	v49 =	vmul.f32 v28, v28;
	v0 =	vadd.f32 v47, v0  }
0x326: {  	v42 =	vmul.f32 v48, v4  }
0x327: {  	v48 =	vmul.f32 v51, v4;
	v51 =	vmul.f32 v34, v34;
	v0 =	vadd.f32 v49, v0  }
0x328: {  	v26 =	vmul.f32 v44, v4  }
0x329: {  	v36 =	vmul.f32 v35, v35;
	v0 =	vadd.f32 v51, v0  }
0x32a: {  	v29 =	vld [tilespmem:s17+$0x11480];
	[tilespmem:s16+$0x13600] =	vst v26  }
0x32b: {  	v22 =	vld [tilespmem:s17+$0x11400];
	v17 =	vmul.f32 v17, v17;
	[tilespmem:s16+$0x13680] =	vst v37;
	v0 =	vadd.f32 v36, v0  }
0x32c: {  	v30 =	vld [tilespmem:s17+$0x11500];
	[tilespmem:s16+$0x13700] =	vst v38  }
0x32d: {  	v44 =	vmul.f32 v50, v4;
	v3 =	vmul.f32 v3, v3;
	v23 =	vld [tilespmem:s17+$0x11480];
	[tilespmem:s16+$0x13780] =	vst v40;
	v0 =	vadd.f32 v17, v0  }
0x32e: {  	v16 =	vld [tilespmem:s17+$0x11580];
	[tilespmem:s16+$0x13800] =	vst v42  }
0x32f: {  	v40 =	vmul.f32 v29, v29;
	v24 =	vld [tilespmem:s17+$0x11500];
	[tilespmem:s16+$0x13880] =	vst v44;
	v0 =	vadd.f32 v3, v0  }
0x330: {  	v50 =	vmul.f32 v53, v4;
	v31 =	vld [tilespmem:s17+$0x11600];
	[tilespmem:s16+$0x13900] =	vst v46  }
0x331: {  	v28 =	vmul.f32 v52, v4;
	v25 =	vld [tilespmem:s17+$0x11580];
	[tilespmem:s16+$0x13980] =	vst v48;
	v43 =	vmul.f32 v30, v30;
	v0 =	vadd.f32 v40, v0  }
0x332: {  	v37 =	vmul.f32 v54, v4;
	v53 =	vld [tilespmem:s17+$0x11680];
	[tilespmem:s16+$0x13A00] =	vst v50  }
0x333: {  	v38 =	vmul.f32 v56, v4;
	v26 =	vld [tilespmem:s17+$0x11600];
	[tilespmem:s16+$0x13A80] =	vst v28;
	v45 =	vmul.f32 v16, v16;
	v0 =	vadd.f32 v43, v0  }
0x334: {  	v39 =	vmul.f32 v55, v4;
	v1 =	vld [tilespmem:s17+$0x11700];
	[tilespmem:s16+$0x13B00] =	vst v37  }
0x335: {  	v42 =	vmul.f32 v57, v4;
	v27 =	vld [tilespmem:s17+$0x11680];
	[tilespmem:s16+$0x13B80] =	vst v38;
	v48 =	vmul.f32 v31, v31;
	v0 =	vadd.f32 v45, v0  }
0x336: {  	v44 =	vmul.f32 v59, v4;
	v41 =	vld [tilespmem:s17+$0x11780];
	[tilespmem:s16+$0x13C00] =	vst v39  }
0x337: {  	v28 =	vld [tilespmem:s17+$0x11700];
	[tilespmem:s16+$0x13C80] =	vst v42;
	v50 =	vmul.f32 v53, v53;
	v47 =	vmul.f32 v58, v4;
	v0 =	vadd.f32 v48, v0  }
0x338: {  	v46 =	vld [tilespmem:s17+$0x11800];
	[tilespmem:s16+$0x13D00] =	vst v44;
	v49 =	vmul.f32 v60, v4  }
0x339: {  	v52 =	vmul.f32 v61, v4;
	v29 =	vld [tilespmem:s17+$0x11780];
	v1 =	vmul.f32 v1, v1;
	[tilespmem:s16+$0x13D80] =	vst v47;
	v0 =	vadd.f32 v50, v0  }
0x33a: {  	v51 =	vld [tilespmem:s17+$0x11880];
	[tilespmem:s16+$0x13E00] =	vst v49  }
0x33b: {  	v53 =	vmul.f32 v62, v4;
	v54 =	vmul.f32 v41, v41;
	v30 =	vld [tilespmem:s17+$0x11800];
	[tilespmem:s16+$0x13E80] =	vst v52;
	v0 =	vadd.f32 v1, v0  }
0x33c: {  	v55 =	vld [tilespmem:s17+$0x11900]  }
0x33d: {  	v56 =	vmul.f32 v46, v46;
	[tilespmem:s16+$0x13F00] =	vst v53;
	v0 =	vadd.f32 v54, v0  }
0x33e: {  	v2 =	vld [tilespmem:s17+$0x11980]  }
0x33f: {  	v57 =	vmul.f32 v51, v51;
	v0 =	vadd.f32 v56, v0  }
0x340: {  	v58 =	vld [tilespmem:s17+$0x11A00]  }
0x341: {  	v59 =	vmul.f32 v55, v55;
	v0 =	vadd.f32 v57, v0  }
0x342: {  	v60 =	vld [tilespmem:s17+$0x11A80]  }
0x343: {  	v61 =	vmul.f32 v2, v2;
	v0 =	vadd.f32 v59, v0  }
0x344: {  	v62 =	vld [tilespmem:s17+$0x11B00]  }
0x345: {  	v4 =	vmul.f32 v58, v58;
	v0 =	vadd.f32 v61, v0  }
0x346: {  	v31 =	vld [tilespmem:s17+$0x11B80]  }
0x347: {  	v34 =	vmul.f32 v60, v60;
	v0 =	vadd.f32 v4, v0  }
0x348: {  	v35 =	vld [tilespmem:s17+$0x11C00]  }
0x349: {  	v36 =	vmul.f32 v62, v62;
	v0 =	vadd.f32 v34, v0  }
0x34a: {  	v37 =	vld [tilespmem:s17+$0x11C80]  }
0x34b: {  	v38 =	vmul.f32 v31, v31;
	v0 =	vadd.f32 v36, v0  }
0x34c: {  	v39 =	vld [tilespmem:s17+$0x11D00]  }
0x34d: {  	v40 =	vmul.f32 v35, v35;
	v0 =	vadd.f32 v38, v0  }
0x34e: {  	v41 =	vld [tilespmem:s17+$0x11D80]  }
0x34f: {  	v42 =	vmul.f32 v37, v37;
	v0 =	vadd.f32 v40, v0  }
0x350: {  	v43 =	vld [tilespmem:s17+$0x11E00]  }
0x351: {  	v44 =	vmul.f32 v39, v39;
	v0 =	vadd.f32 v42, v0  }
0x352: {  	v45 =	vld [tilespmem:s17+$0x11E80]  }
0x353: {  	v46 =	vmul.f32 v41, v41;
	v0 =	vadd.f32 v44, v0  }
0x354: {  	v47 =	vld [tilespmem:s17+$0x11F00]  }
0x355: {  	v48 =	vmul.f32 v43, v43;
	v0 =	vadd.f32 v46, v0  }
0x356: {  	v49 =	vld [tilespmem:s17+$0x11F80]  }
0x357: {  	v50 =	vmul.f32 v45, v45;
	v0 =	vadd.f32 v48, v0;
	_ =	sdelay $0x1  }
0x358: {  	v51 =	vmul.f32 v47, v47;
	v0 =	vadd.f32 v50, v0;
	_ =	sdelay $0x1  }
0x359: {  	v52 =	vmul.f32 v49, v49;
	v0 =	vadd.f32 v51, v0;
	_ =	sdelay $0x1  }
0x35a: {  	v0 =	vadd.f32 v52, v0;
	_ =	sdelay $0x1  }
0x35b: {  	v0 =	vmax.f32 v0, $1.000000020e-24  }
0x35c: {  	v53 =	vshra.s32 v0, $0x1;
	v0 =	vmul.f32 $5.000000000e-01, v0  }
0x35d: {  	v1 =	vsub.s32 $0x5F3759DF, v53  }
0x35e: {  	v54 =	vmul.f32 v1, v0;
	_ =	sdelay $0x1  }
0x35f: {  	v2 =	vmul.f32 v1, v54;
	_ =	sdelay $0x1  }
0x360: {  	v2 =	vsub.f32 $1.500000000e+00, v2;
	_ =	sdelay $0x1  }
0x361: {  	v1 =	vmul.f32 v1, v2;
	_ =	sdelay $0x1  }
0x362: {  	v2 =	vmul.f32 v1, v0;
	_ =	sdelay $0x1  }
0x363: {  	v2 =	vmul.f32 v2, v1;
	_ =	sdelay $0x1  }
0x364: {  	v2 =	vsub.f32 $1.500000000e+00, v2;
	_ =	sdelay $0x1  }
0x365: {  	v1 =	vmul.f32 v2, v1;
	_ =	sdelay $0x1  }
0x366: {  	v0 =	vmul.f32 v1, v0;
	_ =	sdelay $0x1  }
0x367: {  	v0 =	vmul.f32 v0, v1  }
0x368: {  	v55 =	vld [tilespmem:s17+$0x11F80]  }
0x369: {  	v0 =	vsub.f32 $1.500000000e+00, v0  }
0x36a: {  	v58 =	vld [tilespmem:$0x1FD10]  }
0x36b: {  	v0 =	vmul.f32 v0, v1;
	_ =	sdelay $0x1  }
0x36c: {  	v37 =	vmul.f32 v55, v0  }
0x36d: {  	v56 =	vmul.f32 v0, v63  }
0x36e: {  	v42 =	vmul.f32 v0, v58;
	[tilespmem:s17+$0x13F80] =	vst v37  }
0x36f: {  	v3 =	vld [tilespmem:s17+$0x11880];
	v7 =	vmul.f32 v7, v0;
	[tilespmem:s17+$0x12000] =	vst v56  }
0x370: {  	v2 =	vld [tilespmem:s17+$0x11A80];
	v14 =	vmul.f32 v14, v0;
	[tilespmem:s17+$0x12100] =	vst v42  }
0x371: {  	v57 =	vld [tilespmem:$0x1FD00];
	v15 =	vmul.f32 v15, v0;
	[tilespmem:s17+$0x12B80] =	vst v7  }
0x372: {  	v60 =	vld [tilespmem:$0x1FD30];
	v32 =	vmul.f32 v32, v0;
	[tilespmem:s17+$0x13080] =	vst v14  }
0x373: {  	v44 =	vmul.f32 v21, v0;
	[tilespmem:s17+$0x13100] =	vst v15  }
0x374: {  	v3 =	vmul.f32 v3, v0;
	[tilespmem:s17+$0x13180] =	vst v32  }
0x375: {  	v2 =	vmul.f32 v2, v0;
	[tilespmem:s17+$0x13380] =	vst v44  }
0x376: {  	v1 =	vld [tilespmem:s17+$0x11E00];
	v37 =	vmul.f32 v0, v57;
	[tilespmem:s17+$0x13880] =	vst v3  }
0x377: {  	v59 =	vld [tilespmem:$0x1FD20];
	v42 =	vmul.f32 v0, v60;
	[tilespmem:s17+$0x13A80] =	vst v2  }
0x378: {  	v62 =	vld [tilespmem:$0x1FD50];
	v60 =	vmul.f32 v9, v0;
	[tilespmem:s17+$0x12080] =	vst v37  }
0x379: {  	v9 =	vmul.f32 v33, v0;
	[tilespmem:s17+$0x12200] =	vst v42  }
0x37a: {  	v33 =	vmul.f32 v18, v0;
	[tilespmem:s17+$0x12C80] =	vst v60  }
0x37b: {  	v1 =	vmul.f32 v1, v0;
	[tilespmem:s17+$0x12E80] =	vst v9  }
0x37c: {  	v38 =	vld [tilespmem:s17+$0x11C80];
	v37 =	vmul.f32 v0, v59;
	[tilespmem:s17+$0x13200] =	vst v33  }
0x37d: {  	v61 =	vld [tilespmem:$0x1FD40];
	v42 =	vmul.f32 v0, v62;
	[tilespmem:s17+$0x13E00] =	vst v1  }
0x37e: {  	v4 =	vld [tilespmem:$0x1FD70];
	v59 =	vmul.f32 v8, v0;
	[tilespmem:s17+$0x12180] =	vst v37  }
0x37f: {  	v58 =	vld [tilespmem:$0x1FE50];
	v62 =	vmul.f32 v12, v0;
	[tilespmem:s17+$0x12300] =	vst v42  }
0x380: {  	v12 =	vmul.f32 v6, v0;
	[tilespmem:s17+$0x12C00] =	vst v59  }
0x381: {  	v60 =	vmul.f32 v38, v0;
	[tilespmem:s17+$0x12D80] =	vst v62  }
0x382: {  	v35 =	vld [tilespmem:s17+$0x11B80];
	v37 =	vmul.f32 v0, v61;
	[tilespmem:s17+$0x12F80] =	vst v12  }
0x383: {  	v36 =	vld [tilespmem:s17+$0x11C00];
	v42 =	vmul.f32 v0, v4;
	[tilespmem:s17+$0x13C80] =	vst v60  }
0x384: {  	v40 =	vld [tilespmem:s17+$0x11D80];
	v4 =	vmul.f32 v58, v0;
	[tilespmem:s17+$0x12280] =	vst v37  }
0x385: {  	v63 =	vld [tilespmem:$0x1FD60];
	v61 =	vmul.f32 v11, v0;
	[tilespmem:s17+$0x12400] =	vst v42  }
0x386: {  	v46 =	vld [tilespmem:$0x1FD90];
	v11 =	vmul.f32 v5, v0;
	[tilespmem:s17+$0x12B00] =	vst v4  }
0x387: {  	v58 =	vmul.f32 v35, v0;
	[tilespmem:s17+$0x12D00] =	vst v61  }
0x388: {  	v59 =	vmul.f32 v36, v0;
	[tilespmem:s17+$0x12F00] =	vst v11  }
0x389: {  	v62 =	vmul.f32 v40, v0;
	[tilespmem:s17+$0x13B80] =	vst v58  }
0x38a: {  	v39 =	vld [tilespmem:s17+$0x11D00];
	v37 =	vmul.f32 v0, v63;
	[tilespmem:s17+$0x13C00] =	vst v59  }
0x38b: {  	v45 =	vld [tilespmem:$0x1FD80];
	v42 =	vmul.f32 v46, v0;
	[tilespmem:s17+$0x13D80] =	vst v62  }
0x38c: {  	v48 =	vld [tilespmem:$0x1FDB0];
	v63 =	vmul.f32 v13, v0;
	[tilespmem:s17+$0x12380] =	vst v37  }
0x38d: {  	v13 =	vmul.f32 v10, v0;
	[tilespmem:s17+$0x12500] =	vst v42  }
0x38e: {  	v46 =	vmul.f32 v23, v0;
	[tilespmem:s17+$0x12E00] =	vst v63  }
0x38f: {  	v41 =	vld [tilespmem:s17+$0x11E80];
	v61 =	vmul.f32 v39, v0;
	[tilespmem:s17+$0x13000] =	vst v13  }
0x390: {  	v47 =	vld [tilespmem:$0x1FDA0];
	v37 =	vmul.f32 v0, v45;
	[tilespmem:s17+$0x13480] =	vst v46  }
0x391: {  	v50 =	vld [tilespmem:$0x1FDD0];
	v42 =	vmul.f32 v48, v0;
	[tilespmem:s17+$0x13D00] =	vst v61  }
0x392: {  	v45 =	vmul.f32 v22, v0;
	[tilespmem:s17+$0x12480] =	vst v37  }
0x393: {  	v48 =	vmul.f32 v25, v0;
	[tilespmem:s17+$0x12600] =	vst v42  }
0x394: {  	v49 =	vld [tilespmem:$0x1FDC0];
	v63 =	vmul.f32 v41, v0;
	[tilespmem:s17+$0x13400] =	vst v45  }
0x395: {  	v52 =	vld [tilespmem:$0x1FDF0];
	v37 =	vmul.f32 v47, v0;
	[tilespmem:s17+$0x13580] =	vst v48  }
0x396: {  	v42 =	vmul.f32 v50, v0;
	[tilespmem:s17+$0x13E80] =	vst v63  }
0x397: {  	v47 =	vmul.f32 v24, v0;
	[tilespmem:s17+$0x12580] =	vst v37  }
0x398: {  	v51 =	vld [tilespmem:$0x1FDE0];
	v50 =	vmul.f32 v27, v0;
	[tilespmem:s17+$0x12700] =	vst v42  }
0x399: {  	v54 =	vld [tilespmem:$0x1FE10];
	v37 =	vmul.f32 v49, v0;
	[tilespmem:s17+$0x13500] =	vst v47  }
0x39a: {  	v42 =	vmul.f32 v52, v0;
	[tilespmem:s17+$0x13680] =	vst v50  }
0x39b: {  	v16 =	vld [tilespmem:s17+$0x11900];
	v49 =	vmul.f32 v26, v0;
	[tilespmem:s17+$0x12680] =	vst v37  }
0x39c: {  	v53 =	vld [tilespmem:$0x1FE00];
	v52 =	vmul.f32 v29, v0;
	[tilespmem:s17+$0x12800] =	vst v42  }
0x39d: {  	v56 =	vld [tilespmem:$0x1FE30];
	v37 =	vmul.f32 v51, v0;
	[tilespmem:s17+$0x13600] =	vst v49  }
0x39e: {  	v42 =	vmul.f32 v54, v0;
	[tilespmem:s17+$0x13780] =	vst v52  }
0x39f: {  	v31 =	vld [tilespmem:s17+$0x11A00];
	v51 =	vmul.f32 v28, v0;
	[tilespmem:s17+$0x12780] =	vst v37  }
0x3a0: {  	v55 =	vld [tilespmem:$0x1FE20];
	v54 =	vmul.f32 v16, v0;
	[tilespmem:s17+$0x12900] =	vst v42  }
0x3a1: {  	v37 =	vmul.f32 v53, v0;
	[tilespmem:s17+$0x13700] =	vst v51  }
0x3a2: {  	v17 =	vld [tilespmem:s17+$0x11980];
	v42 =	vmul.f32 v56, v0;
	[tilespmem:s17+$0x13900] =	vst v54  }
0x3a3: {  	v57 =	vld [tilespmem:$0x1FE40];
	v53 =	vmul.f32 v30, v0;
	[tilespmem:s17+$0x12880] =	vst v37  }
0x3a4: {  	v34 =	vld [tilespmem:s17+$0x11B00];
	v56 =	vmul.f32 v31, v0;
	[tilespmem:s17+$0x12A00] =	vst v42  }
0x3a5: {  	v37 =	vmul.f32 v55, v0;
	[tilespmem:s17+$0x13800] =	vst v53  }
0x3a6: {  	v43 =	vld [tilespmem:s17+$0x11F00];
	v42 =	vmul.f32 v20, v0;
	[tilespmem:s17+$0x13A00] =	vst v56  }
0x3a7: {  	v55 =	vmul.f32 v17, v0;
	[tilespmem:s17+$0x12980] =	vst v37  }
0x3a8: {  	v37 =	vmul.f32 v57, v0;
	[tilespmem:s17+$0x13300] =	vst v42  }
0x3a9: {  	[tilespmem:s17+$0x13980] =	vst v55;
	v57 =	vmul.f32 v34, v0  }
0x3aa: {  	[tilespmem:s17+$0x12A80] =	vst v37;
	v37 =	vmul.f32 v19, v0  }
0x3ab: {  	[tilespmem:s17+$0x13B00] =	vst v57;
	v0 =	vmul.f32 v43, v0  }
0x3ac: {  	[tilespmem:s17+$0x13280] =	vst v37  }
.Ltmp9:
0x3ad: {  	s0 =	simm.s32 $0x400;
	s3 =	simm.s32 $0x12000;
	[tilespmem:s17+$0x13F00] =	vst v0;
	(pc) =	sbr.rel .LBB2_11-.Ltmp9, $4  }
0x3ae: {  	[hbm4b:s7+s0] =	stream.strided.scatter [tilespmem:s3], [sflag:$0x1], $0x2000, s10, s0, $0x38;
	[tilespmem:$0x14000] =	vst v63  }
0x3af: {  	_ =	swait.ge [sflag:s11], $0x2000  }
0x3b0: {  	[sflag:s11] =	ssyncset.done $0x0  }
0x3b1: {  	[sflag:s11] =	ssyncadd.s32 $0xFFFFE000  }
.LBB2_12:
0x3b2: {  	_ =	sfence.sel $0x180000  }
0x3b3: {  	[bflag:$0x0] =	sbarrier.arrive $0xFFFF  }
0x3b4: {  	_ =	strace $0x90000047  }
0x3b5: {  	s0 =	stileid.u32;
	[bflag:$0x2] =	sbarrier.arrive $0xFFFF  }
0x3b6: {  	p0 =	sne.s32 s0, $0x0;
	s0 =	rddreg [dreg:$0x2]  }
0x3b7: {  	s0 =	sadd.s32 @!p0 $0x100000, s0  }
0x3b8: {  	[sflag:s0] =	ssyncadd.tile.s32 @!p0 $0x1;
	_ =	shalt  }
.Lfunc_end2:
_tile_overlayer_lowered:
.L_overlay_start_2:
0x3b9: {  	(tag) =	ssettag $0x2  }
0x3ba: {  	s0 =	rddreg [dreg:$0x0];
	s2 =	stileid.u32  }
0x3bb: {  	s1 =	rddreg [dreg:$0x1];
	p0 =	sne.s32 s2, $0x0  }
0x3bc: {  	s3 =	rddreg [dreg:$0x2];
	[bflag:$0x3] =	sbarrier.arrive $0xFFFF;
	s2 =	simm.s32 @!p0 $0x1C02  }
0x3bd: {  	[timem:s3], [sflag:s2] =	dma.local @!p0 [hbm:s0], s1  }
0x3be: {  	s0 =	simm.s32 @!p0 $0x2  }
0x3bf: {  	_ =	swait.ge @!p0 [sflag:s0], s1  }
0x3c0: {  	s1 =	ssub.s32 @!p0 $0x0, s1;
	[sflag:s0] =	ssyncset.done @!p0 $0x0  }
0x3c1: {  	[sflag:s0] =	ssyncadd.s32 @!p0 s1  }
0x3c2: {  	[bflag:$0x3] =	sbarrier.arrive $0xFFFF  }
0x3c3: {  	_ =	shalt  }

</sc_bundles>
